<compile_context>
chip_gen: v7x
topology: tpu7x:2x2x1
jax: 0.10.2.dev20260603
libtpu: 0.0.44.dev20260713+nightly
codegen_flags: <defaults>
</compile_context>

<pallas_src>
import functools

import jax
import jax.numpy as jnp
from jax import lax
from jax.experimental import pallas as pl
from jax.experimental.pallas import tpu as pltpu
from jax.experimental.pallas import tpu_sc as plsc

_N_HASHES = 4
_CHUNK = 144
_IDX_W = 128
_SC_CORES = 2
_SC_SUBCORES = 16


def _conv_relu(x, w, b):
    y = lax.conv_general_dilated(x, w, (1, 1), 'SAME',
                                 dimension_numbers=('NCHW', 'OIHW', 'NCHW'))
    return jax.nn.relu(y + b.reshape(1, -1, 1, 1))


def _hash_codes(x_embed, hash_buckets):
    N, L, F = x_embed.shape
    key = jax.random.key(42)

    def ortho(k, rows, cols):
        big, small = max(rows, cols), min(rows, cols)
        a = jax.random.normal(k, (big, small), dtype=jnp.float32)
        q, r = jnp.linalg.qr(a)
        q = q * jnp.sign(jnp.diagonal(r))
        if rows < cols:
            q = q.T
        return q

    rots = [ortho(jax.random.fold_in(key, i), F, hash_buckets)
            for i in range(_N_HASHES)]
    rot = jnp.concatenate(rots, axis=-1).reshape(1, F, _N_HASHES, hash_buckets)
    rot = jnp.broadcast_to(rot, (N, F, _N_HASHES, hash_buckets))
    rotated = jnp.einsum('btf,bfhi->bhti', x_embed, rot)
    codes = jnp.argmax(rotated, axis=-1)
    offsets = (jnp.arange(_N_HASHES) * hash_buckets).reshape(1, -1, 1)
    return (codes + offsets).reshape(N, -1)


def _sc_gather3(xt, yt, ft, idx_flat):
    R = idx_flat.shape[0]
    NC, NS = _SC_CORES, _SC_SUBCORES
    NW = NC * NS
    rpw = R // NW
    iw = 72
    n_chunks = rpw // iw
    h1 = (n_chunks + 1) // 2
    idx2 = idx_flat.reshape(NW, n_chunks, iw)
    Cx, Cy, Cf = xt.shape[1], yt.shape[1], ft.shape[1]
    mesh = plsc.VectorSubcoreMesh(core_axis_name="c", subcore_axis_name="s",
                                  num_cores=NC, num_subcores=NS)

    @functools.partial(
        pl.kernel, mesh=mesh,
        compiler_params=pltpu.CompilerParams(use_tc_tiling_on_sc=False),
        out_type=[jax.ShapeDtypeStruct((R, Cx), jnp.float32),
                  jax.ShapeDtypeStruct((R, Cy), jnp.float32),
                  jax.ShapeDtypeStruct((R, Cf), jnp.float32)],
        scratch_types=[pltpu.VMEM((n_chunks, iw), jnp.int32),
                       pltpu.VMEM((rpw, Cx), jnp.float32),
                       pltpu.VMEM((rpw, Cy), jnp.float32),
                       pltpu.SemaphoreType.DMA,
                       pltpu.SemaphoreType.DMA,
                       pltpu.SemaphoreType.DMA,
                       pltpu.SemaphoreType.DMA],
    )
    def gather3(x_hbm, y_hbm, f_hbm, idx_hbm, xo_hbm, yo_hbm, fo_hbm,
                idx_v, bx, b64, semx, semy, semw, semf):
        wid = lax.axis_index("s") * NC + lax.axis_index("c")
        base = wid * rpw
        pltpu.sync_copy(idx_hbm.at[wid], idx_v)
        dx = [pltpu.async_copy(x_hbm.at[idx_v.at[k]],
                               bx.at[pl.ds(k * iw, iw)], semx)
              for k in range(n_chunks)]
        dy = [pltpu.async_copy(y_hbm.at[idx_v.at[k]],
                               b64.at[pl.ds(k * iw, iw)], semy)
              for k in range(n_chunks)]
        for d in dx:
            d.wait()
        wx = pltpu.async_copy(bx, xo_hbm.at[pl.ds(base, rpw)], semx)
        r1 = h1 * iw
        for k in range(h1):
            dy[k].wait()
        w1 = pltpu.async_copy(b64.at[pl.ds(0, r1)],
                              yo_hbm.at[pl.ds(base, r1)], semw)
        for k in range(h1, n_chunks):
            dy[k].wait()
        w2 = pltpu.async_copy(b64.at[pl.ds(r1, rpw - r1)],
                              yo_hbm.at[pl.ds(base + r1, rpw - r1)], semw)
        w1.wait()
        df1 = [pltpu.async_copy(f_hbm.at[idx_v.at[k]],
                                b64.at[pl.ds(k * iw, iw)], semf)
               for k in range(h1)]
        w2.wait()
        df2 = [pltpu.async_copy(f_hbm.at[idx_v.at[k]],
                                b64.at[pl.ds(k * iw, iw)], semf)
               for k in range(h1, n_chunks)]
        for d in df1 + df2:
            d.wait()
        wf = pltpu.async_copy(b64, fo_hbm.at[pl.ds(base, rpw)], semf)
        wx.wait()
        wf.wait()

    return gather3(xt, yt, ft, idx2)


def _sc_scatter1(t, idx_flat):
    R = idx_flat.shape[0]
    NC, NS = _SC_CORES, _SC_SUBCORES
    NW = NC * NS
    rpw = R // NW
    iw = 72
    n_chunks = rpw // iw
    idx2 = idx_flat.reshape(NW, n_chunks, iw)
    D = t.shape[1]
    mesh = plsc.VectorSubcoreMesh(core_axis_name="c", subcore_axis_name="s",
                                  num_cores=NC, num_subcores=NS)

    @functools.partial(
        pl.kernel, mesh=mesh,
        compiler_params=pltpu.CompilerParams(use_tc_tiling_on_sc=False),
        out_type=jax.ShapeDtypeStruct((R, D), jnp.float32),
        scratch_types=[pltpu.VMEM((n_chunks, iw), jnp.int32),
                       pltpu.VMEM((rpw, D), jnp.float32),
                       pltpu.SemaphoreType.DMA],
    )
    def scatter1(t_hbm, idx_hbm, o_hbm, idx_v, buf, sem):
        wid = lax.axis_index("s") * NC + lax.axis_index("c")
        base = wid * rpw
        pltpu.sync_copy(idx_hbm.at[wid], idx_v)
        pltpu.sync_copy(t_hbm.at[pl.ds(base, rpw)], buf)
        ds = [pltpu.async_copy(buf.at[pl.ds(k * iw, iw)],
                               o_hbm.at[idx_v.at[k]], sem)
              for k in range(n_chunks)]
        for d in ds:
            d.wait()

    return scatter1(t, idx2)


def _attn_block(xh_ref, xmh_ref, yh_ref, fh_ref, fc1w_ref, fc1b_ref,
                fc2w_ref, fc2b_ref, out_ref, fco_ref):
    KH = xh_ref.shape[1]
    CR = yh_ref.shape[-1]
    K = KH - 2
    LH = KH * _CHUNK
    W3 = 3 * _CHUNK
    f_all = fh_ref[0].reshape(LH, CR)
    h1 = lax.dot_general(f_all, fc1w_ref[...], (((1,), (1,)), ((), ())),
                         preferred_element_type=jnp.float32)
    h1 = jnp.maximum(h1 + fc1b_ref[...], 0.0)
    fco_ref[...] = lax.dot_general(h1, fc2w_ref[...], (((1,), (1,)), ((), ())),
                                   preferred_element_type=jnp.float32) + fc2b_ref[...]
    zpad = jnp.zeros((_CHUNK, 15), jnp.float32)

    for k in range(K):
        o = k * _CHUNK
        xm = xmh_ref[0, pl.ds(k, 3)].reshape(W3, xmh_ref.shape[-1])
        fcw = fco_ref[pl.ds(o, W3)]
        y3 = yh_ref[0, pl.ds(k, 3)].reshape(W3, CR)
        xq = xh_ref[0, k + 1]
        rawt = lax.dot_general(xm, xq, (((1,), (1,)), ((), ())),
                               preferred_element_type=jnp.float32) + fcw
        m = jnp.max(rawt, axis=0, keepdims=True)
        e = jnp.exp(rawt - m)
        sm = jnp.sum(e, axis=0, keepdims=True)
        score = e / sm
        ret = lax.dot_general(score, y3, (((0,), (0,)), ((), ())),
                              preferred_element_type=jnp.float32)
        bs_col = lax.transpose(jnp.log(sm) + m, (1, 0))
        out_ref[0, k] = jnp.concatenate([ret, bs_col, zpad], axis=1)


def _chunk_attention(xh, xmh, yh, fh, fc1_w, fc1_b, fc2_w, fc2_b):
    BH, KH, _, C = xh.shape
    CR = yh.shape[-1]
    K = KH - 2
    out = pl.pallas_call(
        _attn_block,
        grid=(BH,),
        in_specs=[
            pl.BlockSpec((1, KH, _CHUNK, C), lambda b: (b, 0, 0, 0)),
            pl.BlockSpec((1, KH, _CHUNK, C), lambda b: (b, 0, 0, 0)),
            pl.BlockSpec((1, KH, _CHUNK, CR), lambda b: (b, 0, 0, 0)),
            pl.BlockSpec((1, KH, _CHUNK, CR), lambda b: (b, 0, 0, 0)),
            pl.BlockSpec((_CHUNK, CR), lambda b: (0, 0)),
            pl.BlockSpec((1, _CHUNK), lambda b: (0, 0)),
            pl.BlockSpec((_CHUNK, _CHUNK), lambda b: (0, 0)),
            pl.BlockSpec((1, _CHUNK), lambda b: (0, 0)),
        ],
        out_specs=pl.BlockSpec((1, K, _CHUNK, CR + 16), lambda b: (b, 0, 0, 0)),
        out_shape=jax.ShapeDtypeStruct((BH, K, _CHUNK, CR + 16), jnp.float32),
        scratch_shapes=[
            pltpu.VMEM((KH * _CHUNK, _CHUNK), jnp.float32),
        ],
    )(xh, xmh, yh, fh, fc1_w, fc1_b.reshape(1, -1), fc2_w, fc2_b.reshape(1, -1))
    return out


def kernel(input, w_match, b_match, w_asm, b_asm, w_fca, b_fca,
           fc1_w, fc1_b, fc2_w, fc2_b):
    N, CH, H, W = input.shape
    L = H * W
    x_embed = _conv_relu(input, w_match, b_match).reshape(N, -1, L).transpose(0, 2, 1)
    y_embed = _conv_relu(input, w_asm, b_asm).reshape(N, -1, L).transpose(0, 2, 1)
    fc_embed = _conv_relu(input, w_fca, b_fca).reshape(N, -1, L).transpose(0, 2, 1)
    C = x_embed.shape[-1]
    CR = y_embed.shape[-1]
    hash_buckets = min(L // _CHUNK + (L // _CHUNK) % 2, 128)
    codes = _hash_codes(lax.stop_gradient(x_embed), hash_buckets)
    c3 = codes.astype(jnp.int32).reshape(N, _N_HASHES, L)
    pos = jnp.broadcast_to(jnp.arange(L, dtype=jnp.int32)[None, None], c3.shape)
    keys = jnp.sort(c3 * 32768 + pos, axis=-1)
    mod_indices = (keys % 32768).reshape(N, _N_HASHES * L)
    indices = (mod_indices.reshape(N, _N_HASHES, L)
               + (jnp.arange(_N_HASHES, dtype=jnp.int32) * L)[None, :, None]
               ).reshape(N, _N_HASHES * L)
    K = L // _CHUNK

    m4 = mod_indices.reshape(N, _N_HASHES, K, _CHUNK)
    mh = jnp.concatenate([m4[:, :, -1:], m4, m4[:, :, :1]], axis=2)
    mh = mh + (jnp.arange(N, dtype=jnp.int32) * L).reshape(N, 1, 1, 1)
    idx_in = mh.reshape(-1)

    xo, yo, fo = _sc_gather3(x_embed.reshape(N * L, C),
                             y_embed.reshape(N * L, CR),
                             fc_embed.reshape(N * L, CR), idx_in)
    nrm = jnp.sqrt(jnp.sum(xo * xo, axis=-1, keepdims=True))
    xmo = xo / jnp.maximum(nrm, 5e-05)
    xh = xo.reshape(N * _N_HASHES, K + 2, _CHUNK, C)
    xmh = xmo.reshape(N * _N_HASHES, K + 2, _CHUNK, C)
    yh = yo.reshape(N * _N_HASHES, K + 2, _CHUNK, CR)
    fh = fo.reshape(N * _N_HASHES, K + 2, _CHUNK, CR)

    retbs = _chunk_attention(xh, xmh, yh, fh, fc1_w, fc1_b, fc2_w, fc2_b)
    retbs = retbs.reshape(N * _N_HASHES * L, CR + 16)

    idx_out = (indices.astype(jnp.int32)
               + (jnp.arange(N, dtype=jnp.int32) * (_N_HASHES * L))[:, None])
    g = _sc_scatter1(retbs, idx_out.reshape(-1))
    g = g.reshape(N, _N_HASHES, L, CR + 16)
    ret = g[..., :CR]
    bs = g[..., CR:CR + 1]
    probs = jax.nn.softmax(bs, axis=1)
    out = jnp.sum(ret * probs, axis=1)
    return out.transpose(0, 2, 1).reshape(N, CR, H, W) + input

# --- scband reference (transcript-rebuilt; emitter-appended) ---
"""Pipeline reference for scband-gla-54589034332317 (READ-ONLY COPY).

The authoritative reference and input builder live on the scoring server;
editing this copy changes nothing except your own understanding.
"""

import jax, jax.numpy as jnp
import numpy as np

N_HASHES = 4
CHUNK = 144
REDUCTION = 4
RES_SCALE = 1.0


def _orthogonal(key, rows, cols):
    big = max(rows, cols)
    small = min(rows, cols)
    a = jax.random.normal(key, (big, small), dtype=jnp.float32)
    q, r = jnp.linalg.qr(a)
    q = q * jnp.sign(jnp.diagonal(r))
    if rows < cols:
        q = q.T
    return q


def _conv(x, w, b):
    y = jax.lax.conv_general_dilated(x, w, (1, 1), 'SAME', dimension_numbers=('NCHW', 'OIHW', 'NCHW'))
    return y + b.reshape(1, -1, 1, 1)


def _basic(x, w, b):
    return jax.nn.relu(_conv(x, w, b))


def _sblsh(key, hash_buckets, x):
    N, L, F = x.shape
    rots = [_orthogonal(jax.random.fold_in(key, i), F, hash_buckets) for i in range(N_HASHES)]
    rot = jnp.concatenate(rots, axis=-1).reshape(1, F, N_HASHES, hash_buckets)
    rot = jnp.broadcast_to(rot, (N, F, N_HASHES, hash_buckets))
    rotated = jnp.einsum('btf,bfhi->bhti', x, rot)
    codes = jnp.argmax(rotated, axis=-1)
    offsets = (jnp.arange(N_HASHES) * hash_buckets).reshape(1, -1, 1)
    return (codes + offsets).reshape(N, -1)


def _add_adjacent(x):
    back = jnp.concatenate([x[:, :, -1:], x[:, :, :-1]], axis=2)
    fwd = jnp.concatenate([x[:, :, 1:], x[:, :, :1]], axis=2)
    return jnp.concatenate([x, back, fwd], axis=3)


def _gla_forward(input, w_match, b_match, w_asm, b_asm, w_fca, b_fca, fc1_w, fc1_b, fc2_w, fc2_b):
    N, _, H, W = input.shape
    L = H * W
    x_embed = _basic(input, w_match, b_match).reshape(N, -1, L).transpose(0, 2, 1)
    y_embed = _basic(input, w_asm, b_asm).reshape(N, -1, L).transpose(0, 2, 1)
    fc_embed = _basic(input, w_fca, b_fca).reshape(N, -1, L).transpose(0, 2, 1)
    C = x_embed.shape[-1]
    hash_buckets = min(L // CHUNK + (L // CHUNK) % 2, 128)
    hash_codes = _sblsh(jax.random.key(42), hash_buckets, jax.lax.stop_gradient(x_embed))
    indices = jnp.argsort(hash_codes, axis=-1)
    undo_sort = jnp.argsort(indices, axis=-1)
    mod_indices = indices % L
    x_s = jnp.take_along_axis(x_embed, mod_indices[..., None], axis=1)
    y_s = jnp.take_along_axis(y_embed, mod_indices[..., None], axis=1)
    fc_s = jnp.take_along_axis(fc_embed, mod_indices[..., None], axis=1)
    padding = CHUNK - L % CHUNK if L % CHUNK != 0 else 0
    x_b = x_s.reshape(N, N_HASHES, -1, C)
    y_b = y_s.reshape(N, N_HASHES, -1, C * REDUCTION)
    f_b = fc_s.reshape(N, N_HASHES, -1, C * REDUCTION)
    if padding:
        x_b = jnp.concatenate([x_b, x_b[:, :, -padding:, :]], axis=2)
        y_b = jnp.concatenate([y_b, y_b[:, :, -padding:, :]], axis=2)
        f_b = jnp.concatenate([f_b, f_b[:, :, -padding:, :]], axis=2)
    x_b = x_b.reshape(N, N_HASHES, -1, CHUNK, C)
    y_b = y_b.reshape(N, N_HASHES, -1, CHUNK, C * REDUCTION)
    f_b = f_b.reshape(N, N_HASHES, -1, CHUNK, C * REDUCTION)
    nrm = jnp.sqrt(jnp.sum(x_b * x_b, axis=-1, keepdims=True))
    x_match = x_b / jnp.maximum(nrm, 5e-05)
    x_match = _add_adjacent(x_match)
    y_b3 = _add_adjacent(y_b)
    f_b3 = _add_adjacent(f_b)
    h1 = jax.nn.relu(jnp.einsum('...i,oi->...o', f_b3, fc1_w) + fc1_b)
    fc_out = jnp.einsum('...i,oi->...o', h1, fc2_w) + fc2_b
    fc_raw = jnp.swapaxes(fc_out, -1, -2)
    raw = jnp.einsum('bhkie,bhkje->bhkij', x_b, x_match) + fc_raw
    bucket_score = jax.scipy.special.logsumexp(raw, axis=-1, keepdims=True)
    score = jnp.exp(raw - bucket_score)
    ret = jnp.einsum('bukij,bukje->bukie', score, y_b3)
    bucket_score = bucket_score.reshape(N, N_HASHES, -1)
    ret = ret.reshape(N, N_HASHES, -1, C * REDUCTION)
    if padding:
        ret = ret[:, :, :-padding, :]
        bucket_score = bucket_score[:, :, :-padding]
    ret = ret.reshape(N, -1, C * REDUCTION)
    bucket_score = bucket_score.reshape(N, -1)
    ret = jnp.take_along_axis(ret, undo_sort[..., None], axis=1)
    bucket_score = jnp.take_along_axis(bucket_score, undo_sort, axis=1)
    ret = ret.reshape(N, N_HASHES, L, C * REDUCTION)
    bucket_score = bucket_score.reshape(N, N_HASHES, L, 1)
    probs = jax.nn.softmax(bucket_score, axis=1)
    ret = jnp.sum(ret * probs, axis=1)
    out = ret.transpose(0, 2, 1).reshape(N, -1, H, W) * RES_SCALE + input
    return out


def setup_inputs(seed: int = 0):
    key = jax.random.key(seed)
    ks = jax.random.split(key, 12)
    channels = 64
    red = REDUCTION
    k = 3
    s = 0.05
    inp = {}
    inp['input'] = jax.random.normal(ks[0], (2, channels, 72, 72), dtype=jnp.float32)
    inp['w_match'] = jax.random.normal(ks[1], (channels // red, channels, k, k), dtype=jnp.float32) * s
    inp['b_match'] = jnp.zeros((channels // red,), dtype=jnp.float32)
    inp['w_asm'] = jax.random.normal(ks[2], (channels, channels, k, k), dtype=jnp.float32) * s
    inp['b_asm'] = jnp.zeros((channels,), dtype=jnp.float32)
    inp['w_fca'] = jax.random.normal(ks[3], (channels, channels, k, k), dtype=jnp.float32) * s
    inp['b_fca'] = jnp.zeros((channels,), dtype=jnp.float32)
    inp['fc1_w'] = jax.random.normal(ks[4], (CHUNK, channels), dtype=jnp.float32) * s
    inp['fc1_b'] = jnp.zeros((CHUNK,), dtype=jnp.float32)
    inp['fc2_w'] = jax.random.normal(ks[5], (CHUNK, CHUNK), dtype=jnp.float32) * s
    inp['fc2_b'] = jnp.zeros((CHUNK,), dtype=jnp.float32)
    return inp


def reference(input, w_match, b_match, w_asm, b_asm, w_fca, b_fca, fc1_w, fc1_b, fc2_w, fc2_b):
    return _gla_forward(input, w_match, b_match, w_asm, b_asm, w_fca, b_fca, fc1_w, fc1_b, fc2_w, fc2_b)

if __name__ == "__main__":
    import jax
    _d = setup_inputs()
    print(jax.jit(kernel)(*tuple(_d.values())))

</pallas_src>

<mosaic_0001>
#map = affine_map<(d0, d1) -> (0, 0)>
#map1 = affine_map<(d0, d1) -> (0, 0, 0)>
module attributes {stable_mosaic.version = 14 : i64} {
  func.func @gather3(%arg0: i32, %arg1: i32, %arg2: memref<10368x16xf32, #tpu.memory_space<hbm>>, %arg3: memref<10368x64xf32, #tpu.memory_space<hbm>>, %arg4: memref<10368x64xf32, #tpu.memory_space<hbm>>, %arg5: memref<32x19x72xi32, #tpu.memory_space<hbm>>, %arg6: memref<43776x16xf32, #tpu.memory_space<hbm>>, %arg7: memref<43776x64xf32, #tpu.memory_space<hbm>>, %arg8: memref<43776x64xf32, #tpu.memory_space<hbm>>, %arg9: memref<19x72xi32, #tpu.memory_space<vmem>>, %arg10: memref<1368x16xf32, #tpu.memory_space<vmem>>, %arg11: memref<1368x64xf32, #tpu.memory_space<vmem>>, %arg12: memref<!tpu.dma_semaphore, #tpu.memory_space<semaphore_mem>>, %arg13: memref<!tpu.dma_semaphore, #tpu.memory_space<semaphore_mem>>, %arg14: memref<!tpu.dma_semaphore, #tpu.memory_space<semaphore_mem>>, %arg15: memref<!tpu.dma_semaphore, #tpu.memory_space<semaphore_mem>>) attributes {dimension_semantics = [#tpu.dimension_semantics<core_parallel>, #tpu.dimension_semantics<subcore_parallel>], iteration_bounds = array<i64: 2, 16>, scalar_prefetch = 0 : i64, scratch_operands = 7 : i64, tpu.core_type = #tpu.core_type<sc_vector_subcore>, window_params = [{transform_indices = #map}, {transform_indices = #map}, {transform_indices = #map}, {transform_indices = #map1}, {transform_indices = #map}, {transform_indices = #map}, {transform_indices = #map}]} {
    %mul3A = arith.constant 2 : i32
    %mul3A_0 = arith.muli %arg1, %mul3A : i32
    %add3A = arith.addi %mul3A_0, %arg0 : i32
    %mul3A_1 = arith.constant 1368 : i32
    %mul3A_2 = arith.muli %add3A, %mul3A_1 : i32
    "tpu.region"() ({
      %run_scoped3A = tpu.sem_alloc : memref<!tpu.dma_semaphore, #tpu.memory_space<semaphore_mem>>
      %dma_start3A_1199 = arith.constant 0 : i32
      %dma_start3A_1200 = arith.constant 0 : i32
      %dma_start3A_1201 = tpu.memref_slice %arg5[%add3A, %dma_start3A_1199, %dma_start3A_1200] : memref<32x19x72xi32, #tpu.memory_space<hbm>> -> memref<1x19x72xi32, #tpu.memory_space<hbm>>
      %dma_start3A_1202 = tpu.memref_squeeze %dma_start3A_1201 : memref<1x19x72xi32, #tpu.memory_space<hbm>> -> memref<19x72xi32, #tpu.memory_space<hbm>>
      %dma_start3A_1203 = arith.constant 0 : i32
      %dma_start3A_1204 = arith.constant 0 : i32
      %dma_start3A_1205 = tpu.memref_slice %arg5[%add3A, %dma_start3A_1203, %dma_start3A_1204] : memref<32x19x72xi32, #tpu.memory_space<hbm>> -> memref<1x19x72xi32, #tpu.memory_space<hbm>>
      %dma_start3A_1206 = tpu.memref_squeeze %dma_start3A_1205 : memref<1x19x72xi32, #tpu.memory_space<hbm>> -> memref<19x72xi32, #tpu.memory_space<hbm>>
      tpu.enqueue_dma source(%dma_start3A_1206 : memref<19x72xi32, #tpu.memory_space<hbm>>) target(%arg9 : memref<19x72xi32, #tpu.memory_space<vmem>>) target_semaphore(%run_scoped3A : memref<!tpu.dma_semaphore, #tpu.memory_space<semaphore_mem>>)
      %dma_wait3A_1207 = arith.constant 0 : i32
      %dma_wait3A_1208 = arith.constant 0 : i32
      %dma_wait3A_1209 = tpu.memref_slice %arg5[%add3A, %dma_wait3A_1207, %dma_wait3A_1208] : memref<32x19x72xi32, #tpu.memory_space<hbm>> -> memref<1x19x72xi32, #tpu.memory_space<hbm>>
      %dma_wait3A_1210 = tpu.memref_squeeze %dma_wait3A_1209 : memref<1x19x72xi32, #tpu.memory_space<hbm>> -> memref<19x72xi32, #tpu.memory_space<hbm>>
      %dma_wait3A_1211 = arith.constant 0 : i32
      %dma_wait3A_1212 = arith.constant 0 : i32
      %dma_wait3A_1213 = tpu.memref_slice %arg5[%add3A, %dma_wait3A_1211, %dma_wait3A_1212] : memref<32x19x72xi32, #tpu.memory_space<hbm>> -> memref<1x19x72xi32, #tpu.memory_space<hbm>>
      %dma_wait3A_1214 = tpu.memref_squeeze %dma_wait3A_1213 : memref<1x19x72xi32, #tpu.memory_space<hbm>> -> memref<19x72xi32, #tpu.memory_space<hbm>>
      tpu.wait_dma2 semaphore(%run_scoped3A : memref<!tpu.dma_semaphore, #tpu.memory_space<semaphore_mem>>) src(%dma_wait3A_1214 : memref<19x72xi32, #tpu.memory_space<hbm>>) dst(%arg9 : memref<19x72xi32, #tpu.memory_space<vmem>>)
      tpu.yield
    }) : () -> ()
    %dma_start3A = arith.constant 0 : i32
    %dma_start3A_3 = arith.constant 0 : i32
    %dma_start3A_4 = arith.constant 0 : i32
    %dma_start3A_5 = tpu.memref_slice %arg10[%dma_start3A_3, %dma_start3A_4] : memref<1368x16xf32, #tpu.memory_space<vmem>> -> memref<72x16xf32, #tpu.memory_space<vmem>>
    %dma_start3A_6 = arith.constant 0 : i32
    %dma_start3A_7 = tpu.memref_slice %arg9[%dma_start3A, %dma_start3A_6] : memref<19x72xi32, #tpu.memory_space<vmem>> -> memref<1x72xi32, #tpu.memory_space<vmem>>
    %dma_start3A_8 = tpu.memref_squeeze %dma_start3A_7 : memref<1x72xi32, #tpu.memory_space<vmem>> -> memref<72xi32, #tpu.memory_space<vmem>>
    %dma_start3A_9 = arith.constant 0 : i32
    %dma_start3A_10 = arith.constant 0 : i32
    %dma_start3A_11 = tpu.memref_slice %arg2[%dma_start3A_9, %dma_start3A_10] : memref<10368x16xf32, #tpu.memory_space<hbm>> -> memref<10368x16xf32, #tpu.memory_space<hbm>>
    tpu.enqueue_indirect_dma source(%dma_start3A_11 : memref<10368x16xf32, #tpu.memory_space<hbm>>) target(%dma_start3A_5 : memref<72x16xf32, #tpu.memory_space<vmem>>) offsets(%dma_start3A_8 : memref<72xi32, #tpu.memory_space<vmem>>) semaphore(%arg12 : memref<!tpu.dma_semaphore, #tpu.memory_space<semaphore_mem>>)
    %dma_start3A_12 = arith.constant 1 : i32
    %dma_start3A_13 = arith.constant 72 : i32
    %dma_start3A_14 = arith.constant 0 : i32
    %dma_start3A_15 = tpu.memref_slice %arg10[%dma_start3A_13, %dma_start3A_14] : memref<1368x16xf32, #tpu.memory_space<vmem>> -> memref<72x16xf32, #tpu.memory_space<vmem>>
    %dma_start3A_16 = arith.constant 0 : i32
    %dma_start3A_17 = tpu.memref_slice %arg9[%dma_start3A_12, %dma_start3A_16] : memref<19x72xi32, #tpu.memory_space<vmem>> -> memref<1x72xi32, #tpu.memory_space<vmem>>
    %dma_start3A_18 = tpu.memref_squeeze %dma_start3A_17 : memref<1x72xi32, #tpu.memory_space<vmem>> -> memref<72xi32, #tpu.memory_space<vmem>>
    %dma_start3A_19 = arith.constant 0 : i32
    %dma_start3A_20 = arith.constant 0 : i32
    %dma_start3A_21 = tpu.memref_slice %arg2[%dma_start3A_19, %dma_start3A_20] : memref<10368x16xf32, #tpu.memory_space<hbm>> -> memref<10368x16xf32, #tpu.memory_space<hbm>>
    tpu.enqueue_indirect_dma source(%dma_start3A_21 : memref<10368x16xf32, #tpu.memory_space<hbm>>) target(%dma_start3A_15 : memref<72x16xf32, #tpu.memory_space<vmem>>) offsets(%dma_start3A_18 : memref<72xi32, #tpu.memory_space<vmem>>) semaphore(%arg12 : memref<!tpu.dma_semaphore, #tpu.memory_space<semaphore_mem>>)
    %dma_start3A_22 = arith.constant 2 : i32
    %dma_start3A_23 = arith.constant 144 : i32
    %dma_start3A_24 = arith.constant 0 : i32
    %dma_start3A_25 = tpu.memref_slice %arg10[%dma_start3A_23, %dma_start3A_24] : memref<1368x16xf32, #tpu.memory_space<vmem>> -> memref<72x16xf32, #tpu.memory_space<vmem>>
    %dma_start3A_26 = arith.constant 0 : i32
    %dma_start3A_27 = tpu.memref_slice %arg9[%dma_start3A_22, %dma_start3A_26] : memref<19x72xi32, #tpu.memory_space<vmem>> -> memref<1x72xi32, #tpu.memory_space<vmem>>
    %dma_start3A_28 = tpu.memref_squeeze %dma_start3A_27 : memref<1x72xi32, #tpu.memory_space<vmem>> -> memref<72xi32, #tpu.memory_space<vmem>>
    %dma_start3A_29 = arith.constant 0 : i32
    %dma_start3A_30 = arith.constant 0 : i32
    %dma_start3A_31 = tpu.memref_slice %arg2[%dma_start3A_29, %dma_start3A_30] : memref<10368x16xf32, #tpu.memory_space<hbm>> -> memref<10368x16xf32, #tpu.memory_space<hbm>>
    tpu.enqueue_indirect_dma source(%dma_start3A_31 : memref<10368x16xf32, #tpu.memory_space<hbm>>) target(%dma_start3A_25 : memref<72x16xf32, #tpu.memory_space<vmem>>) offsets(%dma_start3A_28 : memref<72xi32, #tpu.memory_space<vmem>>) semaphore(%arg12 : memref<!tpu.dma_semaphore, #tpu.memory_space<semaphore_mem>>)
    %dma_start3A_32 = arith.constant 3 : i32
    %dma_start3A_33 = arith.constant 216 : i32
    %dma_start3A_34 = arith.constant 0 : i32
    %dma_start3A_35 = tpu.memref_slice %arg10[%dma_start3A_33, %dma_start3A_34] : memref<1368x16xf32, #tpu.memory_space<vmem>> -> memref<72x16xf32, #tpu.memory_space<vmem>>
    %dma_start3A_36 = arith.constant 0 : i32
    %dma_start3A_37 = tpu.memref_slice %arg9[%dma_start3A_32, %dma_start3A_36] : memref<19x72xi32, #tpu.memory_space<vmem>> -> memref<1x72xi32, #tpu.memory_space<vmem>>
    %dma_start3A_38 = tpu.memref_squeeze %dma_start3A_37 : memref<1x72xi32, #tpu.memory_space<vmem>> -> memref<72xi32, #tpu.memory_space<vmem>>
    %dma_start3A_39 = arith.constant 0 : i32
    %dma_start3A_40 = arith.constant 0 : i32
    %dma_start3A_41 = tpu.memref_slice %arg2[%dma_start3A_39, %dma_start3A_40] : memref<10368x16xf32, #tpu.memory_space<hbm>> -> memref<10368x16xf32, #tpu.memory_space<hbm>>
    tpu.enqueue_indirect_dma source(%dma_start3A_41 : memref<10368x16xf32, #tpu.memory_space<hbm>>) target(%dma_start3A_35 : memref<72x16xf32, #tpu.memory_space<vmem>>) offsets(%dma_start3A_38 : memref<72xi32, #tpu.memory_space<vmem>>) semaphore(%arg12 : memref<!tpu.dma_semaphore, #tpu.memory_space<semaphore_mem>>)
    %dma_start3A_42 = arith.constant 4 : i32
    %dma_start3A_43 = arith.constant 288 : i32
    %dma_start3A_44 = arith.constant 0 : i32
    %dma_start3A_45 = tpu.memref_slice %arg10[%dma_start3A_43, %dma_start3A_44] : memref<1368x16xf32, #tpu.memory_space<vmem>> -> memref<72x16xf32, #tpu.memory_space<vmem>>
    %dma_start3A_46 = arith.constant 0 : i32
    %dma_start3A_47 = tpu.memref_slice %arg9[%dma_start3A_42, %dma_start3A_46] : memref<19x72xi32, #tpu.memory_space<vmem>> -> memref<1x72xi32, #tpu.memory_space<vmem>>
    %dma_start3A_48 = tpu.memref_squeeze %dma_start3A_47 : memref<1x72xi32, #tpu.memory_space<vmem>> -> memref<72xi32, #tpu.memory_space<vmem>>
    %dma_start3A_49 = arith.constant 0 : i32
    %dma_start3A_50 = arith.constant 0 : i32
    %dma_start3A_51 = tpu.memref_slice %arg2[%dma_start3A_49, %dma_start3A_50] : memref<10368x16xf32, #tpu.memory_space<hbm>> -> memref<10368x16xf32, #tpu.memory_space<hbm>>
    tpu.enqueue_indirect_dma source(%dma_start3A_51 : memref<10368x16xf32, #tpu.memory_space<hbm>>) target(%dma_start3A_45 : memref<72x16xf32, #tpu.memory_space<vmem>>) offsets(%dma_start3A_48 : memref<72xi32, #tpu.memory_space<vmem>>) semaphore(%arg12 : memref<!tpu.dma_semaphore, #tpu.memory_space<semaphore_mem>>)
    %dma_start3A_52 = arith.constant 5 : i32
    %dma_start3A_53 = arith.constant 360 : i32
    %dma_start3A_54 = arith.constant 0 : i32
    %dma_start3A_55 = tpu.memref_slice %arg10[%dma_start3A_53, %dma_start3A_54] : memref<1368x16xf32, #tpu.memory_space<vmem>> -> memref<72x16xf32, #tpu.memory_space<vmem>>
    %dma_start3A_56 = arith.constant 0 : i32
    %dma_start3A_57 = tpu.memref_slice %arg9[%dma_start3A_52, %dma_start3A_56] : memref<19x72xi32, #tpu.memory_space<vmem>> -> memref<1x72xi32, #tpu.memory_space<vmem>>
    %dma_start3A_58 = tpu.memref_squeeze %dma_start3A_57 : memref<1x72xi32, #tpu.memory_space<vmem>> -> memref<72xi32, #tpu.memory_space<vmem>>
    %dma_start3A_59 = arith.constant 0 : i32
    %dma_start3A_60 = arith.constant 0 : i32
    %dma_start3A_61 = tpu.memref_slice %arg2[%dma_start3A_59, %dma_start3A_60] : memref<10368x16xf32, #tpu.memory_space<hbm>> -> memref<10368x16xf32, #tpu.memory_space<hbm>>
    tpu.enqueue_indirect_dma source(%dma_start3A_61 : memref<10368x16xf32, #tpu.memory_space<hbm>>) target(%dma_start3A_55 : memref<72x16xf32, #tpu.memory_space<vmem>>) offsets(%dma_start3A_58 : memref<72xi32, #tpu.memory_space<vmem>>) semaphore(%arg12 : memref<!tpu.dma_semaphore, #tpu.memory_space<semaphore_mem>>)
    %dma_start3A_62 = arith.constant 6 : i32
    %dma_start3A_63 = arith.constant 432 : i32
    %dma_start3A_64 = arith.constant 0 : i32
    %dma_start3A_65 = tpu.memref_slice %arg10[%dma_start3A_63, %dma_start3A_64] : memref<1368x16xf32, #tpu.memory_space<vmem>> -> memref<72x16xf32, #tpu.memory_space<vmem>>
    %dma_start3A_66 = arith.constant 0 : i32
    %dma_start3A_67 = tpu.memref_slice %arg9[%dma_start3A_62, %dma_start3A_66] : memref<19x72xi32, #tpu.memory_space<vmem>> -> memref<1x72xi32, #tpu.memory_space<vmem>>
    %dma_start3A_68 = tpu.memref_squeeze %dma_start3A_67 : memref<1x72xi32, #tpu.memory_space<vmem>> -> memref<72xi32, #tpu.memory_space<vmem>>
    %dma_start3A_69 = arith.constant 0 : i32
    %dma_start3A_70 = arith.constant 0 : i32
    %dma_start3A_71 = tpu.memref_slice %arg2[%dma_start3A_69, %dma_start3A_70] : memref<10368x16xf32, #tpu.memory_space<hbm>> -> memref<10368x16xf32, #tpu.memory_space<hbm>>
    tpu.enqueue_indirect_dma source(%dma_start3A_71 : memref<10368x16xf32, #tpu.memory_space<hbm>>) target(%dma_start3A_65 : memref<72x16xf32, #tpu.memory_space<vmem>>) offsets(%dma_start3A_68 : memref<72xi32, #tpu.memory_space<vmem>>) semaphore(%arg12 : memref<!tpu.dma_semaphore, #tpu.memory_space<semaphore_mem>>)
    %dma_start3A_72 = arith.constant 7 : i32
    %dma_start3A_73 = arith.constant 504 : i32
    %dma_start3A_74 = arith.constant 0 : i32
    %dma_start3A_75 = tpu.memref_slice %arg10[%dma_start3A_73, %dma_start3A_74] : memref<1368x16xf32, #tpu.memory_space<vmem>> -> memref<72x16xf32, #tpu.memory_space<vmem>>
    %dma_start3A_76 = arith.constant 0 : i32
    %dma_start3A_77 = tpu.memref_slice %arg9[%dma_start3A_72, %dma_start3A_76] : memref<19x72xi32, #tpu.memory_space<vmem>> -> memref<1x72xi32, #tpu.memory_space<vmem>>
    %dma_start3A_78 = tpu.memref_squeeze %dma_start3A_77 : memref<1x72xi32, #tpu.memory_space<vmem>> -> memref<72xi32, #tpu.memory_space<vmem>>
    %dma_start3A_79 = arith.constant 0 : i32
    %dma_start3A_80 = arith.constant 0 : i32
    %dma_start3A_81 = tpu.memref_slice %arg2[%dma_start3A_79, %dma_start3A_80] : memref<10368x16xf32, #tpu.memory_space<hbm>> -> memref<10368x16xf32, #tpu.memory_space<hbm>>
    tpu.enqueue_indirect_dma source(%dma_start3A_81 : memref<10368x16xf32, #tpu.memory_space<hbm>>) target(%dma_start3A_75 : memref<72x16xf32, #tpu.memory_space<vmem>>) offsets(%dma_start3A_78 : memref<72xi32, #tpu.memory_space<vmem>>) semaphore(%arg12 : memref<!tpu.dma_semaphore, #tpu.memory_space<semaphore_mem>>)
    %dma_start3A_82 = arith.constant 8 : i32
    %dma_start3A_83 = arith.constant 576 : i32
    %dma_start3A_84 = arith.constant 0 : i32
    %dma_start3A_85 = tpu.memref_slice %arg10[%dma_start3A_83, %dma_start3A_84] : memref<1368x16xf32, #tpu.memory_space<vmem>> -> memref<72x16xf32, #tpu.memory_space<vmem>>
    %dma_start3A_86 = arith.constant 0 : i32
    %dma_start3A_87 = tpu.memref_slice %arg9[%dma_start3A_82, %dma_start3A_86] : memref<19x72xi32, #tpu.memory_space<vmem>> -> memref<1x72xi32, #tpu.memory_space<vmem>>
    %dma_start3A_88 = tpu.memref_squeeze %dma_start3A_87 : memref<1x72xi32, #tpu.memory_space<vmem>> -> memref<72xi32, #tpu.memory_space<vmem>>
    %dma_start3A_89 = arith.constant 0 : i32
    %dma_start3A_90 = arith.constant 0 : i32
    %dma_start3A_91 = tpu.memref_slice %arg2[%dma_start3A_89, %dma_start3A_90] : memref<10368x16xf32, #tpu.memory_space<hbm>> -> memref<10368x16xf32, #tpu.memory_space<hbm>>
    tpu.enqueue_indirect_dma source(%dma_start3A_91 : memref<10368x16xf32, #tpu.memory_space<hbm>>) target(%dma_start3A_85 : memref<72x16xf32, #tpu.memory_space<vmem>>) offsets(%dma_start3A_88 : memref<72xi32, #tpu.memory_space<vmem>>) semaphore(%arg12 : memref<!tpu.dma_semaphore, #tpu.memory_space<semaphore_mem>>)
    %dma_start3A_92 = arith.constant 9 : i32
    %dma_start3A_93 = arith.constant 648 : i32
    %dma_start3A_94 = arith.constant 0 : i32
    %dma_start3A_95 = tpu.memref_slice %arg10[%dma_start3A_93, %dma_start3A_94] : memref<1368x16xf32, #tpu.memory_space<vmem>> -> memref<72x16xf32, #tpu.memory_space<vmem>>
    %dma_start3A_96 = arith.constant 0 : i32
    %dma_start3A_97 = tpu.memref_slice %arg9[%dma_start3A_92, %dma_start3A_96] : memref<19x72xi32, #tpu.memory_space<vmem>> -> memref<1x72xi32, #tpu.memory_space<vmem>>
    %dma_start3A_98 = tpu.memref_squeeze %dma_start3A_97 : memref<1x72xi32, #tpu.memory_space<vmem>> -> memref<72xi32, #tpu.memory_space<vmem>>
    %dma_start3A_99 = arith.constant 0 : i32
    %dma_start3A_100 = arith.constant 0 : i32
    %dma_start3A_101 = tpu.memref_slice %arg2[%dma_start3A_99, %dma_start3A_100] : memref<10368x16xf32, #tpu.memory_space<hbm>> -> memref<10368x16xf32, #tpu.memory_space<hbm>>
    tpu.enqueue_indirect_dma source(%dma_start3A_101 : memref<10368x16xf32, #tpu.memory_space<hbm>>) target(%dma_start3A_95 : memref<72x16xf32, #tpu.memory_space<vmem>>) offsets(%dma_start3A_98 : memref<72xi32, #tpu.memory_space<vmem>>) semaphore(%arg12 : memref<!tpu.dma_semaphore, #tpu.memory_space<semaphore_mem>>)
    %dma_start3A_102 = arith.constant 10 : i32
    %dma_start3A_103 = arith.constant 720 : i32
    %dma_start3A_104 = arith.constant 0 : i32
    %dma_start3A_105 = tpu.memref_slice %arg10[%dma_start3A_103, %dma_start3A_104] : memref<1368x16xf32, #tpu.memory_space<vmem>> -> memref<72x16xf32, #tpu.memory_space<vmem>>
    %dma_start3A_106 = arith.constant 0 : i32
    %dma_start3A_107 = tpu.memref_slice %arg9[%dma_start3A_102, %dma_start3A_106] : memref<19x72xi32, #tpu.memory_space<vmem>> -> memref<1x72xi32, #tpu.memory_space<vmem>>
    %dma_start3A_108 = tpu.memref_squeeze %dma_start3A_107 : memref<1x72xi32, #tpu.memory_space<vmem>> -> memref<72xi32, #tpu.memory_space<vmem>>
    %dma_start3A_109 = arith.constant 0 : i32
    %dma_start3A_110 = arith.constant 0 : i32
    %dma_start3A_111 = tpu.memref_slice %arg2[%dma_start3A_109, %dma_start3A_110] : memref<10368x16xf32, #tpu.memory_space<hbm>> -> memref<10368x16xf32, #tpu.memory_space<hbm>>
    tpu.enqueue_indirect_dma source(%dma_start3A_111 : memref<10368x16xf32, #tpu.memory_space<hbm>>) target(%dma_start3A_105 : memref<72x16xf32, #tpu.memory_space<vmem>>) offsets(%dma_start3A_108 : memref<72xi32, #tpu.memory_space<vmem>>) semaphore(%arg12 : memref<!tpu.dma_semaphore, #tpu.memory_space<semaphore_mem>>)
    %dma_start3A_112 = arith.constant 11 : i32
    %dma_start3A_113 = arith.constant 792 : i32
    %dma_start3A_114 = arith.constant 0 : i32
    %dma_start3A_115 = tpu.memref_slice %arg10[%dma_start3A_113, %dma_start3A_114] : memref<1368x16xf32, #tpu.memory_space<vmem>> -> memref<72x16xf32, #tpu.memory_space<vmem>>
    %dma_start3A_116 = arith.constant 0 : i32
    %dma_start3A_117 = tpu.memref_slice %arg9[%dma_start3A_112, %dma_start3A_116] : memref<19x72xi32, #tpu.memory_space<vmem>> -> memref<1x72xi32, #tpu.memory_space<vmem>>
    %dma_start3A_118 = tpu.memref_squeeze %dma_start3A_117 : memref<1x72xi32, #tpu.memory_space<vmem>> -> memref<72xi32, #tpu.memory_space<vmem>>
    %dma_start3A_119 = arith.constant 0 : i32
    %dma_start3A_120 = arith.constant 0 : i32
    %dma_start3A_121 = tpu.memref_slice %arg2[%dma_start3A_119, %dma_start3A_120] : memref<10368x16xf32, #tpu.memory_space<hbm>> -> memref<10368x16xf32, #tpu.memory_space<hbm>>
    tpu.enqueue_indirect_dma source(%dma_start3A_121 : memref<10368x16xf32, #tpu.memory_space<hbm>>) target(%dma_start3A_115 : memref<72x16xf32, #tpu.memory_space<vmem>>) offsets(%dma_start3A_118 : memref<72xi32, #tpu.memory_space<vmem>>) semaphore(%arg12 : memref<!tpu.dma_semaphore, #tpu.memory_space<semaphore_mem>>)
    %dma_start3A_122 = arith.constant 12 : i32
    %dma_start3A_123 = arith.constant 864 : i32
    %dma_start3A_124 = arith.constant 0 : i32
    %dma_start3A_125 = tpu.memref_slice %arg10[%dma_start3A_123, %dma_start3A_124] : memref<1368x16xf32, #tpu.memory_space<vmem>> -> memref<72x16xf32, #tpu.memory_space<vmem>>
    %dma_start3A_126 = arith.constant 0 : i32
    %dma_start3A_127 = tpu.memref_slice %arg9[%dma_start3A_122, %dma_start3A_126] : memref<19x72xi32, #tpu.memory_space<vmem>> -> memref<1x72xi32, #tpu.memory_space<vmem>>
    %dma_start3A_128 = tpu.memref_squeeze %dma_start3A_127 : memref<1x72xi32, #tpu.memory_space<vmem>> -> memref<72xi32, #tpu.memory_space<vmem>>
    %dma_start3A_129 = arith.constant 0 : i32
    %dma_start3A_130 = arith.constant 0 : i32
    %dma_start3A_131 = tpu.memref_slice %arg2[%dma_start3A_129, %dma_start3A_130] : memref<10368x16xf32, #tpu.memory_space<hbm>> -> memref<10368x16xf32, #tpu.memory_space<hbm>>
    tpu.enqueue_indirect_dma source(%dma_start3A_131 : memref<10368x16xf32, #tpu.memory_space<hbm>>) target(%dma_start3A_125 : memref<72x16xf32, #tpu.memory_space<vmem>>) offsets(%dma_start3A_128 : memref<72xi32, #tpu.memory_space<vmem>>) semaphore(%arg12 : memref<!tpu.dma_semaphore, #tpu.memory_space<semaphore_mem>>)
    %dma_start3A_132 = arith.constant 13 : i32
    %dma_start3A_133 = arith.constant 936 : i32
    %dma_start3A_134 = arith.constant 0 : i32
    %dma_start3A_135 = tpu.memref_slice %arg10[%dma_start3A_133, %dma_start3A_134] : memref<1368x16xf32, #tpu.memory_space<vmem>> -> memref<72x16xf32, #tpu.memory_space<vmem>>
    %dma_start3A_136 = arith.constant 0 : i32
    %dma_start3A_137 = tpu.memref_slice %arg9[%dma_start3A_132, %dma_start3A_136] : memref<19x72xi32, #tpu.memory_space<vmem>> -> memref<1x72xi32, #tpu.memory_space<vmem>>
    %dma_start3A_138 = tpu.memref_squeeze %dma_start3A_137 : memref<1x72xi32, #tpu.memory_space<vmem>> -> memref<72xi32, #tpu.memory_space<vmem>>
    %dma_start3A_139 = arith.constant 0 : i32
    %dma_start3A_140 = arith.constant 0 : i32
    %dma_start3A_141 = tpu.memref_slice %arg2[%dma_start3A_139, %dma_start3A_140] : memref<10368x16xf32, #tpu.memory_space<hbm>> -> memref<10368x16xf32, #tpu.memory_space<hbm>>
    tpu.enqueue_indirect_dma source(%dma_start3A_141 : memref<10368x16xf32, #tpu.memory_space<hbm>>) target(%dma_start3A_135 : memref<72x16xf32, #tpu.memory_space<vmem>>) offsets(%dma_start3A_138 : memref<72xi32, #tpu.memory_space<vmem>>) semaphore(%arg12 : memref<!tpu.dma_semaphore, #tpu.memory_space<semaphore_mem>>)
    %dma_start3A_142 = arith.constant 14 : i32
    %dma_start3A_143 = arith.constant 1008 : i32
    %dma_start3A_144 = arith.constant 0 : i32
    %dma_start3A_145 = tpu.memref_slice %arg10[%dma_start3A_143, %dma_start3A_144] : memref<1368x16xf32, #tpu.memory_space<vmem>> -> memref<72x16xf32, #tpu.memory_space<vmem>>
    %dma_start3A_146 = arith.constant 0 : i32
    %dma_start3A_147 = tpu.memref_slice %arg9[%dma_start3A_142, %dma_start3A_146] : memref<19x72xi32, #tpu.memory_space<vmem>> -> memref<1x72xi32, #tpu.memory_space<vmem>>
    %dma_start3A_148 = tpu.memref_squeeze %dma_start3A_147 : memref<1x72xi32, #tpu.memory_space<vmem>> -> memref<72xi32, #tpu.memory_space<vmem>>
    %dma_start3A_149 = arith.constant 0 : i32
    %dma_start3A_150 = arith.constant 0 : i32
    %dma_start3A_151 = tpu.memref_slice %arg2[%dma_start3A_149, %dma_start3A_150] : memref<10368x16xf32, #tpu.memory_space<hbm>> -> memref<10368x16xf32, #tpu.memory_space<hbm>>
    tpu.enqueue_indirect_dma source(%dma_start3A_151 : memref<10368x16xf32, #tpu.memory_space<hbm>>) target(%dma_start3A_145 : memref<72x16xf32, #tpu.memory_space<vmem>>) offsets(%dma_start3A_148 : memref<72xi32, #tpu.memory_space<vmem>>) semaphore(%arg12 : memref<!tpu.dma_semaphore, #tpu.memory_space<semaphore_mem>>)
    %dma_start3A_152 = arith.constant 15 : i32
    %dma_start3A_153 = arith.constant 1080 : i32
    %dma_start3A_154 = arith.constant 0 : i32
    %dma_start3A_155 = tpu.memref_slice %arg10[%dma_start3A_153, %dma_start3A_154] : memref<1368x16xf32, #tpu.memory_space<vmem>> -> memref<72x16xf32, #tpu.memory_space<vmem>>
    %dma_start3A_156 = arith.constant 0 : i32
    %dma_start3A_157 = tpu.memref_slice %arg9[%dma_start3A_152, %dma_start3A_156] : memref<19x72xi32, #tpu.memory_space<vmem>> -> memref<1x72xi32, #tpu.memory_space<vmem>>
    %dma_start3A_158 = tpu.memref_squeeze %dma_start3A_157 : memref<1x72xi32, #tpu.memory_space<vmem>> -> memref<72xi32, #tpu.memory_space<vmem>>
    %dma_start3A_159 = arith.constant 0 : i32
    %dma_start3A_160 = arith.constant 0 : i32
    %dma_start3A_161 = tpu.memref_slice %arg2[%dma_start3A_159, %dma_start3A_160] : memref<10368x16xf32, #tpu.memory_space<hbm>> -> memref<10368x16xf32, #tpu.memory_space<hbm>>
    tpu.enqueue_indirect_dma source(%dma_start3A_161 : memref<10368x16xf32, #tpu.memory_space<hbm>>) target(%dma_start3A_155 : memref<72x16xf32, #tpu.memory_space<vmem>>) offsets(%dma_start3A_158 : memref<72xi32, #tpu.memory_space<vmem>>) semaphore(%arg12 : memref<!tpu.dma_semaphore, #tpu.memory_space<semaphore_mem>>)
    %dma_start3A_162 = arith.constant 16 : i32
    %dma_start3A_163 = arith.constant 1152 : i32
    %dma_start3A_164 = arith.constant 0 : i32
    %dma_start3A_165 = tpu.memref_slice %arg10[%dma_start3A_163, %dma_start3A_164] : memref<1368x16xf32, #tpu.memory_space<vmem>> -> memref<72x16xf32, #tpu.memory_space<vmem>>
    %dma_start3A_166 = arith.constant 0 : i32
    %dma_start3A_167 = tpu.memref_slice %arg9[%dma_start3A_162, %dma_start3A_166] : memref<19x72xi32, #tpu.memory_space<vmem>> -> memref<1x72xi32, #tpu.memory_space<vmem>>
    %dma_start3A_168 = tpu.memref_squeeze %dma_start3A_167 : memref<1x72xi32, #tpu.memory_space<vmem>> -> memref<72xi32, #tpu.memory_space<vmem>>
    %dma_start3A_169 = arith.constant 0 : i32
    %dma_start3A_170 = arith.constant 0 : i32
    %dma_start3A_171 = tpu.memref_slice %arg2[%dma_start3A_169, %dma_start3A_170] : memref<10368x16xf32, #tpu.memory_space<hbm>> -> memref<10368x16xf32, #tpu.memory_space<hbm>>
    tpu.enqueue_indirect_dma source(%dma_start3A_171 : memref<10368x16xf32, #tpu.memory_space<hbm>>) target(%dma_start3A_165 : memref<72x16xf32, #tpu.memory_space<vmem>>) offsets(%dma_start3A_168 : memref<72xi32, #tpu.memory_space<vmem>>) semaphore(%arg12 : memref<!tpu.dma_semaphore, #tpu.memory_space<semaphore_mem>>)
    %dma_start3A_172 = arith.constant 17 : i32
    %dma_start3A_173 = arith.constant 1224 : i32
    %dma_start3A_174 = arith.constant 0 : i32
    %dma_start3A_175 = tpu.memref_slice %arg10[%dma_start3A_173, %dma_start3A_174] : memref<1368x16xf32, #tpu.memory_space<vmem>> -> memref<72x16xf32, #tpu.memory_space<vmem>>
    %dma_start3A_176 = arith.constant 0 : i32
    %dma_start3A_177 = tpu.memref_slice %arg9[%dma_start3A_172, %dma_start3A_176] : memref<19x72xi32, #tpu.memory_space<vmem>> -> memref<1x72xi32, #tpu.memory_space<vmem>>
    %dma_start3A_178 = tpu.memref_squeeze %dma_start3A_177 : memref<1x72xi32, #tpu.memory_space<vmem>> -> memref<72xi32, #tpu.memory_space<vmem>>
    %dma_start3A_179 = arith.constant 0 : i32
    %dma_start3A_180 = arith.constant 0 : i32
    %dma_start3A_181 = tpu.memref_slice %arg2[%dma_start3A_179, %dma_start3A_180] : memref<10368x16xf32, #tpu.memory_space<hbm>> -> memref<10368x16xf32, #tpu.memory_space<hbm>>
    tpu.enqueue_indirect_dma source(%dma_start3A_181 : memref<10368x16xf32, #tpu.memory_space<hbm>>) target(%dma_start3A_175 : memref<72x16xf32, #tpu.memory_space<vmem>>) offsets(%dma_start3A_178 : memref<72xi32, #tpu.memory_space<vmem>>) semaphore(%arg12 : memref<!tpu.dma_semaphore, #tpu.memory_space<semaphore_mem>>)
    %dma_start3A_182 = arith.constant 18 : i32
    %dma_start3A_183 = arith.constant 1296 : i32
    %dma_start3A_184 = arith.constant 0 : i32
    %dma_start3A_185 = tpu.memref_slice %arg10[%dma_start3A_183, %dma_start3A_184] : memref<1368x16xf32, #tpu.memory_space<vmem>> -> memref<72x16xf32, #tpu.memory_space<vmem>>
    %dma_start3A_186 = arith.constant 0 : i32
    %dma_start3A_187 = tpu.memref_slice %arg9[%dma_start3A_182, %dma_start3A_186] : memref<19x72xi32, #tpu.memory_space<vmem>> -> memref<1x72xi32, #tpu.memory_space<vmem>>
    %dma_start3A_188 = tpu.memref_squeeze %dma_start3A_187 : memref<1x72xi32, #tpu.memory_space<vmem>> -> memref<72xi32, #tpu.memory_space<vmem>>
    %dma_start3A_189 = arith.constant 0 : i32
    %dma_start3A_190 = arith.constant 0 : i32
    %dma_start3A_191 = tpu.memref_slice %arg2[%dma_start3A_189, %dma_start3A_190] : memref<10368x16xf32, #tpu.memory_space<hbm>> -> memref<10368x16xf32, #tpu.memory_space<hbm>>
    tpu.enqueue_indirect_dma source(%dma_start3A_191 : memref<10368x16xf32, #tpu.memory_space<hbm>>) target(%dma_start3A_185 : memref<72x16xf32, #tpu.memory_space<vmem>>) offsets(%dma_start3A_188 : memref<72xi32, #tpu.memory_space<vmem>>) semaphore(%arg12 : memref<!tpu.dma_semaphore, #tpu.memory_space<semaphore_mem>>)
    %dma_start3A_192 = arith.constant 0 : i32
    %dma_start3A_193 = arith.constant 0 : i32
    %dma_start3A_194 = arith.constant 0 : i32
    %dma_start3A_195 = tpu.memref_slice %arg11[%dma_start3A_193, %dma_start3A_194] : memref<1368x64xf32, #tpu.memory_space<vmem>> -> memref<72x64xf32, #tpu.memory_space<vmem>>
    %dma_start3A_196 = arith.constant 0 : i32
    %dma_start3A_197 = tpu.memref_slice %arg9[%dma_start3A_192, %dma_start3A_196] : memref<19x72xi32, #tpu.memory_space<vmem>> -> memref<1x72xi32, #tpu.memory_space<vmem>>
    %dma_start3A_198 = tpu.memref_squeeze %dma_start3A_197 : memref<1x72xi32, #tpu.memory_space<vmem>> -> memref<72xi32, #tpu.memory_space<vmem>>
    %dma_start3A_199 = arith.constant 0 : i32
    %dma_start3A_200 = arith.constant 0 : i32
    %dma_start3A_201 = tpu.memref_slice %arg3[%dma_start3A_199, %dma_start3A_200] : memref<10368x64xf32, #tpu.memory_space<hbm>> -> memref<10368x64xf32, #tpu.memory_space<hbm>>
    tpu.enqueue_indirect_dma source(%dma_start3A_201 : memref<10368x64xf32, #tpu.memory_space<hbm>>) target(%dma_start3A_195 : memref<72x64xf32, #tpu.memory_space<vmem>>) offsets(%dma_start3A_198 : memref<72xi32, #tpu.memory_space<vmem>>) semaphore(%arg13 : memref<!tpu.dma_semaphore, #tpu.memory_space<semaphore_mem>>)
    %dma_start3A_202 = arith.constant 1 : i32
    %dma_start3A_203 = arith.constant 72 : i32
    %dma_start3A_204 = arith.constant 0 : i32
    %dma_start3A_205 = tpu.memref_slice %arg11[%dma_start3A_203, %dma_start3A_204] : memref<1368x64xf32, #tpu.memory_space<vmem>> -> memref<72x64xf32, #tpu.memory_space<vmem>>
    %dma_start3A_206 = arith.constant 0 : i32
    %dma_start3A_207 = tpu.memref_slice %arg9[%dma_start3A_202, %dma_start3A_206] : memref<19x72xi32, #tpu.memory_space<vmem>> -> memref<1x72xi32, #tpu.memory_space<vmem>>
    %dma_start3A_208 = tpu.memref_squeeze %dma_start3A_207 : memref<1x72xi32, #tpu.memory_space<vmem>> -> memref<72xi32, #tpu.memory_space<vmem>>
    %dma_start3A_209 = arith.constant 0 : i32
    %dma_start3A_210 = arith.constant 0 : i32
    %dma_start3A_211 = tpu.memref_slice %arg3[%dma_start3A_209, %dma_start3A_210] : memref<10368x64xf32, #tpu.memory_space<hbm>> -> memref<10368x64xf32, #tpu.memory_space<hbm>>
    tpu.enqueue_indirect_dma source(%dma_start3A_211 : memref<10368x64xf32, #tpu.memory_space<hbm>>) target(%dma_start3A_205 : memref<72x64xf32, #tpu.memory_space<vmem>>) offsets(%dma_start3A_208 : memref<72xi32, #tpu.memory_space<vmem>>) semaphore(%arg13 : memref<!tpu.dma_semaphore, #tpu.memory_space<semaphore_mem>>)
    %dma_start3A_212 = arith.constant 2 : i32
    %dma_start3A_213 = arith.constant 144 : i32
    %dma_start3A_214 = arith.constant 0 : i32
    %dma_start3A_215 = tpu.memref_slice %arg11[%dma_start3A_213, %dma_start3A_214] : memref<1368x64xf32, #tpu.memory_space<vmem>> -> memref<72x64xf32, #tpu.memory_space<vmem>>
    %dma_start3A_216 = arith.constant 0 : i32
    %dma_start3A_217 = tpu.memref_slice %arg9[%dma_start3A_212, %dma_start3A_216] : memref<19x72xi32, #tpu.memory_space<vmem>> -> memref<1x72xi32, #tpu.memory_space<vmem>>
    %dma_start3A_218 = tpu.memref_squeeze %dma_start3A_217 : memref<1x72xi32, #tpu.memory_space<vmem>> -> memref<72xi32, #tpu.memory_space<vmem>>
    %dma_start3A_219 = arith.constant 0 : i32
    %dma_start3A_220 = arith.constant 0 : i32
    %dma_start3A_221 = tpu.memref_slice %arg3[%dma_start3A_219, %dma_start3A_220] : memref<10368x64xf32, #tpu.memory_space<hbm>> -> memref<10368x64xf32, #tpu.memory_space<hbm>>
    tpu.enqueue_indirect_dma source(%dma_start3A_221 : memref<10368x64xf32, #tpu.memory_space<hbm>>) target(%dma_start3A_215 : memref<72x64xf32, #tpu.memory_space<vmem>>) offsets(%dma_start3A_218 : memref<72xi32, #tpu.memory_space<vmem>>) semaphore(%arg13 : memref<!tpu.dma_semaphore, #tpu.memory_space<semaphore_mem>>)
    %dma_start3A_222 = arith.constant 3 : i32
    %dma_start3A_223 = arith.constant 216 : i32
    %dma_start3A_224 = arith.constant 0 : i32
    %dma_start3A_225 = tpu.memref_slice %arg11[%dma_start3A_223, %dma_start3A_224] : memref<1368x64xf32, #tpu.memory_space<vmem>> -> memref<72x64xf32, #tpu.memory_space<vmem>>
    %dma_start3A_226 = arith.constant 0 : i32
    %dma_start3A_227 = tpu.memref_slice %arg9[%dma_start3A_222, %dma_start3A_226] : memref<19x72xi32, #tpu.memory_space<vmem>> -> memref<1x72xi32, #tpu.memory_space<vmem>>
    %dma_start3A_228 = tpu.memref_squeeze %dma_start3A_227 : memref<1x72xi32, #tpu.memory_space<vmem>> -> memref<72xi32, #tpu.memory_space<vmem>>
    %dma_start3A_229 = arith.constant 0 : i32
    %dma_start3A_230 = arith.constant 0 : i32
    %dma_start3A_231 = tpu.memref_slice %arg3[%dma_start3A_229, %dma_start3A_230] : memref<10368x64xf32, #tpu.memory_space<hbm>> -> memref<10368x64xf32, #tpu.memory_space<hbm>>
    tpu.enqueue_indirect_dma source(%dma_start3A_231 : memref<10368x64xf32, #tpu.memory_space<hbm>>) target(%dma_start3A_225 : memref<72x64xf32, #tpu.memory_space<vmem>>) offsets(%dma_start3A_228 : memref<72xi32, #tpu.memory_space<vmem>>) semaphore(%arg13 : memref<!tpu.dma_semaphore, #tpu.memory_space<semaphore_mem>>)
    %dma_start3A_232 = arith.constant 4 : i32
    %dma_start3A_233 = arith.constant 288 : i32
    %dma_start3A_234 = arith.constant 0 : i32
    %dma_start3A_235 = tpu.memref_slice %arg11[%dma_start3A_233, %dma_start3A_234] : memref<1368x64xf32, #tpu.memory_space<vmem>> -> memref<72x64xf32, #tpu.memory_space<vmem>>
    %dma_start3A_236 = arith.constant 0 : i32
    %dma_start3A_237 = tpu.memref_slice %arg9[%dma_start3A_232, %dma_start3A_236] : memref<19x72xi32, #tpu.memory_space<vmem>> -> memref<1x72xi32, #tpu.memory_space<vmem>>
    %dma_start3A_238 = tpu.memref_squeeze %dma_start3A_237 : memref<1x72xi32, #tpu.memory_space<vmem>> -> memref<72xi32, #tpu.memory_space<vmem>>
    %dma_start3A_239 = arith.constant 0 : i32
    %dma_start3A_240 = arith.constant 0 : i32
    %dma_start3A_241 = tpu.memref_slice %arg3[%dma_start3A_239, %dma_start3A_240] : memref<10368x64xf32, #tpu.memory_space<hbm>> -> memref<10368x64xf32, #tpu.memory_space<hbm>>
    tpu.enqueue_indirect_dma source(%dma_start3A_241 : memref<10368x64xf32, #tpu.memory_space<hbm>>) target(%dma_start3A_235 : memref<72x64xf32, #tpu.memory_space<vmem>>) offsets(%dma_start3A_238 : memref<72xi32, #tpu.memory_space<vmem>>) semaphore(%arg13 : memref<!tpu.dma_semaphore, #tpu.memory_space<semaphore_mem>>)
    %dma_start3A_242 = arith.constant 5 : i32
    %dma_start3A_243 = arith.constant 360 : i32
    %dma_start3A_244 = arith.constant 0 : i32
    %dma_start3A_245 = tpu.memref_slice %arg11[%dma_start3A_243, %dma_start3A_244] : memref<1368x64xf32, #tpu.memory_space<vmem>> -> memref<72x64xf32, #tpu.memory_space<vmem>>
    %dma_start3A_246 = arith.constant 0 : i32
    %dma_start3A_247 = tpu.memref_slice %arg9[%dma_start3A_242, %dma_start3A_246] : memref<19x72xi32, #tpu.memory_space<vmem>> -> memref<1x72xi32, #tpu.memory_space<vmem>>
    %dma_start3A_248 = tpu.memref_squeeze %dma_start3A_247 : memref<1x72xi32, #tpu.memory_space<vmem>> -> memref<72xi32, #tpu.memory_space<vmem>>
    %dma_start3A_249 = arith.constant 0 : i32
    %dma_start3A_250 = arith.constant 0 : i32
    %dma_start3A_251 = tpu.memref_slice %arg3[%dma_start3A_249, %dma_start3A_250] : memref<10368x64xf32, #tpu.memory_space<hbm>> -> memref<10368x64xf32, #tpu.memory_space<hbm>>
    tpu.enqueue_indirect_dma source(%dma_start3A_251 : memref<10368x64xf32, #tpu.memory_space<hbm>>) target(%dma_start3A_245 : memref<72x64xf32, #tpu.memory_space<vmem>>) offsets(%dma_start3A_248 : memref<72xi32, #tpu.memory_space<vmem>>) semaphore(%arg13 : memref<!tpu.dma_semaphore, #tpu.memory_space<semaphore_mem>>)
    %dma_start3A_252 = arith.constant 6 : i32
    %dma_start3A_253 = arith.constant 432 : i32
    %dma_start3A_254 = arith.constant 0 : i32
    %dma_start3A_255 = tpu.memref_slice %arg11[%dma_start3A_253, %dma_start3A_254] : memref<1368x64xf32, #tpu.memory_space<vmem>> -> memref<72x64xf32, #tpu.memory_space<vmem>>
    %dma_start3A_256 = arith.constant 0 : i32
    %dma_start3A_257 = tpu.memref_slice %arg9[%dma_start3A_252, %dma_start3A_256] : memref<19x72xi32, #tpu.memory_space<vmem>> -> memref<1x72xi32, #tpu.memory_space<vmem>>
    %dma_start3A_258 = tpu.memref_squeeze %dma_start3A_257 : memref<1x72xi32, #tpu.memory_space<vmem>> -> memref<72xi32, #tpu.memory_space<vmem>>
    %dma_start3A_259 = arith.constant 0 : i32
    %dma_start3A_260 = arith.constant 0 : i32
    %dma_start3A_261 = tpu.memref_slice %arg3[%dma_start3A_259, %dma_start3A_260] : memref<10368x64xf32, #tpu.memory_space<hbm>> -> memref<10368x64xf32, #tpu.memory_space<hbm>>
    tpu.enqueue_indirect_dma source(%dma_start3A_261 : memref<10368x64xf32, #tpu.memory_space<hbm>>) target(%dma_start3A_255 : memref<72x64xf32, #tpu.memory_space<vmem>>) offsets(%dma_start3A_258 : memref<72xi32, #tpu.memory_space<vmem>>) semaphore(%arg13 : memref<!tpu.dma_semaphore, #tpu.memory_space<semaphore_mem>>)
    %dma_start3A_262 = arith.constant 7 : i32
    %dma_start3A_263 = arith.constant 504 : i32
    %dma_start3A_264 = arith.constant 0 : i32
    %dma_start3A_265 = tpu.memref_slice %arg11[%dma_start3A_263, %dma_start3A_264] : memref<1368x64xf32, #tpu.memory_space<vmem>> -> memref<72x64xf32, #tpu.memory_space<vmem>>
    %dma_start3A_266 = arith.constant 0 : i32
    %dma_start3A_267 = tpu.memref_slice %arg9[%dma_start3A_262, %dma_start3A_266] : memref<19x72xi32, #tpu.memory_space<vmem>> -> memref<1x72xi32, #tpu.memory_space<vmem>>
    %dma_start3A_268 = tpu.memref_squeeze %dma_start3A_267 : memref<1x72xi32, #tpu.memory_space<vmem>> -> memref<72xi32, #tpu.memory_space<vmem>>
    %dma_start3A_269 = arith.constant 0 : i32
    %dma_start3A_270 = arith.constant 0 : i32
    %dma_start3A_271 = tpu.memref_slice %arg3[%dma_start3A_269, %dma_start3A_270] : memref<10368x64xf32, #tpu.memory_space<hbm>> -> memref<10368x64xf32, #tpu.memory_space<hbm>>
    tpu.enqueue_indirect_dma source(%dma_start3A_271 : memref<10368x64xf32, #tpu.memory_space<hbm>>) target(%dma_start3A_265 : memref<72x64xf32, #tpu.memory_space<vmem>>) offsets(%dma_start3A_268 : memref<72xi32, #tpu.memory_space<vmem>>) semaphore(%arg13 : memref<!tpu.dma_semaphore, #tpu.memory_space<semaphore_mem>>)
    %dma_start3A_272 = arith.constant 8 : i32
    %dma_start3A_273 = arith.constant 576 : i32
    %dma_start3A_274 = arith.constant 0 : i32
    %dma_start3A_275 = tpu.memref_slice %arg11[%dma_start3A_273, %dma_start3A_274] : memref<1368x64xf32, #tpu.memory_space<vmem>> -> memref<72x64xf32, #tpu.memory_space<vmem>>
    %dma_start3A_276 = arith.constant 0 : i32
    %dma_start3A_277 = tpu.memref_slice %arg9[%dma_start3A_272, %dma_start3A_276] : memref<19x72xi32, #tpu.memory_space<vmem>> -> memref<1x72xi32, #tpu.memory_space<vmem>>
    %dma_start3A_278 = tpu.memref_squeeze %dma_start3A_277 : memref<1x72xi32, #tpu.memory_space<vmem>> -> memref<72xi32, #tpu.memory_space<vmem>>
    %dma_start3A_279 = arith.constant 0 : i32
    %dma_start3A_280 = arith.constant 0 : i32
    %dma_start3A_281 = tpu.memref_slice %arg3[%dma_start3A_279, %dma_start3A_280] : memref<10368x64xf32, #tpu.memory_space<hbm>> -> memref<10368x64xf32, #tpu.memory_space<hbm>>
    tpu.enqueue_indirect_dma source(%dma_start3A_281 : memref<10368x64xf32, #tpu.memory_space<hbm>>) target(%dma_start3A_275 : memref<72x64xf32, #tpu.memory_space<vmem>>) offsets(%dma_start3A_278 : memref<72xi32, #tpu.memory_space<vmem>>) semaphore(%arg13 : memref<!tpu.dma_semaphore, #tpu.memory_space<semaphore_mem>>)
    %dma_start3A_282 = arith.constant 9 : i32
    %dma_start3A_283 = arith.constant 648 : i32
    %dma_start3A_284 = arith.constant 0 : i32
    %dma_start3A_285 = tpu.memref_slice %arg11[%dma_start3A_283, %dma_start3A_284] : memref<1368x64xf32, #tpu.memory_space<vmem>> -> memref<72x64xf32, #tpu.memory_space<vmem>>
    %dma_start3A_286 = arith.constant 0 : i32
    %dma_start3A_287 = tpu.memref_slice %arg9[%dma_start3A_282, %dma_start3A_286] : memref<19x72xi32, #tpu.memory_space<vmem>> -> memref<1x72xi32, #tpu.memory_space<vmem>>
    %dma_start3A_288 = tpu.memref_squeeze %dma_start3A_287 : memref<1x72xi32, #tpu.memory_space<vmem>> -> memref<72xi32, #tpu.memory_space<vmem>>
    %dma_start3A_289 = arith.constant 0 : i32
    %dma_start3A_290 = arith.constant 0 : i32
    %dma_start3A_291 = tpu.memref_slice %arg3[%dma_start3A_289, %dma_start3A_290] : memref<10368x64xf32, #tpu.memory_space<hbm>> -> memref<10368x64xf32, #tpu.memory_space<hbm>>
    tpu.enqueue_indirect_dma source(%dma_start3A_291 : memref<10368x64xf32, #tpu.memory_space<hbm>>) target(%dma_start3A_285 : memref<72x64xf32, #tpu.memory_space<vmem>>) offsets(%dma_start3A_288 : memref<72xi32, #tpu.memory_space<vmem>>) semaphore(%arg13 : memref<!tpu.dma_semaphore, #tpu.memory_space<semaphore_mem>>)
    %dma_start3A_292 = arith.constant 10 : i32
    %dma_start3A_293 = arith.constant 720 : i32
    %dma_start3A_294 = arith.constant 0 : i32
    %dma_start3A_295 = tpu.memref_slice %arg11[%dma_start3A_293, %dma_start3A_294] : memref<1368x64xf32, #tpu.memory_space<vmem>> -> memref<72x64xf32, #tpu.memory_space<vmem>>
    %dma_start3A_296 = arith.constant 0 : i32
    %dma_start3A_297 = tpu.memref_slice %arg9[%dma_start3A_292, %dma_start3A_296] : memref<19x72xi32, #tpu.memory_space<vmem>> -> memref<1x72xi32, #tpu.memory_space<vmem>>
    %dma_start3A_298 = tpu.memref_squeeze %dma_start3A_297 : memref<1x72xi32, #tpu.memory_space<vmem>> -> memref<72xi32, #tpu.memory_space<vmem>>
    %dma_start3A_299 = arith.constant 0 : i32
    %dma_start3A_300 = arith.constant 0 : i32
    %dma_start3A_301 = tpu.memref_slice %arg3[%dma_start3A_299, %dma_start3A_300] : memref<10368x64xf32, #tpu.memory_space<hbm>> -> memref<10368x64xf32, #tpu.memory_space<hbm>>
    tpu.enqueue_indirect_dma source(%dma_start3A_301 : memref<10368x64xf32, #tpu.memory_space<hbm>>) target(%dma_start3A_295 : memref<72x64xf32, #tpu.memory_space<vmem>>) offsets(%dma_start3A_298 : memref<72xi32, #tpu.memory_space<vmem>>) semaphore(%arg13 : memref<!tpu.dma_semaphore, #tpu.memory_space<semaphore_mem>>)
    %dma_start3A_302 = arith.constant 11 : i32
    %dma_start3A_303 = arith.constant 792 : i32
    %dma_start3A_304 = arith.constant 0 : i32
    %dma_start3A_305 = tpu.memref_slice %arg11[%dma_start3A_303, %dma_start3A_304] : memref<1368x64xf32, #tpu.memory_space<vmem>> -> memref<72x64xf32, #tpu.memory_space<vmem>>
    %dma_start3A_306 = arith.constant 0 : i32
    %dma_start3A_307 = tpu.memref_slice %arg9[%dma_start3A_302, %dma_start3A_306] : memref<19x72xi32, #tpu.memory_space<vmem>> -> memref<1x72xi32, #tpu.memory_space<vmem>>
    %dma_start3A_308 = tpu.memref_squeeze %dma_start3A_307 : memref<1x72xi32, #tpu.memory_space<vmem>> -> memref<72xi32, #tpu.memory_space<vmem>>
    %dma_start3A_309 = arith.constant 0 : i32
    %dma_start3A_310 = arith.constant 0 : i32
    %dma_start3A_311 = tpu.memref_slice %arg3[%dma_start3A_309, %dma_start3A_310] : memref<10368x64xf32, #tpu.memory_space<hbm>> -> memref<10368x64xf32, #tpu.memory_space<hbm>>
    tpu.enqueue_indirect_dma source(%dma_start3A_311 : memref<10368x64xf32, #tpu.memory_space<hbm>>) target(%dma_start3A_305 : memref<72x64xf32, #tpu.memory_space<vmem>>) offsets(%dma_start3A_308 : memref<72xi32, #tpu.memory_space<vmem>>) semaphore(%arg13 : memref<!tpu.dma_semaphore, #tpu.memory_space<semaphore_mem>>)
    %dma_start3A_312 = arith.constant 12 : i32
    %dma_start3A_313 = arith.constant 864 : i32
    %dma_start3A_314 = arith.constant 0 : i32
    %dma_start3A_315 = tpu.memref_slice %arg11[%dma_start3A_313, %dma_start3A_314] : memref<1368x64xf32, #tpu.memory_space<vmem>> -> memref<72x64xf32, #tpu.memory_space<vmem>>
    %dma_start3A_316 = arith.constant 0 : i32
    %dma_start3A_317 = tpu.memref_slice %arg9[%dma_start3A_312, %dma_start3A_316] : memref<19x72xi32, #tpu.memory_space<vmem>> -> memref<1x72xi32, #tpu.memory_space<vmem>>
    %dma_start3A_318 = tpu.memref_squeeze %dma_start3A_317 : memref<1x72xi32, #tpu.memory_space<vmem>> -> memref<72xi32, #tpu.memory_space<vmem>>
    %dma_start3A_319 = arith.constant 0 : i32
    %dma_start3A_320 = arith.constant 0 : i32
    %dma_start3A_321 = tpu.memref_slice %arg3[%dma_start3A_319, %dma_start3A_320] : memref<10368x64xf32, #tpu.memory_space<hbm>> -> memref<10368x64xf32, #tpu.memory_space<hbm>>
    tpu.enqueue_indirect_dma source(%dma_start3A_321 : memref<10368x64xf32, #tpu.memory_space<hbm>>) target(%dma_start3A_315 : memref<72x64xf32, #tpu.memory_space<vmem>>) offsets(%dma_start3A_318 : memref<72xi32, #tpu.memory_space<vmem>>) semaphore(%arg13 : memref<!tpu.dma_semaphore, #tpu.memory_space<semaphore_mem>>)
    %dma_start3A_322 = arith.constant 13 : i32
    %dma_start3A_323 = arith.constant 936 : i32
    %dma_start3A_324 = arith.constant 0 : i32
    %dma_start3A_325 = tpu.memref_slice %arg11[%dma_start3A_323, %dma_start3A_324] : memref<1368x64xf32, #tpu.memory_space<vmem>> -> memref<72x64xf32, #tpu.memory_space<vmem>>
    %dma_start3A_326 = arith.constant 0 : i32
    %dma_start3A_327 = tpu.memref_slice %arg9[%dma_start3A_322, %dma_start3A_326] : memref<19x72xi32, #tpu.memory_space<vmem>> -> memref<1x72xi32, #tpu.memory_space<vmem>>
    %dma_start3A_328 = tpu.memref_squeeze %dma_start3A_327 : memref<1x72xi32, #tpu.memory_space<vmem>> -> memref<72xi32, #tpu.memory_space<vmem>>
    %dma_start3A_329 = arith.constant 0 : i32
    %dma_start3A_330 = arith.constant 0 : i32
    %dma_start3A_331 = tpu.memref_slice %arg3[%dma_start3A_329, %dma_start3A_330] : memref<10368x64xf32, #tpu.memory_space<hbm>> -> memref<10368x64xf32, #tpu.memory_space<hbm>>
    tpu.enqueue_indirect_dma source(%dma_start3A_331 : memref<10368x64xf32, #tpu.memory_space<hbm>>) target(%dma_start3A_325 : memref<72x64xf32, #tpu.memory_space<vmem>>) offsets(%dma_start3A_328 : memref<72xi32, #tpu.memory_space<vmem>>) semaphore(%arg13 : memref<!tpu.dma_semaphore, #tpu.memory_space<semaphore_mem>>)
    %dma_start3A_332 = arith.constant 14 : i32
    %dma_start3A_333 = arith.constant 1008 : i32
    %dma_start3A_334 = arith.constant 0 : i32
    %dma_start3A_335 = tpu.memref_slice %arg11[%dma_start3A_333, %dma_start3A_334] : memref<1368x64xf32, #tpu.memory_space<vmem>> -> memref<72x64xf32, #tpu.memory_space<vmem>>
    %dma_start3A_336 = arith.constant 0 : i32
    %dma_start3A_337 = tpu.memref_slice %arg9[%dma_start3A_332, %dma_start3A_336] : memref<19x72xi32, #tpu.memory_space<vmem>> -> memref<1x72xi32, #tpu.memory_space<vmem>>
    %dma_start3A_338 = tpu.memref_squeeze %dma_start3A_337 : memref<1x72xi32, #tpu.memory_space<vmem>> -> memref<72xi32, #tpu.memory_space<vmem>>
    %dma_start3A_339 = arith.constant 0 : i32
    %dma_start3A_340 = arith.constant 0 : i32
    %dma_start3A_341 = tpu.memref_slice %arg3[%dma_start3A_339, %dma_start3A_340] : memref<10368x64xf32, #tpu.memory_space<hbm>> -> memref<10368x64xf32, #tpu.memory_space<hbm>>
    tpu.enqueue_indirect_dma source(%dma_start3A_341 : memref<10368x64xf32, #tpu.memory_space<hbm>>) target(%dma_start3A_335 : memref<72x64xf32, #tpu.memory_space<vmem>>) offsets(%dma_start3A_338 : memref<72xi32, #tpu.memory_space<vmem>>) semaphore(%arg13 : memref<!tpu.dma_semaphore, #tpu.memory_space<semaphore_mem>>)
    %dma_start3A_342 = arith.constant 15 : i32
    %dma_start3A_343 = arith.constant 1080 : i32
    %dma_start3A_344 = arith.constant 0 : i32
    %dma_start3A_345 = tpu.memref_slice %arg11[%dma_start3A_343, %dma_start3A_344] : memref<1368x64xf32, #tpu.memory_space<vmem>> -> memref<72x64xf32, #tpu.memory_space<vmem>>
    %dma_start3A_346 = arith.constant 0 : i32
    %dma_start3A_347 = tpu.memref_slice %arg9[%dma_start3A_342, %dma_start3A_346] : memref<19x72xi32, #tpu.memory_space<vmem>> -> memref<1x72xi32, #tpu.memory_space<vmem>>
    %dma_start3A_348 = tpu.memref_squeeze %dma_start3A_347 : memref<1x72xi32, #tpu.memory_space<vmem>> -> memref<72xi32, #tpu.memory_space<vmem>>
    %dma_start3A_349 = arith.constant 0 : i32
    %dma_start3A_350 = arith.constant 0 : i32
    %dma_start3A_351 = tpu.memref_slice %arg3[%dma_start3A_349, %dma_start3A_350] : memref<10368x64xf32, #tpu.memory_space<hbm>> -> memref<10368x64xf32, #tpu.memory_space<hbm>>
    tpu.enqueue_indirect_dma source(%dma_start3A_351 : memref<10368x64xf32, #tpu.memory_space<hbm>>) target(%dma_start3A_345 : memref<72x64xf32, #tpu.memory_space<vmem>>) offsets(%dma_start3A_348 : memref<72xi32, #tpu.memory_space<vmem>>) semaphore(%arg13 : memref<!tpu.dma_semaphore, #tpu.memory_space<semaphore_mem>>)
    %dma_start3A_352 = arith.constant 16 : i32
    %dma_start3A_353 = arith.constant 1152 : i32
    %dma_start3A_354 = arith.constant 0 : i32
    %dma_start3A_355 = tpu.memref_slice %arg11[%dma_start3A_353, %dma_start3A_354] : memref<1368x64xf32, #tpu.memory_space<vmem>> -> memref<72x64xf32, #tpu.memory_space<vmem>>
    %dma_start3A_356 = arith.constant 0 : i32
    %dma_start3A_357 = tpu.memref_slice %arg9[%dma_start3A_352, %dma_start3A_356] : memref<19x72xi32, #tpu.memory_space<vmem>> -> memref<1x72xi32, #tpu.memory_space<vmem>>
    %dma_start3A_358 = tpu.memref_squeeze %dma_start3A_357 : memref<1x72xi32, #tpu.memory_space<vmem>> -> memref<72xi32, #tpu.memory_space<vmem>>
    %dma_start3A_359 = arith.constant 0 : i32
    %dma_start3A_360 = arith.constant 0 : i32
    %dma_start3A_361 = tpu.memref_slice %arg3[%dma_start3A_359, %dma_start3A_360] : memref<10368x64xf32, #tpu.memory_space<hbm>> -> memref<10368x64xf32, #tpu.memory_space<hbm>>
    tpu.enqueue_indirect_dma source(%dma_start3A_361 : memref<10368x64xf32, #tpu.memory_space<hbm>>) target(%dma_start3A_355 : memref<72x64xf32, #tpu.memory_space<vmem>>) offsets(%dma_start3A_358 : memref<72xi32, #tpu.memory_space<vmem>>) semaphore(%arg13 : memref<!tpu.dma_semaphore, #tpu.memory_space<semaphore_mem>>)
    %dma_start3A_362 = arith.constant 17 : i32
    %dma_start3A_363 = arith.constant 1224 : i32
    %dma_start3A_364 = arith.constant 0 : i32
    %dma_start3A_365 = tpu.memref_slice %arg11[%dma_start3A_363, %dma_start3A_364] : memref<1368x64xf32, #tpu.memory_space<vmem>> -> memref<72x64xf32, #tpu.memory_space<vmem>>
    %dma_start3A_366 = arith.constant 0 : i32
    %dma_start3A_367 = tpu.memref_slice %arg9[%dma_start3A_362, %dma_start3A_366] : memref<19x72xi32, #tpu.memory_space<vmem>> -> memref<1x72xi32, #tpu.memory_space<vmem>>
    %dma_start3A_368 = tpu.memref_squeeze %dma_start3A_367 : memref<1x72xi32, #tpu.memory_space<vmem>> -> memref<72xi32, #tpu.memory_space<vmem>>
    %dma_start3A_369 = arith.constant 0 : i32
    %dma_start3A_370 = arith.constant 0 : i32
    %dma_start3A_371 = tpu.memref_slice %arg3[%dma_start3A_369, %dma_start3A_370] : memref<10368x64xf32, #tpu.memory_space<hbm>> -> memref<10368x64xf32, #tpu.memory_space<hbm>>
    tpu.enqueue_indirect_dma source(%dma_start3A_371 : memref<10368x64xf32, #tpu.memory_space<hbm>>) target(%dma_start3A_365 : memref<72x64xf32, #tpu.memory_space<vmem>>) offsets(%dma_start3A_368 : memref<72xi32, #tpu.memory_space<vmem>>) semaphore(%arg13 : memref<!tpu.dma_semaphore, #tpu.memory_space<semaphore_mem>>)
    %dma_start3A_372 = arith.constant 18 : i32
    %dma_start3A_373 = arith.constant 1296 : i32
    %dma_start3A_374 = arith.constant 0 : i32
    %dma_start3A_375 = tpu.memref_slice %arg11[%dma_start3A_373, %dma_start3A_374] : memref<1368x64xf32, #tpu.memory_space<vmem>> -> memref<72x64xf32, #tpu.memory_space<vmem>>
    %dma_start3A_376 = arith.constant 0 : i32
    %dma_start3A_377 = tpu.memref_slice %arg9[%dma_start3A_372, %dma_start3A_376] : memref<19x72xi32, #tpu.memory_space<vmem>> -> memref<1x72xi32, #tpu.memory_space<vmem>>
    %dma_start3A_378 = tpu.memref_squeeze %dma_start3A_377 : memref<1x72xi32, #tpu.memory_space<vmem>> -> memref<72xi32, #tpu.memory_space<vmem>>
    %dma_start3A_379 = arith.constant 0 : i32
    %dma_start3A_380 = arith.constant 0 : i32
    %dma_start3A_381 = tpu.memref_slice %arg3[%dma_start3A_379, %dma_start3A_380] : memref<10368x64xf32, #tpu.memory_space<hbm>> -> memref<10368x64xf32, #tpu.memory_space<hbm>>
    tpu.enqueue_indirect_dma source(%dma_start3A_381 : memref<10368x64xf32, #tpu.memory_space<hbm>>) target(%dma_start3A_375 : memref<72x64xf32, #tpu.memory_space<vmem>>) offsets(%dma_start3A_378 : memref<72xi32, #tpu.memory_space<vmem>>) semaphore(%arg13 : memref<!tpu.dma_semaphore, #tpu.memory_space<semaphore_mem>>)
    %dma_wait3A = arith.constant 0 : i32
    %dma_wait3A_382 = arith.constant 0 : i32
    %dma_wait3A_383 = arith.constant 0 : i32
    %dma_wait3A_384 = tpu.memref_slice %arg10[%dma_wait3A_382, %dma_wait3A_383] : memref<1368x16xf32, #tpu.memory_space<vmem>> -> memref<72x16xf32, #tpu.memory_space<vmem>>
    %dma_wait3A_385 = arith.constant 0 : i32
    %dma_wait3A_386 = tpu.memref_slice %arg9[%dma_wait3A, %dma_wait3A_385] : memref<19x72xi32, #tpu.memory_space<vmem>> -> memref<1x72xi32, #tpu.memory_space<vmem>>
    %dma_wait3A_387 = tpu.memref_squeeze %dma_wait3A_386 : memref<1x72xi32, #tpu.memory_space<vmem>> -> memref<72xi32, #tpu.memory_space<vmem>>
    %dma_wait3A_388 = arith.constant 0 : i32
    %dma_wait3A_389 = arith.constant 0 : i32
    %dma_wait3A_390 = tpu.memref_slice %arg2[%dma_wait3A_388, %dma_wait3A_389] : memref<10368x16xf32, #tpu.memory_space<hbm>> -> memref<10368x16xf32, #tpu.memory_space<hbm>>
    tpu.wait_indirect_dma semaphore(%arg12 : memref<!tpu.dma_semaphore, #tpu.memory_space<semaphore_mem>>) src(%dma_wait3A_390 : memref<10368x16xf32, #tpu.memory_space<hbm>>) dst(%dma_wait3A_384 : memref<72x16xf32, #tpu.memory_space<vmem>>)
    %dma_wait3A_391 = arith.constant 1 : i32
    %dma_wait3A_392 = arith.constant 72 : i32
    %dma_wait3A_393 = arith.constant 0 : i32
    %dma_wait3A_394 = tpu.memref_slice %arg10[%dma_wait3A_392, %dma_wait3A_393] : memref<1368x16xf32, #tpu.memory_space<vmem>> -> memref<72x16xf32, #tpu.memory_space<vmem>>
    %dma_wait3A_395 = arith.constant 0 : i32
    %dma_wait3A_396 = tpu.memref_slice %arg9[%dma_wait3A_391, %dma_wait3A_395] : memref<19x72xi32, #tpu.memory_space<vmem>> -> memref<1x72xi32, #tpu.memory_space<vmem>>
    %dma_wait3A_397 = tpu.memref_squeeze %dma_wait3A_396 : memref<1x72xi32, #tpu.memory_space<vmem>> -> memref<72xi32, #tpu.memory_space<vmem>>
    %dma_wait3A_398 = arith.constant 0 : i32
    %dma_wait3A_399 = arith.constant 0 : i32
    %dma_wait3A_400 = tpu.memref_slice %arg2[%dma_wait3A_398, %dma_wait3A_399] : memref<10368x16xf32, #tpu.memory_space<hbm>> -> memref<10368x16xf32, #tpu.memory_space<hbm>>
    tpu.wait_indirect_dma semaphore(%arg12 : memref<!tpu.dma_semaphore, #tpu.memory_space<semaphore_mem>>) src(%dma_wait3A_400 : memref<10368x16xf32, #tpu.memory_space<hbm>>) dst(%dma_wait3A_394 : memref<72x16xf32, #tpu.memory_space<vmem>>)
    %dma_wait3A_401 = arith.constant 2 : i32
    %dma_wait3A_402 = arith.constant 144 : i32
    %dma_wait3A_403 = arith.constant 0 : i32
    %dma_wait3A_404 = tpu.memref_slice %arg10[%dma_wait3A_402, %dma_wait3A_403] : memref<1368x16xf32, #tpu.memory_space<vmem>> -> memref<72x16xf32, #tpu.memory_space<vmem>>
    %dma_wait3A_405 = arith.constant 0 : i32
    %dma_wait3A_406 = tpu.memref_slice %arg9[%dma_wait3A_401, %dma_wait3A_405] : memref<19x72xi32, #tpu.memory_space<vmem>> -> memref<1x72xi32, #tpu.memory_space<vmem>>
    %dma_wait3A_407 = tpu.memref_squeeze %dma_wait3A_406 : memref<1x72xi32, #tpu.memory_space<vmem>> -> memref<72xi32, #tpu.memory_space<vmem>>
    %dma_wait3A_408 = arith.constant 0 : i32
    %dma_wait3A_409 = arith.constant 0 : i32
    %dma_wait3A_410 = tpu.memref_slice %arg2[%dma_wait3A_408, %dma_wait3A_409] : memref<10368x16xf32, #tpu.memory_space<hbm>> -> memref<10368x16xf32, #tpu.memory_space<hbm>>
    tpu.wait_indirect_dma semaphore(%arg12 : memref<!tpu.dma_semaphore, #tpu.memory_space<semaphore_mem>>) src(%dma_wait3A_410 : memref<10368x16xf32, #tpu.memory_space<hbm>>) dst(%dma_wait3A_404 : memref<72x16xf32, #tpu.memory_space<vmem>>)
    %dma_wait3A_411 = arith.constant 3 : i32
    %dma_wait3A_412 = arith.constant 216 : i32
    %dma_wait3A_413 = arith.constant 0 : i32
    %dma_wait3A_414 = tpu.memref_slice %arg10[%dma_wait3A_412, %dma_wait3A_413] : memref<1368x16xf32, #tpu.memory_space<vmem>> -> memref<72x16xf32, #tpu.memory_space<vmem>>
    %dma_wait3A_415 = arith.constant 0 : i32
    %dma_wait3A_416 = tpu.memref_slice %arg9[%dma_wait3A_411, %dma_wait3A_415] : memref<19x72xi32, #tpu.memory_space<vmem>> -> memref<1x72xi32, #tpu.memory_space<vmem>>
    %dma_wait3A_417 = tpu.memref_squeeze %dma_wait3A_416 : memref<1x72xi32, #tpu.memory_space<vmem>> -> memref<72xi32, #tpu.memory_space<vmem>>
    %dma_wait3A_418 = arith.constant 0 : i32
    %dma_wait3A_419 = arith.constant 0 : i32
    %dma_wait3A_420 = tpu.memref_slice %arg2[%dma_wait3A_418, %dma_wait3A_419] : memref<10368x16xf32, #tpu.memory_space<hbm>> -> memref<10368x16xf32, #tpu.memory_space<hbm>>
    tpu.wait_indirect_dma semaphore(%arg12 : memref<!tpu.dma_semaphore, #tpu.memory_space<semaphore_mem>>) src(%dma_wait3A_420 : memref<10368x16xf32, #tpu.memory_space<hbm>>) dst(%dma_wait3A_414 : memref<72x16xf32, #tpu.memory_space<vmem>>)
    %dma_wait3A_421 = arith.constant 4 : i32
    %dma_wait3A_422 = arith.constant 288 : i32
    %dma_wait3A_423 = arith.constant 0 : i32
    %dma_wait3A_424 = tpu.memref_slice %arg10[%dma_wait3A_422, %dma_wait3A_423] : memref<1368x16xf32, #tpu.memory_space<vmem>> -> memref<72x16xf32, #tpu.memory_space<vmem>>
    %dma_wait3A_425 = arith.constant 0 : i32
    %dma_wait3A_426 = tpu.memref_slice %arg9[%dma_wait3A_421, %dma_wait3A_425] : memref<19x72xi32, #tpu.memory_space<vmem>> -> memref<1x72xi32, #tpu.memory_space<vmem>>
    %dma_wait3A_427 = tpu.memref_squeeze %dma_wait3A_426 : memref<1x72xi32, #tpu.memory_space<vmem>> -> memref<72xi32, #tpu.memory_space<vmem>>
    %dma_wait3A_428 = arith.constant 0 : i32
    %dma_wait3A_429 = arith.constant 0 : i32
    %dma_wait3A_430 = tpu.memref_slice %arg2[%dma_wait3A_428, %dma_wait3A_429] : memref<10368x16xf32, #tpu.memory_space<hbm>> -> memref<10368x16xf32, #tpu.memory_space<hbm>>
    tpu.wait_indirect_dma semaphore(%arg12 : memref<!tpu.dma_semaphore, #tpu.memory_space<semaphore_mem>>) src(%dma_wait3A_430 : memref<10368x16xf32, #tpu.memory_space<hbm>>) dst(%dma_wait3A_424 : memref<72x16xf32, #tpu.memory_space<vmem>>)
    %dma_wait3A_431 = arith.constant 5 : i32
    %dma_wait3A_432 = arith.constant 360 : i32
    %dma_wait3A_433 = arith.constant 0 : i32
    %dma_wait3A_434 = tpu.memref_slice %arg10[%dma_wait3A_432, %dma_wait3A_433] : memref<1368x16xf32, #tpu.memory_space<vmem>> -> memref<72x16xf32, #tpu.memory_space<vmem>>
    %dma_wait3A_435 = arith.constant 0 : i32
    %dma_wait3A_436 = tpu.memref_slice %arg9[%dma_wait3A_431, %dma_wait3A_435] : memref<19x72xi32, #tpu.memory_space<vmem>> -> memref<1x72xi32, #tpu.memory_space<vmem>>
    %dma_wait3A_437 = tpu.memref_squeeze %dma_wait3A_436 : memref<1x72xi32, #tpu.memory_space<vmem>> -> memref<72xi32, #tpu.memory_space<vmem>>
    %dma_wait3A_438 = arith.constant 0 : i32
    %dma_wait3A_439 = arith.constant 0 : i32
    %dma_wait3A_440 = tpu.memref_slice %arg2[%dma_wait3A_438, %dma_wait3A_439] : memref<10368x16xf32, #tpu.memory_space<hbm>> -> memref<10368x16xf32, #tpu.memory_space<hbm>>
    tpu.wait_indirect_dma semaphore(%arg12 : memref<!tpu.dma_semaphore, #tpu.memory_space<semaphore_mem>>) src(%dma_wait3A_440 : memref<10368x16xf32, #tpu.memory_space<hbm>>) dst(%dma_wait3A_434 : memref<72x16xf32, #tpu.memory_space<vmem>>)
    %dma_wait3A_441 = arith.constant 6 : i32
    %dma_wait3A_442 = arith.constant 432 : i32
    %dma_wait3A_443 = arith.constant 0 : i32
    %dma_wait3A_444 = tpu.memref_slice %arg10[%dma_wait3A_442, %dma_wait3A_443] : memref<1368x16xf32, #tpu.memory_space<vmem>> -> memref<72x16xf32, #tpu.memory_space<vmem>>
    %dma_wait3A_445 = arith.constant 0 : i32
    %dma_wait3A_446 = tpu.memref_slice %arg9[%dma_wait3A_441, %dma_wait3A_445] : memref<19x72xi32, #tpu.memory_space<vmem>> -> memref<1x72xi32, #tpu.memory_space<vmem>>
    %dma_wait3A_447 = tpu.memref_squeeze %dma_wait3A_446 : memref<1x72xi32, #tpu.memory_space<vmem>> -> memref<72xi32, #tpu.memory_space<vmem>>
    %dma_wait3A_448 = arith.constant 0 : i32
    %dma_wait3A_449 = arith.constant 0 : i32
    %dma_wait3A_450 = tpu.memref_slice %arg2[%dma_wait3A_448, %dma_wait3A_449] : memref<10368x16xf32, #tpu.memory_space<hbm>> -> memref<10368x16xf32, #tpu.memory_space<hbm>>
    tpu.wait_indirect_dma semaphore(%arg12 : memref<!tpu.dma_semaphore, #tpu.memory_space<semaphore_mem>>) src(%dma_wait3A_450 : memref<10368x16xf32, #tpu.memory_space<hbm>>) dst(%dma_wait3A_444 : memref<72x16xf32, #tpu.memory_space<vmem>>)
    %dma_wait3A_451 = arith.constant 7 : i32
    %dma_wait3A_452 = arith.constant 504 : i32
    %dma_wait3A_453 = arith.constant 0 : i32
    %dma_wait3A_454 = tpu.memref_slice %arg10[%dma_wait3A_452, %dma_wait3A_453] : memref<1368x16xf32, #tpu.memory_space<vmem>> -> memref<72x16xf32, #tpu.memory_space<vmem>>
    %dma_wait3A_455 = arith.constant 0 : i32
    %dma_wait3A_456 = tpu.memref_slice %arg9[%dma_wait3A_451, %dma_wait3A_455] : memref<19x72xi32, #tpu.memory_space<vmem>> -> memref<1x72xi32, #tpu.memory_space<vmem>>
    %dma_wait3A_457 = tpu.memref_squeeze %dma_wait3A_456 : memref<1x72xi32, #tpu.memory_space<vmem>> -> memref<72xi32, #tpu.memory_space<vmem>>
    %dma_wait3A_458 = arith.constant 0 : i32
    %dma_wait3A_459 = arith.constant 0 : i32
    %dma_wait3A_460 = tpu.memref_slice %arg2[%dma_wait3A_458, %dma_wait3A_459] : memref<10368x16xf32, #tpu.memory_space<hbm>> -> memref<10368x16xf32, #tpu.memory_space<hbm>>
    tpu.wait_indirect_dma semaphore(%arg12 : memref<!tpu.dma_semaphore, #tpu.memory_space<semaphore_mem>>) src(%dma_wait3A_460 : memref<10368x16xf32, #tpu.memory_space<hbm>>) dst(%dma_wait3A_454 : memref<72x16xf32, #tpu.memory_space<vmem>>)
    %dma_wait3A_461 = arith.constant 8 : i32
    %dma_wait3A_462 = arith.constant 576 : i32
    %dma_wait3A_463 = arith.constant 0 : i32
    %dma_wait3A_464 = tpu.memref_slice %arg10[%dma_wait3A_462, %dma_wait3A_463] : memref<1368x16xf32, #tpu.memory_space<vmem>> -> memref<72x16xf32, #tpu.memory_space<vmem>>
    %dma_wait3A_465 = arith.constant 0 : i32
    %dma_wait3A_466 = tpu.memref_slice %arg9[%dma_wait3A_461, %dma_wait3A_465] : memref<19x72xi32, #tpu.memory_space<vmem>> -> memref<1x72xi32, #tpu.memory_space<vmem>>
    %dma_wait3A_467 = tpu.memref_squeeze %dma_wait3A_466 : memref<1x72xi32, #tpu.memory_space<vmem>> -> memref<72xi32, #tpu.memory_space<vmem>>
    %dma_wait3A_468 = arith.constant 0 : i32
    %dma_wait3A_469 = arith.constant 0 : i32
    %dma_wait3A_470 = tpu.memref_slice %arg2[%dma_wait3A_468, %dma_wait3A_469] : memref<10368x16xf32, #tpu.memory_space<hbm>> -> memref<10368x16xf32, #tpu.memory_space<hbm>>
    tpu.wait_indirect_dma semaphore(%arg12 : memref<!tpu.dma_semaphore, #tpu.memory_space<semaphore_mem>>) src(%dma_wait3A_470 : memref<10368x16xf32, #tpu.memory_space<hbm>>) dst(%dma_wait3A_464 : memref<72x16xf32, #tpu.memory_space<vmem>>)
    %dma_wait3A_471 = arith.constant 9 : i32
    %dma_wait3A_472 = arith.constant 648 : i32
    %dma_wait3A_473 = arith.constant 0 : i32
    %dma_wait3A_474 = tpu.memref_slice %arg10[%dma_wait3A_472, %dma_wait3A_473] : memref<1368x16xf32, #tpu.memory_space<vmem>> -> memref<72x16xf32, #tpu.memory_space<vmem>>
    %dma_wait3A_475 = arith.constant 0 : i32
    %dma_wait3A_476 = tpu.memref_slice %arg9[%dma_wait3A_471, %dma_wait3A_475] : memref<19x72xi32, #tpu.memory_space<vmem>> -> memref<1x72xi32, #tpu.memory_space<vmem>>
    %dma_wait3A_477 = tpu.memref_squeeze %dma_wait3A_476 : memref<1x72xi32, #tpu.memory_space<vmem>> -> memref<72xi32, #tpu.memory_space<vmem>>
    %dma_wait3A_478 = arith.constant 0 : i32
    %dma_wait3A_479 = arith.constant 0 : i32
    %dma_wait3A_480 = tpu.memref_slice %arg2[%dma_wait3A_478, %dma_wait3A_479] : memref<10368x16xf32, #tpu.memory_space<hbm>> -> memref<10368x16xf32, #tpu.memory_space<hbm>>
    tpu.wait_indirect_dma semaphore(%arg12 : memref<!tpu.dma_semaphore, #tpu.memory_space<semaphore_mem>>) src(%dma_wait3A_480 : memref<10368x16xf32, #tpu.memory_space<hbm>>) dst(%dma_wait3A_474 : memref<72x16xf32, #tpu.memory_space<vmem>>)
    %dma_wait3A_481 = arith.constant 10 : i32
    %dma_wait3A_482 = arith.constant 720 : i32
    %dma_wait3A_483 = arith.constant 0 : i32
    %dma_wait3A_484 = tpu.memref_slice %arg10[%dma_wait3A_482, %dma_wait3A_483] : memref<1368x16xf32, #tpu.memory_space<vmem>> -> memref<72x16xf32, #tpu.memory_space<vmem>>
    %dma_wait3A_485 = arith.constant 0 : i32
    %dma_wait3A_486 = tpu.memref_slice %arg9[%dma_wait3A_481, %dma_wait3A_485] : memref<19x72xi32, #tpu.memory_space<vmem>> -> memref<1x72xi32, #tpu.memory_space<vmem>>
    %dma_wait3A_487 = tpu.memref_squeeze %dma_wait3A_486 : memref<1x72xi32, #tpu.memory_space<vmem>> -> memref<72xi32, #tpu.memory_space<vmem>>
    %dma_wait3A_488 = arith.constant 0 : i32
    %dma_wait3A_489 = arith.constant 0 : i32
    %dma_wait3A_490 = tpu.memref_slice %arg2[%dma_wait3A_488, %dma_wait3A_489] : memref<10368x16xf32, #tpu.memory_space<hbm>> -> memref<10368x16xf32, #tpu.memory_space<hbm>>
    tpu.wait_indirect_dma semaphore(%arg12 : memref<!tpu.dma_semaphore, #tpu.memory_space<semaphore_mem>>) src(%dma_wait3A_490 : memref<10368x16xf32, #tpu.memory_space<hbm>>) dst(%dma_wait3A_484 : memref<72x16xf32, #tpu.memory_space<vmem>>)
    %dma_wait3A_491 = arith.constant 11 : i32
    %dma_wait3A_492 = arith.constant 792 : i32
    %dma_wait3A_493 = arith.constant 0 : i32
    %dma_wait3A_494 = tpu.memref_slice %arg10[%dma_wait3A_492, %dma_wait3A_493] : memref<1368x16xf32, #tpu.memory_space<vmem>> -> memref<72x16xf32, #tpu.memory_space<vmem>>
    %dma_wait3A_495 = arith.constant 0 : i32
    %dma_wait3A_496 = tpu.memref_slice %arg9[%dma_wait3A_491, %dma_wait3A_495] : memref<19x72xi32, #tpu.memory_space<vmem>> -> memref<1x72xi32, #tpu.memory_space<vmem>>
    %dma_wait3A_497 = tpu.memref_squeeze %dma_wait3A_496 : memref<1x72xi32, #tpu.memory_space<vmem>> -> memref<72xi32, #tpu.memory_space<vmem>>
    %dma_wait3A_498 = arith.constant 0 : i32
    %dma_wait3A_499 = arith.constant 0 : i32
    %dma_wait3A_500 = tpu.memref_slice %arg2[%dma_wait3A_498, %dma_wait3A_499] : memref<10368x16xf32, #tpu.memory_space<hbm>> -> memref<10368x16xf32, #tpu.memory_space<hbm>>
    tpu.wait_indirect_dma semaphore(%arg12 : memref<!tpu.dma_semaphore, #tpu.memory_space<semaphore_mem>>) src(%dma_wait3A_500 : memref<10368x16xf32, #tpu.memory_space<hbm>>) dst(%dma_wait3A_494 : memref<72x16xf32, #tpu.memory_space<vmem>>)
    %dma_wait3A_501 = arith.constant 12 : i32
    %dma_wait3A_502 = arith.constant 864 : i32
    %dma_wait3A_503 = arith.constant 0 : i32
    %dma_wait3A_504 = tpu.memref_slice %arg10[%dma_wait3A_502, %dma_wait3A_503] : memref<1368x16xf32, #tpu.memory_space<vmem>> -> memref<72x16xf32, #tpu.memory_space<vmem>>
    %dma_wait3A_505 = arith.constant 0 : i32
    %dma_wait3A_506 = tpu.memref_slice %arg9[%dma_wait3A_501, %dma_wait3A_505] : memref<19x72xi32, #tpu.memory_space<vmem>> -> memref<1x72xi32, #tpu.memory_space<vmem>>
    %dma_wait3A_507 = tpu.memref_squeeze %dma_wait3A_506 : memref<1x72xi32, #tpu.memory_space<vmem>> -> memref<72xi32, #tpu.memory_space<vmem>>
    %dma_wait3A_508 = arith.constant 0 : i32
    %dma_wait3A_509 = arith.constant 0 : i32
    %dma_wait3A_510 = tpu.memref_slice %arg2[%dma_wait3A_508, %dma_wait3A_509] : memref<10368x16xf32, #tpu.memory_space<hbm>> -> memref<10368x16xf32, #tpu.memory_space<hbm>>
    tpu.wait_indirect_dma semaphore(%arg12 : memref<!tpu.dma_semaphore, #tpu.memory_space<semaphore_mem>>) src(%dma_wait3A_510 : memref<10368x16xf32, #tpu.memory_space<hbm>>) dst(%dma_wait3A_504 : memref<72x16xf32, #tpu.memory_space<vmem>>)
    %dma_wait3A_511 = arith.constant 13 : i32
    %dma_wait3A_512 = arith.constant 936 : i32
    %dma_wait3A_513 = arith.constant 0 : i32
    %dma_wait3A_514 = tpu.memref_slice %arg10[%dma_wait3A_512, %dma_wait3A_513] : memref<1368x16xf32, #tpu.memory_space<vmem>> -> memref<72x16xf32, #tpu.memory_space<vmem>>
    %dma_wait3A_515 = arith.constant 0 : i32
    %dma_wait3A_516 = tpu.memref_slice %arg9[%dma_wait3A_511, %dma_wait3A_515] : memref<19x72xi32, #tpu.memory_space<vmem>> -> memref<1x72xi32, #tpu.memory_space<vmem>>
    %dma_wait3A_517 = tpu.memref_squeeze %dma_wait3A_516 : memref<1x72xi32, #tpu.memory_space<vmem>> -> memref<72xi32, #tpu.memory_space<vmem>>
    %dma_wait3A_518 = arith.constant 0 : i32
    %dma_wait3A_519 = arith.constant 0 : i32
    %dma_wait3A_520 = tpu.memref_slice %arg2[%dma_wait3A_518, %dma_wait3A_519] : memref<10368x16xf32, #tpu.memory_space<hbm>> -> memref<10368x16xf32, #tpu.memory_space<hbm>>
    tpu.wait_indirect_dma semaphore(%arg12 : memref<!tpu.dma_semaphore, #tpu.memory_space<semaphore_mem>>) src(%dma_wait3A_520 : memref<10368x16xf32, #tpu.memory_space<hbm>>) dst(%dma_wait3A_514 : memref<72x16xf32, #tpu.memory_space<vmem>>)
    %dma_wait3A_521 = arith.constant 14 : i32
    %dma_wait3A_522 = arith.constant 1008 : i32
    %dma_wait3A_523 = arith.constant 0 : i32
    %dma_wait3A_524 = tpu.memref_slice %arg10[%dma_wait3A_522, %dma_wait3A_523] : memref<1368x16xf32, #tpu.memory_space<vmem>> -> memref<72x16xf32, #tpu.memory_space<vmem>>
    %dma_wait3A_525 = arith.constant 0 : i32
    %dma_wait3A_526 = tpu.memref_slice %arg9[%dma_wait3A_521, %dma_wait3A_525] : memref<19x72xi32, #tpu.memory_space<vmem>> -> memref<1x72xi32, #tpu.memory_space<vmem>>
    %dma_wait3A_527 = tpu.memref_squeeze %dma_wait3A_526 : memref<1x72xi32, #tpu.memory_space<vmem>> -> memref<72xi32, #tpu.memory_space<vmem>>
    %dma_wait3A_528 = arith.constant 0 : i32
    %dma_wait3A_529 = arith.constant 0 : i32
    %dma_wait3A_530 = tpu.memref_slice %arg2[%dma_wait3A_528, %dma_wait3A_529] : memref<10368x16xf32, #tpu.memory_space<hbm>> -> memref<10368x16xf32, #tpu.memory_space<hbm>>
    tpu.wait_indirect_dma semaphore(%arg12 : memref<!tpu.dma_semaphore, #tpu.memory_space<semaphore_mem>>) src(%dma_wait3A_530 : memref<10368x16xf32, #tpu.memory_space<hbm>>) dst(%dma_wait3A_524 : memref<72x16xf32, #tpu.memory_space<vmem>>)
    %dma_wait3A_531 = arith.constant 15 : i32
    %dma_wait3A_532 = arith.constant 1080 : i32
    %dma_wait3A_533 = arith.constant 0 : i32
    %dma_wait3A_534 = tpu.memref_slice %arg10[%dma_wait3A_532, %dma_wait3A_533] : memref<1368x16xf32, #tpu.memory_space<vmem>> -> memref<72x16xf32, #tpu.memory_space<vmem>>
    %dma_wait3A_535 = arith.constant 0 : i32
    %dma_wait3A_536 = tpu.memref_slice %arg9[%dma_wait3A_531, %dma_wait3A_535] : memref<19x72xi32, #tpu.memory_space<vmem>> -> memref<1x72xi32, #tpu.memory_space<vmem>>
    %dma_wait3A_537 = tpu.memref_squeeze %dma_wait3A_536 : memref<1x72xi32, #tpu.memory_space<vmem>> -> memref<72xi32, #tpu.memory_space<vmem>>
    %dma_wait3A_538 = arith.constant 0 : i32
    %dma_wait3A_539 = arith.constant 0 : i32
    %dma_wait3A_540 = tpu.memref_slice %arg2[%dma_wait3A_538, %dma_wait3A_539] : memref<10368x16xf32, #tpu.memory_space<hbm>> -> memref<10368x16xf32, #tpu.memory_space<hbm>>
    tpu.wait_indirect_dma semaphore(%arg12 : memref<!tpu.dma_semaphore, #tpu.memory_space<semaphore_mem>>) src(%dma_wait3A_540 : memref<10368x16xf32, #tpu.memory_space<hbm>>) dst(%dma_wait3A_534 : memref<72x16xf32, #tpu.memory_space<vmem>>)
    %dma_wait3A_541 = arith.constant 16 : i32
    %dma_wait3A_542 = arith.constant 1152 : i32
    %dma_wait3A_543 = arith.constant 0 : i32
    %dma_wait3A_544 = tpu.memref_slice %arg10[%dma_wait3A_542, %dma_wait3A_543] : memref<1368x16xf32, #tpu.memory_space<vmem>> -> memref<72x16xf32, #tpu.memory_space<vmem>>
    %dma_wait3A_545 = arith.constant 0 : i32
    %dma_wait3A_546 = tpu.memref_slice %arg9[%dma_wait3A_541, %dma_wait3A_545] : memref<19x72xi32, #tpu.memory_space<vmem>> -> memref<1x72xi32, #tpu.memory_space<vmem>>
    %dma_wait3A_547 = tpu.memref_squeeze %dma_wait3A_546 : memref<1x72xi32, #tpu.memory_space<vmem>> -> memref<72xi32, #tpu.memory_space<vmem>>
    %dma_wait3A_548 = arith.constant 0 : i32
    %dma_wait3A_549 = arith.constant 0 : i32
    %dma_wait3A_550 = tpu.memref_slice %arg2[%dma_wait3A_548, %dma_wait3A_549] : memref<10368x16xf32, #tpu.memory_space<hbm>> -> memref<10368x16xf32, #tpu.memory_space<hbm>>
    tpu.wait_indirect_dma semaphore(%arg12 : memref<!tpu.dma_semaphore, #tpu.memory_space<semaphore_mem>>) src(%dma_wait3A_550 : memref<10368x16xf32, #tpu.memory_space<hbm>>) dst(%dma_wait3A_544 : memref<72x16xf32, #tpu.memory_space<vmem>>)
    %dma_wait3A_551 = arith.constant 17 : i32
    %dma_wait3A_552 = arith.constant 1224 : i32
    %dma_wait3A_553 = arith.constant 0 : i32
    %dma_wait3A_554 = tpu.memref_slice %arg10[%dma_wait3A_552, %dma_wait3A_553] : memref<1368x16xf32, #tpu.memory_space<vmem>> -> memref<72x16xf32, #tpu.memory_space<vmem>>
    %dma_wait3A_555 = arith.constant 0 : i32
    %dma_wait3A_556 = tpu.memref_slice %arg9[%dma_wait3A_551, %dma_wait3A_555] : memref<19x72xi32, #tpu.memory_space<vmem>> -> memref<1x72xi32, #tpu.memory_space<vmem>>
    %dma_wait3A_557 = tpu.memref_squeeze %dma_wait3A_556 : memref<1x72xi32, #tpu.memory_space<vmem>> -> memref<72xi32, #tpu.memory_space<vmem>>
    %dma_wait3A_558 = arith.constant 0 : i32
    %dma_wait3A_559 = arith.constant 0 : i32
    %dma_wait3A_560 = tpu.memref_slice %arg2[%dma_wait3A_558, %dma_wait3A_559] : memref<10368x16xf32, #tpu.memory_space<hbm>> -> memref<10368x16xf32, #tpu.memory_space<hbm>>
    tpu.wait_indirect_dma semaphore(%arg12 : memref<!tpu.dma_semaphore, #tpu.memory_space<semaphore_mem>>) src(%dma_wait3A_560 : memref<10368x16xf32, #tpu.memory_space<hbm>>) dst(%dma_wait3A_554 : memref<72x16xf32, #tpu.memory_space<vmem>>)
    %dma_wait3A_561 = arith.constant 18 : i32
    %dma_wait3A_562 = arith.constant 1296 : i32
    %dma_wait3A_563 = arith.constant 0 : i32
    %dma_wait3A_564 = tpu.memref_slice %arg10[%dma_wait3A_562, %dma_wait3A_563] : memref<1368x16xf32, #tpu.memory_space<vmem>> -> memref<72x16xf32, #tpu.memory_space<vmem>>
    %dma_wait3A_565 = arith.constant 0 : i32
    %dma_wait3A_566 = tpu.memref_slice %arg9[%dma_wait3A_561, %dma_wait3A_565] : memref<19x72xi32, #tpu.memory_space<vmem>> -> memref<1x72xi32, #tpu.memory_space<vmem>>
    %dma_wait3A_567 = tpu.memref_squeeze %dma_wait3A_566 : memref<1x72xi32, #tpu.memory_space<vmem>> -> memref<72xi32, #tpu.memory_space<vmem>>
    %dma_wait3A_568 = arith.constant 0 : i32
    %dma_wait3A_569 = arith.constant 0 : i32
    %dma_wait3A_570 = tpu.memref_slice %arg2[%dma_wait3A_568, %dma_wait3A_569] : memref<10368x16xf32, #tpu.memory_space<hbm>> -> memref<10368x16xf32, #tpu.memory_space<hbm>>
    tpu.wait_indirect_dma semaphore(%arg12 : memref<!tpu.dma_semaphore, #tpu.memory_space<semaphore_mem>>) src(%dma_wait3A_570 : memref<10368x16xf32, #tpu.memory_space<hbm>>) dst(%dma_wait3A_564 : memref<72x16xf32, #tpu.memory_space<vmem>>)
    %dma_start3A_571 = arith.constant 0 : i32
    %dma_start3A_572 = tpu.memref_slice %arg6[%mul3A_2, %dma_start3A_571] : memref<43776x16xf32, #tpu.memory_space<hbm>> -> memref<1368x16xf32, #tpu.memory_space<hbm>>
    %dma_start3A_573 = arith.constant 0 : i32
    %dma_start3A_574 = tpu.memref_slice %arg6[%mul3A_2, %dma_start3A_573] : memref<43776x16xf32, #tpu.memory_space<hbm>> -> memref<1368x16xf32, #tpu.memory_space<hbm>>
    tpu.enqueue_dma source(%arg10 : memref<1368x16xf32, #tpu.memory_space<vmem>>) target(%dma_start3A_574 : memref<1368x16xf32, #tpu.memory_space<hbm>>) target_semaphore(%arg12 : memref<!tpu.dma_semaphore, #tpu.memory_space<semaphore_mem>>)
    %dma_wait3A_575 = arith.constant 0 : i32
    %dma_wait3A_576 = arith.constant 0 : i32
    %dma_wait3A_577 = arith.constant 0 : i32
    %dma_wait3A_578 = tpu.memref_slice %arg11[%dma_wait3A_576, %dma_wait3A_577] : memref<1368x64xf32, #tpu.memory_space<vmem>> -> memref<72x64xf32, #tpu.memory_space<vmem>>
    %dma_wait3A_579 = arith.constant 0 : i32
    %dma_wait3A_580 = tpu.memref_slice %arg9[%dma_wait3A_575, %dma_wait3A_579] : memref<19x72xi32, #tpu.memory_space<vmem>> -> memref<1x72xi32, #tpu.memory_space<vmem>>
    %dma_wait3A_581 = tpu.memref_squeeze %dma_wait3A_580 : memref<1x72xi32, #tpu.memory_space<vmem>> -> memref<72xi32, #tpu.memory_space<vmem>>
    %dma_wait3A_582 = arith.constant 0 : i32
    %dma_wait3A_583 = arith.constant 0 : i32
    %dma_wait3A_584 = tpu.memref_slice %arg3[%dma_wait3A_582, %dma_wait3A_583] : memref<10368x64xf32, #tpu.memory_space<hbm>> -> memref<10368x64xf32, #tpu.memory_space<hbm>>
    tpu.wait_indirect_dma semaphore(%arg13 : memref<!tpu.dma_semaphore, #tpu.memory_space<semaphore_mem>>) src(%dma_wait3A_584 : memref<10368x64xf32, #tpu.memory_space<hbm>>) dst(%dma_wait3A_578 : memref<72x64xf32, #tpu.memory_space<vmem>>)
    %dma_wait3A_585 = arith.constant 1 : i32
    %dma_wait3A_586 = arith.constant 72 : i32
    %dma_wait3A_587 = arith.constant 0 : i32
    %dma_wait3A_588 = tpu.memref_slice %arg11[%dma_wait3A_586, %dma_wait3A_587] : memref<1368x64xf32, #tpu.memory_space<vmem>> -> memref<72x64xf32, #tpu.memory_space<vmem>>
    %dma_wait3A_589 = arith.constant 0 : i32
    %dma_wait3A_590 = tpu.memref_slice %arg9[%dma_wait3A_585, %dma_wait3A_589] : memref<19x72xi32, #tpu.memory_space<vmem>> -> memref<1x72xi32, #tpu.memory_space<vmem>>
    %dma_wait3A_591 = tpu.memref_squeeze %dma_wait3A_590 : memref<1x72xi32, #tpu.memory_space<vmem>> -> memref<72xi32, #tpu.memory_space<vmem>>
    %dma_wait3A_592 = arith.constant 0 : i32
    %dma_wait3A_593 = arith.constant 0 : i32
    %dma_wait3A_594 = tpu.memref_slice %arg3[%dma_wait3A_592, %dma_wait3A_593] : memref<10368x64xf32, #tpu.memory_space<hbm>> -> memref<10368x64xf32, #tpu.memory_space<hbm>>
    tpu.wait_indirect_dma semaphore(%arg13 : memref<!tpu.dma_semaphore, #tpu.memory_space<semaphore_mem>>) src(%dma_wait3A_594 : memref<10368x64xf32, #tpu.memory_space<hbm>>) dst(%dma_wait3A_588 : memref<72x64xf32, #tpu.memory_space<vmem>>)
    %dma_wait3A_595 = arith.constant 2 : i32
    %dma_wait3A_596 = arith.constant 144 : i32
    %dma_wait3A_597 = arith.constant 0 : i32
    %dma_wait3A_598 = tpu.memref_slice %arg11[%dma_wait3A_596, %dma_wait3A_597] : memref<1368x64xf32, #tpu.memory_space<vmem>> -> memref<72x64xf32, #tpu.memory_space<vmem>>
    %dma_wait3A_599 = arith.constant 0 : i32
    %dma_wait3A_600 = tpu.memref_slice %arg9[%dma_wait3A_595, %dma_wait3A_599] : memref<19x72xi32, #tpu.memory_space<vmem>> -> memref<1x72xi32, #tpu.memory_space<vmem>>
    %dma_wait3A_601 = tpu.memref_squeeze %dma_wait3A_600 : memref<1x72xi32, #tpu.memory_space<vmem>> -> memref<72xi32, #tpu.memory_space<vmem>>
    %dma_wait3A_602 = arith.constant 0 : i32
    %dma_wait3A_603 = arith.constant 0 : i32
    %dma_wait3A_604 = tpu.memref_slice %arg3[%dma_wait3A_602, %dma_wait3A_603] : memref<10368x64xf32, #tpu.memory_space<hbm>> -> memref<10368x64xf32, #tpu.memory_space<hbm>>
    tpu.wait_indirect_dma semaphore(%arg13 : memref<!tpu.dma_semaphore, #tpu.memory_space<semaphore_mem>>) src(%dma_wait3A_604 : memref<10368x64xf32, #tpu.memory_space<hbm>>) dst(%dma_wait3A_598 : memref<72x64xf32, #tpu.memory_space<vmem>>)
    %dma_wait3A_605 = arith.constant 3 : i32
    %dma_wait3A_606 = arith.constant 216 : i32
    %dma_wait3A_607 = arith.constant 0 : i32
    %dma_wait3A_608 = tpu.memref_slice %arg11[%dma_wait3A_606, %dma_wait3A_607] : memref<1368x64xf32, #tpu.memory_space<vmem>> -> memref<72x64xf32, #tpu.memory_space<vmem>>
    %dma_wait3A_609 = arith.constant 0 : i32
    %dma_wait3A_610 = tpu.memref_slice %arg9[%dma_wait3A_605, %dma_wait3A_609] : memref<19x72xi32, #tpu.memory_space<vmem>> -> memref<1x72xi32, #tpu.memory_space<vmem>>
    %dma_wait3A_611 = tpu.memref_squeeze %dma_wait3A_610 : memref<1x72xi32, #tpu.memory_space<vmem>> -> memref<72xi32, #tpu.memory_space<vmem>>
    %dma_wait3A_612 = arith.constant 0 : i32
    %dma_wait3A_613 = arith.constant 0 : i32
    %dma_wait3A_614 = tpu.memref_slice %arg3[%dma_wait3A_612, %dma_wait3A_613] : memref<10368x64xf32, #tpu.memory_space<hbm>> -> memref<10368x64xf32, #tpu.memory_space<hbm>>
    tpu.wait_indirect_dma semaphore(%arg13 : memref<!tpu.dma_semaphore, #tpu.memory_space<semaphore_mem>>) src(%dma_wait3A_614 : memref<10368x64xf32, #tpu.memory_space<hbm>>) dst(%dma_wait3A_608 : memref<72x64xf32, #tpu.memory_space<vmem>>)
    %dma_wait3A_615 = arith.constant 4 : i32
    %dma_wait3A_616 = arith.constant 288 : i32
    %dma_wait3A_617 = arith.constant 0 : i32
    %dma_wait3A_618 = tpu.memref_slice %arg11[%dma_wait3A_616, %dma_wait3A_617] : memref<1368x64xf32, #tpu.memory_space<vmem>> -> memref<72x64xf32, #tpu.memory_space<vmem>>
    %dma_wait3A_619 = arith.constant 0 : i32
    %dma_wait3A_620 = tpu.memref_slice %arg9[%dma_wait3A_615, %dma_wait3A_619] : memref<19x72xi32, #tpu.memory_space<vmem>> -> memref<1x72xi32, #tpu.memory_space<vmem>>
    %dma_wait3A_621 = tpu.memref_squeeze %dma_wait3A_620 : memref<1x72xi32, #tpu.memory_space<vmem>> -> memref<72xi32, #tpu.memory_space<vmem>>
    %dma_wait3A_622 = arith.constant 0 : i32
    %dma_wait3A_623 = arith.constant 0 : i32
    %dma_wait3A_624 = tpu.memref_slice %arg3[%dma_wait3A_622, %dma_wait3A_623] : memref<10368x64xf32, #tpu.memory_space<hbm>> -> memref<10368x64xf32, #tpu.memory_space<hbm>>
    tpu.wait_indirect_dma semaphore(%arg13 : memref<!tpu.dma_semaphore, #tpu.memory_space<semaphore_mem>>) src(%dma_wait3A_624 : memref<10368x64xf32, #tpu.memory_space<hbm>>) dst(%dma_wait3A_618 : memref<72x64xf32, #tpu.memory_space<vmem>>)
    %dma_wait3A_625 = arith.constant 5 : i32
    %dma_wait3A_626 = arith.constant 360 : i32
    %dma_wait3A_627 = arith.constant 0 : i32
    %dma_wait3A_628 = tpu.memref_slice %arg11[%dma_wait3A_626, %dma_wait3A_627] : memref<1368x64xf32, #tpu.memory_space<vmem>> -> memref<72x64xf32, #tpu.memory_space<vmem>>
    %dma_wait3A_629 = arith.constant 0 : i32
    %dma_wait3A_630 = tpu.memref_slice %arg9[%dma_wait3A_625, %dma_wait3A_629] : memref<19x72xi32, #tpu.memory_space<vmem>> -> memref<1x72xi32, #tpu.memory_space<vmem>>
    %dma_wait3A_631 = tpu.memref_squeeze %dma_wait3A_630 : memref<1x72xi32, #tpu.memory_space<vmem>> -> memref<72xi32, #tpu.memory_space<vmem>>
    %dma_wait3A_632 = arith.constant 0 : i32
    %dma_wait3A_633 = arith.constant 0 : i32
    %dma_wait3A_634 = tpu.memref_slice %arg3[%dma_wait3A_632, %dma_wait3A_633] : memref<10368x64xf32, #tpu.memory_space<hbm>> -> memref<10368x64xf32, #tpu.memory_space<hbm>>
    tpu.wait_indirect_dma semaphore(%arg13 : memref<!tpu.dma_semaphore, #tpu.memory_space<semaphore_mem>>) src(%dma_wait3A_634 : memref<10368x64xf32, #tpu.memory_space<hbm>>) dst(%dma_wait3A_628 : memref<72x64xf32, #tpu.memory_space<vmem>>)
    %dma_wait3A_635 = arith.constant 6 : i32
    %dma_wait3A_636 = arith.constant 432 : i32
    %dma_wait3A_637 = arith.constant 0 : i32
    %dma_wait3A_638 = tpu.memref_slice %arg11[%dma_wait3A_636, %dma_wait3A_637] : memref<1368x64xf32, #tpu.memory_space<vmem>> -> memref<72x64xf32, #tpu.memory_space<vmem>>
    %dma_wait3A_639 = arith.constant 0 : i32
    %dma_wait3A_640 = tpu.memref_slice %arg9[%dma_wait3A_635, %dma_wait3A_639] : memref<19x72xi32, #tpu.memory_space<vmem>> -> memref<1x72xi32, #tpu.memory_space<vmem>>
    %dma_wait3A_641 = tpu.memref_squeeze %dma_wait3A_640 : memref<1x72xi32, #tpu.memory_space<vmem>> -> memref<72xi32, #tpu.memory_space<vmem>>
    %dma_wait3A_642 = arith.constant 0 : i32
    %dma_wait3A_643 = arith.constant 0 : i32
    %dma_wait3A_644 = tpu.memref_slice %arg3[%dma_wait3A_642, %dma_wait3A_643] : memref<10368x64xf32, #tpu.memory_space<hbm>> -> memref<10368x64xf32, #tpu.memory_space<hbm>>
    tpu.wait_indirect_dma semaphore(%arg13 : memref<!tpu.dma_semaphore, #tpu.memory_space<semaphore_mem>>) src(%dma_wait3A_644 : memref<10368x64xf32, #tpu.memory_space<hbm>>) dst(%dma_wait3A_638 : memref<72x64xf32, #tpu.memory_space<vmem>>)
    %dma_wait3A_645 = arith.constant 7 : i32
    %dma_wait3A_646 = arith.constant 504 : i32
    %dma_wait3A_647 = arith.constant 0 : i32
    %dma_wait3A_648 = tpu.memref_slice %arg11[%dma_wait3A_646, %dma_wait3A_647] : memref<1368x64xf32, #tpu.memory_space<vmem>> -> memref<72x64xf32, #tpu.memory_space<vmem>>
    %dma_wait3A_649 = arith.constant 0 : i32
    %dma_wait3A_650 = tpu.memref_slice %arg9[%dma_wait3A_645, %dma_wait3A_649] : memref<19x72xi32, #tpu.memory_space<vmem>> -> memref<1x72xi32, #tpu.memory_space<vmem>>
    %dma_wait3A_651 = tpu.memref_squeeze %dma_wait3A_650 : memref<1x72xi32, #tpu.memory_space<vmem>> -> memref<72xi32, #tpu.memory_space<vmem>>
    %dma_wait3A_652 = arith.constant 0 : i32
    %dma_wait3A_653 = arith.constant 0 : i32
    %dma_wait3A_654 = tpu.memref_slice %arg3[%dma_wait3A_652, %dma_wait3A_653] : memref<10368x64xf32, #tpu.memory_space<hbm>> -> memref<10368x64xf32, #tpu.memory_space<hbm>>
    tpu.wait_indirect_dma semaphore(%arg13 : memref<!tpu.dma_semaphore, #tpu.memory_space<semaphore_mem>>) src(%dma_wait3A_654 : memref<10368x64xf32, #tpu.memory_space<hbm>>) dst(%dma_wait3A_648 : memref<72x64xf32, #tpu.memory_space<vmem>>)
    %dma_wait3A_655 = arith.constant 8 : i32
    %dma_wait3A_656 = arith.constant 576 : i32
    %dma_wait3A_657 = arith.constant 0 : i32
    %dma_wait3A_658 = tpu.memref_slice %arg11[%dma_wait3A_656, %dma_wait3A_657] : memref<1368x64xf32, #tpu.memory_space<vmem>> -> memref<72x64xf32, #tpu.memory_space<vmem>>
    %dma_wait3A_659 = arith.constant 0 : i32
    %dma_wait3A_660 = tpu.memref_slice %arg9[%dma_wait3A_655, %dma_wait3A_659] : memref<19x72xi32, #tpu.memory_space<vmem>> -> memref<1x72xi32, #tpu.memory_space<vmem>>
    %dma_wait3A_661 = tpu.memref_squeeze %dma_wait3A_660 : memref<1x72xi32, #tpu.memory_space<vmem>> -> memref<72xi32, #tpu.memory_space<vmem>>
    %dma_wait3A_662 = arith.constant 0 : i32
    %dma_wait3A_663 = arith.constant 0 : i32
    %dma_wait3A_664 = tpu.memref_slice %arg3[%dma_wait3A_662, %dma_wait3A_663] : memref<10368x64xf32, #tpu.memory_space<hbm>> -> memref<10368x64xf32, #tpu.memory_space<hbm>>
    tpu.wait_indirect_dma semaphore(%arg13 : memref<!tpu.dma_semaphore, #tpu.memory_space<semaphore_mem>>) src(%dma_wait3A_664 : memref<10368x64xf32, #tpu.memory_space<hbm>>) dst(%dma_wait3A_658 : memref<72x64xf32, #tpu.memory_space<vmem>>)
    %dma_wait3A_665 = arith.constant 9 : i32
    %dma_wait3A_666 = arith.constant 648 : i32
    %dma_wait3A_667 = arith.constant 0 : i32
    %dma_wait3A_668 = tpu.memref_slice %arg11[%dma_wait3A_666, %dma_wait3A_667] : memref<1368x64xf32, #tpu.memory_space<vmem>> -> memref<72x64xf32, #tpu.memory_space<vmem>>
    %dma_wait3A_669 = arith.constant 0 : i32
    %dma_wait3A_670 = tpu.memref_slice %arg9[%dma_wait3A_665, %dma_wait3A_669] : memref<19x72xi32, #tpu.memory_space<vmem>> -> memref<1x72xi32, #tpu.memory_space<vmem>>
    %dma_wait3A_671 = tpu.memref_squeeze %dma_wait3A_670 : memref<1x72xi32, #tpu.memory_space<vmem>> -> memref<72xi32, #tpu.memory_space<vmem>>
    %dma_wait3A_672 = arith.constant 0 : i32
    %dma_wait3A_673 = arith.constant 0 : i32
    %dma_wait3A_674 = tpu.memref_slice %arg3[%dma_wait3A_672, %dma_wait3A_673] : memref<10368x64xf32, #tpu.memory_space<hbm>> -> memref<10368x64xf32, #tpu.memory_space<hbm>>
    tpu.wait_indirect_dma semaphore(%arg13 : memref<!tpu.dma_semaphore, #tpu.memory_space<semaphore_mem>>) src(%dma_wait3A_674 : memref<10368x64xf32, #tpu.memory_space<hbm>>) dst(%dma_wait3A_668 : memref<72x64xf32, #tpu.memory_space<vmem>>)
    %dma_start3A_675 = arith.constant 0 : i32
    %dma_start3A_676 = arith.constant 0 : i32
    %dma_start3A_677 = tpu.memref_slice %arg11[%dma_start3A_675, %dma_start3A_676] : memref<1368x64xf32, #tpu.memory_space<vmem>> -> memref<720x64xf32, #tpu.memory_space<vmem>>
    %dma_start3A_678 = arith.constant 0 : i32
    %dma_start3A_679 = tpu.memref_slice %arg7[%mul3A_2, %dma_start3A_678] : memref<43776x64xf32, #tpu.memory_space<hbm>> -> memref<720x64xf32, #tpu.memory_space<hbm>>
    %dma_start3A_680 = arith.constant 0 : i32
    %dma_start3A_681 = tpu.memref_slice %arg7[%mul3A_2, %dma_start3A_680] : memref<43776x64xf32, #tpu.memory_space<hbm>> -> memref<720x64xf32, #tpu.memory_space<hbm>>
    %dma_start3A_682 = arith.constant 0 : i32
    %dma_start3A_683 = arith.constant 0 : i32
    %dma_start3A_684 = tpu.memref_slice %arg11[%dma_start3A_682, %dma_start3A_683] : memref<1368x64xf32, #tpu.memory_space<vmem>> -> memref<720x64xf32, #tpu.memory_space<vmem>>
    tpu.enqueue_dma source(%dma_start3A_684 : memref<720x64xf32, #tpu.memory_space<vmem>>) target(%dma_start3A_681 : memref<720x64xf32, #tpu.memory_space<hbm>>) target_semaphore(%arg14 : memref<!tpu.dma_semaphore, #tpu.memory_space<semaphore_mem>>)
    %dma_wait3A_685 = arith.constant 10 : i32
    %dma_wait3A_686 = arith.constant 720 : i32
    %dma_wait3A_687 = arith.constant 0 : i32
    %dma_wait3A_688 = tpu.memref_slice %arg11[%dma_wait3A_686, %dma_wait3A_687] : memref<1368x64xf32, #tpu.memory_space<vmem>> -> memref<72x64xf32, #tpu.memory_space<vmem>>
    %dma_wait3A_689 = arith.constant 0 : i32
    %dma_wait3A_690 = tpu.memref_slice %arg9[%dma_wait3A_685, %dma_wait3A_689] : memref<19x72xi32, #tpu.memory_space<vmem>> -> memref<1x72xi32, #tpu.memory_space<vmem>>
    %dma_wait3A_691 = tpu.memref_squeeze %dma_wait3A_690 : memref<1x72xi32, #tpu.memory_space<vmem>> -> memref<72xi32, #tpu.memory_space<vmem>>
    %dma_wait3A_692 = arith.constant 0 : i32
    %dma_wait3A_693 = arith.constant 0 : i32
    %dma_wait3A_694 = tpu.memref_slice %arg3[%dma_wait3A_692, %dma_wait3A_693] : memref<10368x64xf32, #tpu.memory_space<hbm>> -> memref<10368x64xf32, #tpu.memory_space<hbm>>
    tpu.wait_indirect_dma semaphore(%arg13 : memref<!tpu.dma_semaphore, #tpu.memory_space<semaphore_mem>>) src(%dma_wait3A_694 : memref<10368x64xf32, #tpu.memory_space<hbm>>) dst(%dma_wait3A_688 : memref<72x64xf32, #tpu.memory_space<vmem>>)
    %dma_wait3A_695 = arith.constant 11 : i32
    %dma_wait3A_696 = arith.constant 792 : i32
    %dma_wait3A_697 = arith.constant 0 : i32
    %dma_wait3A_698 = tpu.memref_slice %arg11[%dma_wait3A_696, %dma_wait3A_697] : memref<1368x64xf32, #tpu.memory_space<vmem>> -> memref<72x64xf32, #tpu.memory_space<vmem>>
    %dma_wait3A_699 = arith.constant 0 : i32
    %dma_wait3A_700 = tpu.memref_slice %arg9[%dma_wait3A_695, %dma_wait3A_699] : memref<19x72xi32, #tpu.memory_space<vmem>> -> memref<1x72xi32, #tpu.memory_space<vmem>>
    %dma_wait3A_701 = tpu.memref_squeeze %dma_wait3A_700 : memref<1x72xi32, #tpu.memory_space<vmem>> -> memref<72xi32, #tpu.memory_space<vmem>>
    %dma_wait3A_702 = arith.constant 0 : i32
    %dma_wait3A_703 = arith.constant 0 : i32
    %dma_wait3A_704 = tpu.memref_slice %arg3[%dma_wait3A_702, %dma_wait3A_703] : memref<10368x64xf32, #tpu.memory_space<hbm>> -> memref<10368x64xf32, #tpu.memory_space<hbm>>
    tpu.wait_indirect_dma semaphore(%arg13 : memref<!tpu.dma_semaphore, #tpu.memory_space<semaphore_mem>>) src(%dma_wait3A_704 : memref<10368x64xf32, #tpu.memory_space<hbm>>) dst(%dma_wait3A_698 : memref<72x64xf32, #tpu.memory_space<vmem>>)
    %dma_wait3A_705 = arith.constant 12 : i32
    %dma_wait3A_706 = arith.constant 864 : i32
    %dma_wait3A_707 = arith.constant 0 : i32
    %dma_wait3A_708 = tpu.memref_slice %arg11[%dma_wait3A_706, %dma_wait3A_707] : memref<1368x64xf32, #tpu.memory_space<vmem>> -> memref<72x64xf32, #tpu.memory_space<vmem>>
    %dma_wait3A_709 = arith.constant 0 : i32
    %dma_wait3A_710 = tpu.memref_slice %arg9[%dma_wait3A_705, %dma_wait3A_709] : memref<19x72xi32, #tpu.memory_space<vmem>> -> memref<1x72xi32, #tpu.memory_space<vmem>>
    %dma_wait3A_711 = tpu.memref_squeeze %dma_wait3A_710 : memref<1x72xi32, #tpu.memory_space<vmem>> -> memref<72xi32, #tpu.memory_space<vmem>>
    %dma_wait3A_712 = arith.constant 0 : i32
    %dma_wait3A_713 = arith.constant 0 : i32
    %dma_wait3A_714 = tpu.memref_slice %arg3[%dma_wait3A_712, %dma_wait3A_713] : memref<10368x64xf32, #tpu.memory_space<hbm>> -> memref<10368x64xf32, #tpu.memory_space<hbm>>
    tpu.wait_indirect_dma semaphore(%arg13 : memref<!tpu.dma_semaphore, #tpu.memory_space<semaphore_mem>>) src(%dma_wait3A_714 : memref<10368x64xf32, #tpu.memory_space<hbm>>) dst(%dma_wait3A_708 : memref<72x64xf32, #tpu.memory_space<vmem>>)
    %dma_wait3A_715 = arith.constant 13 : i32
    %dma_wait3A_716 = arith.constant 936 : i32
    %dma_wait3A_717 = arith.constant 0 : i32
    %dma_wait3A_718 = tpu.memref_slice %arg11[%dma_wait3A_716, %dma_wait3A_717] : memref<1368x64xf32, #tpu.memory_space<vmem>> -> memref<72x64xf32, #tpu.memory_space<vmem>>
    %dma_wait3A_719 = arith.constant 0 : i32
    %dma_wait3A_720 = tpu.memref_slice %arg9[%dma_wait3A_715, %dma_wait3A_719] : memref<19x72xi32, #tpu.memory_space<vmem>> -> memref<1x72xi32, #tpu.memory_space<vmem>>
    %dma_wait3A_721 = tpu.memref_squeeze %dma_wait3A_720 : memref<1x72xi32, #tpu.memory_space<vmem>> -> memref<72xi32, #tpu.memory_space<vmem>>
    %dma_wait3A_722 = arith.constant 0 : i32
    %dma_wait3A_723 = arith.constant 0 : i32
    %dma_wait3A_724 = tpu.memref_slice %arg3[%dma_wait3A_722, %dma_wait3A_723] : memref<10368x64xf32, #tpu.memory_space<hbm>> -> memref<10368x64xf32, #tpu.memory_space<hbm>>
    tpu.wait_indirect_dma semaphore(%arg13 : memref<!tpu.dma_semaphore, #tpu.memory_space<semaphore_mem>>) src(%dma_wait3A_724 : memref<10368x64xf32, #tpu.memory_space<hbm>>) dst(%dma_wait3A_718 : memref<72x64xf32, #tpu.memory_space<vmem>>)
    %dma_wait3A_725 = arith.constant 14 : i32
    %dma_wait3A_726 = arith.constant 1008 : i32
    %dma_wait3A_727 = arith.constant 0 : i32
    %dma_wait3A_728 = tpu.memref_slice %arg11[%dma_wait3A_726, %dma_wait3A_727] : memref<1368x64xf32, #tpu.memory_space<vmem>> -> memref<72x64xf32, #tpu.memory_space<vmem>>
    %dma_wait3A_729 = arith.constant 0 : i32
    %dma_wait3A_730 = tpu.memref_slice %arg9[%dma_wait3A_725, %dma_wait3A_729] : memref<19x72xi32, #tpu.memory_space<vmem>> -> memref<1x72xi32, #tpu.memory_space<vmem>>
    %dma_wait3A_731 = tpu.memref_squeeze %dma_wait3A_730 : memref<1x72xi32, #tpu.memory_space<vmem>> -> memref<72xi32, #tpu.memory_space<vmem>>
    %dma_wait3A_732 = arith.constant 0 : i32
    %dma_wait3A_733 = arith.constant 0 : i32
    %dma_wait3A_734 = tpu.memref_slice %arg3[%dma_wait3A_732, %dma_wait3A_733] : memref<10368x64xf32, #tpu.memory_space<hbm>> -> memref<10368x64xf32, #tpu.memory_space<hbm>>
    tpu.wait_indirect_dma semaphore(%arg13 : memref<!tpu.dma_semaphore, #tpu.memory_space<semaphore_mem>>) src(%dma_wait3A_734 : memref<10368x64xf32, #tpu.memory_space<hbm>>) dst(%dma_wait3A_728 : memref<72x64xf32, #tpu.memory_space<vmem>>)
    %dma_wait3A_735 = arith.constant 15 : i32
    %dma_wait3A_736 = arith.constant 1080 : i32
    %dma_wait3A_737 = arith.constant 0 : i32
    %dma_wait3A_738 = tpu.memref_slice %arg11[%dma_wait3A_736, %dma_wait3A_737] : memref<1368x64xf32, #tpu.memory_space<vmem>> -> memref<72x64xf32, #tpu.memory_space<vmem>>
    %dma_wait3A_739 = arith.constant 0 : i32
    %dma_wait3A_740 = tpu.memref_slice %arg9[%dma_wait3A_735, %dma_wait3A_739] : memref<19x72xi32, #tpu.memory_space<vmem>> -> memref<1x72xi32, #tpu.memory_space<vmem>>
    %dma_wait3A_741 = tpu.memref_squeeze %dma_wait3A_740 : memref<1x72xi32, #tpu.memory_space<vmem>> -> memref<72xi32, #tpu.memory_space<vmem>>
    %dma_wait3A_742 = arith.constant 0 : i32
    %dma_wait3A_743 = arith.constant 0 : i32
    %dma_wait3A_744 = tpu.memref_slice %arg3[%dma_wait3A_742, %dma_wait3A_743] : memref<10368x64xf32, #tpu.memory_space<hbm>> -> memref<10368x64xf32, #tpu.memory_space<hbm>>
    tpu.wait_indirect_dma semaphore(%arg13 : memref<!tpu.dma_semaphore, #tpu.memory_space<semaphore_mem>>) src(%dma_wait3A_744 : memref<10368x64xf32, #tpu.memory_space<hbm>>) dst(%dma_wait3A_738 : memref<72x64xf32, #tpu.memory_space<vmem>>)
    %dma_wait3A_745 = arith.constant 16 : i32
    %dma_wait3A_746 = arith.constant 1152 : i32
    %dma_wait3A_747 = arith.constant 0 : i32
    %dma_wait3A_748 = tpu.memref_slice %arg11[%dma_wait3A_746, %dma_wait3A_747] : memref<1368x64xf32, #tpu.memory_space<vmem>> -> memref<72x64xf32, #tpu.memory_space<vmem>>
    %dma_wait3A_749 = arith.constant 0 : i32
    %dma_wait3A_750 = tpu.memref_slice %arg9[%dma_wait3A_745, %dma_wait3A_749] : memref<19x72xi32, #tpu.memory_space<vmem>> -> memref<1x72xi32, #tpu.memory_space<vmem>>
    %dma_wait3A_751 = tpu.memref_squeeze %dma_wait3A_750 : memref<1x72xi32, #tpu.memory_space<vmem>> -> memref<72xi32, #tpu.memory_space<vmem>>
    %dma_wait3A_752 = arith.constant 0 : i32
    %dma_wait3A_753 = arith.constant 0 : i32
    %dma_wait3A_754 = tpu.memref_slice %arg3[%dma_wait3A_752, %dma_wait3A_753] : memref<10368x64xf32, #tpu.memory_space<hbm>> -> memref<10368x64xf32, #tpu.memory_space<hbm>>
    tpu.wait_indirect_dma semaphore(%arg13 : memref<!tpu.dma_semaphore, #tpu.memory_space<semaphore_mem>>) src(%dma_wait3A_754 : memref<10368x64xf32, #tpu.memory_space<hbm>>) dst(%dma_wait3A_748 : memref<72x64xf32, #tpu.memory_space<vmem>>)
    %dma_wait3A_755 = arith.constant 17 : i32
    %dma_wait3A_756 = arith.constant 1224 : i32
    %dma_wait3A_757 = arith.constant 0 : i32
    %dma_wait3A_758 = tpu.memref_slice %arg11[%dma_wait3A_756, %dma_wait3A_757] : memref<1368x64xf32, #tpu.memory_space<vmem>> -> memref<72x64xf32, #tpu.memory_space<vmem>>
    %dma_wait3A_759 = arith.constant 0 : i32
    %dma_wait3A_760 = tpu.memref_slice %arg9[%dma_wait3A_755, %dma_wait3A_759] : memref<19x72xi32, #tpu.memory_space<vmem>> -> memref<1x72xi32, #tpu.memory_space<vmem>>
    %dma_wait3A_761 = tpu.memref_squeeze %dma_wait3A_760 : memref<1x72xi32, #tpu.memory_space<vmem>> -> memref<72xi32, #tpu.memory_space<vmem>>
    %dma_wait3A_762 = arith.constant 0 : i32
    %dma_wait3A_763 = arith.constant 0 : i32
    %dma_wait3A_764 = tpu.memref_slice %arg3[%dma_wait3A_762, %dma_wait3A_763] : memref<10368x64xf32, #tpu.memory_space<hbm>> -> memref<10368x64xf32, #tpu.memory_space<hbm>>
    tpu.wait_indirect_dma semaphore(%arg13 : memref<!tpu.dma_semaphore, #tpu.memory_space<semaphore_mem>>) src(%dma_wait3A_764 : memref<10368x64xf32, #tpu.memory_space<hbm>>) dst(%dma_wait3A_758 : memref<72x64xf32, #tpu.memory_space<vmem>>)
    %dma_wait3A_765 = arith.constant 18 : i32
    %dma_wait3A_766 = arith.constant 1296 : i32
    %dma_wait3A_767 = arith.constant 0 : i32
    %dma_wait3A_768 = tpu.memref_slice %arg11[%dma_wait3A_766, %dma_wait3A_767] : memref<1368x64xf32, #tpu.memory_space<vmem>> -> memref<72x64xf32, #tpu.memory_space<vmem>>
    %dma_wait3A_769 = arith.constant 0 : i32
    %dma_wait3A_770 = tpu.memref_slice %arg9[%dma_wait3A_765, %dma_wait3A_769] : memref<19x72xi32, #tpu.memory_space<vmem>> -> memref<1x72xi32, #tpu.memory_space<vmem>>
    %dma_wait3A_771 = tpu.memref_squeeze %dma_wait3A_770 : memref<1x72xi32, #tpu.memory_space<vmem>> -> memref<72xi32, #tpu.memory_space<vmem>>
    %dma_wait3A_772 = arith.constant 0 : i32
    %dma_wait3A_773 = arith.constant 0 : i32
    %dma_wait3A_774 = tpu.memref_slice %arg3[%dma_wait3A_772, %dma_wait3A_773] : memref<10368x64xf32, #tpu.memory_space<hbm>> -> memref<10368x64xf32, #tpu.memory_space<hbm>>
    tpu.wait_indirect_dma semaphore(%arg13 : memref<!tpu.dma_semaphore, #tpu.memory_space<semaphore_mem>>) src(%dma_wait3A_774 : memref<10368x64xf32, #tpu.memory_space<hbm>>) dst(%dma_wait3A_768 : memref<72x64xf32, #tpu.memory_space<vmem>>)
    %add3A_775 = arith.constant 720 : i32
    %add3A_776 = arith.addi %mul3A_2, %add3A_775 : i32
    %dma_start3A_777 = arith.constant 720 : i32
    %dma_start3A_778 = arith.constant 0 : i32
    %dma_start3A_779 = tpu.memref_slice %arg11[%dma_start3A_777, %dma_start3A_778] : memref<1368x64xf32, #tpu.memory_space<vmem>> -> memref<648x64xf32, #tpu.memory_space<vmem>>
    %dma_start3A_780 = arith.constant 0 : i32
    %dma_start3A_781 = tpu.memref_slice %arg7[%add3A_776, %dma_start3A_780] : memref<43776x64xf32, #tpu.memory_space<hbm>> -> memref<648x64xf32, #tpu.memory_space<hbm>>
    %dma_start3A_782 = arith.constant 0 : i32
    %dma_start3A_783 = tpu.memref_slice %arg7[%add3A_776, %dma_start3A_782] : memref<43776x64xf32, #tpu.memory_space<hbm>> -> memref<648x64xf32, #tpu.memory_space<hbm>>
    %dma_start3A_784 = arith.constant 720 : i32
    %dma_start3A_785 = arith.constant 0 : i32
    %dma_start3A_786 = tpu.memref_slice %arg11[%dma_start3A_784, %dma_start3A_785] : memref<1368x64xf32, #tpu.memory_space<vmem>> -> memref<648x64xf32, #tpu.memory_space<vmem>>
    tpu.enqueue_dma source(%dma_start3A_786 : memref<648x64xf32, #tpu.memory_space<vmem>>) target(%dma_start3A_783 : memref<648x64xf32, #tpu.memory_space<hbm>>) target_semaphore(%arg14 : memref<!tpu.dma_semaphore, #tpu.memory_space<semaphore_mem>>)
    %dma_wait3A_787 = arith.constant 0 : i32
    %dma_wait3A_788 = arith.constant 0 : i32
    %dma_wait3A_789 = tpu.memref_slice %arg11[%dma_wait3A_787, %dma_wait3A_788] : memref<1368x64xf32, #tpu.memory_space<vmem>> -> memref<720x64xf32, #tpu.memory_space<vmem>>
    %dma_wait3A_790 = arith.constant 0 : i32
    %dma_wait3A_791 = tpu.memref_slice %arg7[%mul3A_2, %dma_wait3A_790] : memref<43776x64xf32, #tpu.memory_space<hbm>> -> memref<720x64xf32, #tpu.memory_space<hbm>>
    %dma_wait3A_792 = arith.constant 0 : i32
    %dma_wait3A_793 = tpu.memref_slice %arg7[%mul3A_2, %dma_wait3A_792] : memref<43776x64xf32, #tpu.memory_space<hbm>> -> memref<720x64xf32, #tpu.memory_space<hbm>>
    %dma_wait3A_794 = arith.constant 0 : i32
    %dma_wait3A_795 = arith.constant 0 : i32
    %dma_wait3A_796 = tpu.memref_slice %arg11[%dma_wait3A_794, %dma_wait3A_795] : memref<1368x64xf32, #tpu.memory_space<vmem>> -> memref<720x64xf32, #tpu.memory_space<vmem>>
    tpu.wait_dma2 semaphore(%arg14 : memref<!tpu.dma_semaphore, #tpu.memory_space<semaphore_mem>>) src(%dma_wait3A_796 : memref<720x64xf32, #tpu.memory_space<vmem>>) dst(%dma_wait3A_793 : memref<720x64xf32, #tpu.memory_space<hbm>>)
    %dma_start3A_797 = arith.constant 0 : i32
    %dma_start3A_798 = arith.constant 0 : i32
    %dma_start3A_799 = arith.constant 0 : i32
    %dma_start3A_800 = tpu.memref_slice %arg11[%dma_start3A_798, %dma_start3A_799] : memref<1368x64xf32, #tpu.memory_space<vmem>> -> memref<72x64xf32, #tpu.memory_space<vmem>>
    %dma_start3A_801 = arith.constant 0 : i32
    %dma_start3A_802 = tpu.memref_slice %arg9[%dma_start3A_797, %dma_start3A_801] : memref<19x72xi32, #tpu.memory_space<vmem>> -> memref<1x72xi32, #tpu.memory_space<vmem>>
    %dma_start3A_803 = tpu.memref_squeeze %dma_start3A_802 : memref<1x72xi32, #tpu.memory_space<vmem>> -> memref<72xi32, #tpu.memory_space<vmem>>
    %dma_start3A_804 = arith.constant 0 : i32
    %dma_start3A_805 = arith.constant 0 : i32
    %dma_start3A_806 = tpu.memref_slice %arg4[%dma_start3A_804, %dma_start3A_805] : memref<10368x64xf32, #tpu.memory_space<hbm>> -> memref<10368x64xf32, #tpu.memory_space<hbm>>
    tpu.enqueue_indirect_dma source(%dma_start3A_806 : memref<10368x64xf32, #tpu.memory_space<hbm>>) target(%dma_start3A_800 : memref<72x64xf32, #tpu.memory_space<vmem>>) offsets(%dma_start3A_803 : memref<72xi32, #tpu.memory_space<vmem>>) semaphore(%arg15 : memref<!tpu.dma_semaphore, #tpu.memory_space<semaphore_mem>>)
    %dma_start3A_807 = arith.constant 1 : i32
    %dma_start3A_808 = arith.constant 72 : i32
    %dma_start3A_809 = arith.constant 0 : i32
    %dma_start3A_810 = tpu.memref_slice %arg11[%dma_start3A_808, %dma_start3A_809] : memref<1368x64xf32, #tpu.memory_space<vmem>> -> memref<72x64xf32, #tpu.memory_space<vmem>>
    %dma_start3A_811 = arith.constant 0 : i32
    %dma_start3A_812 = tpu.memref_slice %arg9[%dma_start3A_807, %dma_start3A_811] : memref<19x72xi32, #tpu.memory_space<vmem>> -> memref<1x72xi32, #tpu.memory_space<vmem>>
    %dma_start3A_813 = tpu.memref_squeeze %dma_start3A_812 : memref<1x72xi32, #tpu.memory_space<vmem>> -> memref<72xi32, #tpu.memory_space<vmem>>
    %dma_start3A_814 = arith.constant 0 : i32
    %dma_start3A_815 = arith.constant 0 : i32
    %dma_start3A_816 = tpu.memref_slice %arg4[%dma_start3A_814, %dma_start3A_815] : memref<10368x64xf32, #tpu.memory_space<hbm>> -> memref<10368x64xf32, #tpu.memory_space<hbm>>
    tpu.enqueue_indirect_dma source(%dma_start3A_816 : memref<10368x64xf32, #tpu.memory_space<hbm>>) target(%dma_start3A_810 : memref<72x64xf32, #tpu.memory_space<vmem>>) offsets(%dma_start3A_813 : memref<72xi32, #tpu.memory_space<vmem>>) semaphore(%arg15 : memref<!tpu.dma_semaphore, #tpu.memory_space<semaphore_mem>>)
    %dma_start3A_817 = arith.constant 2 : i32
    %dma_start3A_818 = arith.constant 144 : i32
    %dma_start3A_819 = arith.constant 0 : i32
    %dma_start3A_820 = tpu.memref_slice %arg11[%dma_start3A_818, %dma_start3A_819] : memref<1368x64xf32, #tpu.memory_space<vmem>> -> memref<72x64xf32, #tpu.memory_space<vmem>>
    %dma_start3A_821 = arith.constant 0 : i32
    %dma_start3A_822 = tpu.memref_slice %arg9[%dma_start3A_817, %dma_start3A_821] : memref<19x72xi32, #tpu.memory_space<vmem>> -> memref<1x72xi32, #tpu.memory_space<vmem>>
    %dma_start3A_823 = tpu.memref_squeeze %dma_start3A_822 : memref<1x72xi32, #tpu.memory_space<vmem>> -> memref<72xi32, #tpu.memory_space<vmem>>
    %dma_start3A_824 = arith.constant 0 : i32
    %dma_start3A_825 = arith.constant 0 : i32
    %dma_start3A_826 = tpu.memref_slice %arg4[%dma_start3A_824, %dma_start3A_825] : memref<10368x64xf32, #tpu.memory_space<hbm>> -> memref<10368x64xf32, #tpu.memory_space<hbm>>
    tpu.enqueue_indirect_dma source(%dma_start3A_826 : memref<10368x64xf32, #tpu.memory_space<hbm>>) target(%dma_start3A_820 : memref<72x64xf32, #tpu.memory_space<vmem>>) offsets(%dma_start3A_823 : memref<72xi32, #tpu.memory_space<vmem>>) semaphore(%arg15 : memref<!tpu.dma_semaphore, #tpu.memory_space<semaphore_mem>>)
    %dma_start3A_827 = arith.constant 3 : i32
    %dma_start3A_828 = arith.constant 216 : i32
    %dma_start3A_829 = arith.constant 0 : i32
    %dma_start3A_830 = tpu.memref_slice %arg11[%dma_start3A_828, %dma_start3A_829] : memref<1368x64xf32, #tpu.memory_space<vmem>> -> memref<72x64xf32, #tpu.memory_space<vmem>>
    %dma_start3A_831 = arith.constant 0 : i32
    %dma_start3A_832 = tpu.memref_slice %arg9[%dma_start3A_827, %dma_start3A_831] : memref<19x72xi32, #tpu.memory_space<vmem>> -> memref<1x72xi32, #tpu.memory_space<vmem>>
    %dma_start3A_833 = tpu.memref_squeeze %dma_start3A_832 : memref<1x72xi32, #tpu.memory_space<vmem>> -> memref<72xi32, #tpu.memory_space<vmem>>
    %dma_start3A_834 = arith.constant 0 : i32
    %dma_start3A_835 = arith.constant 0 : i32
    %dma_start3A_836 = tpu.memref_slice %arg4[%dma_start3A_834, %dma_start3A_835] : memref<10368x64xf32, #tpu.memory_space<hbm>> -> memref<10368x64xf32, #tpu.memory_space<hbm>>
    tpu.enqueue_indirect_dma source(%dma_start3A_836 : memref<10368x64xf32, #tpu.memory_space<hbm>>) target(%dma_start3A_830 : memref<72x64xf32, #tpu.memory_space<vmem>>) offsets(%dma_start3A_833 : memref<72xi32, #tpu.memory_space<vmem>>) semaphore(%arg15 : memref<!tpu.dma_semaphore, #tpu.memory_space<semaphore_mem>>)
    %dma_start3A_837 = arith.constant 4 : i32
    %dma_start3A_838 = arith.constant 288 : i32
    %dma_start3A_839 = arith.constant 0 : i32
    %dma_start3A_840 = tpu.memref_slice %arg11[%dma_start3A_838, %dma_start3A_839] : memref<1368x64xf32, #tpu.memory_space<vmem>> -> memref<72x64xf32, #tpu.memory_space<vmem>>
    %dma_start3A_841 = arith.constant 0 : i32
    %dma_start3A_842 = tpu.memref_slice %arg9[%dma_start3A_837, %dma_start3A_841] : memref<19x72xi32, #tpu.memory_space<vmem>> -> memref<1x72xi32, #tpu.memory_space<vmem>>
    %dma_start3A_843 = tpu.memref_squeeze %dma_start3A_842 : memref<1x72xi32, #tpu.memory_space<vmem>> -> memref<72xi32, #tpu.memory_space<vmem>>
    %dma_start3A_844 = arith.constant 0 : i32
    %dma_start3A_845 = arith.constant 0 : i32
    %dma_start3A_846 = tpu.memref_slice %arg4[%dma_start3A_844, %dma_start3A_845] : memref<10368x64xf32, #tpu.memory_space<hbm>> -> memref<10368x64xf32, #tpu.memory_space<hbm>>
    tpu.enqueue_indirect_dma source(%dma_start3A_846 : memref<10368x64xf32, #tpu.memory_space<hbm>>) target(%dma_start3A_840 : memref<72x64xf32, #tpu.memory_space<vmem>>) offsets(%dma_start3A_843 : memref<72xi32, #tpu.memory_space<vmem>>) semaphore(%arg15 : memref<!tpu.dma_semaphore, #tpu.memory_space<semaphore_mem>>)
    %dma_start3A_847 = arith.constant 5 : i32
    %dma_start3A_848 = arith.constant 360 : i32
    %dma_start3A_849 = arith.constant 0 : i32
    %dma_start3A_850 = tpu.memref_slice %arg11[%dma_start3A_848, %dma_start3A_849] : memref<1368x64xf32, #tpu.memory_space<vmem>> -> memref<72x64xf32, #tpu.memory_space<vmem>>
    %dma_start3A_851 = arith.constant 0 : i32
    %dma_start3A_852 = tpu.memref_slice %arg9[%dma_start3A_847, %dma_start3A_851] : memref<19x72xi32, #tpu.memory_space<vmem>> -> memref<1x72xi32, #tpu.memory_space<vmem>>
    %dma_start3A_853 = tpu.memref_squeeze %dma_start3A_852 : memref<1x72xi32, #tpu.memory_space<vmem>> -> memref<72xi32, #tpu.memory_space<vmem>>
    %dma_start3A_854 = arith.constant 0 : i32
    %dma_start3A_855 = arith.constant 0 : i32
    %dma_start3A_856 = tpu.memref_slice %arg4[%dma_start3A_854, %dma_start3A_855] : memref<10368x64xf32, #tpu.memory_space<hbm>> -> memref<10368x64xf32, #tpu.memory_space<hbm>>
    tpu.enqueue_indirect_dma source(%dma_start3A_856 : memref<10368x64xf32, #tpu.memory_space<hbm>>) target(%dma_start3A_850 : memref<72x64xf32, #tpu.memory_space<vmem>>) offsets(%dma_start3A_853 : memref<72xi32, #tpu.memory_space<vmem>>) semaphore(%arg15 : memref<!tpu.dma_semaphore, #tpu.memory_space<semaphore_mem>>)
    %dma_start3A_857 = arith.constant 6 : i32
    %dma_start3A_858 = arith.constant 432 : i32
    %dma_start3A_859 = arith.constant 0 : i32
    %dma_start3A_860 = tpu.memref_slice %arg11[%dma_start3A_858, %dma_start3A_859] : memref<1368x64xf32, #tpu.memory_space<vmem>> -> memref<72x64xf32, #tpu.memory_space<vmem>>
    %dma_start3A_861 = arith.constant 0 : i32
    %dma_start3A_862 = tpu.memref_slice %arg9[%dma_start3A_857, %dma_start3A_861] : memref<19x72xi32, #tpu.memory_space<vmem>> -> memref<1x72xi32, #tpu.memory_space<vmem>>
    %dma_start3A_863 = tpu.memref_squeeze %dma_start3A_862 : memref<1x72xi32, #tpu.memory_space<vmem>> -> memref<72xi32, #tpu.memory_space<vmem>>
    %dma_start3A_864 = arith.constant 0 : i32
    %dma_start3A_865 = arith.constant 0 : i32
    %dma_start3A_866 = tpu.memref_slice %arg4[%dma_start3A_864, %dma_start3A_865] : memref<10368x64xf32, #tpu.memory_space<hbm>> -> memref<10368x64xf32, #tpu.memory_space<hbm>>
    tpu.enqueue_indirect_dma source(%dma_start3A_866 : memref<10368x64xf32, #tpu.memory_space<hbm>>) target(%dma_start3A_860 : memref<72x64xf32, #tpu.memory_space<vmem>>) offsets(%dma_start3A_863 : memref<72xi32, #tpu.memory_space<vmem>>) semaphore(%arg15 : memref<!tpu.dma_semaphore, #tpu.memory_space<semaphore_mem>>)
    %dma_start3A_867 = arith.constant 7 : i32
    %dma_start3A_868 = arith.constant 504 : i32
    %dma_start3A_869 = arith.constant 0 : i32
    %dma_start3A_870 = tpu.memref_slice %arg11[%dma_start3A_868, %dma_start3A_869] : memref<1368x64xf32, #tpu.memory_space<vmem>> -> memref<72x64xf32, #tpu.memory_space<vmem>>
    %dma_start3A_871 = arith.constant 0 : i32
    %dma_start3A_872 = tpu.memref_slice %arg9[%dma_start3A_867, %dma_start3A_871] : memref<19x72xi32, #tpu.memory_space<vmem>> -> memref<1x72xi32, #tpu.memory_space<vmem>>
    %dma_start3A_873 = tpu.memref_squeeze %dma_start3A_872 : memref<1x72xi32, #tpu.memory_space<vmem>> -> memref<72xi32, #tpu.memory_space<vmem>>
    %dma_start3A_874 = arith.constant 0 : i32
    %dma_start3A_875 = arith.constant 0 : i32
    %dma_start3A_876 = tpu.memref_slice %arg4[%dma_start3A_874, %dma_start3A_875] : memref<10368x64xf32, #tpu.memory_space<hbm>> -> memref<10368x64xf32, #tpu.memory_space<hbm>>
    tpu.enqueue_indirect_dma source(%dma_start3A_876 : memref<10368x64xf32, #tpu.memory_space<hbm>>) target(%dma_start3A_870 : memref<72x64xf32, #tpu.memory_space<vmem>>) offsets(%dma_start3A_873 : memref<72xi32, #tpu.memory_space<vmem>>) semaphore(%arg15 : memref<!tpu.dma_semaphore, #tpu.memory_space<semaphore_mem>>)
    %dma_start3A_877 = arith.constant 8 : i32
    %dma_start3A_878 = arith.constant 576 : i32
    %dma_start3A_879 = arith.constant 0 : i32
    %dma_start3A_880 = tpu.memref_slice %arg11[%dma_start3A_878, %dma_start3A_879] : memref<1368x64xf32, #tpu.memory_space<vmem>> -> memref<72x64xf32, #tpu.memory_space<vmem>>
    %dma_start3A_881 = arith.constant 0 : i32
    %dma_start3A_882 = tpu.memref_slice %arg9[%dma_start3A_877, %dma_start3A_881] : memref<19x72xi32, #tpu.memory_space<vmem>> -> memref<1x72xi32, #tpu.memory_space<vmem>>
    %dma_start3A_883 = tpu.memref_squeeze %dma_start3A_882 : memref<1x72xi32, #tpu.memory_space<vmem>> -> memref<72xi32, #tpu.memory_space<vmem>>
    %dma_start3A_884 = arith.constant 0 : i32
    %dma_start3A_885 = arith.constant 0 : i32
    %dma_start3A_886 = tpu.memref_slice %arg4[%dma_start3A_884, %dma_start3A_885] : memref<10368x64xf32, #tpu.memory_space<hbm>> -> memref<10368x64xf32, #tpu.memory_space<hbm>>
    tpu.enqueue_indirect_dma source(%dma_start3A_886 : memref<10368x64xf32, #tpu.memory_space<hbm>>) target(%dma_start3A_880 : memref<72x64xf32, #tpu.memory_space<vmem>>) offsets(%dma_start3A_883 : memref<72xi32, #tpu.memory_space<vmem>>) semaphore(%arg15 : memref<!tpu.dma_semaphore, #tpu.memory_space<semaphore_mem>>)
    %dma_start3A_887 = arith.constant 9 : i32
    %dma_start3A_888 = arith.constant 648 : i32
    %dma_start3A_889 = arith.constant 0 : i32
    %dma_start3A_890 = tpu.memref_slice %arg11[%dma_start3A_888, %dma_start3A_889] : memref<1368x64xf32, #tpu.memory_space<vmem>> -> memref<72x64xf32, #tpu.memory_space<vmem>>
    %dma_start3A_891 = arith.constant 0 : i32
    %dma_start3A_892 = tpu.memref_slice %arg9[%dma_start3A_887, %dma_start3A_891] : memref<19x72xi32, #tpu.memory_space<vmem>> -> memref<1x72xi32, #tpu.memory_space<vmem>>
    %dma_start3A_893 = tpu.memref_squeeze %dma_start3A_892 : memref<1x72xi32, #tpu.memory_space<vmem>> -> memref<72xi32, #tpu.memory_space<vmem>>
    %dma_start3A_894 = arith.constant 0 : i32
    %dma_start3A_895 = arith.constant 0 : i32
    %dma_start3A_896 = tpu.memref_slice %arg4[%dma_start3A_894, %dma_start3A_895] : memref<10368x64xf32, #tpu.memory_space<hbm>> -> memref<10368x64xf32, #tpu.memory_space<hbm>>
    tpu.enqueue_indirect_dma source(%dma_start3A_896 : memref<10368x64xf32, #tpu.memory_space<hbm>>) target(%dma_start3A_890 : memref<72x64xf32, #tpu.memory_space<vmem>>) offsets(%dma_start3A_893 : memref<72xi32, #tpu.memory_space<vmem>>) semaphore(%arg15 : memref<!tpu.dma_semaphore, #tpu.memory_space<semaphore_mem>>)
    %dma_wait3A_897 = arith.constant 720 : i32
    %dma_wait3A_898 = arith.constant 0 : i32
    %dma_wait3A_899 = tpu.memref_slice %arg11[%dma_wait3A_897, %dma_wait3A_898] : memref<1368x64xf32, #tpu.memory_space<vmem>> -> memref<648x64xf32, #tpu.memory_space<vmem>>
    %dma_wait3A_900 = arith.constant 0 : i32
    %dma_wait3A_901 = tpu.memref_slice %arg7[%add3A_776, %dma_wait3A_900] : memref<43776x64xf32, #tpu.memory_space<hbm>> -> memref<648x64xf32, #tpu.memory_space<hbm>>
    %dma_wait3A_902 = arith.constant 0 : i32
    %dma_wait3A_903 = tpu.memref_slice %arg7[%add3A_776, %dma_wait3A_902] : memref<43776x64xf32, #tpu.memory_space<hbm>> -> memref<648x64xf32, #tpu.memory_space<hbm>>
    %dma_wait3A_904 = arith.constant 720 : i32
    %dma_wait3A_905 = arith.constant 0 : i32
    %dma_wait3A_906 = tpu.memref_slice %arg11[%dma_wait3A_904, %dma_wait3A_905] : memref<1368x64xf32, #tpu.memory_space<vmem>> -> memref<648x64xf32, #tpu.memory_space<vmem>>
    tpu.wait_dma2 semaphore(%arg14 : memref<!tpu.dma_semaphore, #tpu.memory_space<semaphore_mem>>) src(%dma_wait3A_906 : memref<648x64xf32, #tpu.memory_space<vmem>>) dst(%dma_wait3A_903 : memref<648x64xf32, #tpu.memory_space<hbm>>)
    %dma_start3A_907 = arith.constant 10 : i32
    %dma_start3A_908 = arith.constant 720 : i32
    %dma_start3A_909 = arith.constant 0 : i32
    %dma_start3A_910 = tpu.memref_slice %arg11[%dma_start3A_908, %dma_start3A_909] : memref<1368x64xf32, #tpu.memory_space<vmem>> -> memref<72x64xf32, #tpu.memory_space<vmem>>
    %dma_start3A_911 = arith.constant 0 : i32
    %dma_start3A_912 = tpu.memref_slice %arg9[%dma_start3A_907, %dma_start3A_911] : memref<19x72xi32, #tpu.memory_space<vmem>> -> memref<1x72xi32, #tpu.memory_space<vmem>>
    %dma_start3A_913 = tpu.memref_squeeze %dma_start3A_912 : memref<1x72xi32, #tpu.memory_space<vmem>> -> memref<72xi32, #tpu.memory_space<vmem>>
    %dma_start3A_914 = arith.constant 0 : i32
    %dma_start3A_915 = arith.constant 0 : i32
    %dma_start3A_916 = tpu.memref_slice %arg4[%dma_start3A_914, %dma_start3A_915] : memref<10368x64xf32, #tpu.memory_space<hbm>> -> memref<10368x64xf32, #tpu.memory_space<hbm>>
    tpu.enqueue_indirect_dma source(%dma_start3A_916 : memref<10368x64xf32, #tpu.memory_space<hbm>>) target(%dma_start3A_910 : memref<72x64xf32, #tpu.memory_space<vmem>>) offsets(%dma_start3A_913 : memref<72xi32, #tpu.memory_space<vmem>>) semaphore(%arg15 : memref<!tpu.dma_semaphore, #tpu.memory_space<semaphore_mem>>)
    %dma_start3A_917 = arith.constant 11 : i32
    %dma_start3A_918 = arith.constant 792 : i32
    %dma_start3A_919 = arith.constant 0 : i32
    %dma_start3A_920 = tpu.memref_slice %arg11[%dma_start3A_918, %dma_start3A_919] : memref<1368x64xf32, #tpu.memory_space<vmem>> -> memref<72x64xf32, #tpu.memory_space<vmem>>
    %dma_start3A_921 = arith.constant 0 : i32
    %dma_start3A_922 = tpu.memref_slice %arg9[%dma_start3A_917, %dma_start3A_921] : memref<19x72xi32, #tpu.memory_space<vmem>> -> memref<1x72xi32, #tpu.memory_space<vmem>>
    %dma_start3A_923 = tpu.memref_squeeze %dma_start3A_922 : memref<1x72xi32, #tpu.memory_space<vmem>> -> memref<72xi32, #tpu.memory_space<vmem>>
    %dma_start3A_924 = arith.constant 0 : i32
    %dma_start3A_925 = arith.constant 0 : i32
    %dma_start3A_926 = tpu.memref_slice %arg4[%dma_start3A_924, %dma_start3A_925] : memref<10368x64xf32, #tpu.memory_space<hbm>> -> memref<10368x64xf32, #tpu.memory_space<hbm>>
    tpu.enqueue_indirect_dma source(%dma_start3A_926 : memref<10368x64xf32, #tpu.memory_space<hbm>>) target(%dma_start3A_920 : memref<72x64xf32, #tpu.memory_space<vmem>>) offsets(%dma_start3A_923 : memref<72xi32, #tpu.memory_space<vmem>>) semaphore(%arg15 : memref<!tpu.dma_semaphore, #tpu.memory_space<semaphore_mem>>)
    %dma_start3A_927 = arith.constant 12 : i32
    %dma_start3A_928 = arith.constant 864 : i32
    %dma_start3A_929 = arith.constant 0 : i32
    %dma_start3A_930 = tpu.memref_slice %arg11[%dma_start3A_928, %dma_start3A_929] : memref<1368x64xf32, #tpu.memory_space<vmem>> -> memref<72x64xf32, #tpu.memory_space<vmem>>
    %dma_start3A_931 = arith.constant 0 : i32
    %dma_start3A_932 = tpu.memref_slice %arg9[%dma_start3A_927, %dma_start3A_931] : memref<19x72xi32, #tpu.memory_space<vmem>> -> memref<1x72xi32, #tpu.memory_space<vmem>>
    %dma_start3A_933 = tpu.memref_squeeze %dma_start3A_932 : memref<1x72xi32, #tpu.memory_space<vmem>> -> memref<72xi32, #tpu.memory_space<vmem>>
    %dma_start3A_934 = arith.constant 0 : i32
    %dma_start3A_935 = arith.constant 0 : i32
    %dma_start3A_936 = tpu.memref_slice %arg4[%dma_start3A_934, %dma_start3A_935] : memref<10368x64xf32, #tpu.memory_space<hbm>> -> memref<10368x64xf32, #tpu.memory_space<hbm>>
    tpu.enqueue_indirect_dma source(%dma_start3A_936 : memref<10368x64xf32, #tpu.memory_space<hbm>>) target(%dma_start3A_930 : memref<72x64xf32, #tpu.memory_space<vmem>>) offsets(%dma_start3A_933 : memref<72xi32, #tpu.memory_space<vmem>>) semaphore(%arg15 : memref<!tpu.dma_semaphore, #tpu.memory_space<semaphore_mem>>)
    %dma_start3A_937 = arith.constant 13 : i32
    %dma_start3A_938 = arith.constant 936 : i32
    %dma_start3A_939 = arith.constant 0 : i32
    %dma_start3A_940 = tpu.memref_slice %arg11[%dma_start3A_938, %dma_start3A_939] : memref<1368x64xf32, #tpu.memory_space<vmem>> -> memref<72x64xf32, #tpu.memory_space<vmem>>
    %dma_start3A_941 = arith.constant 0 : i32
    %dma_start3A_942 = tpu.memref_slice %arg9[%dma_start3A_937, %dma_start3A_941] : memref<19x72xi32, #tpu.memory_space<vmem>> -> memref<1x72xi32, #tpu.memory_space<vmem>>
    %dma_start3A_943 = tpu.memref_squeeze %dma_start3A_942 : memref<1x72xi32, #tpu.memory_space<vmem>> -> memref<72xi32, #tpu.memory_space<vmem>>
    %dma_start3A_944 = arith.constant 0 : i32
    %dma_start3A_945 = arith.constant 0 : i32
    %dma_start3A_946 = tpu.memref_slice %arg4[%dma_start3A_944, %dma_start3A_945] : memref<10368x64xf32, #tpu.memory_space<hbm>> -> memref<10368x64xf32, #tpu.memory_space<hbm>>
    tpu.enqueue_indirect_dma source(%dma_start3A_946 : memref<10368x64xf32, #tpu.memory_space<hbm>>) target(%dma_start3A_940 : memref<72x64xf32, #tpu.memory_space<vmem>>) offsets(%dma_start3A_943 : memref<72xi32, #tpu.memory_space<vmem>>) semaphore(%arg15 : memref<!tpu.dma_semaphore, #tpu.memory_space<semaphore_mem>>)
    %dma_start3A_947 = arith.constant 14 : i32
    %dma_start3A_948 = arith.constant 1008 : i32
    %dma_start3A_949 = arith.constant 0 : i32
    %dma_start3A_950 = tpu.memref_slice %arg11[%dma_start3A_948, %dma_start3A_949] : memref<1368x64xf32, #tpu.memory_space<vmem>> -> memref<72x64xf32, #tpu.memory_space<vmem>>
    %dma_start3A_951 = arith.constant 0 : i32
    %dma_start3A_952 = tpu.memref_slice %arg9[%dma_start3A_947, %dma_start3A_951] : memref<19x72xi32, #tpu.memory_space<vmem>> -> memref<1x72xi32, #tpu.memory_space<vmem>>
    %dma_start3A_953 = tpu.memref_squeeze %dma_start3A_952 : memref<1x72xi32, #tpu.memory_space<vmem>> -> memref<72xi32, #tpu.memory_space<vmem>>
    %dma_start3A_954 = arith.constant 0 : i32
    %dma_start3A_955 = arith.constant 0 : i32
    %dma_start3A_956 = tpu.memref_slice %arg4[%dma_start3A_954, %dma_start3A_955] : memref<10368x64xf32, #tpu.memory_space<hbm>> -> memref<10368x64xf32, #tpu.memory_space<hbm>>
    tpu.enqueue_indirect_dma source(%dma_start3A_956 : memref<10368x64xf32, #tpu.memory_space<hbm>>) target(%dma_start3A_950 : memref<72x64xf32, #tpu.memory_space<vmem>>) offsets(%dma_start3A_953 : memref<72xi32, #tpu.memory_space<vmem>>) semaphore(%arg15 : memref<!tpu.dma_semaphore, #tpu.memory_space<semaphore_mem>>)
    %dma_start3A_957 = arith.constant 15 : i32
    %dma_start3A_958 = arith.constant 1080 : i32
    %dma_start3A_959 = arith.constant 0 : i32
    %dma_start3A_960 = tpu.memref_slice %arg11[%dma_start3A_958, %dma_start3A_959] : memref<1368x64xf32, #tpu.memory_space<vmem>> -> memref<72x64xf32, #tpu.memory_space<vmem>>
    %dma_start3A_961 = arith.constant 0 : i32
    %dma_start3A_962 = tpu.memref_slice %arg9[%dma_start3A_957, %dma_start3A_961] : memref<19x72xi32, #tpu.memory_space<vmem>> -> memref<1x72xi32, #tpu.memory_space<vmem>>
    %dma_start3A_963 = tpu.memref_squeeze %dma_start3A_962 : memref<1x72xi32, #tpu.memory_space<vmem>> -> memref<72xi32, #tpu.memory_space<vmem>>
    %dma_start3A_964 = arith.constant 0 : i32
    %dma_start3A_965 = arith.constant 0 : i32
    %dma_start3A_966 = tpu.memref_slice %arg4[%dma_start3A_964, %dma_start3A_965] : memref<10368x64xf32, #tpu.memory_space<hbm>> -> memref<10368x64xf32, #tpu.memory_space<hbm>>
    tpu.enqueue_indirect_dma source(%dma_start3A_966 : memref<10368x64xf32, #tpu.memory_space<hbm>>) target(%dma_start3A_960 : memref<72x64xf32, #tpu.memory_space<vmem>>) offsets(%dma_start3A_963 : memref<72xi32, #tpu.memory_space<vmem>>) semaphore(%arg15 : memref<!tpu.dma_semaphore, #tpu.memory_space<semaphore_mem>>)
    %dma_start3A_967 = arith.constant 16 : i32
    %dma_start3A_968 = arith.constant 1152 : i32
    %dma_start3A_969 = arith.constant 0 : i32
    %dma_start3A_970 = tpu.memref_slice %arg11[%dma_start3A_968, %dma_start3A_969] : memref<1368x64xf32, #tpu.memory_space<vmem>> -> memref<72x64xf32, #tpu.memory_space<vmem>>
    %dma_start3A_971 = arith.constant 0 : i32
    %dma_start3A_972 = tpu.memref_slice %arg9[%dma_start3A_967, %dma_start3A_971] : memref<19x72xi32, #tpu.memory_space<vmem>> -> memref<1x72xi32, #tpu.memory_space<vmem>>
    %dma_start3A_973 = tpu.memref_squeeze %dma_start3A_972 : memref<1x72xi32, #tpu.memory_space<vmem>> -> memref<72xi32, #tpu.memory_space<vmem>>
    %dma_start3A_974 = arith.constant 0 : i32
    %dma_start3A_975 = arith.constant 0 : i32
    %dma_start3A_976 = tpu.memref_slice %arg4[%dma_start3A_974, %dma_start3A_975] : memref<10368x64xf32, #tpu.memory_space<hbm>> -> memref<10368x64xf32, #tpu.memory_space<hbm>>
    tpu.enqueue_indirect_dma source(%dma_start3A_976 : memref<10368x64xf32, #tpu.memory_space<hbm>>) target(%dma_start3A_970 : memref<72x64xf32, #tpu.memory_space<vmem>>) offsets(%dma_start3A_973 : memref<72xi32, #tpu.memory_space<vmem>>) semaphore(%arg15 : memref<!tpu.dma_semaphore, #tpu.memory_space<semaphore_mem>>)
    %dma_start3A_977 = arith.constant 17 : i32
    %dma_start3A_978 = arith.constant 1224 : i32
    %dma_start3A_979 = arith.constant 0 : i32
    %dma_start3A_980 = tpu.memref_slice %arg11[%dma_start3A_978, %dma_start3A_979] : memref<1368x64xf32, #tpu.memory_space<vmem>> -> memref<72x64xf32, #tpu.memory_space<vmem>>
    %dma_start3A_981 = arith.constant 0 : i32
    %dma_start3A_982 = tpu.memref_slice %arg9[%dma_start3A_977, %dma_start3A_981] : memref<19x72xi32, #tpu.memory_space<vmem>> -> memref<1x72xi32, #tpu.memory_space<vmem>>
    %dma_start3A_983 = tpu.memref_squeeze %dma_start3A_982 : memref<1x72xi32, #tpu.memory_space<vmem>> -> memref<72xi32, #tpu.memory_space<vmem>>
    %dma_start3A_984 = arith.constant 0 : i32
    %dma_start3A_985 = arith.constant 0 : i32
    %dma_start3A_986 = tpu.memref_slice %arg4[%dma_start3A_984, %dma_start3A_985] : memref<10368x64xf32, #tpu.memory_space<hbm>> -> memref<10368x64xf32, #tpu.memory_space<hbm>>
    tpu.enqueue_indirect_dma source(%dma_start3A_986 : memref<10368x64xf32, #tpu.memory_space<hbm>>) target(%dma_start3A_980 : memref<72x64xf32, #tpu.memory_space<vmem>>) offsets(%dma_start3A_983 : memref<72xi32, #tpu.memory_space<vmem>>) semaphore(%arg15 : memref<!tpu.dma_semaphore, #tpu.memory_space<semaphore_mem>>)
    %dma_start3A_987 = arith.constant 18 : i32
    %dma_start3A_988 = arith.constant 1296 : i32
    %dma_start3A_989 = arith.constant 0 : i32
    %dma_start3A_990 = tpu.memref_slice %arg11[%dma_start3A_988, %dma_start3A_989] : memref<1368x64xf32, #tpu.memory_space<vmem>> -> memref<72x64xf32, #tpu.memory_space<vmem>>
    %dma_start3A_991 = arith.constant 0 : i32
    %dma_start3A_992 = tpu.memref_slice %arg9[%dma_start3A_987, %dma_start3A_991] : memref<19x72xi32, #tpu.memory_space<vmem>> -> memref<1x72xi32, #tpu.memory_space<vmem>>
    %dma_start3A_993 = tpu.memref_squeeze %dma_start3A_992 : memref<1x72xi32, #tpu.memory_space<vmem>> -> memref<72xi32, #tpu.memory_space<vmem>>
    %dma_start3A_994 = arith.constant 0 : i32
    %dma_start3A_995 = arith.constant 0 : i32
    %dma_start3A_996 = tpu.memref_slice %arg4[%dma_start3A_994, %dma_start3A_995] : memref<10368x64xf32, #tpu.memory_space<hbm>> -> memref<10368x64xf32, #tpu.memory_space<hbm>>
    tpu.enqueue_indirect_dma source(%dma_start3A_996 : memref<10368x64xf32, #tpu.memory_space<hbm>>) target(%dma_start3A_990 : memref<72x64xf32, #tpu.memory_space<vmem>>) offsets(%dma_start3A_993 : memref<72xi32, #tpu.memory_space<vmem>>) semaphore(%arg15 : memref<!tpu.dma_semaphore, #tpu.memory_space<semaphore_mem>>)
    %dma_wait3A_997 = arith.constant 0 : i32
    %dma_wait3A_998 = arith.constant 0 : i32
    %dma_wait3A_999 = arith.constant 0 : i32
    %dma_wait3A_1000 = tpu.memref_slice %arg11[%dma_wait3A_998, %dma_wait3A_999] : memref<1368x64xf32, #tpu.memory_space<vmem>> -> memref<72x64xf32, #tpu.memory_space<vmem>>
    %dma_wait3A_1001 = arith.constant 0 : i32
    %dma_wait3A_1002 = tpu.memref_slice %arg9[%dma_wait3A_997, %dma_wait3A_1001] : memref<19x72xi32, #tpu.memory_space<vmem>> -> memref<1x72xi32, #tpu.memory_space<vmem>>
    %dma_wait3A_1003 = tpu.memref_squeeze %dma_wait3A_1002 : memref<1x72xi32, #tpu.memory_space<vmem>> -> memref<72xi32, #tpu.memory_space<vmem>>
    %dma_wait3A_1004 = arith.constant 0 : i32
    %dma_wait3A_1005 = arith.constant 0 : i32
    %dma_wait3A_1006 = tpu.memref_slice %arg4[%dma_wait3A_1004, %dma_wait3A_1005] : memref<10368x64xf32, #tpu.memory_space<hbm>> -> memref<10368x64xf32, #tpu.memory_space<hbm>>
    tpu.wait_indirect_dma semaphore(%arg15 : memref<!tpu.dma_semaphore, #tpu.memory_space<semaphore_mem>>) src(%dma_wait3A_1006 : memref<10368x64xf32, #tpu.memory_space<hbm>>) dst(%dma_wait3A_1000 : memref<72x64xf32, #tpu.memory_space<vmem>>)
    %dma_wait3A_1007 = arith.constant 1 : i32
    %dma_wait3A_1008 = arith.constant 72 : i32
    %dma_wait3A_1009 = arith.constant 0 : i32
    %dma_wait3A_1010 = tpu.memref_slice %arg11[%dma_wait3A_1008, %dma_wait3A_1009] : memref<1368x64xf32, #tpu.memory_space<vmem>> -> memref<72x64xf32, #tpu.memory_space<vmem>>
    %dma_wait3A_1011 = arith.constant 0 : i32
    %dma_wait3A_1012 = tpu.memref_slice %arg9[%dma_wait3A_1007, %dma_wait3A_1011] : memref<19x72xi32, #tpu.memory_space<vmem>> -> memref<1x72xi32, #tpu.memory_space<vmem>>
    %dma_wait3A_1013 = tpu.memref_squeeze %dma_wait3A_1012 : memref<1x72xi32, #tpu.memory_space<vmem>> -> memref<72xi32, #tpu.memory_space<vmem>>
    %dma_wait3A_1014 = arith.constant 0 : i32
    %dma_wait3A_1015 = arith.constant 0 : i32
    %dma_wait3A_1016 = tpu.memref_slice %arg4[%dma_wait3A_1014, %dma_wait3A_1015] : memref<10368x64xf32, #tpu.memory_space<hbm>> -> memref<10368x64xf32, #tpu.memory_space<hbm>>
    tpu.wait_indirect_dma semaphore(%arg15 : memref<!tpu.dma_semaphore, #tpu.memory_space<semaphore_mem>>) src(%dma_wait3A_1016 : memref<10368x64xf32, #tpu.memory_space<hbm>>) dst(%dma_wait3A_1010 : memref<72x64xf32, #tpu.memory_space<vmem>>)
    %dma_wait3A_1017 = arith.constant 2 : i32
    %dma_wait3A_1018 = arith.constant 144 : i32
    %dma_wait3A_1019 = arith.constant 0 : i32
    %dma_wait3A_1020 = tpu.memref_slice %arg11[%dma_wait3A_1018, %dma_wait3A_1019] : memref<1368x64xf32, #tpu.memory_space<vmem>> -> memref<72x64xf32, #tpu.memory_space<vmem>>
    %dma_wait3A_1021 = arith.constant 0 : i32
    %dma_wait3A_1022 = tpu.memref_slice %arg9[%dma_wait3A_1017, %dma_wait3A_1021] : memref<19x72xi32, #tpu.memory_space<vmem>> -> memref<1x72xi32, #tpu.memory_space<vmem>>
    %dma_wait3A_1023 = tpu.memref_squeeze %dma_wait3A_1022 : memref<1x72xi32, #tpu.memory_space<vmem>> -> memref<72xi32, #tpu.memory_space<vmem>>
    %dma_wait3A_1024 = arith.constant 0 : i32
    %dma_wait3A_1025 = arith.constant 0 : i32
    %dma_wait3A_1026 = tpu.memref_slice %arg4[%dma_wait3A_1024, %dma_wait3A_1025] : memref<10368x64xf32, #tpu.memory_space<hbm>> -> memref<10368x64xf32, #tpu.memory_space<hbm>>
    tpu.wait_indirect_dma semaphore(%arg15 : memref<!tpu.dma_semaphore, #tpu.memory_space<semaphore_mem>>) src(%dma_wait3A_1026 : memref<10368x64xf32, #tpu.memory_space<hbm>>) dst(%dma_wait3A_1020 : memref<72x64xf32, #tpu.memory_space<vmem>>)
    %dma_wait3A_1027 = arith.constant 3 : i32
    %dma_wait3A_1028 = arith.constant 216 : i32
    %dma_wait3A_1029 = arith.constant 0 : i32
    %dma_wait3A_1030 = tpu.memref_slice %arg11[%dma_wait3A_1028, %dma_wait3A_1029] : memref<1368x64xf32, #tpu.memory_space<vmem>> -> memref<72x64xf32, #tpu.memory_space<vmem>>
    %dma_wait3A_1031 = arith.constant 0 : i32
    %dma_wait3A_1032 = tpu.memref_slice %arg9[%dma_wait3A_1027, %dma_wait3A_1031] : memref<19x72xi32, #tpu.memory_space<vmem>> -> memref<1x72xi32, #tpu.memory_space<vmem>>
    %dma_wait3A_1033 = tpu.memref_squeeze %dma_wait3A_1032 : memref<1x72xi32, #tpu.memory_space<vmem>> -> memref<72xi32, #tpu.memory_space<vmem>>
    %dma_wait3A_1034 = arith.constant 0 : i32
    %dma_wait3A_1035 = arith.constant 0 : i32
    %dma_wait3A_1036 = tpu.memref_slice %arg4[%dma_wait3A_1034, %dma_wait3A_1035] : memref<10368x64xf32, #tpu.memory_space<hbm>> -> memref<10368x64xf32, #tpu.memory_space<hbm>>
    tpu.wait_indirect_dma semaphore(%arg15 : memref<!tpu.dma_semaphore, #tpu.memory_space<semaphore_mem>>) src(%dma_wait3A_1036 : memref<10368x64xf32, #tpu.memory_space<hbm>>) dst(%dma_wait3A_1030 : memref<72x64xf32, #tpu.memory_space<vmem>>)
    %dma_wait3A_1037 = arith.constant 4 : i32
    %dma_wait3A_1038 = arith.constant 288 : i32
    %dma_wait3A_1039 = arith.constant 0 : i32
    %dma_wait3A_1040 = tpu.memref_slice %arg11[%dma_wait3A_1038, %dma_wait3A_1039] : memref<1368x64xf32, #tpu.memory_space<vmem>> -> memref<72x64xf32, #tpu.memory_space<vmem>>
    %dma_wait3A_1041 = arith.constant 0 : i32
    %dma_wait3A_1042 = tpu.memref_slice %arg9[%dma_wait3A_1037, %dma_wait3A_1041] : memref<19x72xi32, #tpu.memory_space<vmem>> -> memref<1x72xi32, #tpu.memory_space<vmem>>
    %dma_wait3A_1043 = tpu.memref_squeeze %dma_wait3A_1042 : memref<1x72xi32, #tpu.memory_space<vmem>> -> memref<72xi32, #tpu.memory_space<vmem>>
    %dma_wait3A_1044 = arith.constant 0 : i32
    %dma_wait3A_1045 = arith.constant 0 : i32
    %dma_wait3A_1046 = tpu.memref_slice %arg4[%dma_wait3A_1044, %dma_wait3A_1045] : memref<10368x64xf32, #tpu.memory_space<hbm>> -> memref<10368x64xf32, #tpu.memory_space<hbm>>
    tpu.wait_indirect_dma semaphore(%arg15 : memref<!tpu.dma_semaphore, #tpu.memory_space<semaphore_mem>>) src(%dma_wait3A_1046 : memref<10368x64xf32, #tpu.memory_space<hbm>>) dst(%dma_wait3A_1040 : memref<72x64xf32, #tpu.memory_space<vmem>>)
    %dma_wait3A_1047 = arith.constant 5 : i32
    %dma_wait3A_1048 = arith.constant 360 : i32
    %dma_wait3A_1049 = arith.constant 0 : i32
    %dma_wait3A_1050 = tpu.memref_slice %arg11[%dma_wait3A_1048, %dma_wait3A_1049] : memref<1368x64xf32, #tpu.memory_space<vmem>> -> memref<72x64xf32, #tpu.memory_space<vmem>>
    %dma_wait3A_1051 = arith.constant 0 : i32
    %dma_wait3A_1052 = tpu.memref_slice %arg9[%dma_wait3A_1047, %dma_wait3A_1051] : memref<19x72xi32, #tpu.memory_space<vmem>> -> memref<1x72xi32, #tpu.memory_space<vmem>>
    %dma_wait3A_1053 = tpu.memref_squeeze %dma_wait3A_1052 : memref<1x72xi32, #tpu.memory_space<vmem>> -> memref<72xi32, #tpu.memory_space<vmem>>
    %dma_wait3A_1054 = arith.constant 0 : i32
    %dma_wait3A_1055 = arith.constant 0 : i32
    %dma_wait3A_1056 = tpu.memref_slice %arg4[%dma_wait3A_1054, %dma_wait3A_1055] : memref<10368x64xf32, #tpu.memory_space<hbm>> -> memref<10368x64xf32, #tpu.memory_space<hbm>>
    tpu.wait_indirect_dma semaphore(%arg15 : memref<!tpu.dma_semaphore, #tpu.memory_space<semaphore_mem>>) src(%dma_wait3A_1056 : memref<10368x64xf32, #tpu.memory_space<hbm>>) dst(%dma_wait3A_1050 : memref<72x64xf32, #tpu.memory_space<vmem>>)
    %dma_wait3A_1057 = arith.constant 6 : i32
    %dma_wait3A_1058 = arith.constant 432 : i32
    %dma_wait3A_1059 = arith.constant 0 : i32
    %dma_wait3A_1060 = tpu.memref_slice %arg11[%dma_wait3A_1058, %dma_wait3A_1059] : memref<1368x64xf32, #tpu.memory_space<vmem>> -> memref<72x64xf32, #tpu.memory_space<vmem>>
    %dma_wait3A_1061 = arith.constant 0 : i32
    %dma_wait3A_1062 = tpu.memref_slice %arg9[%dma_wait3A_1057, %dma_wait3A_1061] : memref<19x72xi32, #tpu.memory_space<vmem>> -> memref<1x72xi32, #tpu.memory_space<vmem>>
    %dma_wait3A_1063 = tpu.memref_squeeze %dma_wait3A_1062 : memref<1x72xi32, #tpu.memory_space<vmem>> -> memref<72xi32, #tpu.memory_space<vmem>>
    %dma_wait3A_1064 = arith.constant 0 : i32
    %dma_wait3A_1065 = arith.constant 0 : i32
    %dma_wait3A_1066 = tpu.memref_slice %arg4[%dma_wait3A_1064, %dma_wait3A_1065] : memref<10368x64xf32, #tpu.memory_space<hbm>> -> memref<10368x64xf32, #tpu.memory_space<hbm>>
    tpu.wait_indirect_dma semaphore(%arg15 : memref<!tpu.dma_semaphore, #tpu.memory_space<semaphore_mem>>) src(%dma_wait3A_1066 : memref<10368x64xf32, #tpu.memory_space<hbm>>) dst(%dma_wait3A_1060 : memref<72x64xf32, #tpu.memory_space<vmem>>)
    %dma_wait3A_1067 = arith.constant 7 : i32
    %dma_wait3A_1068 = arith.constant 504 : i32
    %dma_wait3A_1069 = arith.constant 0 : i32
    %dma_wait3A_1070 = tpu.memref_slice %arg11[%dma_wait3A_1068, %dma_wait3A_1069] : memref<1368x64xf32, #tpu.memory_space<vmem>> -> memref<72x64xf32, #tpu.memory_space<vmem>>
    %dma_wait3A_1071 = arith.constant 0 : i32
    %dma_wait3A_1072 = tpu.memref_slice %arg9[%dma_wait3A_1067, %dma_wait3A_1071] : memref<19x72xi32, #tpu.memory_space<vmem>> -> memref<1x72xi32, #tpu.memory_space<vmem>>
    %dma_wait3A_1073 = tpu.memref_squeeze %dma_wait3A_1072 : memref<1x72xi32, #tpu.memory_space<vmem>> -> memref<72xi32, #tpu.memory_space<vmem>>
    %dma_wait3A_1074 = arith.constant 0 : i32
    %dma_wait3A_1075 = arith.constant 0 : i32
    %dma_wait3A_1076 = tpu.memref_slice %arg4[%dma_wait3A_1074, %dma_wait3A_1075] : memref<10368x64xf32, #tpu.memory_space<hbm>> -> memref<10368x64xf32, #tpu.memory_space<hbm>>
    tpu.wait_indirect_dma semaphore(%arg15 : memref<!tpu.dma_semaphore, #tpu.memory_space<semaphore_mem>>) src(%dma_wait3A_1076 : memref<10368x64xf32, #tpu.memory_space<hbm>>) dst(%dma_wait3A_1070 : memref<72x64xf32, #tpu.memory_space<vmem>>)
    %dma_wait3A_1077 = arith.constant 8 : i32
    %dma_wait3A_1078 = arith.constant 576 : i32
    %dma_wait3A_1079 = arith.constant 0 : i32
    %dma_wait3A_1080 = tpu.memref_slice %arg11[%dma_wait3A_1078, %dma_wait3A_1079] : memref<1368x64xf32, #tpu.memory_space<vmem>> -> memref<72x64xf32, #tpu.memory_space<vmem>>
    %dma_wait3A_1081 = arith.constant 0 : i32
    %dma_wait3A_1082 = tpu.memref_slice %arg9[%dma_wait3A_1077, %dma_wait3A_1081] : memref<19x72xi32, #tpu.memory_space<vmem>> -> memref<1x72xi32, #tpu.memory_space<vmem>>
    %dma_wait3A_1083 = tpu.memref_squeeze %dma_wait3A_1082 : memref<1x72xi32, #tpu.memory_space<vmem>> -> memref<72xi32, #tpu.memory_space<vmem>>
    %dma_wait3A_1084 = arith.constant 0 : i32
    %dma_wait3A_1085 = arith.constant 0 : i32
    %dma_wait3A_1086 = tpu.memref_slice %arg4[%dma_wait3A_1084, %dma_wait3A_1085] : memref<10368x64xf32, #tpu.memory_space<hbm>> -> memref<10368x64xf32, #tpu.memory_space<hbm>>
    tpu.wait_indirect_dma semaphore(%arg15 : memref<!tpu.dma_semaphore, #tpu.memory_space<semaphore_mem>>) src(%dma_wait3A_1086 : memref<10368x64xf32, #tpu.memory_space<hbm>>) dst(%dma_wait3A_1080 : memref<72x64xf32, #tpu.memory_space<vmem>>)
    %dma_wait3A_1087 = arith.constant 9 : i32
    %dma_wait3A_1088 = arith.constant 648 : i32
    %dma_wait3A_1089 = arith.constant 0 : i32
    %dma_wait3A_1090 = tpu.memref_slice %arg11[%dma_wait3A_1088, %dma_wait3A_1089] : memref<1368x64xf32, #tpu.memory_space<vmem>> -> memref<72x64xf32, #tpu.memory_space<vmem>>
    %dma_wait3A_1091 = arith.constant 0 : i32
    %dma_wait3A_1092 = tpu.memref_slice %arg9[%dma_wait3A_1087, %dma_wait3A_1091] : memref<19x72xi32, #tpu.memory_space<vmem>> -> memref<1x72xi32, #tpu.memory_space<vmem>>
    %dma_wait3A_1093 = tpu.memref_squeeze %dma_wait3A_1092 : memref<1x72xi32, #tpu.memory_space<vmem>> -> memref<72xi32, #tpu.memory_space<vmem>>
    %dma_wait3A_1094 = arith.constant 0 : i32
    %dma_wait3A_1095 = arith.constant 0 : i32
    %dma_wait3A_1096 = tpu.memref_slice %arg4[%dma_wait3A_1094, %dma_wait3A_1095] : memref<10368x64xf32, #tpu.memory_space<hbm>> -> memref<10368x64xf32, #tpu.memory_space<hbm>>
    tpu.wait_indirect_dma semaphore(%arg15 : memref<!tpu.dma_semaphore, #tpu.memory_space<semaphore_mem>>) src(%dma_wait3A_1096 : memref<10368x64xf32, #tpu.memory_space<hbm>>) dst(%dma_wait3A_1090 : memref<72x64xf32, #tpu.memory_space<vmem>>)
    %dma_wait3A_1097 = arith.constant 10 : i32
    %dma_wait3A_1098 = arith.constant 720 : i32
    %dma_wait3A_1099 = arith.constant 0 : i32
    %dma_wait3A_1100 = tpu.memref_slice %arg11[%dma_wait3A_1098, %dma_wait3A_1099] : memref<1368x64xf32, #tpu.memory_space<vmem>> -> memref<72x64xf32, #tpu.memory_space<vmem>>
    %dma_wait3A_1101 = arith.constant 0 : i32
    %dma_wait3A_1102 = tpu.memref_slice %arg9[%dma_wait3A_1097, %dma_wait3A_1101] : memref<19x72xi32, #tpu.memory_space<vmem>> -> memref<1x72xi32, #tpu.memory_space<vmem>>
    %dma_wait3A_1103 = tpu.memref_squeeze %dma_wait3A_1102 : memref<1x72xi32, #tpu.memory_space<vmem>> -> memref<72xi32, #tpu.memory_space<vmem>>
    %dma_wait3A_1104 = arith.constant 0 : i32
    %dma_wait3A_1105 = arith.constant 0 : i32
    %dma_wait3A_1106 = tpu.memref_slice %arg4[%dma_wait3A_1104, %dma_wait3A_1105] : memref<10368x64xf32, #tpu.memory_space<hbm>> -> memref<10368x64xf32, #tpu.memory_space<hbm>>
    tpu.wait_indirect_dma semaphore(%arg15 : memref<!tpu.dma_semaphore, #tpu.memory_space<semaphore_mem>>) src(%dma_wait3A_1106 : memref<10368x64xf32, #tpu.memory_space<hbm>>) dst(%dma_wait3A_1100 : memref<72x64xf32, #tpu.memory_space<vmem>>)
    %dma_wait3A_1107 = arith.constant 11 : i32
    %dma_wait3A_1108 = arith.constant 792 : i32
    %dma_wait3A_1109 = arith.constant 0 : i32
    %dma_wait3A_1110 = tpu.memref_slice %arg11[%dma_wait3A_1108, %dma_wait3A_1109] : memref<1368x64xf32, #tpu.memory_space<vmem>> -> memref<72x64xf32, #tpu.memory_space<vmem>>
    %dma_wait3A_1111 = arith.constant 0 : i32
    %dma_wait3A_1112 = tpu.memref_slice %arg9[%dma_wait3A_1107, %dma_wait3A_1111] : memref<19x72xi32, #tpu.memory_space<vmem>> -> memref<1x72xi32, #tpu.memory_space<vmem>>
    %dma_wait3A_1113 = tpu.memref_squeeze %dma_wait3A_1112 : memref<1x72xi32, #tpu.memory_space<vmem>> -> memref<72xi32, #tpu.memory_space<vmem>>
    %dma_wait3A_1114 = arith.constant 0 : i32
    %dma_wait3A_1115 = arith.constant 0 : i32
    %dma_wait3A_1116 = tpu.memref_slice %arg4[%dma_wait3A_1114, %dma_wait3A_1115] : memref<10368x64xf32, #tpu.memory_space<hbm>> -> memref<10368x64xf32, #tpu.memory_space<hbm>>
    tpu.wait_indirect_dma semaphore(%arg15 : memref<!tpu.dma_semaphore, #tpu.memory_space<semaphore_mem>>) src(%dma_wait3A_1116 : memref<10368x64xf32, #tpu.memory_space<hbm>>) dst(%dma_wait3A_1110 : memref<72x64xf32, #tpu.memory_space<vmem>>)
    %dma_wait3A_1117 = arith.constant 12 : i32
    %dma_wait3A_1118 = arith.constant 864 : i32
    %dma_wait3A_1119 = arith.constant 0 : i32
    %dma_wait3A_1120 = tpu.memref_slice %arg11[%dma_wait3A_1118, %dma_wait3A_1119] : memref<1368x64xf32, #tpu.memory_space<vmem>> -> memref<72x64xf32, #tpu.memory_space<vmem>>
    %dma_wait3A_1121 = arith.constant 0 : i32
    %dma_wait3A_1122 = tpu.memref_slice %arg9[%dma_wait3A_1117, %dma_wait3A_1121] : memref<19x72xi32, #tpu.memory_space<vmem>> -> memref<1x72xi32, #tpu.memory_space<vmem>>
    %dma_wait3A_1123 = tpu.memref_squeeze %dma_wait3A_1122 : memref<1x72xi32, #tpu.memory_space<vmem>> -> memref<72xi32, #tpu.memory_space<vmem>>
    %dma_wait3A_1124 = arith.constant 0 : i32
    %dma_wait3A_1125 = arith.constant 0 : i32
    %dma_wait3A_1126 = tpu.memref_slice %arg4[%dma_wait3A_1124, %dma_wait3A_1125] : memref<10368x64xf32, #tpu.memory_space<hbm>> -> memref<10368x64xf32, #tpu.memory_space<hbm>>
    tpu.wait_indirect_dma semaphore(%arg15 : memref<!tpu.dma_semaphore, #tpu.memory_space<semaphore_mem>>) src(%dma_wait3A_1126 : memref<10368x64xf32, #tpu.memory_space<hbm>>) dst(%dma_wait3A_1120 : memref<72x64xf32, #tpu.memory_space<vmem>>)
    %dma_wait3A_1127 = arith.constant 13 : i32
    %dma_wait3A_1128 = arith.constant 936 : i32
    %dma_wait3A_1129 = arith.constant 0 : i32
    %dma_wait3A_1130 = tpu.memref_slice %arg11[%dma_wait3A_1128, %dma_wait3A_1129] : memref<1368x64xf32, #tpu.memory_space<vmem>> -> memref<72x64xf32, #tpu.memory_space<vmem>>
    %dma_wait3A_1131 = arith.constant 0 : i32
    %dma_wait3A_1132 = tpu.memref_slice %arg9[%dma_wait3A_1127, %dma_wait3A_1131] : memref<19x72xi32, #tpu.memory_space<vmem>> -> memref<1x72xi32, #tpu.memory_space<vmem>>
    %dma_wait3A_1133 = tpu.memref_squeeze %dma_wait3A_1132 : memref<1x72xi32, #tpu.memory_space<vmem>> -> memref<72xi32, #tpu.memory_space<vmem>>
    %dma_wait3A_1134 = arith.constant 0 : i32
    %dma_wait3A_1135 = arith.constant 0 : i32
    %dma_wait3A_1136 = tpu.memref_slice %arg4[%dma_wait3A_1134, %dma_wait3A_1135] : memref<10368x64xf32, #tpu.memory_space<hbm>> -> memref<10368x64xf32, #tpu.memory_space<hbm>>
    tpu.wait_indirect_dma semaphore(%arg15 : memref<!tpu.dma_semaphore, #tpu.memory_space<semaphore_mem>>) src(%dma_wait3A_1136 : memref<10368x64xf32, #tpu.memory_space<hbm>>) dst(%dma_wait3A_1130 : memref<72x64xf32, #tpu.memory_space<vmem>>)
    %dma_wait3A_1137 = arith.constant 14 : i32
    %dma_wait3A_1138 = arith.constant 1008 : i32
    %dma_wait3A_1139 = arith.constant 0 : i32
    %dma_wait3A_1140 = tpu.memref_slice %arg11[%dma_wait3A_1138, %dma_wait3A_1139] : memref<1368x64xf32, #tpu.memory_space<vmem>> -> memref<72x64xf32, #tpu.memory_space<vmem>>
    %dma_wait3A_1141 = arith.constant 0 : i32
    %dma_wait3A_1142 = tpu.memref_slice %arg9[%dma_wait3A_1137, %dma_wait3A_1141] : memref<19x72xi32, #tpu.memory_space<vmem>> -> memref<1x72xi32, #tpu.memory_space<vmem>>
    %dma_wait3A_1143 = tpu.memref_squeeze %dma_wait3A_1142 : memref<1x72xi32, #tpu.memory_space<vmem>> -> memref<72xi32, #tpu.memory_space<vmem>>
    %dma_wait3A_1144 = arith.constant 0 : i32
    %dma_wait3A_1145 = arith.constant 0 : i32
    %dma_wait3A_1146 = tpu.memref_slice %arg4[%dma_wait3A_1144, %dma_wait3A_1145] : memref<10368x64xf32, #tpu.memory_space<hbm>> -> memref<10368x64xf32, #tpu.memory_space<hbm>>
    tpu.wait_indirect_dma semaphore(%arg15 : memref<!tpu.dma_semaphore, #tpu.memory_space<semaphore_mem>>) src(%dma_wait3A_1146 : memref<10368x64xf32, #tpu.memory_space<hbm>>) dst(%dma_wait3A_1140 : memref<72x64xf32, #tpu.memory_space<vmem>>)
    %dma_wait3A_1147 = arith.constant 15 : i32
    %dma_wait3A_1148 = arith.constant 1080 : i32
    %dma_wait3A_1149 = arith.constant 0 : i32
    %dma_wait3A_1150 = tpu.memref_slice %arg11[%dma_wait3A_1148, %dma_wait3A_1149] : memref<1368x64xf32, #tpu.memory_space<vmem>> -> memref<72x64xf32, #tpu.memory_space<vmem>>
    %dma_wait3A_1151 = arith.constant 0 : i32
    %dma_wait3A_1152 = tpu.memref_slice %arg9[%dma_wait3A_1147, %dma_wait3A_1151] : memref<19x72xi32, #tpu.memory_space<vmem>> -> memref<1x72xi32, #tpu.memory_space<vmem>>
    %dma_wait3A_1153 = tpu.memref_squeeze %dma_wait3A_1152 : memref<1x72xi32, #tpu.memory_space<vmem>> -> memref<72xi32, #tpu.memory_space<vmem>>
    %dma_wait3A_1154 = arith.constant 0 : i32
    %dma_wait3A_1155 = arith.constant 0 : i32
    %dma_wait3A_1156 = tpu.memref_slice %arg4[%dma_wait3A_1154, %dma_wait3A_1155] : memref<10368x64xf32, #tpu.memory_space<hbm>> -> memref<10368x64xf32, #tpu.memory_space<hbm>>
    tpu.wait_indirect_dma semaphore(%arg15 : memref<!tpu.dma_semaphore, #tpu.memory_space<semaphore_mem>>) src(%dma_wait3A_1156 : memref<10368x64xf32, #tpu.memory_space<hbm>>) dst(%dma_wait3A_1150 : memref<72x64xf32, #tpu.memory_space<vmem>>)
    %dma_wait3A_1157 = arith.constant 16 : i32
    %dma_wait3A_1158 = arith.constant 1152 : i32
    %dma_wait3A_1159 = arith.constant 0 : i32
    %dma_wait3A_1160 = tpu.memref_slice %arg11[%dma_wait3A_1158, %dma_wait3A_1159] : memref<1368x64xf32, #tpu.memory_space<vmem>> -> memref<72x64xf32, #tpu.memory_space<vmem>>
    %dma_wait3A_1161 = arith.constant 0 : i32
    %dma_wait3A_1162 = tpu.memref_slice %arg9[%dma_wait3A_1157, %dma_wait3A_1161] : memref<19x72xi32, #tpu.memory_space<vmem>> -> memref<1x72xi32, #tpu.memory_space<vmem>>
    %dma_wait3A_1163 = tpu.memref_squeeze %dma_wait3A_1162 : memref<1x72xi32, #tpu.memory_space<vmem>> -> memref<72xi32, #tpu.memory_space<vmem>>
    %dma_wait3A_1164 = arith.constant 0 : i32
    %dma_wait3A_1165 = arith.constant 0 : i32
    %dma_wait3A_1166 = tpu.memref_slice %arg4[%dma_wait3A_1164, %dma_wait3A_1165] : memref<10368x64xf32, #tpu.memory_space<hbm>> -> memref<10368x64xf32, #tpu.memory_space<hbm>>
    tpu.wait_indirect_dma semaphore(%arg15 : memref<!tpu.dma_semaphore, #tpu.memory_space<semaphore_mem>>) src(%dma_wait3A_1166 : memref<10368x64xf32, #tpu.memory_space<hbm>>) dst(%dma_wait3A_1160 : memref<72x64xf32, #tpu.memory_space<vmem>>)
    %dma_wait3A_1167 = arith.constant 17 : i32
    %dma_wait3A_1168 = arith.constant 1224 : i32
    %dma_wait3A_1169 = arith.constant 0 : i32
    %dma_wait3A_1170 = tpu.memref_slice %arg11[%dma_wait3A_1168, %dma_wait3A_1169] : memref<1368x64xf32, #tpu.memory_space<vmem>> -> memref<72x64xf32, #tpu.memory_space<vmem>>
    %dma_wait3A_1171 = arith.constant 0 : i32
    %dma_wait3A_1172 = tpu.memref_slice %arg9[%dma_wait3A_1167, %dma_wait3A_1171] : memref<19x72xi32, #tpu.memory_space<vmem>> -> memref<1x72xi32, #tpu.memory_space<vmem>>
    %dma_wait3A_1173 = tpu.memref_squeeze %dma_wait3A_1172 : memref<1x72xi32, #tpu.memory_space<vmem>> -> memref<72xi32, #tpu.memory_space<vmem>>
    %dma_wait3A_1174 = arith.constant 0 : i32
    %dma_wait3A_1175 = arith.constant 0 : i32
    %dma_wait3A_1176 = tpu.memref_slice %arg4[%dma_wait3A_1174, %dma_wait3A_1175] : memref<10368x64xf32, #tpu.memory_space<hbm>> -> memref<10368x64xf32, #tpu.memory_space<hbm>>
    tpu.wait_indirect_dma semaphore(%arg15 : memref<!tpu.dma_semaphore, #tpu.memory_space<semaphore_mem>>) src(%dma_wait3A_1176 : memref<10368x64xf32, #tpu.memory_space<hbm>>) dst(%dma_wait3A_1170 : memref<72x64xf32, #tpu.memory_space<vmem>>)
    %dma_wait3A_1177 = arith.constant 18 : i32
    %dma_wait3A_1178 = arith.constant 1296 : i32
    %dma_wait3A_1179 = arith.constant 0 : i32
    %dma_wait3A_1180 = tpu.memref_slice %arg11[%dma_wait3A_1178, %dma_wait3A_1179] : memref<1368x64xf32, #tpu.memory_space<vmem>> -> memref<72x64xf32, #tpu.memory_space<vmem>>
    %dma_wait3A_1181 = arith.constant 0 : i32
    %dma_wait3A_1182 = tpu.memref_slice %arg9[%dma_wait3A_1177, %dma_wait3A_1181] : memref<19x72xi32, #tpu.memory_space<vmem>> -> memref<1x72xi32, #tpu.memory_space<vmem>>
    %dma_wait3A_1183 = tpu.memref_squeeze %dma_wait3A_1182 : memref<1x72xi32, #tpu.memory_space<vmem>> -> memref<72xi32, #tpu.memory_space<vmem>>
    %dma_wait3A_1184 = arith.constant 0 : i32
    %dma_wait3A_1185 = arith.constant 0 : i32
    %dma_wait3A_1186 = tpu.memref_slice %arg4[%dma_wait3A_1184, %dma_wait3A_1185] : memref<10368x64xf32, #tpu.memory_space<hbm>> -> memref<10368x64xf32, #tpu.memory_space<hbm>>
    tpu.wait_indirect_dma semaphore(%arg15 : memref<!tpu.dma_semaphore, #tpu.memory_space<semaphore_mem>>) src(%dma_wait3A_1186 : memref<10368x64xf32, #tpu.memory_space<hbm>>) dst(%dma_wait3A_1180 : memref<72x64xf32, #tpu.memory_space<vmem>>)
    %dma_start3A_1187 = arith.constant 0 : i32
    %dma_start3A_1188 = tpu.memref_slice %arg8[%mul3A_2, %dma_start3A_1187] : memref<43776x64xf32, #tpu.memory_space<hbm>> -> memref<1368x64xf32, #tpu.memory_space<hbm>>
    %dma_start3A_1189 = arith.constant 0 : i32
    %dma_start3A_1190 = tpu.memref_slice %arg8[%mul3A_2, %dma_start3A_1189] : memref<43776x64xf32, #tpu.memory_space<hbm>> -> memref<1368x64xf32, #tpu.memory_space<hbm>>
    tpu.enqueue_dma source(%arg11 : memref<1368x64xf32, #tpu.memory_space<vmem>>) target(%dma_start3A_1190 : memref<1368x64xf32, #tpu.memory_space<hbm>>) target_semaphore(%arg15 : memref<!tpu.dma_semaphore, #tpu.memory_space<semaphore_mem>>)
    %dma_wait3A_1191 = arith.constant 0 : i32
    %dma_wait3A_1192 = tpu.memref_slice %arg6[%mul3A_2, %dma_wait3A_1191] : memref<43776x16xf32, #tpu.memory_space<hbm>> -> memref<1368x16xf32, #tpu.memory_space<hbm>>
    %dma_wait3A_1193 = arith.constant 0 : i32
    %dma_wait3A_1194 = tpu.memref_slice %arg6[%mul3A_2, %dma_wait3A_1193] : memref<43776x16xf32, #tpu.memory_space<hbm>> -> memref<1368x16xf32, #tpu.memory_space<hbm>>
    tpu.wait_dma2 semaphore(%arg12 : memref<!tpu.dma_semaphore, #tpu.memory_space<semaphore_mem>>) src(%arg10 : memref<1368x16xf32, #tpu.memory_space<vmem>>) dst(%dma_wait3A_1194 : memref<1368x16xf32, #tpu.memory_space<hbm>>)
    %dma_wait3A_1195 = arith.constant 0 : i32
    %dma_wait3A_1196 = tpu.memref_slice %arg8[%mul3A_2, %dma_wait3A_1195] : memref<43776x64xf32, #tpu.memory_space<hbm>> -> memref<1368x64xf32, #tpu.memory_space<hbm>>
    %dma_wait3A_1197 = arith.constant 0 : i32
    %dma_wait3A_1198 = tpu.memref_slice %arg8[%mul3A_2, %dma_wait3A_1197] : memref<43776x64xf32, #tpu.memory_space<hbm>> -> memref<1368x64xf32, #tpu.memory_space<hbm>>
    tpu.wait_dma2 semaphore(%arg15 : memref<!tpu.dma_semaphore, #tpu.memory_space<semaphore_mem>>) src(%arg11 : memref<1368x64xf32, #tpu.memory_space<vmem>>) dst(%dma_wait3A_1198 : memref<1368x64xf32, #tpu.memory_space<hbm>>)
    return
  }
}

#map = affine_map<(d0, d1) -> (0, 0)>
#map1 = affine_map<(d0, d1) -> (0, 0, 0)>
module attributes {stable_mosaic.version = 14 : i64} {
  func.func @scatter1(%arg0: i32, %arg1: i32, %arg2: memref<41472x80xf32, #tpu.memory_space<hbm>>, %arg3: memref<32x18x72xi32, #tpu.memory_space<hbm>>, %arg4: memref<41472x80xf32, #tpu.memory_space<hbm>>, %arg5: memref<18x72xi32, #tpu.memory_space<vmem>>, %arg6: memref<1296x80xf32, #tpu.memory_space<vmem>>, %arg7: memref<!tpu.dma_semaphore, #tpu.memory_space<semaphore_mem>>) attributes {dimension_semantics = [#tpu.dimension_semantics<core_parallel>, #tpu.dimension_semantics<subcore_parallel>], iteration_bounds = array<i64: 2, 16>, scalar_prefetch = 0 : i64, scratch_operands = 3 : i64, tpu.core_type = #tpu.core_type<sc_vector_subcore>, window_params = [{transform_indices = #map}, {transform_indices = #map1}, {transform_indices = #map}]} {
    %mul3A = arith.constant 2 : i32
    %mul3A_0 = arith.muli %arg1, %mul3A : i32
    %add3A = arith.addi %mul3A_0, %arg0 : i32
    %mul3A_1 = arith.constant 1296 : i32
    %mul3A_2 = arith.muli %add3A, %mul3A_1 : i32
    "tpu.region"() ({
      %run_scoped3A = tpu.sem_alloc : memref<!tpu.dma_semaphore, #tpu.memory_space<semaphore_mem>>
      %dma_start3A_361 = arith.constant 0 : i32
      %dma_start3A_362 = arith.constant 0 : i32
      %dma_start3A_363 = tpu.memref_slice %arg3[%add3A, %dma_start3A_361, %dma_start3A_362] : memref<32x18x72xi32, #tpu.memory_space<hbm>> -> memref<1x18x72xi32, #tpu.memory_space<hbm>>
      %dma_start3A_364 = tpu.memref_squeeze %dma_start3A_363 : memref<1x18x72xi32, #tpu.memory_space<hbm>> -> memref<18x72xi32, #tpu.memory_space<hbm>>
      %dma_start3A_365 = arith.constant 0 : i32
      %dma_start3A_366 = arith.constant 0 : i32
      %dma_start3A_367 = tpu.memref_slice %arg3[%add3A, %dma_start3A_365, %dma_start3A_366] : memref<32x18x72xi32, #tpu.memory_space<hbm>> -> memref<1x18x72xi32, #tpu.memory_space<hbm>>
      %dma_start3A_368 = tpu.memref_squeeze %dma_start3A_367 : memref<1x18x72xi32, #tpu.memory_space<hbm>> -> memref<18x72xi32, #tpu.memory_space<hbm>>
      tpu.enqueue_dma source(%dma_start3A_368 : memref<18x72xi32, #tpu.memory_space<hbm>>) target(%arg5 : memref<18x72xi32, #tpu.memory_space<vmem>>) target_semaphore(%run_scoped3A : memref<!tpu.dma_semaphore, #tpu.memory_space<semaphore_mem>>)
      %dma_wait3A_369 = arith.constant 0 : i32
      %dma_wait3A_370 = arith.constant 0 : i32
      %dma_wait3A_371 = tpu.memref_slice %arg3[%add3A, %dma_wait3A_369, %dma_wait3A_370] : memref<32x18x72xi32, #tpu.memory_space<hbm>> -> memref<1x18x72xi32, #tpu.memory_space<hbm>>
      %dma_wait3A_372 = tpu.memref_squeeze %dma_wait3A_371 : memref<1x18x72xi32, #tpu.memory_space<hbm>> -> memref<18x72xi32, #tpu.memory_space<hbm>>
      %dma_wait3A_373 = arith.constant 0 : i32
      %dma_wait3A_374 = arith.constant 0 : i32
      %dma_wait3A_375 = tpu.memref_slice %arg3[%add3A, %dma_wait3A_373, %dma_wait3A_374] : memref<32x18x72xi32, #tpu.memory_space<hbm>> -> memref<1x18x72xi32, #tpu.memory_space<hbm>>
      %dma_wait3A_376 = tpu.memref_squeeze %dma_wait3A_375 : memref<1x18x72xi32, #tpu.memory_space<hbm>> -> memref<18x72xi32, #tpu.memory_space<hbm>>
      tpu.wait_dma2 semaphore(%run_scoped3A : memref<!tpu.dma_semaphore, #tpu.memory_space<semaphore_mem>>) src(%dma_wait3A_376 : memref<18x72xi32, #tpu.memory_space<hbm>>) dst(%arg5 : memref<18x72xi32, #tpu.memory_space<vmem>>)
      tpu.yield
    }) : () -> ()
    "tpu.region"() ({
      %run_scoped3A = tpu.sem_alloc : memref<!tpu.dma_semaphore, #tpu.memory_space<semaphore_mem>>
      %dma_start3A_361 = arith.constant 0 : i32
      %dma_start3A_362 = tpu.memref_slice %arg2[%mul3A_2, %dma_start3A_361] : memref<41472x80xf32, #tpu.memory_space<hbm>> -> memref<1296x80xf32, #tpu.memory_space<hbm>>
      %dma_start3A_363 = arith.constant 0 : i32
      %dma_start3A_364 = tpu.memref_slice %arg2[%mul3A_2, %dma_start3A_363] : memref<41472x80xf32, #tpu.memory_space<hbm>> -> memref<1296x80xf32, #tpu.memory_space<hbm>>
      tpu.enqueue_dma source(%dma_start3A_364 : memref<1296x80xf32, #tpu.memory_space<hbm>>) target(%arg6 : memref<1296x80xf32, #tpu.memory_space<vmem>>) target_semaphore(%run_scoped3A : memref<!tpu.dma_semaphore, #tpu.memory_space<semaphore_mem>>)
      %dma_wait3A_365 = arith.constant 0 : i32
      %dma_wait3A_366 = tpu.memref_slice %arg2[%mul3A_2, %dma_wait3A_365] : memref<41472x80xf32, #tpu.memory_space<hbm>> -> memref<1296x80xf32, #tpu.memory_space<hbm>>
      %dma_wait3A_367 = arith.constant 0 : i32
      %dma_wait3A_368 = tpu.memref_slice %arg2[%mul3A_2, %dma_wait3A_367] : memref<41472x80xf32, #tpu.memory_space<hbm>> -> memref<1296x80xf32, #tpu.memory_space<hbm>>
      tpu.wait_dma2 semaphore(%run_scoped3A : memref<!tpu.dma_semaphore, #tpu.memory_space<semaphore_mem>>) src(%dma_wait3A_368 : memref<1296x80xf32, #tpu.memory_space<hbm>>) dst(%arg6 : memref<1296x80xf32, #tpu.memory_space<vmem>>)
      tpu.yield
    }) : () -> ()
    %dma_start3A = arith.constant 0 : i32
    %dma_start3A_3 = arith.constant 0 : i32
    %dma_start3A_4 = arith.constant 0 : i32
    %dma_start3A_5 = tpu.memref_slice %arg6[%dma_start3A_3, %dma_start3A_4] : memref<1296x80xf32, #tpu.memory_space<vmem>> -> memref<72x80xf32, #tpu.memory_space<vmem>>
    %dma_start3A_6 = arith.constant 0 : i32
    %dma_start3A_7 = tpu.memref_slice %arg5[%dma_start3A, %dma_start3A_6] : memref<18x72xi32, #tpu.memory_space<vmem>> -> memref<1x72xi32, #tpu.memory_space<vmem>>
    %dma_start3A_8 = tpu.memref_squeeze %dma_start3A_7 : memref<1x72xi32, #tpu.memory_space<vmem>> -> memref<72xi32, #tpu.memory_space<vmem>>
    %dma_start3A_9 = arith.constant 0 : i32
    %dma_start3A_10 = arith.constant 0 : i32
    %dma_start3A_11 = tpu.memref_slice %arg4[%dma_start3A_9, %dma_start3A_10] : memref<41472x80xf32, #tpu.memory_space<hbm>> -> memref<41472x80xf32, #tpu.memory_space<hbm>>
    tpu.enqueue_indirect_dma source(%dma_start3A_5 : memref<72x80xf32, #tpu.memory_space<vmem>>) target(%dma_start3A_11 : memref<41472x80xf32, #tpu.memory_space<hbm>>) offsets(%dma_start3A_8 : memref<72xi32, #tpu.memory_space<vmem>>) semaphore(%arg7 : memref<!tpu.dma_semaphore, #tpu.memory_space<semaphore_mem>>)
    %dma_start3A_12 = arith.constant 1 : i32
    %dma_start3A_13 = arith.constant 72 : i32
    %dma_start3A_14 = arith.constant 0 : i32
    %dma_start3A_15 = tpu.memref_slice %arg6[%dma_start3A_13, %dma_start3A_14] : memref<1296x80xf32, #tpu.memory_space<vmem>> -> memref<72x80xf32, #tpu.memory_space<vmem>>
    %dma_start3A_16 = arith.constant 0 : i32
    %dma_start3A_17 = tpu.memref_slice %arg5[%dma_start3A_12, %dma_start3A_16] : memref<18x72xi32, #tpu.memory_space<vmem>> -> memref<1x72xi32, #tpu.memory_space<vmem>>
    %dma_start3A_18 = tpu.memref_squeeze %dma_start3A_17 : memref<1x72xi32, #tpu.memory_space<vmem>> -> memref<72xi32, #tpu.memory_space<vmem>>
    %dma_start3A_19 = arith.constant 0 : i32
    %dma_start3A_20 = arith.constant 0 : i32
    %dma_start3A_21 = tpu.memref_slice %arg4[%dma_start3A_19, %dma_start3A_20] : memref<41472x80xf32, #tpu.memory_space<hbm>> -> memref<41472x80xf32, #tpu.memory_space<hbm>>
    tpu.enqueue_indirect_dma source(%dma_start3A_15 : memref<72x80xf32, #tpu.memory_space<vmem>>) target(%dma_start3A_21 : memref<41472x80xf32, #tpu.memory_space<hbm>>) offsets(%dma_start3A_18 : memref<72xi32, #tpu.memory_space<vmem>>) semaphore(%arg7 : memref<!tpu.dma_semaphore, #tpu.memory_space<semaphore_mem>>)
    %dma_start3A_22 = arith.constant 2 : i32
    %dma_start3A_23 = arith.constant 144 : i32
    %dma_start3A_24 = arith.constant 0 : i32
    %dma_start3A_25 = tpu.memref_slice %arg6[%dma_start3A_23, %dma_start3A_24] : memref<1296x80xf32, #tpu.memory_space<vmem>> -> memref<72x80xf32, #tpu.memory_space<vmem>>
    %dma_start3A_26 = arith.constant 0 : i32
    %dma_start3A_27 = tpu.memref_slice %arg5[%dma_start3A_22, %dma_start3A_26] : memref<18x72xi32, #tpu.memory_space<vmem>> -> memref<1x72xi32, #tpu.memory_space<vmem>>
    %dma_start3A_28 = tpu.memref_squeeze %dma_start3A_27 : memref<1x72xi32, #tpu.memory_space<vmem>> -> memref<72xi32, #tpu.memory_space<vmem>>
    %dma_start3A_29 = arith.constant 0 : i32
    %dma_start3A_30 = arith.constant 0 : i32
    %dma_start3A_31 = tpu.memref_slice %arg4[%dma_start3A_29, %dma_start3A_30] : memref<41472x80xf32, #tpu.memory_space<hbm>> -> memref<41472x80xf32, #tpu.memory_space<hbm>>
    tpu.enqueue_indirect_dma source(%dma_start3A_25 : memref<72x80xf32, #tpu.memory_space<vmem>>) target(%dma_start3A_31 : memref<41472x80xf32, #tpu.memory_space<hbm>>) offsets(%dma_start3A_28 : memref<72xi32, #tpu.memory_space<vmem>>) semaphore(%arg7 : memref<!tpu.dma_semaphore, #tpu.memory_space<semaphore_mem>>)
    %dma_start3A_32 = arith.constant 3 : i32
    %dma_start3A_33 = arith.constant 216 : i32
    %dma_start3A_34 = arith.constant 0 : i32
    %dma_start3A_35 = tpu.memref_slice %arg6[%dma_start3A_33, %dma_start3A_34] : memref<1296x80xf32, #tpu.memory_space<vmem>> -> memref<72x80xf32, #tpu.memory_space<vmem>>
    %dma_start3A_36 = arith.constant 0 : i32
    %dma_start3A_37 = tpu.memref_slice %arg5[%dma_start3A_32, %dma_start3A_36] : memref<18x72xi32, #tpu.memory_space<vmem>> -> memref<1x72xi32, #tpu.memory_space<vmem>>
    %dma_start3A_38 = tpu.memref_squeeze %dma_start3A_37 : memref<1x72xi32, #tpu.memory_space<vmem>> -> memref<72xi32, #tpu.memory_space<vmem>>
    %dma_start3A_39 = arith.constant 0 : i32
    %dma_start3A_40 = arith.constant 0 : i32
    %dma_start3A_41 = tpu.memref_slice %arg4[%dma_start3A_39, %dma_start3A_40] : memref<41472x80xf32, #tpu.memory_space<hbm>> -> memref<41472x80xf32, #tpu.memory_space<hbm>>
    tpu.enqueue_indirect_dma source(%dma_start3A_35 : memref<72x80xf32, #tpu.memory_space<vmem>>) target(%dma_start3A_41 : memref<41472x80xf32, #tpu.memory_space<hbm>>) offsets(%dma_start3A_38 : memref<72xi32, #tpu.memory_space<vmem>>) semaphore(%arg7 : memref<!tpu.dma_semaphore, #tpu.memory_space<semaphore_mem>>)
    %dma_start3A_42 = arith.constant 4 : i32
    %dma_start3A_43 = arith.constant 288 : i32
    %dma_start3A_44 = arith.constant 0 : i32
    %dma_start3A_45 = tpu.memref_slice %arg6[%dma_start3A_43, %dma_start3A_44] : memref<1296x80xf32, #tpu.memory_space<vmem>> -> memref<72x80xf32, #tpu.memory_space<vmem>>
    %dma_start3A_46 = arith.constant 0 : i32
    %dma_start3A_47 = tpu.memref_slice %arg5[%dma_start3A_42, %dma_start3A_46] : memref<18x72xi32, #tpu.memory_space<vmem>> -> memref<1x72xi32, #tpu.memory_space<vmem>>
    %dma_start3A_48 = tpu.memref_squeeze %dma_start3A_47 : memref<1x72xi32, #tpu.memory_space<vmem>> -> memref<72xi32, #tpu.memory_space<vmem>>
    %dma_start3A_49 = arith.constant 0 : i32
    %dma_start3A_50 = arith.constant 0 : i32
    %dma_start3A_51 = tpu.memref_slice %arg4[%dma_start3A_49, %dma_start3A_50] : memref<41472x80xf32, #tpu.memory_space<hbm>> -> memref<41472x80xf32, #tpu.memory_space<hbm>>
    tpu.enqueue_indirect_dma source(%dma_start3A_45 : memref<72x80xf32, #tpu.memory_space<vmem>>) target(%dma_start3A_51 : memref<41472x80xf32, #tpu.memory_space<hbm>>) offsets(%dma_start3A_48 : memref<72xi32, #tpu.memory_space<vmem>>) semaphore(%arg7 : memref<!tpu.dma_semaphore, #tpu.memory_space<semaphore_mem>>)
    %dma_start3A_52 = arith.constant 5 : i32
    %dma_start3A_53 = arith.constant 360 : i32
    %dma_start3A_54 = arith.constant 0 : i32
    %dma_start3A_55 = tpu.memref_slice %arg6[%dma_start3A_53, %dma_start3A_54] : memref<1296x80xf32, #tpu.memory_space<vmem>> -> memref<72x80xf32, #tpu.memory_space<vmem>>
    %dma_start3A_56 = arith.constant 0 : i32
    %dma_start3A_57 = tpu.memref_slice %arg5[%dma_start3A_52, %dma_start3A_56] : memref<18x72xi32, #tpu.memory_space<vmem>> -> memref<1x72xi32, #tpu.memory_space<vmem>>
    %dma_start3A_58 = tpu.memref_squeeze %dma_start3A_57 : memref<1x72xi32, #tpu.memory_space<vmem>> -> memref<72xi32, #tpu.memory_space<vmem>>
    %dma_start3A_59 = arith.constant 0 : i32
    %dma_start3A_60 = arith.constant 0 : i32
    %dma_start3A_61 = tpu.memref_slice %arg4[%dma_start3A_59, %dma_start3A_60] : memref<41472x80xf32, #tpu.memory_space<hbm>> -> memref<41472x80xf32, #tpu.memory_space<hbm>>
    tpu.enqueue_indirect_dma source(%dma_start3A_55 : memref<72x80xf32, #tpu.memory_space<vmem>>) target(%dma_start3A_61 : memref<41472x80xf32, #tpu.memory_space<hbm>>) offsets(%dma_start3A_58 : memref<72xi32, #tpu.memory_space<vmem>>) semaphore(%arg7 : memref<!tpu.dma_semaphore, #tpu.memory_space<semaphore_mem>>)
    %dma_start3A_62 = arith.constant 6 : i32
    %dma_start3A_63 = arith.constant 432 : i32
    %dma_start3A_64 = arith.constant 0 : i32
    %dma_start3A_65 = tpu.memref_slice %arg6[%dma_start3A_63, %dma_start3A_64] : memref<1296x80xf32, #tpu.memory_space<vmem>> -> memref<72x80xf32, #tpu.memory_space<vmem>>
    %dma_start3A_66 = arith.constant 0 : i32
    %dma_start3A_67 = tpu.memref_slice %arg5[%dma_start3A_62, %dma_start3A_66] : memref<18x72xi32, #tpu.memory_space<vmem>> -> memref<1x72xi32, #tpu.memory_space<vmem>>
    %dma_start3A_68 = tpu.memref_squeeze %dma_start3A_67 : memref<1x72xi32, #tpu.memory_space<vmem>> -> memref<72xi32, #tpu.memory_space<vmem>>
    %dma_start3A_69 = arith.constant 0 : i32
    %dma_start3A_70 = arith.constant 0 : i32
    %dma_start3A_71 = tpu.memref_slice %arg4[%dma_start3A_69, %dma_start3A_70] : memref<41472x80xf32, #tpu.memory_space<hbm>> -> memref<41472x80xf32, #tpu.memory_space<hbm>>
    tpu.enqueue_indirect_dma source(%dma_start3A_65 : memref<72x80xf32, #tpu.memory_space<vmem>>) target(%dma_start3A_71 : memref<41472x80xf32, #tpu.memory_space<hbm>>) offsets(%dma_start3A_68 : memref<72xi32, #tpu.memory_space<vmem>>) semaphore(%arg7 : memref<!tpu.dma_semaphore, #tpu.memory_space<semaphore_mem>>)
    %dma_start3A_72 = arith.constant 7 : i32
    %dma_start3A_73 = arith.constant 504 : i32
    %dma_start3A_74 = arith.constant 0 : i32
    %dma_start3A_75 = tpu.memref_slice %arg6[%dma_start3A_73, %dma_start3A_74] : memref<1296x80xf32, #tpu.memory_space<vmem>> -> memref<72x80xf32, #tpu.memory_space<vmem>>
    %dma_start3A_76 = arith.constant 0 : i32
    %dma_start3A_77 = tpu.memref_slice %arg5[%dma_start3A_72, %dma_start3A_76] : memref<18x72xi32, #tpu.memory_space<vmem>> -> memref<1x72xi32, #tpu.memory_space<vmem>>
    %dma_start3A_78 = tpu.memref_squeeze %dma_start3A_77 : memref<1x72xi32, #tpu.memory_space<vmem>> -> memref<72xi32, #tpu.memory_space<vmem>>
    %dma_start3A_79 = arith.constant 0 : i32
    %dma_start3A_80 = arith.constant 0 : i32
    %dma_start3A_81 = tpu.memref_slice %arg4[%dma_start3A_79, %dma_start3A_80] : memref<41472x80xf32, #tpu.memory_space<hbm>> -> memref<41472x80xf32, #tpu.memory_space<hbm>>
    tpu.enqueue_indirect_dma source(%dma_start3A_75 : memref<72x80xf32, #tpu.memory_space<vmem>>) target(%dma_start3A_81 : memref<41472x80xf32, #tpu.memory_space<hbm>>) offsets(%dma_start3A_78 : memref<72xi32, #tpu.memory_space<vmem>>) semaphore(%arg7 : memref<!tpu.dma_semaphore, #tpu.memory_space<semaphore_mem>>)
    %dma_start3A_82 = arith.constant 8 : i32
    %dma_start3A_83 = arith.constant 576 : i32
    %dma_start3A_84 = arith.constant 0 : i32
    %dma_start3A_85 = tpu.memref_slice %arg6[%dma_start3A_83, %dma_start3A_84] : memref<1296x80xf32, #tpu.memory_space<vmem>> -> memref<72x80xf32, #tpu.memory_space<vmem>>
    %dma_start3A_86 = arith.constant 0 : i32
    %dma_start3A_87 = tpu.memref_slice %arg5[%dma_start3A_82, %dma_start3A_86] : memref<18x72xi32, #tpu.memory_space<vmem>> -> memref<1x72xi32, #tpu.memory_space<vmem>>
    %dma_start3A_88 = tpu.memref_squeeze %dma_start3A_87 : memref<1x72xi32, #tpu.memory_space<vmem>> -> memref<72xi32, #tpu.memory_space<vmem>>
    %dma_start3A_89 = arith.constant 0 : i32
    %dma_start3A_90 = arith.constant 0 : i32
    %dma_start3A_91 = tpu.memref_slice %arg4[%dma_start3A_89, %dma_start3A_90] : memref<41472x80xf32, #tpu.memory_space<hbm>> -> memref<41472x80xf32, #tpu.memory_space<hbm>>
    tpu.enqueue_indirect_dma source(%dma_start3A_85 : memref<72x80xf32, #tpu.memory_space<vmem>>) target(%dma_start3A_91 : memref<41472x80xf32, #tpu.memory_space<hbm>>) offsets(%dma_start3A_88 : memref<72xi32, #tpu.memory_space<vmem>>) semaphore(%arg7 : memref<!tpu.dma_semaphore, #tpu.memory_space<semaphore_mem>>)
    %dma_start3A_92 = arith.constant 9 : i32
    %dma_start3A_93 = arith.constant 648 : i32
    %dma_start3A_94 = arith.constant 0 : i32
    %dma_start3A_95 = tpu.memref_slice %arg6[%dma_start3A_93, %dma_start3A_94] : memref<1296x80xf32, #tpu.memory_space<vmem>> -> memref<72x80xf32, #tpu.memory_space<vmem>>
    %dma_start3A_96 = arith.constant 0 : i32
    %dma_start3A_97 = tpu.memref_slice %arg5[%dma_start3A_92, %dma_start3A_96] : memref<18x72xi32, #tpu.memory_space<vmem>> -> memref<1x72xi32, #tpu.memory_space<vmem>>
    %dma_start3A_98 = tpu.memref_squeeze %dma_start3A_97 : memref<1x72xi32, #tpu.memory_space<vmem>> -> memref<72xi32, #tpu.memory_space<vmem>>
    %dma_start3A_99 = arith.constant 0 : i32
    %dma_start3A_100 = arith.constant 0 : i32
    %dma_start3A_101 = tpu.memref_slice %arg4[%dma_start3A_99, %dma_start3A_100] : memref<41472x80xf32, #tpu.memory_space<hbm>> -> memref<41472x80xf32, #tpu.memory_space<hbm>>
    tpu.enqueue_indirect_dma source(%dma_start3A_95 : memref<72x80xf32, #tpu.memory_space<vmem>>) target(%dma_start3A_101 : memref<41472x80xf32, #tpu.memory_space<hbm>>) offsets(%dma_start3A_98 : memref<72xi32, #tpu.memory_space<vmem>>) semaphore(%arg7 : memref<!tpu.dma_semaphore, #tpu.memory_space<semaphore_mem>>)
    %dma_start3A_102 = arith.constant 10 : i32
    %dma_start3A_103 = arith.constant 720 : i32
    %dma_start3A_104 = arith.constant 0 : i32
    %dma_start3A_105 = tpu.memref_slice %arg6[%dma_start3A_103, %dma_start3A_104] : memref<1296x80xf32, #tpu.memory_space<vmem>> -> memref<72x80xf32, #tpu.memory_space<vmem>>
    %dma_start3A_106 = arith.constant 0 : i32
    %dma_start3A_107 = tpu.memref_slice %arg5[%dma_start3A_102, %dma_start3A_106] : memref<18x72xi32, #tpu.memory_space<vmem>> -> memref<1x72xi32, #tpu.memory_space<vmem>>
    %dma_start3A_108 = tpu.memref_squeeze %dma_start3A_107 : memref<1x72xi32, #tpu.memory_space<vmem>> -> memref<72xi32, #tpu.memory_space<vmem>>
    %dma_start3A_109 = arith.constant 0 : i32
    %dma_start3A_110 = arith.constant 0 : i32
    %dma_start3A_111 = tpu.memref_slice %arg4[%dma_start3A_109, %dma_start3A_110] : memref<41472x80xf32, #tpu.memory_space<hbm>> -> memref<41472x80xf32, #tpu.memory_space<hbm>>
    tpu.enqueue_indirect_dma source(%dma_start3A_105 : memref<72x80xf32, #tpu.memory_space<vmem>>) target(%dma_start3A_111 : memref<41472x80xf32, #tpu.memory_space<hbm>>) offsets(%dma_start3A_108 : memref<72xi32, #tpu.memory_space<vmem>>) semaphore(%arg7 : memref<!tpu.dma_semaphore, #tpu.memory_space<semaphore_mem>>)
    %dma_start3A_112 = arith.constant 11 : i32
    %dma_start3A_113 = arith.constant 792 : i32
    %dma_start3A_114 = arith.constant 0 : i32
    %dma_start3A_115 = tpu.memref_slice %arg6[%dma_start3A_113, %dma_start3A_114] : memref<1296x80xf32, #tpu.memory_space<vmem>> -> memref<72x80xf32, #tpu.memory_space<vmem>>
    %dma_start3A_116 = arith.constant 0 : i32
    %dma_start3A_117 = tpu.memref_slice %arg5[%dma_start3A_112, %dma_start3A_116] : memref<18x72xi32, #tpu.memory_space<vmem>> -> memref<1x72xi32, #tpu.memory_space<vmem>>
    %dma_start3A_118 = tpu.memref_squeeze %dma_start3A_117 : memref<1x72xi32, #tpu.memory_space<vmem>> -> memref<72xi32, #tpu.memory_space<vmem>>
    %dma_start3A_119 = arith.constant 0 : i32
    %dma_start3A_120 = arith.constant 0 : i32
    %dma_start3A_121 = tpu.memref_slice %arg4[%dma_start3A_119, %dma_start3A_120] : memref<41472x80xf32, #tpu.memory_space<hbm>> -> memref<41472x80xf32, #tpu.memory_space<hbm>>
    tpu.enqueue_indirect_dma source(%dma_start3A_115 : memref<72x80xf32, #tpu.memory_space<vmem>>) target(%dma_start3A_121 : memref<41472x80xf32, #tpu.memory_space<hbm>>) offsets(%dma_start3A_118 : memref<72xi32, #tpu.memory_space<vmem>>) semaphore(%arg7 : memref<!tpu.dma_semaphore, #tpu.memory_space<semaphore_mem>>)
    %dma_start3A_122 = arith.constant 12 : i32
    %dma_start3A_123 = arith.constant 864 : i32
    %dma_start3A_124 = arith.constant 0 : i32
    %dma_start3A_125 = tpu.memref_slice %arg6[%dma_start3A_123, %dma_start3A_124] : memref<1296x80xf32, #tpu.memory_space<vmem>> -> memref<72x80xf32, #tpu.memory_space<vmem>>
    %dma_start3A_126 = arith.constant 0 : i32
    %dma_start3A_127 = tpu.memref_slice %arg5[%dma_start3A_122, %dma_start3A_126] : memref<18x72xi32, #tpu.memory_space<vmem>> -> memref<1x72xi32, #tpu.memory_space<vmem>>
    %dma_start3A_128 = tpu.memref_squeeze %dma_start3A_127 : memref<1x72xi32, #tpu.memory_space<vmem>> -> memref<72xi32, #tpu.memory_space<vmem>>
    %dma_start3A_129 = arith.constant 0 : i32
    %dma_start3A_130 = arith.constant 0 : i32
    %dma_start3A_131 = tpu.memref_slice %arg4[%dma_start3A_129, %dma_start3A_130] : memref<41472x80xf32, #tpu.memory_space<hbm>> -> memref<41472x80xf32, #tpu.memory_space<hbm>>
    tpu.enqueue_indirect_dma source(%dma_start3A_125 : memref<72x80xf32, #tpu.memory_space<vmem>>) target(%dma_start3A_131 : memref<41472x80xf32, #tpu.memory_space<hbm>>) offsets(%dma_start3A_128 : memref<72xi32, #tpu.memory_space<vmem>>) semaphore(%arg7 : memref<!tpu.dma_semaphore, #tpu.memory_space<semaphore_mem>>)
    %dma_start3A_132 = arith.constant 13 : i32
    %dma_start3A_133 = arith.constant 936 : i32
    %dma_start3A_134 = arith.constant 0 : i32
    %dma_start3A_135 = tpu.memref_slice %arg6[%dma_start3A_133, %dma_start3A_134] : memref<1296x80xf32, #tpu.memory_space<vmem>> -> memref<72x80xf32, #tpu.memory_space<vmem>>
    %dma_start3A_136 = arith.constant 0 : i32
    %dma_start3A_137 = tpu.memref_slice %arg5[%dma_start3A_132, %dma_start3A_136] : memref<18x72xi32, #tpu.memory_space<vmem>> -> memref<1x72xi32, #tpu.memory_space<vmem>>
    %dma_start3A_138 = tpu.memref_squeeze %dma_start3A_137 : memref<1x72xi32, #tpu.memory_space<vmem>> -> memref<72xi32, #tpu.memory_space<vmem>>
    %dma_start3A_139 = arith.constant 0 : i32
    %dma_start3A_140 = arith.constant 0 : i32
    %dma_start3A_141 = tpu.memref_slice %arg4[%dma_start3A_139, %dma_start3A_140] : memref<41472x80xf32, #tpu.memory_space<hbm>> -> memref<41472x80xf32, #tpu.memory_space<hbm>>
    tpu.enqueue_indirect_dma source(%dma_start3A_135 : memref<72x80xf32, #tpu.memory_space<vmem>>) target(%dma_start3A_141 : memref<41472x80xf32, #tpu.memory_space<hbm>>) offsets(%dma_start3A_138 : memref<72xi32, #tpu.memory_space<vmem>>) semaphore(%arg7 : memref<!tpu.dma_semaphore, #tpu.memory_space<semaphore_mem>>)
    %dma_start3A_142 = arith.constant 14 : i32
    %dma_start3A_143 = arith.constant 1008 : i32
    %dma_start3A_144 = arith.constant 0 : i32
    %dma_start3A_145 = tpu.memref_slice %arg6[%dma_start3A_143, %dma_start3A_144] : memref<1296x80xf32, #tpu.memory_space<vmem>> -> memref<72x80xf32, #tpu.memory_space<vmem>>
    %dma_start3A_146 = arith.constant 0 : i32
    %dma_start3A_147 = tpu.memref_slice %arg5[%dma_start3A_142, %dma_start3A_146] : memref<18x72xi32, #tpu.memory_space<vmem>> -> memref<1x72xi32, #tpu.memory_space<vmem>>
    %dma_start3A_148 = tpu.memref_squeeze %dma_start3A_147 : memref<1x72xi32, #tpu.memory_space<vmem>> -> memref<72xi32, #tpu.memory_space<vmem>>
    %dma_start3A_149 = arith.constant 0 : i32
    %dma_start3A_150 = arith.constant 0 : i32
    %dma_start3A_151 = tpu.memref_slice %arg4[%dma_start3A_149, %dma_start3A_150] : memref<41472x80xf32, #tpu.memory_space<hbm>> -> memref<41472x80xf32, #tpu.memory_space<hbm>>
    tpu.enqueue_indirect_dma source(%dma_start3A_145 : memref<72x80xf32, #tpu.memory_space<vmem>>) target(%dma_start3A_151 : memref<41472x80xf32, #tpu.memory_space<hbm>>) offsets(%dma_start3A_148 : memref<72xi32, #tpu.memory_space<vmem>>) semaphore(%arg7 : memref<!tpu.dma_semaphore, #tpu.memory_space<semaphore_mem>>)
    %dma_start3A_152 = arith.constant 15 : i32
    %dma_start3A_153 = arith.constant 1080 : i32
    %dma_start3A_154 = arith.constant 0 : i32
    %dma_start3A_155 = tpu.memref_slice %arg6[%dma_start3A_153, %dma_start3A_154] : memref<1296x80xf32, #tpu.memory_space<vmem>> -> memref<72x80xf32, #tpu.memory_space<vmem>>
    %dma_start3A_156 = arith.constant 0 : i32
    %dma_start3A_157 = tpu.memref_slice %arg5[%dma_start3A_152, %dma_start3A_156] : memref<18x72xi32, #tpu.memory_space<vmem>> -> memref<1x72xi32, #tpu.memory_space<vmem>>
    %dma_start3A_158 = tpu.memref_squeeze %dma_start3A_157 : memref<1x72xi32, #tpu.memory_space<vmem>> -> memref<72xi32, #tpu.memory_space<vmem>>
    %dma_start3A_159 = arith.constant 0 : i32
    %dma_start3A_160 = arith.constant 0 : i32
    %dma_start3A_161 = tpu.memref_slice %arg4[%dma_start3A_159, %dma_start3A_160] : memref<41472x80xf32, #tpu.memory_space<hbm>> -> memref<41472x80xf32, #tpu.memory_space<hbm>>
    tpu.enqueue_indirect_dma source(%dma_start3A_155 : memref<72x80xf32, #tpu.memory_space<vmem>>) target(%dma_start3A_161 : memref<41472x80xf32, #tpu.memory_space<hbm>>) offsets(%dma_start3A_158 : memref<72xi32, #tpu.memory_space<vmem>>) semaphore(%arg7 : memref<!tpu.dma_semaphore, #tpu.memory_space<semaphore_mem>>)
    %dma_start3A_162 = arith.constant 16 : i32
    %dma_start3A_163 = arith.constant 1152 : i32
    %dma_start3A_164 = arith.constant 0 : i32
    %dma_start3A_165 = tpu.memref_slice %arg6[%dma_start3A_163, %dma_start3A_164] : memref<1296x80xf32, #tpu.memory_space<vmem>> -> memref<72x80xf32, #tpu.memory_space<vmem>>
    %dma_start3A_166 = arith.constant 0 : i32
    %dma_start3A_167 = tpu.memref_slice %arg5[%dma_start3A_162, %dma_start3A_166] : memref<18x72xi32, #tpu.memory_space<vmem>> -> memref<1x72xi32, #tpu.memory_space<vmem>>
    %dma_start3A_168 = tpu.memref_squeeze %dma_start3A_167 : memref<1x72xi32, #tpu.memory_space<vmem>> -> memref<72xi32, #tpu.memory_space<vmem>>
    %dma_start3A_169 = arith.constant 0 : i32
    %dma_start3A_170 = arith.constant 0 : i32
    %dma_start3A_171 = tpu.memref_slice %arg4[%dma_start3A_169, %dma_start3A_170] : memref<41472x80xf32, #tpu.memory_space<hbm>> -> memref<41472x80xf32, #tpu.memory_space<hbm>>
    tpu.enqueue_indirect_dma source(%dma_start3A_165 : memref<72x80xf32, #tpu.memory_space<vmem>>) target(%dma_start3A_171 : memref<41472x80xf32, #tpu.memory_space<hbm>>) offsets(%dma_start3A_168 : memref<72xi32, #tpu.memory_space<vmem>>) semaphore(%arg7 : memref<!tpu.dma_semaphore, #tpu.memory_space<semaphore_mem>>)
    %dma_start3A_172 = arith.constant 17 : i32
    %dma_start3A_173 = arith.constant 1224 : i32
    %dma_start3A_174 = arith.constant 0 : i32
    %dma_start3A_175 = tpu.memref_slice %arg6[%dma_start3A_173, %dma_start3A_174] : memref<1296x80xf32, #tpu.memory_space<vmem>> -> memref<72x80xf32, #tpu.memory_space<vmem>>
    %dma_start3A_176 = arith.constant 0 : i32
    %dma_start3A_177 = tpu.memref_slice %arg5[%dma_start3A_172, %dma_start3A_176] : memref<18x72xi32, #tpu.memory_space<vmem>> -> memref<1x72xi32, #tpu.memory_space<vmem>>
    %dma_start3A_178 = tpu.memref_squeeze %dma_start3A_177 : memref<1x72xi32, #tpu.memory_space<vmem>> -> memref<72xi32, #tpu.memory_space<vmem>>
    %dma_start3A_179 = arith.constant 0 : i32
    %dma_start3A_180 = arith.constant 0 : i32
    %dma_start3A_181 = tpu.memref_slice %arg4[%dma_start3A_179, %dma_start3A_180] : memref<41472x80xf32, #tpu.memory_space<hbm>> -> memref<41472x80xf32, #tpu.memory_space<hbm>>
    tpu.enqueue_indirect_dma source(%dma_start3A_175 : memref<72x80xf32, #tpu.memory_space<vmem>>) target(%dma_start3A_181 : memref<41472x80xf32, #tpu.memory_space<hbm>>) offsets(%dma_start3A_178 : memref<72xi32, #tpu.memory_space<vmem>>) semaphore(%arg7 : memref<!tpu.dma_semaphore, #tpu.memory_space<semaphore_mem>>)
    %dma_wait3A = arith.constant 0 : i32
    %dma_wait3A_182 = arith.constant 0 : i32
    %dma_wait3A_183 = arith.constant 0 : i32
    %dma_wait3A_184 = tpu.memref_slice %arg6[%dma_wait3A_182, %dma_wait3A_183] : memref<1296x80xf32, #tpu.memory_space<vmem>> -> memref<72x80xf32, #tpu.memory_space<vmem>>
    %dma_wait3A_185 = arith.constant 0 : i32
    %dma_wait3A_186 = tpu.memref_slice %arg5[%dma_wait3A, %dma_wait3A_185] : memref<18x72xi32, #tpu.memory_space<vmem>> -> memref<1x72xi32, #tpu.memory_space<vmem>>
    %dma_wait3A_187 = tpu.memref_squeeze %dma_wait3A_186 : memref<1x72xi32, #tpu.memory_space<vmem>> -> memref<72xi32, #tpu.memory_space<vmem>>
    %dma_wait3A_188 = arith.constant 0 : i32
    %dma_wait3A_189 = arith.constant 0 : i32
    %dma_wait3A_190 = tpu.memref_slice %arg4[%dma_wait3A_188, %dma_wait3A_189] : memref<41472x80xf32, #tpu.memory_space<hbm>> -> memref<41472x80xf32, #tpu.memory_space<hbm>>
    tpu.wait_indirect_dma semaphore(%arg7 : memref<!tpu.dma_semaphore, #tpu.memory_space<semaphore_mem>>) src(%dma_wait3A_184 : memref<72x80xf32, #tpu.memory_space<vmem>>) dst(%dma_wait3A_190 : memref<41472x80xf32, #tpu.memory_space<hbm>>)
    %dma_wait3A_191 = arith.constant 1 : i32
    %dma_wait3A_192 = arith.constant 72 : i32
    %dma_wait3A_193 = arith.constant 0 : i32
    %dma_wait3A_194 = tpu.memref_slice %arg6[%dma_wait3A_192, %dma_wait3A_193] : memref<1296x80xf32, #tpu.memory_space<vmem>> -> memref<72x80xf32, #tpu.memory_space<vmem>>
    %dma_wait3A_195 = arith.constant 0 : i32
    %dma_wait3A_196 = tpu.memref_slice %arg5[%dma_wait3A_191, %dma_wait3A_195] : memref<18x72xi32, #tpu.memory_space<vmem>> -> memref<1x72xi32, #tpu.memory_space<vmem>>
    %dma_wait3A_197 = tpu.memref_squeeze %dma_wait3A_196 : memref<1x72xi32, #tpu.memory_space<vmem>> -> memref<72xi32, #tpu.memory_space<vmem>>
    %dma_wait3A_198 = arith.constant 0 : i32
    %dma_wait3A_199 = arith.constant 0 : i32
    %dma_wait3A_200 = tpu.memref_slice %arg4[%dma_wait3A_198, %dma_wait3A_199] : memref<41472x80xf32, #tpu.memory_space<hbm>> -> memref<41472x80xf32, #tpu.memory_space<hbm>>
    tpu.wait_indirect_dma semaphore(%arg7 : memref<!tpu.dma_semaphore, #tpu.memory_space<semaphore_mem>>) src(%dma_wait3A_194 : memref<72x80xf32, #tpu.memory_space<vmem>>) dst(%dma_wait3A_200 : memref<41472x80xf32, #tpu.memory_space<hbm>>)
    %dma_wait3A_201 = arith.constant 2 : i32
    %dma_wait3A_202 = arith.constant 144 : i32
    %dma_wait3A_203 = arith.constant 0 : i32
    %dma_wait3A_204 = tpu.memref_slice %arg6[%dma_wait3A_202, %dma_wait3A_203] : memref<1296x80xf32, #tpu.memory_space<vmem>> -> memref<72x80xf32, #tpu.memory_space<vmem>>
    %dma_wait3A_205 = arith.constant 0 : i32
    %dma_wait3A_206 = tpu.memref_slice %arg5[%dma_wait3A_201, %dma_wait3A_205] : memref<18x72xi32, #tpu.memory_space<vmem>> -> memref<1x72xi32, #tpu.memory_space<vmem>>
    %dma_wait3A_207 = tpu.memref_squeeze %dma_wait3A_206 : memref<1x72xi32, #tpu.memory_space<vmem>> -> memref<72xi32, #tpu.memory_space<vmem>>
    %dma_wait3A_208 = arith.constant 0 : i32
    %dma_wait3A_209 = arith.constant 0 : i32
    %dma_wait3A_210 = tpu.memref_slice %arg4[%dma_wait3A_208, %dma_wait3A_209] : memref<41472x80xf32, #tpu.memory_space<hbm>> -> memref<41472x80xf32, #tpu.memory_space<hbm>>
    tpu.wait_indirect_dma semaphore(%arg7 : memref<!tpu.dma_semaphore, #tpu.memory_space<semaphore_mem>>) src(%dma_wait3A_204 : memref<72x80xf32, #tpu.memory_space<vmem>>) dst(%dma_wait3A_210 : memref<41472x80xf32, #tpu.memory_space<hbm>>)
    %dma_wait3A_211 = arith.constant 3 : i32
    %dma_wait3A_212 = arith.constant 216 : i32
    %dma_wait3A_213 = arith.constant 0 : i32
    %dma_wait3A_214 = tpu.memref_slice %arg6[%dma_wait3A_212, %dma_wait3A_213] : memref<1296x80xf32, #tpu.memory_space<vmem>> -> memref<72x80xf32, #tpu.memory_space<vmem>>
    %dma_wait3A_215 = arith.constant 0 : i32
    %dma_wait3A_216 = tpu.memref_slice %arg5[%dma_wait3A_211, %dma_wait3A_215] : memref<18x72xi32, #tpu.memory_space<vmem>> -> memref<1x72xi32, #tpu.memory_space<vmem>>
    %dma_wait3A_217 = tpu.memref_squeeze %dma_wait3A_216 : memref<1x72xi32, #tpu.memory_space<vmem>> -> memref<72xi32, #tpu.memory_space<vmem>>
    %dma_wait3A_218 = arith.constant 0 : i32
    %dma_wait3A_219 = arith.constant 0 : i32
    %dma_wait3A_220 = tpu.memref_slice %arg4[%dma_wait3A_218, %dma_wait3A_219] : memref<41472x80xf32, #tpu.memory_space<hbm>> -> memref<41472x80xf32, #tpu.memory_space<hbm>>
    tpu.wait_indirect_dma semaphore(%arg7 : memref<!tpu.dma_semaphore, #tpu.memory_space<semaphore_mem>>) src(%dma_wait3A_214 : memref<72x80xf32, #tpu.memory_space<vmem>>) dst(%dma_wait3A_220 : memref<41472x80xf32, #tpu.memory_space<hbm>>)
    %dma_wait3A_221 = arith.constant 4 : i32
    %dma_wait3A_222 = arith.constant 288 : i32
    %dma_wait3A_223 = arith.constant 0 : i32
    %dma_wait3A_224 = tpu.memref_slice %arg6[%dma_wait3A_222, %dma_wait3A_223] : memref<1296x80xf32, #tpu.memory_space<vmem>> -> memref<72x80xf32, #tpu.memory_space<vmem>>
    %dma_wait3A_225 = arith.constant 0 : i32
    %dma_wait3A_226 = tpu.memref_slice %arg5[%dma_wait3A_221, %dma_wait3A_225] : memref<18x72xi32, #tpu.memory_space<vmem>> -> memref<1x72xi32, #tpu.memory_space<vmem>>
    %dma_wait3A_227 = tpu.memref_squeeze %dma_wait3A_226 : memref<1x72xi32, #tpu.memory_space<vmem>> -> memref<72xi32, #tpu.memory_space<vmem>>
    %dma_wait3A_228 = arith.constant 0 : i32
    %dma_wait3A_229 = arith.constant 0 : i32
    %dma_wait3A_230 = tpu.memref_slice %arg4[%dma_wait3A_228, %dma_wait3A_229] : memref<41472x80xf32, #tpu.memory_space<hbm>> -> memref<41472x80xf32, #tpu.memory_space<hbm>>
    tpu.wait_indirect_dma semaphore(%arg7 : memref<!tpu.dma_semaphore, #tpu.memory_space<semaphore_mem>>) src(%dma_wait3A_224 : memref<72x80xf32, #tpu.memory_space<vmem>>) dst(%dma_wait3A_230 : memref<41472x80xf32, #tpu.memory_space<hbm>>)
    %dma_wait3A_231 = arith.constant 5 : i32
    %dma_wait3A_232 = arith.constant 360 : i32
    %dma_wait3A_233 = arith.constant 0 : i32
    %dma_wait3A_234 = tpu.memref_slice %arg6[%dma_wait3A_232, %dma_wait3A_233] : memref<1296x80xf32, #tpu.memory_space<vmem>> -> memref<72x80xf32, #tpu.memory_space<vmem>>
    %dma_wait3A_235 = arith.constant 0 : i32
    %dma_wait3A_236 = tpu.memref_slice %arg5[%dma_wait3A_231, %dma_wait3A_235] : memref<18x72xi32, #tpu.memory_space<vmem>> -> memref<1x72xi32, #tpu.memory_space<vmem>>
    %dma_wait3A_237 = tpu.memref_squeeze %dma_wait3A_236 : memref<1x72xi32, #tpu.memory_space<vmem>> -> memref<72xi32, #tpu.memory_space<vmem>>
    %dma_wait3A_238 = arith.constant 0 : i32
    %dma_wait3A_239 = arith.constant 0 : i32
    %dma_wait3A_240 = tpu.memref_slice %arg4[%dma_wait3A_238, %dma_wait3A_239] : memref<41472x80xf32, #tpu.memory_space<hbm>> -> memref<41472x80xf32, #tpu.memory_space<hbm>>
    tpu.wait_indirect_dma semaphore(%arg7 : memref<!tpu.dma_semaphore, #tpu.memory_space<semaphore_mem>>) src(%dma_wait3A_234 : memref<72x80xf32, #tpu.memory_space<vmem>>) dst(%dma_wait3A_240 : memref<41472x80xf32, #tpu.memory_space<hbm>>)
    %dma_wait3A_241 = arith.constant 6 : i32
    %dma_wait3A_242 = arith.constant 432 : i32
    %dma_wait3A_243 = arith.constant 0 : i32
    %dma_wait3A_244 = tpu.memref_slice %arg6[%dma_wait3A_242, %dma_wait3A_243] : memref<1296x80xf32, #tpu.memory_space<vmem>> -> memref<72x80xf32, #tpu.memory_space<vmem>>
    %dma_wait3A_245 = arith.constant 0 : i32
    %dma_wait3A_246 = tpu.memref_slice %arg5[%dma_wait3A_241, %dma_wait3A_245] : memref<18x72xi32, #tpu.memory_space<vmem>> -> memref<1x72xi32, #tpu.memory_space<vmem>>
    %dma_wait3A_247 = tpu.memref_squeeze %dma_wait3A_246 : memref<1x72xi32, #tpu.memory_space<vmem>> -> memref<72xi32, #tpu.memory_space<vmem>>
    %dma_wait3A_248 = arith.constant 0 : i32
    %dma_wait3A_249 = arith.constant 0 : i32
    %dma_wait3A_250 = tpu.memref_slice %arg4[%dma_wait3A_248, %dma_wait3A_249] : memref<41472x80xf32, #tpu.memory_space<hbm>> -> memref<41472x80xf32, #tpu.memory_space<hbm>>
    tpu.wait_indirect_dma semaphore(%arg7 : memref<!tpu.dma_semaphore, #tpu.memory_space<semaphore_mem>>) src(%dma_wait3A_244 : memref<72x80xf32, #tpu.memory_space<vmem>>) dst(%dma_wait3A_250 : memref<41472x80xf32, #tpu.memory_space<hbm>>)
    %dma_wait3A_251 = arith.constant 7 : i32
    %dma_wait3A_252 = arith.constant 504 : i32
    %dma_wait3A_253 = arith.constant 0 : i32
    %dma_wait3A_254 = tpu.memref_slice %arg6[%dma_wait3A_252, %dma_wait3A_253] : memref<1296x80xf32, #tpu.memory_space<vmem>> -> memref<72x80xf32, #tpu.memory_space<vmem>>
    %dma_wait3A_255 = arith.constant 0 : i32
    %dma_wait3A_256 = tpu.memref_slice %arg5[%dma_wait3A_251, %dma_wait3A_255] : memref<18x72xi32, #tpu.memory_space<vmem>> -> memref<1x72xi32, #tpu.memory_space<vmem>>
    %dma_wait3A_257 = tpu.memref_squeeze %dma_wait3A_256 : memref<1x72xi32, #tpu.memory_space<vmem>> -> memref<72xi32, #tpu.memory_space<vmem>>
    %dma_wait3A_258 = arith.constant 0 : i32
    %dma_wait3A_259 = arith.constant 0 : i32
    %dma_wait3A_260 = tpu.memref_slice %arg4[%dma_wait3A_258, %dma_wait3A_259] : memref<41472x80xf32, #tpu.memory_space<hbm>> -> memref<41472x80xf32, #tpu.memory_space<hbm>>
    tpu.wait_indirect_dma semaphore(%arg7 : memref<!tpu.dma_semaphore, #tpu.memory_space<semaphore_mem>>) src(%dma_wait3A_254 : memref<72x80xf32, #tpu.memory_space<vmem>>) dst(%dma_wait3A_260 : memref<41472x80xf32, #tpu.memory_space<hbm>>)
    %dma_wait3A_261 = arith.constant 8 : i32
    %dma_wait3A_262 = arith.constant 576 : i32
    %dma_wait3A_263 = arith.constant 0 : i32
    %dma_wait3A_264 = tpu.memref_slice %arg6[%dma_wait3A_262, %dma_wait3A_263] : memref<1296x80xf32, #tpu.memory_space<vmem>> -> memref<72x80xf32, #tpu.memory_space<vmem>>
    %dma_wait3A_265 = arith.constant 0 : i32
    %dma_wait3A_266 = tpu.memref_slice %arg5[%dma_wait3A_261, %dma_wait3A_265] : memref<18x72xi32, #tpu.memory_space<vmem>> -> memref<1x72xi32, #tpu.memory_space<vmem>>
    %dma_wait3A_267 = tpu.memref_squeeze %dma_wait3A_266 : memref<1x72xi32, #tpu.memory_space<vmem>> -> memref<72xi32, #tpu.memory_space<vmem>>
    %dma_wait3A_268 = arith.constant 0 : i32
    %dma_wait3A_269 = arith.constant 0 : i32
    %dma_wait3A_270 = tpu.memref_slice %arg4[%dma_wait3A_268, %dma_wait3A_269] : memref<41472x80xf32, #tpu.memory_space<hbm>> -> memref<41472x80xf32, #tpu.memory_space<hbm>>
    tpu.wait_indirect_dma semaphore(%arg7 : memref<!tpu.dma_semaphore, #tpu.memory_space<semaphore_mem>>) src(%dma_wait3A_264 : memref<72x80xf32, #tpu.memory_space<vmem>>) dst(%dma_wait3A_270 : memref<41472x80xf32, #tpu.memory_space<hbm>>)
    %dma_wait3A_271 = arith.constant 9 : i32
    %dma_wait3A_272 = arith.constant 648 : i32
    %dma_wait3A_273 = arith.constant 0 : i32
    %dma_wait3A_274 = tpu.memref_slice %arg6[%dma_wait3A_272, %dma_wait3A_273] : memref<1296x80xf32, #tpu.memory_space<vmem>> -> memref<72x80xf32, #tpu.memory_space<vmem>>
    %dma_wait3A_275 = arith.constant 0 : i32
    %dma_wait3A_276 = tpu.memref_slice %arg5[%dma_wait3A_271, %dma_wait3A_275] : memref<18x72xi32, #tpu.memory_space<vmem>> -> memref<1x72xi32, #tpu.memory_space<vmem>>
    %dma_wait3A_277 = tpu.memref_squeeze %dma_wait3A_276 : memref<1x72xi32, #tpu.memory_space<vmem>> -> memref<72xi32, #tpu.memory_space<vmem>>
    %dma_wait3A_278 = arith.constant 0 : i32
    %dma_wait3A_279 = arith.constant 0 : i32
    %dma_wait3A_280 = tpu.memref_slice %arg4[%dma_wait3A_278, %dma_wait3A_279] : memref<41472x80xf32, #tpu.memory_space<hbm>> -> memref<41472x80xf32, #tpu.memory_space<hbm>>
    tpu.wait_indirect_dma semaphore(%arg7 : memref<!tpu.dma_semaphore, #tpu.memory_space<semaphore_mem>>) src(%dma_wait3A_274 : memref<72x80xf32, #tpu.memory_space<vmem>>) dst(%dma_wait3A_280 : memref<41472x80xf32, #tpu.memory_space<hbm>>)
    %dma_wait3A_281 = arith.constant 10 : i32
    %dma_wait3A_282 = arith.constant 720 : i32
    %dma_wait3A_283 = arith.constant 0 : i32
    %dma_wait3A_284 = tpu.memref_slice %arg6[%dma_wait3A_282, %dma_wait3A_283] : memref<1296x80xf32, #tpu.memory_space<vmem>> -> memref<72x80xf32, #tpu.memory_space<vmem>>
    %dma_wait3A_285 = arith.constant 0 : i32
    %dma_wait3A_286 = tpu.memref_slice %arg5[%dma_wait3A_281, %dma_wait3A_285] : memref<18x72xi32, #tpu.memory_space<vmem>> -> memref<1x72xi32, #tpu.memory_space<vmem>>
    %dma_wait3A_287 = tpu.memref_squeeze %dma_wait3A_286 : memref<1x72xi32, #tpu.memory_space<vmem>> -> memref<72xi32, #tpu.memory_space<vmem>>
    %dma_wait3A_288 = arith.constant 0 : i32
    %dma_wait3A_289 = arith.constant 0 : i32
    %dma_wait3A_290 = tpu.memref_slice %arg4[%dma_wait3A_288, %dma_wait3A_289] : memref<41472x80xf32, #tpu.memory_space<hbm>> -> memref<41472x80xf32, #tpu.memory_space<hbm>>
    tpu.wait_indirect_dma semaphore(%arg7 : memref<!tpu.dma_semaphore, #tpu.memory_space<semaphore_mem>>) src(%dma_wait3A_284 : memref<72x80xf32, #tpu.memory_space<vmem>>) dst(%dma_wait3A_290 : memref<41472x80xf32, #tpu.memory_space<hbm>>)
    %dma_wait3A_291 = arith.constant 11 : i32
    %dma_wait3A_292 = arith.constant 792 : i32
    %dma_wait3A_293 = arith.constant 0 : i32
    %dma_wait3A_294 = tpu.memref_slice %arg6[%dma_wait3A_292, %dma_wait3A_293] : memref<1296x80xf32, #tpu.memory_space<vmem>> -> memref<72x80xf32, #tpu.memory_space<vmem>>
    %dma_wait3A_295 = arith.constant 0 : i32
    %dma_wait3A_296 = tpu.memref_slice %arg5[%dma_wait3A_291, %dma_wait3A_295] : memref<18x72xi32, #tpu.memory_space<vmem>> -> memref<1x72xi32, #tpu.memory_space<vmem>>
    %dma_wait3A_297 = tpu.memref_squeeze %dma_wait3A_296 : memref<1x72xi32, #tpu.memory_space<vmem>> -> memref<72xi32, #tpu.memory_space<vmem>>
    %dma_wait3A_298 = arith.constant 0 : i32
    %dma_wait3A_299 = arith.constant 0 : i32
    %dma_wait3A_300 = tpu.memref_slice %arg4[%dma_wait3A_298, %dma_wait3A_299] : memref<41472x80xf32, #tpu.memory_space<hbm>> -> memref<41472x80xf32, #tpu.memory_space<hbm>>
    tpu.wait_indirect_dma semaphore(%arg7 : memref<!tpu.dma_semaphore, #tpu.memory_space<semaphore_mem>>) src(%dma_wait3A_294 : memref<72x80xf32, #tpu.memory_space<vmem>>) dst(%dma_wait3A_300 : memref<41472x80xf32, #tpu.memory_space<hbm>>)
    %dma_wait3A_301 = arith.constant 12 : i32
    %dma_wait3A_302 = arith.constant 864 : i32
    %dma_wait3A_303 = arith.constant 0 : i32
    %dma_wait3A_304 = tpu.memref_slice %arg6[%dma_wait3A_302, %dma_wait3A_303] : memref<1296x80xf32, #tpu.memory_space<vmem>> -> memref<72x80xf32, #tpu.memory_space<vmem>>
    %dma_wait3A_305 = arith.constant 0 : i32
    %dma_wait3A_306 = tpu.memref_slice %arg5[%dma_wait3A_301, %dma_wait3A_305] : memref<18x72xi32, #tpu.memory_space<vmem>> -> memref<1x72xi32, #tpu.memory_space<vmem>>
    %dma_wait3A_307 = tpu.memref_squeeze %dma_wait3A_306 : memref<1x72xi32, #tpu.memory_space<vmem>> -> memref<72xi32, #tpu.memory_space<vmem>>
    %dma_wait3A_308 = arith.constant 0 : i32
    %dma_wait3A_309 = arith.constant 0 : i32
    %dma_wait3A_310 = tpu.memref_slice %arg4[%dma_wait3A_308, %dma_wait3A_309] : memref<41472x80xf32, #tpu.memory_space<hbm>> -> memref<41472x80xf32, #tpu.memory_space<hbm>>
    tpu.wait_indirect_dma semaphore(%arg7 : memref<!tpu.dma_semaphore, #tpu.memory_space<semaphore_mem>>) src(%dma_wait3A_304 : memref<72x80xf32, #tpu.memory_space<vmem>>) dst(%dma_wait3A_310 : memref<41472x80xf32, #tpu.memory_space<hbm>>)
    %dma_wait3A_311 = arith.constant 13 : i32
    %dma_wait3A_312 = arith.constant 936 : i32
    %dma_wait3A_313 = arith.constant 0 : i32
    %dma_wait3A_314 = tpu.memref_slice %arg6[%dma_wait3A_312, %dma_wait3A_313] : memref<1296x80xf32, #tpu.memory_space<vmem>> -> memref<72x80xf32, #tpu.memory_space<vmem>>
    %dma_wait3A_315 = arith.constant 0 : i32
    %dma_wait3A_316 = tpu.memref_slice %arg5[%dma_wait3A_311, %dma_wait3A_315] : memref<18x72xi32, #tpu.memory_space<vmem>> -> memref<1x72xi32, #tpu.memory_space<vmem>>
    %dma_wait3A_317 = tpu.memref_squeeze %dma_wait3A_316 : memref<1x72xi32, #tpu.memory_space<vmem>> -> memref<72xi32, #tpu.memory_space<vmem>>
    %dma_wait3A_318 = arith.constant 0 : i32
    %dma_wait3A_319 = arith.constant 0 : i32
    %dma_wait3A_320 = tpu.memref_slice %arg4[%dma_wait3A_318, %dma_wait3A_319] : memref<41472x80xf32, #tpu.memory_space<hbm>> -> memref<41472x80xf32, #tpu.memory_space<hbm>>
    tpu.wait_indirect_dma semaphore(%arg7 : memref<!tpu.dma_semaphore, #tpu.memory_space<semaphore_mem>>) src(%dma_wait3A_314 : memref<72x80xf32, #tpu.memory_space<vmem>>) dst(%dma_wait3A_320 : memref<41472x80xf32, #tpu.memory_space<hbm>>)
    %dma_wait3A_321 = arith.constant 14 : i32
    %dma_wait3A_322 = arith.constant 1008 : i32
    %dma_wait3A_323 = arith.constant 0 : i32
    %dma_wait3A_324 = tpu.memref_slice %arg6[%dma_wait3A_322, %dma_wait3A_323] : memref<1296x80xf32, #tpu.memory_space<vmem>> -> memref<72x80xf32, #tpu.memory_space<vmem>>
    %dma_wait3A_325 = arith.constant 0 : i32
    %dma_wait3A_326 = tpu.memref_slice %arg5[%dma_wait3A_321, %dma_wait3A_325] : memref<18x72xi32, #tpu.memory_space<vmem>> -> memref<1x72xi32, #tpu.memory_space<vmem>>
    %dma_wait3A_327 = tpu.memref_squeeze %dma_wait3A_326 : memref<1x72xi32, #tpu.memory_space<vmem>> -> memref<72xi32, #tpu.memory_space<vmem>>
    %dma_wait3A_328 = arith.constant 0 : i32
    %dma_wait3A_329 = arith.constant 0 : i32
    %dma_wait3A_330 = tpu.memref_slice %arg4[%dma_wait3A_328, %dma_wait3A_329] : memref<41472x80xf32, #tpu.memory_space<hbm>> -> memref<41472x80xf32, #tpu.memory_space<hbm>>
    tpu.wait_indirect_dma semaphore(%arg7 : memref<!tpu.dma_semaphore, #tpu.memory_space<semaphore_mem>>) src(%dma_wait3A_324 : memref<72x80xf32, #tpu.memory_space<vmem>>) dst(%dma_wait3A_330 : memref<41472x80xf32, #tpu.memory_space<hbm>>)
    %dma_wait3A_331 = arith.constant 15 : i32
    %dma_wait3A_332 = arith.constant 1080 : i32
    %dma_wait3A_333 = arith.constant 0 : i32
    %dma_wait3A_334 = tpu.memref_slice %arg6[%dma_wait3A_332, %dma_wait3A_333] : memref<1296x80xf32, #tpu.memory_space<vmem>> -> memref<72x80xf32, #tpu.memory_space<vmem>>
    %dma_wait3A_335 = arith.constant 0 : i32
    %dma_wait3A_336 = tpu.memref_slice %arg5[%dma_wait3A_331, %dma_wait3A_335] : memref<18x72xi32, #tpu.memory_space<vmem>> -> memref<1x72xi32, #tpu.memory_space<vmem>>
    %dma_wait3A_337 = tpu.memref_squeeze %dma_wait3A_336 : memref<1x72xi32, #tpu.memory_space<vmem>> -> memref<72xi32, #tpu.memory_space<vmem>>
    %dma_wait3A_338 = arith.constant 0 : i32
    %dma_wait3A_339 = arith.constant 0 : i32
    %dma_wait3A_340 = tpu.memref_slice %arg4[%dma_wait3A_338, %dma_wait3A_339] : memref<41472x80xf32, #tpu.memory_space<hbm>> -> memref<41472x80xf32, #tpu.memory_space<hbm>>
    tpu.wait_indirect_dma semaphore(%arg7 : memref<!tpu.dma_semaphore, #tpu.memory_space<semaphore_mem>>) src(%dma_wait3A_334 : memref<72x80xf32, #tpu.memory_space<vmem>>) dst(%dma_wait3A_340 : memref<41472x80xf32, #tpu.memory_space<hbm>>)
    %dma_wait3A_341 = arith.constant 16 : i32
    %dma_wait3A_342 = arith.constant 1152 : i32
    %dma_wait3A_343 = arith.constant 0 : i32
    %dma_wait3A_344 = tpu.memref_slice %arg6[%dma_wait3A_342, %dma_wait3A_343] : memref<1296x80xf32, #tpu.memory_space<vmem>> -> memref<72x80xf32, #tpu.memory_space<vmem>>
    %dma_wait3A_345 = arith.constant 0 : i32
    %dma_wait3A_346 = tpu.memref_slice %arg5[%dma_wait3A_341, %dma_wait3A_345] : memref<18x72xi32, #tpu.memory_space<vmem>> -> memref<1x72xi32, #tpu.memory_space<vmem>>
    %dma_wait3A_347 = tpu.memref_squeeze %dma_wait3A_346 : memref<1x72xi32, #tpu.memory_space<vmem>> -> memref<72xi32, #tpu.memory_space<vmem>>
    %dma_wait3A_348 = arith.constant 0 : i32
    %dma_wait3A_349 = arith.constant 0 : i32
    %dma_wait3A_350 = tpu.memref_slice %arg4[%dma_wait3A_348, %dma_wait3A_349] : memref<41472x80xf32, #tpu.memory_space<hbm>> -> memref<41472x80xf32, #tpu.memory_space<hbm>>
    tpu.wait_indirect_dma semaphore(%arg7 : memref<!tpu.dma_semaphore, #tpu.memory_space<semaphore_mem>>) src(%dma_wait3A_344 : memref<72x80xf32, #tpu.memory_space<vmem>>) dst(%dma_wait3A_350 : memref<41472x80xf32, #tpu.memory_space<hbm>>)
    %dma_wait3A_351 = arith.constant 17 : i32
    %dma_wait3A_352 = arith.constant 1224 : i32
    %dma_wait3A_353 = arith.constant 0 : i32
    %dma_wait3A_354 = tpu.memref_slice %arg6[%dma_wait3A_352, %dma_wait3A_353] : memref<1296x80xf32, #tpu.memory_space<vmem>> -> memref<72x80xf32, #tpu.memory_space<vmem>>
    %dma_wait3A_355 = arith.constant 0 : i32
    %dma_wait3A_356 = tpu.memref_slice %arg5[%dma_wait3A_351, %dma_wait3A_355] : memref<18x72xi32, #tpu.memory_space<vmem>> -> memref<1x72xi32, #tpu.memory_space<vmem>>
    %dma_wait3A_357 = tpu.memref_squeeze %dma_wait3A_356 : memref<1x72xi32, #tpu.memory_space<vmem>> -> memref<72xi32, #tpu.memory_space<vmem>>
    %dma_wait3A_358 = arith.constant 0 : i32
    %dma_wait3A_359 = arith.constant 0 : i32
    %dma_wait3A_360 = tpu.memref_slice %arg4[%dma_wait3A_358, %dma_wait3A_359] : memref<41472x80xf32, #tpu.memory_space<hbm>> -> memref<41472x80xf32, #tpu.memory_space<hbm>>
    tpu.wait_indirect_dma semaphore(%arg7 : memref<!tpu.dma_semaphore, #tpu.memory_space<semaphore_mem>>) src(%dma_wait3A_354 : memref<72x80xf32, #tpu.memory_space<vmem>>) dst(%dma_wait3A_360 : memref<41472x80xf32, #tpu.memory_space<hbm>>)
    return
  }
}

module attributes {stable_mosaic.version = 14 : i64} {
  func.func @_attn_block(%arg0: i32, %arg1: memref<1x38x144x16xf32, #tpu.memory_space<vmem>>, %arg2: memref<1x38x144x16xf32, #tpu.memory_space<vmem>>, %arg3: memref<1x38x144x64xf32, #tpu.memory_space<vmem>>, %arg4: memref<1x38x144x64xf32, #tpu.memory_space<vmem>>, %arg5: memref<144x64xf32, #tpu.memory_space<vmem>>, %arg6: memref<1x144xf32, #tpu.memory_space<vmem>>, %arg7: memref<144x144xf32, #tpu.memory_space<vmem>>, %arg8: memref<1x144xf32, #tpu.memory_space<vmem>>, %arg9: memref<1x36x144x80xf32, #tpu.memory_space<vmem>>, %arg10: memref<5472x144xf32, #tpu.memory_space<vmem>>) attributes {dimension_semantics = [#tpu.dimension_semantics<arbitrary>], iteration_bounds = array<i64: 8>, scalar_prefetch = 0 : i64, scratch_operands = 1 : i64, tpu.core_type = #tpu.core_type<tc>, window_params = [{transform_indices = @transform_0, window_bounds = array<i64: 1, 38, 144, 16>}, {transform_indices = @transform_1, window_bounds = array<i64: 1, 38, 144, 16>}, {transform_indices = @transform_2, window_bounds = array<i64: 1, 38, 144, 64>}, {transform_indices = @transform_3, window_bounds = array<i64: 1, 38, 144, 64>}, {pipeline_mode = #tpu.pipeline_mode<synchronous>, transform_indices = @transform_4, window_bounds = array<i64: 144, 64>}, {pipeline_mode = #tpu.pipeline_mode<synchronous>, transform_indices = @transform_5, window_bounds = array<i64: 1, 144>}, {pipeline_mode = #tpu.pipeline_mode<synchronous>, transform_indices = @transform_6, window_bounds = array<i64: 144, 144>}, {pipeline_mode = #tpu.pipeline_mode<synchronous>, transform_indices = @transform_7, window_bounds = array<i64: 1, 144>}, {transform_indices = @transform_8, window_bounds = array<i64: 1, 36, 144, 80>}]} {
    %get3A = arith.constant 0 : index
    %get3A_0 = arith.constant 0 : index
    %get3A_1 = arith.constant 0 : index
    %get3A_2 = arith.constant 0 : index
    %get3A_3 = vector.load %arg4[%get3A, %get3A_0, %get3A_1, %get3A_2] : memref<1x38x144x64xf32, #tpu.memory_space<vmem>>, vector<1x38x144x64xf32>
    %get3A_4 = vector.shape_cast %get3A_3 : vector<1x38x144x64xf32> to vector<38x144x64xf32>
    %reshape3A = vector.shape_cast %get3A_4 : vector<38x144x64xf32> to vector<5472x64xf32>
    %get3A_5 = arith.constant 0 : index
    %get3A_6 = arith.constant 0 : index
    %get3A_7 = vector.load %arg5[%get3A_5, %get3A_6] : memref<144x64xf32, #tpu.memory_space<vmem>>, vector<144x64xf32>
    %dot_general3A = arith.constant dense<0.000000e+00> : vector<5472x144xf32>
    %dot_general3A_8 = tpu.matmul %reshape3A, %get3A_7, %dot_general3A {dimension_numbers = #tpu.dot_dimension_numbers<[1], [1], [0], [0], [0, 0, 1, 0], [], []>, transpose_lhs_hint = false} : vector<5472x64xf32>, vector<144x64xf32>, vector<5472x144xf32> -> vector<5472x144xf32>
    %get3A_9 = arith.constant 0 : index
    %get3A_10 = arith.constant 0 : index
    %get3A_11 = vector.load %arg6[%get3A_9, %get3A_10] : memref<1x144xf32, #tpu.memory_space<vmem>>, vector<1x144xf32>
    %add3A = vector.broadcast %get3A_11 : vector<1x144xf32> to vector<5472x144xf32>
    %add3A_12 = arith.addf %dot_general3A_8, %add3A : vector<5472x144xf32>
    %max3A = arith.constant 0.000000e+00 : f32
    %max3A_13 = vector.broadcast %max3A : f32 to vector<5472x144xf32>
    %max3A_14 = arith.maximumf %add3A_12, %max3A_13 : vector<5472x144xf32>
    %get3A_15 = arith.constant 0 : index
    %get3A_16 = arith.constant 0 : index
    %get3A_17 = vector.load %arg7[%get3A_15, %get3A_16] : memref<144x144xf32, #tpu.memory_space<vmem>>, vector<144x144xf32>
    %dot_general3A_18 = arith.constant dense<0.000000e+00> : vector<5472x144xf32>
    %dot_general3A_19 = tpu.matmul %max3A_14, %get3A_17, %dot_general3A_18 {dimension_numbers = #tpu.dot_dimension_numbers<[1], [1], [0], [0], [0, 0, 1, 0], [], []>, transpose_lhs_hint = false} : vector<5472x144xf32>, vector<144x144xf32>, vector<5472x144xf32> -> vector<5472x144xf32>
    %get3A_20 = arith.constant 0 : index
    %get3A_21 = arith.constant 0 : index
    %get3A_22 = vector.load %arg8[%get3A_20, %get3A_21] : memref<1x144xf32, #tpu.memory_space<vmem>>, vector<1x144xf32>
    %add3A_23 = vector.broadcast %get3A_22 : vector<1x144xf32> to vector<5472x144xf32>
    %add3A_24 = arith.addf %dot_general3A_19, %add3A_23 : vector<5472x144xf32>
    %swap3A = arith.constant 0 : index
    %swap3A_25 = arith.constant 0 : index
    %swap3A_26 = vector.load %arg10[%swap3A, %swap3A_25] : memref<5472x144xf32, #tpu.memory_space<vmem>>, vector<5472x144xf32>
    tpu.vector_store %arg10[%swap3A, %swap3A_25], %add3A_24 {strides = array<i32>} : memref<5472x144xf32, #tpu.memory_space<vmem>>, vector<5472x144xf32>,
    %broadcast_in_dim3A = arith.constant 0.000000e+00 : f32
    %broadcast_in_dim3A_27 = vector.broadcast %broadcast_in_dim3A : f32 to vector<144x15xf32>
    %get3A_28 = arith.constant 0 : index
    %get3A_29 = arith.constant 0 : index
    %get3A_30 = arith.constant 0 : index
    %get3A_31 = arith.constant 0 : index
    %get3A_32 = vector.load %arg2[%get3A_28, %get3A_29, %get3A_30, %get3A_31] : memref<1x38x144x16xf32, #tpu.memory_space<vmem>>, vector<1x3x144x16xf32>
    %get3A_33 = vector.shape_cast %get3A_32 : vector<1x3x144x16xf32> to vector<3x144x16xf32>
    %reshape3A_34 = vector.shape_cast %get3A_33 : vector<3x144x16xf32> to vector<432x16xf32>
    %get3A_35 = arith.constant 0 : index
    %get3A_36 = arith.constant 0 : index
    %get3A_37 = vector.load %arg10[%get3A_35, %get3A_36] : memref<5472x144xf32, #tpu.memory_space<vmem>>, vector<432x144xf32>
    %get3A_38 = arith.constant 0 : index
    %get3A_39 = arith.constant 0 : index
    %get3A_40 = arith.constant 0 : index
    %get3A_41 = arith.constant 0 : index
    %get3A_42 = vector.load %arg3[%get3A_38, %get3A_39, %get3A_40, %get3A_41] : memref<1x38x144x64xf32, #tpu.memory_space<vmem>>, vector<1x3x144x64xf32>
    %get3A_43 = vector.shape_cast %get3A_42 : vector<1x3x144x64xf32> to vector<3x144x64xf32>
    %reshape3A_44 = vector.shape_cast %get3A_43 : vector<3x144x64xf32> to vector<432x64xf32>
    %get3A_45 = arith.constant 0 : index
    %get3A_46 = arith.constant 1 : index
    %get3A_47 = arith.constant 0 : index
    %get3A_48 = arith.constant 0 : index
    %get3A_49 = vector.load %arg1[%get3A_45, %get3A_46, %get3A_47, %get3A_48] : memref<1x38x144x16xf32, #tpu.memory_space<vmem>>, vector<1x1x144x16xf32>
    %get3A_50 = vector.shape_cast %get3A_49 : vector<1x1x144x16xf32> to vector<144x16xf32>
    %dot_general3A_51 = arith.constant dense<0.000000e+00> : vector<432x144xf32>
    %dot_general3A_52 = tpu.matmul %reshape3A_34, %get3A_50, %dot_general3A_51 {dimension_numbers = #tpu.dot_dimension_numbers<[1], [1], [0], [0], [0, 0, 1, 0], [], []>, transpose_lhs_hint = false} : vector<432x16xf32>, vector<144x16xf32>, vector<432x144xf32> -> vector<432x144xf32>
    %add3A_53 = arith.addf %dot_general3A_52, %get3A_37 : vector<432x144xf32>
    %reduce_max3A = arith.constant dense<0xFF800000> : vector<144xf32>
    %reduce_max3A_54 = vector.multi_reduction <maximumf>, %add3A_53, %reduce_max3A [0] : vector<432x144xf32> to vector<144xf32>
    %broadcast_in_dim3A_55 = vector.shape_cast %reduce_max3A_54 : vector<144xf32> to vector<1x144xf32>
    %sub3A = vector.broadcast %broadcast_in_dim3A_55 : vector<1x144xf32> to vector<432x144xf32>
    %sub3A_56 = arith.subf %add3A_53, %sub3A : vector<432x144xf32>
    %exp3A = math.exp %sub3A_56 : vector<432x144xf32>
    %reduce_sum3A = arith.constant dense<0.000000e+00> : vector<144xf32>
    %reduce_sum3A_57 = vector.multi_reduction <add>, %exp3A, %reduce_sum3A [0] : vector<432x144xf32> to vector<144xf32>
    %broadcast_in_dim3A_58 = vector.shape_cast %reduce_sum3A_57 : vector<144xf32> to vector<1x144xf32>
    %div3A = vector.broadcast %broadcast_in_dim3A_58 : vector<1x144xf32> to vector<432x144xf32>
    %div3A_59 = arith.divf %exp3A, %div3A : vector<432x144xf32>
    %dot_general3A_60 = arith.constant dense<0.000000e+00> : vector<144x64xf32>
    %dot_general3A_61 = tpu.matmul %div3A_59, %reshape3A_44, %dot_general3A_60 {dimension_numbers = #tpu.dot_dimension_numbers<[0], [0], [1], [1], [0, 1, 1, 1], [], []>, transpose_lhs_hint = false} : vector<432x144xf32>, vector<432x64xf32>, vector<144x64xf32> -> vector<144x64xf32>
    %log3A = math.log %broadcast_in_dim3A_58 : vector<1x144xf32>
    %add3A_62 = arith.addf %log3A, %broadcast_in_dim3A_55 : vector<1x144xf32>
    %transpose3A = tpu.transpose %add3A_62, [1, 0] : vector<1x144xf32> -> vector<144x1xf32>
    %concatenate3A = tpu.concatenate %dot_general3A_61, %transpose3A, %broadcast_in_dim3A_27 in 1 : vector<144x64xf32>, vector<144x1xf32>, vector<144x15xf32> -> vector<144x80xf32>
    %swap3A_63 = arith.constant 0 : index
    %swap3A_64 = arith.constant 0 : index
    %swap3A_65 = arith.constant 0 : index
    %swap3A_66 = arith.constant 0 : index
    %swap3A_67 = vector.load %arg9[%swap3A_63, %swap3A_64, %swap3A_65, %swap3A_66] : memref<1x36x144x80xf32, #tpu.memory_space<vmem>>, vector<1x1x144x80xf32>
    %swap3A_68 = vector.shape_cast %swap3A_67 : vector<1x1x144x80xf32> to vector<144x80xf32>
    %swap3A_69 = vector.shape_cast %concatenate3A : vector<144x80xf32> to vector<1x1x144x80xf32>
    tpu.vector_store %arg9[%swap3A_63, %swap3A_64, %swap3A_65, %swap3A_66], %swap3A_69 {strides = array<i32>} : memref<1x36x144x80xf32, #tpu.memory_space<vmem>>, vector<1x1x144x80xf32>,
    %get3A_70 = arith.constant 0 : index
    %get3A_71 = arith.constant 1 : index
    %get3A_72 = arith.constant 0 : index
    %get3A_73 = arith.constant 0 : index
    %get3A_74 = vector.load %arg2[%get3A_70, %get3A_71, %get3A_72, %get3A_73] : memref<1x38x144x16xf32, #tpu.memory_space<vmem>>, vector<1x3x144x16xf32>
    %get3A_75 = vector.shape_cast %get3A_74 : vector<1x3x144x16xf32> to vector<3x144x16xf32>
    %reshape3A_76 = vector.shape_cast %get3A_75 : vector<3x144x16xf32> to vector<432x16xf32>
    %get3A_77 = arith.constant 144 : index
    %get3A_78 = arith.constant 0 : index
    %get3A_79 = vector.load %arg10[%get3A_77, %get3A_78] : memref<5472x144xf32, #tpu.memory_space<vmem>>, vector<432x144xf32>
    %get3A_80 = arith.constant 0 : index
    %get3A_81 = arith.constant 1 : index
    %get3A_82 = arith.constant 0 : index
    %get3A_83 = arith.constant 0 : index
    %get3A_84 = vector.load %arg3[%get3A_80, %get3A_81, %get3A_82, %get3A_83] : memref<1x38x144x64xf32, #tpu.memory_space<vmem>>, vector<1x3x144x64xf32>
    %get3A_85 = vector.shape_cast %get3A_84 : vector<1x3x144x64xf32> to vector<3x144x64xf32>
    %reshape3A_86 = vector.shape_cast %get3A_85 : vector<3x144x64xf32> to vector<432x64xf32>
    %get3A_87 = arith.constant 0 : index
    %get3A_88 = arith.constant 2 : index
    %get3A_89 = arith.constant 0 : index
    %get3A_90 = arith.constant 0 : index
    %get3A_91 = vector.load %arg1[%get3A_87, %get3A_88, %get3A_89, %get3A_90] : memref<1x38x144x16xf32, #tpu.memory_space<vmem>>, vector<1x1x144x16xf32>
    %get3A_92 = vector.shape_cast %get3A_91 : vector<1x1x144x16xf32> to vector<144x16xf32>
    %dot_general3A_93 = arith.constant dense<0.000000e+00> : vector<432x144xf32>
    %dot_general3A_94 = tpu.matmul %reshape3A_76, %get3A_92, %dot_general3A_93 {dimension_numbers = #tpu.dot_dimension_numbers<[1], [1], [0], [0], [0, 0, 1, 0], [], []>, transpose_lhs_hint = false} : vector<432x16xf32>, vector<144x16xf32>, vector<432x144xf32> -> vector<432x144xf32>
    %add3A_95 = arith.addf %dot_general3A_94, %get3A_79 : vector<432x144xf32>
    %reduce_max3A_96 = arith.constant dense<0xFF800000> : vector<144xf32>
    %reduce_max3A_97 = vector.multi_reduction <maximumf>, %add3A_95, %reduce_max3A_96 [0] : vector<432x144xf32> to vector<144xf32>
    %broadcast_in_dim3A_98 = vector.shape_cast %reduce_max3A_97 : vector<144xf32> to vector<1x144xf32>
    %sub3A_99 = vector.broadcast %broadcast_in_dim3A_98 : vector<1x144xf32> to vector<432x144xf32>
    %sub3A_100 = arith.subf %add3A_95, %sub3A_99 : vector<432x144xf32>
    %exp3A_101 = math.exp %sub3A_100 : vector<432x144xf32>
    %reduce_sum3A_102 = arith.constant dense<0.000000e+00> : vector<144xf32>
    %reduce_sum3A_103 = vector.multi_reduction <add>, %exp3A_101, %reduce_sum3A_102 [0] : vector<432x144xf32> to vector<144xf32>
    %broadcast_in_dim3A_104 = vector.shape_cast %reduce_sum3A_103 : vector<144xf32> to vector<1x144xf32>
    %div3A_105 = vector.broadcast %broadcast_in_dim3A_104 : vector<1x144xf32> to vector<432x144xf32>
    %div3A_106 = arith.divf %exp3A_101, %div3A_105 : vector<432x144xf32>
    %dot_general3A_107 = arith.constant dense<0.000000e+00> : vector<144x64xf32>
    %dot_general3A_108 = tpu.matmul %div3A_106, %reshape3A_86, %dot_general3A_107 {dimension_numbers = #tpu.dot_dimension_numbers<[0], [0], [1], [1], [0, 1, 1, 1], [], []>, transpose_lhs_hint = false} : vector<432x144xf32>, vector<432x64xf32>, vector<144x64xf32> -> vector<144x64xf32>
    %log3A_109 = math.log %broadcast_in_dim3A_104 : vector<1x144xf32>
    %add3A_110 = arith.addf %log3A_109, %broadcast_in_dim3A_98 : vector<1x144xf32>
    %transpose3A_111 = tpu.transpose %add3A_110, [1, 0] : vector<1x144xf32> -> vector<144x1xf32>
    %concatenate3A_112 = tpu.concatenate %dot_general3A_108, %transpose3A_111, %broadcast_in_dim3A_27 in 1 : vector<144x64xf32>, vector<144x1xf32>, vector<144x15xf32> -> vector<144x80xf32>
    %swap3A_113 = arith.constant 0 : index
    %swap3A_114 = arith.constant 1 : index
    %swap3A_115 = arith.constant 0 : index
    %swap3A_116 = arith.constant 0 : index
    %swap3A_117 = vector.load %arg9[%swap3A_113, %swap3A_114, %swap3A_115, %swap3A_116] : memref<1x36x144x80xf32, #tpu.memory_space<vmem>>, vector<1x1x144x80xf32>
    %swap3A_118 = vector.shape_cast %swap3A_117 : vector<1x1x144x80xf32> to vector<144x80xf32>
    %swap3A_119 = vector.shape_cast %concatenate3A_112 : vector<144x80xf32> to vector<1x1x144x80xf32>
    tpu.vector_store %arg9[%swap3A_113, %swap3A_114, %swap3A_115, %swap3A_116], %swap3A_119 {strides = array<i32>} : memref<1x36x144x80xf32, #tpu.memory_space<vmem>>, vector<1x1x144x80xf32>,
    %get3A_120 = arith.constant 0 : index
    %get3A_121 = arith.constant 2 : index
    %get3A_122 = arith.constant 0 : index
    %get3A_123 = arith.constant 0 : index
    %get3A_124 = vector.load %arg2[%get3A_120, %get3A_121, %get3A_122, %get3A_123] : memref<1x38x144x16xf32, #tpu.memory_space<vmem>>, vector<1x3x144x16xf32>
    %get3A_125 = vector.shape_cast %get3A_124 : vector<1x3x144x16xf32> to vector<3x144x16xf32>
    %reshape3A_126 = vector.shape_cast %get3A_125 : vector<3x144x16xf32> to vector<432x16xf32>
    %get3A_127 = arith.constant 288 : index
    %get3A_128 = arith.constant 0 : index
    %get3A_129 = vector.load %arg10[%get3A_127, %get3A_128] : memref<5472x144xf32, #tpu.memory_space<vmem>>, vector<432x144xf32>
    %get3A_130 = arith.constant 0 : index
    %get3A_131 = arith.constant 2 : index
    %get3A_132 = arith.constant 0 : index
    %get3A_133 = arith.constant 0 : index
    %get3A_134 = vector.load %arg3[%get3A_130, %get3A_131, %get3A_132, %get3A_133] : memref<1x38x144x64xf32, #tpu.memory_space<vmem>>, vector<1x3x144x64xf32>
    %get3A_135 = vector.shape_cast %get3A_134 : vector<1x3x144x64xf32> to vector<3x144x64xf32>
    %reshape3A_136 = vector.shape_cast %get3A_135 : vector<3x144x64xf32> to vector<432x64xf32>
    %get3A_137 = arith.constant 0 : index
    %get3A_138 = arith.constant 3 : index
    %get3A_139 = arith.constant 0 : index
    %get3A_140 = arith.constant 0 : index
    %get3A_141 = vector.load %arg1[%get3A_137, %get3A_138, %get3A_139, %get3A_140] : memref<1x38x144x16xf32, #tpu.memory_space<vmem>>, vector<1x1x144x16xf32>
    %get3A_142 = vector.shape_cast %get3A_141 : vector<1x1x144x16xf32> to vector<144x16xf32>
    %dot_general3A_143 = arith.constant dense<0.000000e+00> : vector<432x144xf32>
    %dot_general3A_144 = tpu.matmul %reshape3A_126, %get3A_142, %dot_general3A_143 {dimension_numbers = #tpu.dot_dimension_numbers<[1], [1], [0], [0], [0, 0, 1, 0], [], []>, transpose_lhs_hint = false} : vector<432x16xf32>, vector<144x16xf32>, vector<432x144xf32> -> vector<432x144xf32>
    %add3A_145 = arith.addf %dot_general3A_144, %get3A_129 : vector<432x144xf32>
    %reduce_max3A_146 = arith.constant dense<0xFF800000> : vector<144xf32>
    %reduce_max3A_147 = vector.multi_reduction <maximumf>, %add3A_145, %reduce_max3A_146 [0] : vector<432x144xf32> to vector<144xf32>
    %broadcast_in_dim3A_148 = vector.shape_cast %reduce_max3A_147 : vector<144xf32> to vector<1x144xf32>
    %sub3A_149 = vector.broadcast %broadcast_in_dim3A_148 : vector<1x144xf32> to vector<432x144xf32>
    %sub3A_150 = arith.subf %add3A_145, %sub3A_149 : vector<432x144xf32>
    %exp3A_151 = math.exp %sub3A_150 : vector<432x144xf32>
    %reduce_sum3A_152 = arith.constant dense<0.000000e+00> : vector<144xf32>
    %reduce_sum3A_153 = vector.multi_reduction <add>, %exp3A_151, %reduce_sum3A_152 [0] : vector<432x144xf32> to vector<144xf32>
    %broadcast_in_dim3A_154 = vector.shape_cast %reduce_sum3A_153 : vector<144xf32> to vector<1x144xf32>
    %div3A_155 = vector.broadcast %broadcast_in_dim3A_154 : vector<1x144xf32> to vector<432x144xf32>
    %div3A_156 = arith.divf %exp3A_151, %div3A_155 : vector<432x144xf32>
    %dot_general3A_157 = arith.constant dense<0.000000e+00> : vector<144x64xf32>
    %dot_general3A_158 = tpu.matmul %div3A_156, %reshape3A_136, %dot_general3A_157 {dimension_numbers = #tpu.dot_dimension_numbers<[0], [0], [1], [1], [0, 1, 1, 1], [], []>, transpose_lhs_hint = false} : vector<432x144xf32>, vector<432x64xf32>, vector<144x64xf32> -> vector<144x64xf32>
    %log3A_159 = math.log %broadcast_in_dim3A_154 : vector<1x144xf32>
    %add3A_160 = arith.addf %log3A_159, %broadcast_in_dim3A_148 : vector<1x144xf32>
    %transpose3A_161 = tpu.transpose %add3A_160, [1, 0] : vector<1x144xf32> -> vector<144x1xf32>
    %concatenate3A_162 = tpu.concatenate %dot_general3A_158, %transpose3A_161, %broadcast_in_dim3A_27 in 1 : vector<144x64xf32>, vector<144x1xf32>, vector<144x15xf32> -> vector<144x80xf32>
    %swap3A_163 = arith.constant 0 : index
    %swap3A_164 = arith.constant 2 : index
    %swap3A_165 = arith.constant 0 : index
    %swap3A_166 = arith.constant 0 : index
    %swap3A_167 = vector.load %arg9[%swap3A_163, %swap3A_164, %swap3A_165, %swap3A_166] : memref<1x36x144x80xf32, #tpu.memory_space<vmem>>, vector<1x1x144x80xf32>
    %swap3A_168 = vector.shape_cast %swap3A_167 : vector<1x1x144x80xf32> to vector<144x80xf32>
    %swap3A_169 = vector.shape_cast %concatenate3A_162 : vector<144x80xf32> to vector<1x1x144x80xf32>
    tpu.vector_store %arg9[%swap3A_163, %swap3A_164, %swap3A_165, %swap3A_166], %swap3A_169 {strides = array<i32>} : memref<1x36x144x80xf32, #tpu.memory_space<vmem>>, vector<1x1x144x80xf32>,
    %get3A_170 = arith.constant 0 : index
    %get3A_171 = arith.constant 3 : index
    %get3A_172 = arith.constant 0 : index
    %get3A_173 = arith.constant 0 : index
    %get3A_174 = vector.load %arg2[%get3A_170, %get3A_171, %get3A_172, %get3A_173] : memref<1x38x144x16xf32, #tpu.memory_space<vmem>>, vector<1x3x144x16xf32>
    %get3A_175 = vector.shape_cast %get3A_174 : vector<1x3x144x16xf32> to vector<3x144x16xf32>
    %reshape3A_176 = vector.shape_cast %get3A_175 : vector<3x144x16xf32> to vector<432x16xf32>
    %get3A_177 = arith.constant 432 : index
    %get3A_178 = arith.constant 0 : index
    %get3A_179 = vector.load %arg10[%get3A_177, %get3A_178] : memref<5472x144xf32, #tpu.memory_space<vmem>>, vector<432x144xf32>
    %get3A_180 = arith.constant 0 : index
    %get3A_181 = arith.constant 3 : index
    %get3A_182 = arith.constant 0 : index
    %get3A_183 = arith.constant 0 : index
    %get3A_184 = vector.load %arg3[%get3A_180, %get3A_181, %get3A_182, %get3A_183] : memref<1x38x144x64xf32, #tpu.memory_space<vmem>>, vector<1x3x144x64xf32>
    %get3A_185 = vector.shape_cast %get3A_184 : vector<1x3x144x64xf32> to vector<3x144x64xf32>
    %reshape3A_186 = vector.shape_cast %get3A_185 : vector<3x144x64xf32> to vector<432x64xf32>
    %get3A_187 = arith.constant 0 : index
    %get3A_188 = arith.constant 4 : index
    %get3A_189 = arith.constant 0 : index
    %get3A_190 = arith.constant 0 : index
    %get3A_191 = vector.load %arg1[%get3A_187, %get3A_188, %get3A_189, %get3A_190] : memref<1x38x144x16xf32, #tpu.memory_space<vmem>>, vector<1x1x144x16xf32>
    %get3A_192 = vector.shape_cast %get3A_191 : vector<1x1x144x16xf32> to vector<144x16xf32>
    %dot_general3A_193 = arith.constant dense<0.000000e+00> : vector<432x144xf32>
    %dot_general3A_194 = tpu.matmul %reshape3A_176, %get3A_192, %dot_general3A_193 {dimension_numbers = #tpu.dot_dimension_numbers<[1], [1], [0], [0], [0, 0, 1, 0], [], []>, transpose_lhs_hint = false} : vector<432x16xf32>, vector<144x16xf32>, vector<432x144xf32> -> vector<432x144xf32>
    %add3A_195 = arith.addf %dot_general3A_194, %get3A_179 : vector<432x144xf32>
    %reduce_max3A_196 = arith.constant dense<0xFF800000> : vector<144xf32>
    %reduce_max3A_197 = vector.multi_reduction <maximumf>, %add3A_195, %reduce_max3A_196 [0] : vector<432x144xf32> to vector<144xf32>
    %broadcast_in_dim3A_198 = vector.shape_cast %reduce_max3A_197 : vector<144xf32> to vector<1x144xf32>
    %sub3A_199 = vector.broadcast %broadcast_in_dim3A_198 : vector<1x144xf32> to vector<432x144xf32>
    %sub3A_200 = arith.subf %add3A_195, %sub3A_199 : vector<432x144xf32>
    %exp3A_201 = math.exp %sub3A_200 : vector<432x144xf32>
    %reduce_sum3A_202 = arith.constant dense<0.000000e+00> : vector<144xf32>
    %reduce_sum3A_203 = vector.multi_reduction <add>, %exp3A_201, %reduce_sum3A_202 [0] : vector<432x144xf32> to vector<144xf32>
    %broadcast_in_dim3A_204 = vector.shape_cast %reduce_sum3A_203 : vector<144xf32> to vector<1x144xf32>
    %div3A_205 = vector.broadcast %broadcast_in_dim3A_204 : vector<1x144xf32> to vector<432x144xf32>
    %div3A_206 = arith.divf %exp3A_201, %div3A_205 : vector<432x144xf32>
    %dot_general3A_207 = arith.constant dense<0.000000e+00> : vector<144x64xf32>
    %dot_general3A_208 = tpu.matmul %div3A_206, %reshape3A_186, %dot_general3A_207 {dimension_numbers = #tpu.dot_dimension_numbers<[0], [0], [1], [1], [0, 1, 1, 1], [], []>, transpose_lhs_hint = false} : vector<432x144xf32>, vector<432x64xf32>, vector<144x64xf32> -> vector<144x64xf32>
    %log3A_209 = math.log %broadcast_in_dim3A_204 : vector<1x144xf32>
    %add3A_210 = arith.addf %log3A_209, %broadcast_in_dim3A_198 : vector<1x144xf32>
    %transpose3A_211 = tpu.transpose %add3A_210, [1, 0] : vector<1x144xf32> -> vector<144x1xf32>
    %concatenate3A_212 = tpu.concatenate %dot_general3A_208, %transpose3A_211, %broadcast_in_dim3A_27 in 1 : vector<144x64xf32>, vector<144x1xf32>, vector<144x15xf32> -> vector<144x80xf32>
    %swap3A_213 = arith.constant 0 : index
    %swap3A_214 = arith.constant 3 : index
    %swap3A_215 = arith.constant 0 : index
    %swap3A_216 = arith.constant 0 : index
    %swap3A_217 = vector.load %arg9[%swap3A_213, %swap3A_214, %swap3A_215, %swap3A_216] : memref<1x36x144x80xf32, #tpu.memory_space<vmem>>, vector<1x1x144x80xf32>
    %swap3A_218 = vector.shape_cast %swap3A_217 : vector<1x1x144x80xf32> to vector<144x80xf32>
    %swap3A_219 = vector.shape_cast %concatenate3A_212 : vector<144x80xf32> to vector<1x1x144x80xf32>
    tpu.vector_store %arg9[%swap3A_213, %swap3A_214, %swap3A_215, %swap3A_216], %swap3A_219 {strides = array<i32>} : memref<1x36x144x80xf32, #tpu.memory_space<vmem>>, vector<1x1x144x80xf32>,
    %get3A_220 = arith.constant 0 : index
    %get3A_221 = arith.constant 4 : index
    %get3A_222 = arith.constant 0 : index
    %get3A_223 = arith.constant 0 : index
    %get3A_224 = vector.load %arg2[%get3A_220, %get3A_221, %get3A_222, %get3A_223] : memref<1x38x144x16xf32, #tpu.memory_space<vmem>>, vector<1x3x144x16xf32>
    %get3A_225 = vector.shape_cast %get3A_224 : vector<1x3x144x16xf32> to vector<3x144x16xf32>
    %reshape3A_226 = vector.shape_cast %get3A_225 : vector<3x144x16xf32> to vector<432x16xf32>
    %get3A_227 = arith.constant 576 : index
    %get3A_228 = arith.constant 0 : index
    %get3A_229 = vector.load %arg10[%get3A_227, %get3A_228] : memref<5472x144xf32, #tpu.memory_space<vmem>>, vector<432x144xf32>
    %get3A_230 = arith.constant 0 : index
    %get3A_231 = arith.constant 4 : index
    %get3A_232 = arith.constant 0 : index
    %get3A_233 = arith.constant 0 : index
    %get3A_234 = vector.load %arg3[%get3A_230, %get3A_231, %get3A_232, %get3A_233] : memref<1x38x144x64xf32, #tpu.memory_space<vmem>>, vector<1x3x144x64xf32>
    %get3A_235 = vector.shape_cast %get3A_234 : vector<1x3x144x64xf32> to vector<3x144x64xf32>
    %reshape3A_236 = vector.shape_cast %get3A_235 : vector<3x144x64xf32> to vector<432x64xf32>
    %get3A_237 = arith.constant 0 : index
    %get3A_238 = arith.constant 5 : index
    %get3A_239 = arith.constant 0 : index
    %get3A_240 = arith.constant 0 : index
    %get3A_241 = vector.load %arg1[%get3A_237, %get3A_238, %get3A_239, %get3A_240] : memref<1x38x144x16xf32, #tpu.memory_space<vmem>>, vector<1x1x144x16xf32>
    %get3A_242 = vector.shape_cast %get3A_241 : vector<1x1x144x16xf32> to vector<144x16xf32>
    %dot_general3A_243 = arith.constant dense<0.000000e+00> : vector<432x144xf32>
    %dot_general3A_244 = tpu.matmul %reshape3A_226, %get3A_242, %dot_general3A_243 {dimension_numbers = #tpu.dot_dimension_numbers<[1], [1], [0], [0], [0, 0, 1, 0], [], []>, transpose_lhs_hint = false} : vector<432x16xf32>, vector<144x16xf32>, vector<432x144xf32> -> vector<432x144xf32>
    %add3A_245 = arith.addf %dot_general3A_244, %get3A_229 : vector<432x144xf32>
    %reduce_max3A_246 = arith.constant dense<0xFF800000> : vector<144xf32>
    %reduce_max3A_247 = vector.multi_reduction <maximumf>, %add3A_245, %reduce_max3A_246 [0] : vector<432x144xf32> to vector<144xf32>
    %broadcast_in_dim3A_248 = vector.shape_cast %reduce_max3A_247 : vector<144xf32> to vector<1x144xf32>
    %sub3A_249 = vector.broadcast %broadcast_in_dim3A_248 : vector<1x144xf32> to vector<432x144xf32>
    %sub3A_250 = arith.subf %add3A_245, %sub3A_249 : vector<432x144xf32>
    %exp3A_251 = math.exp %sub3A_250 : vector<432x144xf32>
    %reduce_sum3A_252 = arith.constant dense<0.000000e+00> : vector<144xf32>
    %reduce_sum3A_253 = vector.multi_reduction <add>, %exp3A_251, %reduce_sum3A_252 [0] : vector<432x144xf32> to vector<144xf32>
    %broadcast_in_dim3A_254 = vector.shape_cast %reduce_sum3A_253 : vector<144xf32> to vector<1x144xf32>
    %div3A_255 = vector.broadcast %broadcast_in_dim3A_254 : vector<1x144xf32> to vector<432x144xf32>
    %div3A_256 = arith.divf %exp3A_251, %div3A_255 : vector<432x144xf32>
    %dot_general3A_257 = arith.constant dense<0.000000e+00> : vector<144x64xf32>
    %dot_general3A_258 = tpu.matmul %div3A_256, %reshape3A_236, %dot_general3A_257 {dimension_numbers = #tpu.dot_dimension_numbers<[0], [0], [1], [1], [0, 1, 1, 1], [], []>, transpose_lhs_hint = false} : vector<432x144xf32>, vector<432x64xf32>, vector<144x64xf32> -> vector<144x64xf32>
    %log3A_259 = math.log %broadcast_in_dim3A_254 : vector<1x144xf32>
    %add3A_260 = arith.addf %log3A_259, %broadcast_in_dim3A_248 : vector<1x144xf32>
    %transpose3A_261 = tpu.transpose %add3A_260, [1, 0] : vector<1x144xf32> -> vector<144x1xf32>
    %concatenate3A_262 = tpu.concatenate %dot_general3A_258, %transpose3A_261, %broadcast_in_dim3A_27 in 1 : vector<144x64xf32>, vector<144x1xf32>, vector<144x15xf32> -> vector<144x80xf32>
    %swap3A_263 = arith.constant 0 : index
    %swap3A_264 = arith.constant 4 : index
    %swap3A_265 = arith.constant 0 : index
    %swap3A_266 = arith.constant 0 : index
    %swap3A_267 = vector.load %arg9[%swap3A_263, %swap3A_264, %swap3A_265, %swap3A_266] : memref<1x36x144x80xf32, #tpu.memory_space<vmem>>, vector<1x1x144x80xf32>
    %swap3A_268 = vector.shape_cast %swap3A_267 : vector<1x1x144x80xf32> to vector<144x80xf32>
    %swap3A_269 = vector.shape_cast %concatenate3A_262 : vector<144x80xf32> to vector<1x1x144x80xf32>
    tpu.vector_store %arg9[%swap3A_263, %swap3A_264, %swap3A_265, %swap3A_266], %swap3A_269 {strides = array<i32>} : memref<1x36x144x80xf32, #tpu.memory_space<vmem>>, vector<1x1x144x80xf32>,
    %get3A_270 = arith.constant 0 : index
    %get3A_271 = arith.constant 5 : index
    %get3A_272 = arith.constant 0 : index
    %get3A_273 = arith.constant 0 : index
    %get3A_274 = vector.load %arg2[%get3A_270, %get3A_271, %get3A_272, %get3A_273] : memref<1x38x144x16xf32, #tpu.memory_space<vmem>>, vector<1x3x144x16xf32>
    %get3A_275 = vector.shape_cast %get3A_274 : vector<1x3x144x16xf32> to vector<3x144x16xf32>
    %reshape3A_276 = vector.shape_cast %get3A_275 : vector<3x144x16xf32> to vector<432x16xf32>
    %get3A_277 = arith.constant 720 : index
    %get3A_278 = arith.constant 0 : index
    %get3A_279 = vector.load %arg10[%get3A_277, %get3A_278] : memref<5472x144xf32, #tpu.memory_space<vmem>>, vector<432x144xf32>
    %get3A_280 = arith.constant 0 : index
    %get3A_281 = arith.constant 5 : index
    %get3A_282 = arith.constant 0 : index
    %get3A_283 = arith.constant 0 : index
    %get3A_284 = vector.load %arg3[%get3A_280, %get3A_281, %get3A_282, %get3A_283] : memref<1x38x144x64xf32, #tpu.memory_space<vmem>>, vector<1x3x144x64xf32>
    %get3A_285 = vector.shape_cast %get3A_284 : vector<1x3x144x64xf32> to vector<3x144x64xf32>
    %reshape3A_286 = vector.shape_cast %get3A_285 : vector<3x144x64xf32> to vector<432x64xf32>
    %get3A_287 = arith.constant 0 : index
    %get3A_288 = arith.constant 6 : index
    %get3A_289 = arith.constant 0 : index
    %get3A_290 = arith.constant 0 : index
    %get3A_291 = vector.load %arg1[%get3A_287, %get3A_288, %get3A_289, %get3A_290] : memref<1x38x144x16xf32, #tpu.memory_space<vmem>>, vector<1x1x144x16xf32>
    %get3A_292 = vector.shape_cast %get3A_291 : vector<1x1x144x16xf32> to vector<144x16xf32>
    %dot_general3A_293 = arith.constant dense<0.000000e+00> : vector<432x144xf32>
    %dot_general3A_294 = tpu.matmul %reshape3A_276, %get3A_292, %dot_general3A_293 {dimension_numbers = #tpu.dot_dimension_numbers<[1], [1], [0], [0], [0, 0, 1, 0], [], []>, transpose_lhs_hint = false} : vector<432x16xf32>, vector<144x16xf32>, vector<432x144xf32> -> vector<432x144xf32>
    %add3A_295 = arith.addf %dot_general3A_294, %get3A_279 : vector<432x144xf32>
    %reduce_max3A_296 = arith.constant dense<0xFF800000> : vector<144xf32>
    %reduce_max3A_297 = vector.multi_reduction <maximumf>, %add3A_295, %reduce_max3A_296 [0] : vector<432x144xf32> to vector<144xf32>
    %broadcast_in_dim3A_298 = vector.shape_cast %reduce_max3A_297 : vector<144xf32> to vector<1x144xf32>
    %sub3A_299 = vector.broadcast %broadcast_in_dim3A_298 : vector<1x144xf32> to vector<432x144xf32>
    %sub3A_300 = arith.subf %add3A_295, %sub3A_299 : vector<432x144xf32>
    %exp3A_301 = math.exp %sub3A_300 : vector<432x144xf32>
    %reduce_sum3A_302 = arith.constant dense<0.000000e+00> : vector<144xf32>
    %reduce_sum3A_303 = vector.multi_reduction <add>, %exp3A_301, %reduce_sum3A_302 [0] : vector<432x144xf32> to vector<144xf32>
    %broadcast_in_dim3A_304 = vector.shape_cast %reduce_sum3A_303 : vector<144xf32> to vector<1x144xf32>
    %div3A_305 = vector.broadcast %broadcast_in_dim3A_304 : vector<1x144xf32> to vector<432x144xf32>
    %div3A_306 = arith.divf %exp3A_301, %div3A_305 : vector<432x144xf32>
    %dot_general3A_307 = arith.constant dense<0.000000e+00> : vector<144x64xf32>
    %dot_general3A_308 = tpu.matmul %div3A_306, %reshape3A_286, %dot_general3A_307 {dimension_numbers = #tpu.dot_dimension_numbers<[0], [0], [1], [1], [0, 1, 1, 1], [], []>, transpose_lhs_hint = false} : vector<432x144xf32>, vector<432x64xf32>, vector<144x64xf32> -> vector<144x64xf32>
    %log3A_309 = math.log %broadcast_in_dim3A_304 : vector<1x144xf32>
    %add3A_310 = arith.addf %log3A_309, %broadcast_in_dim3A_298 : vector<1x144xf32>
    %transpose3A_311 = tpu.transpose %add3A_310, [1, 0] : vector<1x144xf32> -> vector<144x1xf32>
    %concatenate3A_312 = tpu.concatenate %dot_general3A_308, %transpose3A_311, %broadcast_in_dim3A_27 in 1 : vector<144x64xf32>, vector<144x1xf32>, vector<144x15xf32> -> vector<144x80xf32>
    %swap3A_313 = arith.constant 0 : index
    %swap3A_314 = arith.constant 5 : index
    %swap3A_315 = arith.constant 0 : index
    %swap3A_316 = arith.constant 0 : index
    %swap3A_317 = vector.load %arg9[%swap3A_313, %swap3A_314, %swap3A_315, %swap3A_316] : memref<1x36x144x80xf32, #tpu.memory_space<vmem>>, vector<1x1x144x80xf32>
    %swap3A_318 = vector.shape_cast %swap3A_317 : vector<1x1x144x80xf32> to vector<144x80xf32>
    %swap3A_319 = vector.shape_cast %concatenate3A_312 : vector<144x80xf32> to vector<1x1x144x80xf32>
    tpu.vector_store %arg9[%swap3A_313, %swap3A_314, %swap3A_315, %swap3A_316], %swap3A_319 {strides = array<i32>} : memref<1x36x144x80xf32, #tpu.memory_space<vmem>>, vector<1x1x144x80xf32>,
    %get3A_320 = arith.constant 0 : index
    %get3A_321 = arith.constant 6 : index
    %get3A_322 = arith.constant 0 : index
    %get3A_323 = arith.constant 0 : index
    %get3A_324 = vector.load %arg2[%get3A_320, %get3A_321, %get3A_322, %get3A_323] : memref<1x38x144x16xf32, #tpu.memory_space<vmem>>, vector<1x3x144x16xf32>
    %get3A_325 = vector.shape_cast %get3A_324 : vector<1x3x144x16xf32> to vector<3x144x16xf32>
    %reshape3A_326 = vector.shape_cast %get3A_325 : vector<3x144x16xf32> to vector<432x16xf32>
    %get3A_327 = arith.constant 864 : index
    %get3A_328 = arith.constant 0 : index
    %get3A_329 = vector.load %arg10[%get3A_327, %get3A_328] : memref<5472x144xf32, #tpu.memory_space<vmem>>, vector<432x144xf32>
    %get3A_330 = arith.constant 0 : index
    %get3A_331 = arith.constant 6 : index
    %get3A_332 = arith.constant 0 : index
    %get3A_333 = arith.constant 0 : index
    %get3A_334 = vector.load %arg3[%get3A_330, %get3A_331, %get3A_332, %get3A_333] : memref<1x38x144x64xf32, #tpu.memory_space<vmem>>, vector<1x3x144x64xf32>
    %get3A_335 = vector.shape_cast %get3A_334 : vector<1x3x144x64xf32> to vector<3x144x64xf32>
    %reshape3A_336 = vector.shape_cast %get3A_335 : vector<3x144x64xf32> to vector<432x64xf32>
    %get3A_337 = arith.constant 0 : index
    %get3A_338 = arith.constant 7 : index
    %get3A_339 = arith.constant 0 : index
    %get3A_340 = arith.constant 0 : index
    %get3A_341 = vector.load %arg1[%get3A_337, %get3A_338, %get3A_339, %get3A_340] : memref<1x38x144x16xf32, #tpu.memory_space<vmem>>, vector<1x1x144x16xf32>
    %get3A_342 = vector.shape_cast %get3A_341 : vector<1x1x144x16xf32> to vector<144x16xf32>
    %dot_general3A_343 = arith.constant dense<0.000000e+00> : vector<432x144xf32>
    %dot_general3A_344 = tpu.matmul %reshape3A_326, %get3A_342, %dot_general3A_343 {dimension_numbers = #tpu.dot_dimension_numbers<[1], [1], [0], [0], [0, 0, 1, 0], [], []>, transpose_lhs_hint = false} : vector<432x16xf32>, vector<144x16xf32>, vector<432x144xf32> -> vector<432x144xf32>
    %add3A_345 = arith.addf %dot_general3A_344, %get3A_329 : vector<432x144xf32>
    %reduce_max3A_346 = arith.constant dense<0xFF800000> : vector<144xf32>
    %reduce_max3A_347 = vector.multi_reduction <maximumf>, %add3A_345, %reduce_max3A_346 [0] : vector<432x144xf32> to vector<144xf32>
    %broadcast_in_dim3A_348 = vector.shape_cast %reduce_max3A_347 : vector<144xf32> to vector<1x144xf32>
    %sub3A_349 = vector.broadcast %broadcast_in_dim3A_348 : vector<1x144xf32> to vector<432x144xf32>
    %sub3A_350 = arith.subf %add3A_345, %sub3A_349 : vector<432x144xf32>
    %exp3A_351 = math.exp %sub3A_350 : vector<432x144xf32>
    %reduce_sum3A_352 = arith.constant dense<0.000000e+00> : vector<144xf32>
    %reduce_sum3A_353 = vector.multi_reduction <add>, %exp3A_351, %reduce_sum3A_352 [0] : vector<432x144xf32> to vector<144xf32>
    %broadcast_in_dim3A_354 = vector.shape_cast %reduce_sum3A_353 : vector<144xf32> to vector<1x144xf32>
    %div3A_355 = vector.broadcast %broadcast_in_dim3A_354 : vector<1x144xf32> to vector<432x144xf32>
    %div3A_356 = arith.divf %exp3A_351, %div3A_355 : vector<432x144xf32>
    %dot_general3A_357 = arith.constant dense<0.000000e+00> : vector<144x64xf32>
    %dot_general3A_358 = tpu.matmul %div3A_356, %reshape3A_336, %dot_general3A_357 {dimension_numbers = #tpu.dot_dimension_numbers<[0], [0], [1], [1], [0, 1, 1, 1], [], []>, transpose_lhs_hint = false} : vector<432x144xf32>, vector<432x64xf32>, vector<144x64xf32> -> vector<144x64xf32>
    %log3A_359 = math.log %broadcast_in_dim3A_354 : vector<1x144xf32>
    %add3A_360 = arith.addf %log3A_359, %broadcast_in_dim3A_348 : vector<1x144xf32>
    %transpose3A_361 = tpu.transpose %add3A_360, [1, 0] : vector<1x144xf32> -> vector<144x1xf32>
    %concatenate3A_362 = tpu.concatenate %dot_general3A_358, %transpose3A_361, %broadcast_in_dim3A_27 in 1 : vector<144x64xf32>, vector<144x1xf32>, vector<144x15xf32> -> vector<144x80xf32>
    %swap3A_363 = arith.constant 0 : index
    %swap3A_364 = arith.constant 6 : index
    %swap3A_365 = arith.constant 0 : index
    %swap3A_366 = arith.constant 0 : index
    %swap3A_367 = vector.load %arg9[%swap3A_363, %swap3A_364, %swap3A_365, %swap3A_366] : memref<1x36x144x80xf32, #tpu.memory_space<vmem>>, vector<1x1x144x80xf32>
    %swap3A_368 = vector.shape_cast %swap3A_367 : vector<1x1x144x80xf32> to vector<144x80xf32>
    %swap3A_369 = vector.shape_cast %concatenate3A_362 : vector<144x80xf32> to vector<1x1x144x80xf32>
    tpu.vector_store %arg9[%swap3A_363, %swap3A_364, %swap3A_365, %swap3A_366], %swap3A_369 {strides = array<i32>} : memref<1x36x144x80xf32, #tpu.memory_space<vmem>>, vector<1x1x144x80xf32>,
    %get3A_370 = arith.constant 0 : index
    %get3A_371 = arith.constant 7 : index
    %get3A_372 = arith.constant 0 : index
    %get3A_373 = arith.constant 0 : index
    %get3A_374 = vector.load %arg2[%get3A_370, %get3A_371, %get3A_372, %get3A_373] : memref<1x38x144x16xf32, #tpu.memory_space<vmem>>, vector<1x3x144x16xf32>
    %get3A_375 = vector.shape_cast %get3A_374 : vector<1x3x144x16xf32> to vector<3x144x16xf32>
    %reshape3A_376 = vector.shape_cast %get3A_375 : vector<3x144x16xf32> to vector<432x16xf32>
    %get3A_377 = arith.constant 1008 : index
    %get3A_378 = arith.constant 0 : index
    %get3A_379 = vector.load %arg10[%get3A_377, %get3A_378] : memref<5472x144xf32, #tpu.memory_space<vmem>>, vector<432x144xf32>
    %get3A_380 = arith.constant 0 : index
    %get3A_381 = arith.constant 7 : index
    %get3A_382 = arith.constant 0 : index
    %get3A_383 = arith.constant 0 : index
    %get3A_384 = vector.load %arg3[%get3A_380, %get3A_381, %get3A_382, %get3A_383] : memref<1x38x144x64xf32, #tpu.memory_space<vmem>>, vector<1x3x144x64xf32>
    %get3A_385 = vector.shape_cast %get3A_384 : vector<1x3x144x64xf32> to vector<3x144x64xf32>
    %reshape3A_386 = vector.shape_cast %get3A_385 : vector<3x144x64xf32> to vector<432x64xf32>
    %get3A_387 = arith.constant 0 : index
    %get3A_388 = arith.constant 8 : index
    %get3A_389 = arith.constant 0 : index
    %get3A_390 = arith.constant 0 : index
    %get3A_391 = vector.load %arg1[%get3A_387, %get3A_388, %get3A_389, %get3A_390] : memref<1x38x144x16xf32, #tpu.memory_space<vmem>>, vector<1x1x144x16xf32>
    %get3A_392 = vector.shape_cast %get3A_391 : vector<1x1x144x16xf32> to vector<144x16xf32>
    %dot_general3A_393 = arith.constant dense<0.000000e+00> : vector<432x144xf32>
    %dot_general3A_394 = tpu.matmul %reshape3A_376, %get3A_392, %dot_general3A_393 {dimension_numbers = #tpu.dot_dimension_numbers<[1], [1], [0], [0], [0, 0, 1, 0], [], []>, transpose_lhs_hint = false} : vector<432x16xf32>, vector<144x16xf32>, vector<432x144xf32> -> vector<432x144xf32>
    %add3A_395 = arith.addf %dot_general3A_394, %get3A_379 : vector<432x144xf32>
    %reduce_max3A_396 = arith.constant dense<0xFF800000> : vector<144xf32>
    %reduce_max3A_397 = vector.multi_reduction <maximumf>, %add3A_395, %reduce_max3A_396 [0] : vector<432x144xf32> to vector<144xf32>
    %broadcast_in_dim3A_398 = vector.shape_cast %reduce_max3A_397 : vector<144xf32> to vector<1x144xf32>
    %sub3A_399 = vector.broadcast %broadcast_in_dim3A_398 : vector<1x144xf32> to vector<432x144xf32>
    %sub3A_400 = arith.subf %add3A_395, %sub3A_399 : vector<432x144xf32>
    %exp3A_401 = math.exp %sub3A_400 : vector<432x144xf32>
    %reduce_sum3A_402 = arith.constant dense<0.000000e+00> : vector<144xf32>
    %reduce_sum3A_403 = vector.multi_reduction <add>, %exp3A_401, %reduce_sum3A_402 [0] : vector<432x144xf32> to vector<144xf32>
    %broadcast_in_dim3A_404 = vector.shape_cast %reduce_sum3A_403 : vector<144xf32> to vector<1x144xf32>
    %div3A_405 = vector.broadcast %broadcast_in_dim3A_404 : vector<1x144xf32> to vector<432x144xf32>
    %div3A_406 = arith.divf %exp3A_401, %div3A_405 : vector<432x144xf32>
    %dot_general3A_407 = arith.constant dense<0.000000e+00> : vector<144x64xf32>
    %dot_general3A_408 = tpu.matmul %div3A_406, %reshape3A_386, %dot_general3A_407 {dimension_numbers = #tpu.dot_dimension_numbers<[0], [0], [1], [1], [0, 1, 1, 1], [], []>, transpose_lhs_hint = false} : vector<432x144xf32>, vector<432x64xf32>, vector<144x64xf32> -> vector<144x64xf32>
    %log3A_409 = math.log %broadcast_in_dim3A_404 : vector<1x144xf32>
    %add3A_410 = arith.addf %log3A_409, %broadcast_in_dim3A_398 : vector<1x144xf32>
    %transpose3A_411 = tpu.transpose %add3A_410, [1, 0] : vector<1x144xf32> -> vector<144x1xf32>
    %concatenate3A_412 = tpu.concatenate %dot_general3A_408, %transpose3A_411, %broadcast_in_dim3A_27 in 1 : vector<144x64xf32>, vector<144x1xf32>, vector<144x15xf32> -> vector<144x80xf32>
    %swap3A_413 = arith.constant 0 : index
    %swap3A_414 = arith.constant 7 : index
    %swap3A_415 = arith.constant 0 : index
    %swap3A_416 = arith.constant 0 : index
    %swap3A_417 = vector.load %arg9[%swap3A_413, %swap3A_414, %swap3A_415, %swap3A_416] : memref<1x36x144x80xf32, #tpu.memory_space<vmem>>, vector<1x1x144x80xf32>
    %swap3A_418 = vector.shape_cast %swap3A_417 : vector<1x1x144x80xf32> to vector<144x80xf32>
    %swap3A_419 = vector.shape_cast %concatenate3A_412 : vector<144x80xf32> to vector<1x1x144x80xf32>
    tpu.vector_store %arg9[%swap3A_413, %swap3A_414, %swap3A_415, %swap3A_416], %swap3A_419 {strides = array<i32>} : memref<1x36x144x80xf32, #tpu.memory_space<vmem>>, vector<1x1x144x80xf32>,
    %get3A_420 = arith.constant 0 : index
    %get3A_421 = arith.constant 8 : index
    %get3A_422 = arith.constant 0 : index
    %get3A_423 = arith.constant 0 : index
    %get3A_424 = vector.load %arg2[%get3A_420, %get3A_421, %get3A_422, %get3A_423] : memref<1x38x144x16xf32, #tpu.memory_space<vmem>>, vector<1x3x144x16xf32>
    %get3A_425 = vector.shape_cast %get3A_424 : vector<1x3x144x16xf32> to vector<3x144x16xf32>
    %reshape3A_426 = vector.shape_cast %get3A_425 : vector<3x144x16xf32> to vector<432x16xf32>
    %get3A_427 = arith.constant 1152 : index
    %get3A_428 = arith.constant 0 : index
    %get3A_429 = vector.load %arg10[%get3A_427, %get3A_428] : memref<5472x144xf32, #tpu.memory_space<vmem>>, vector<432x144xf32>
    %get3A_430 = arith.constant 0 : index
    %get3A_431 = arith.constant 8 : index
    %get3A_432 = arith.constant 0 : index
    %get3A_433 = arith.constant 0 : index
    %get3A_434 = vector.load %arg3[%get3A_430, %get3A_431, %get3A_432, %get3A_433] : memref<1x38x144x64xf32, #tpu.memory_space<vmem>>, vector<1x3x144x64xf32>
    %get3A_435 = vector.shape_cast %get3A_434 : vector<1x3x144x64xf32> to vector<3x144x64xf32>
    %reshape3A_436 = vector.shape_cast %get3A_435 : vector<3x144x64xf32> to vector<432x64xf32>
    %get3A_437 = arith.constant 0 : index
    %get3A_438 = arith.constant 9 : index
    %get3A_439 = arith.constant 0 : index
    %get3A_440 = arith.constant 0 : index
    %get3A_441 = vector.load %arg1[%get3A_437, %get3A_438, %get3A_439, %get3A_440] : memref<1x38x144x16xf32, #tpu.memory_space<vmem>>, vector<1x1x144x16xf32>
    %get3A_442 = vector.shape_cast %get3A_441 : vector<1x1x144x16xf32> to vector<144x16xf32>
    %dot_general3A_443 = arith.constant dense<0.000000e+00> : vector<432x144xf32>
    %dot_general3A_444 = tpu.matmul %reshape3A_426, %get3A_442, %dot_general3A_443 {dimension_numbers = #tpu.dot_dimension_numbers<[1], [1], [0], [0], [0, 0, 1, 0], [], []>, transpose_lhs_hint = false} : vector<432x16xf32>, vector<144x16xf32>, vector<432x144xf32> -> vector<432x144xf32>
    %add3A_445 = arith.addf %dot_general3A_444, %get3A_429 : vector<432x144xf32>
    %reduce_max3A_446 = arith.constant dense<0xFF800000> : vector<144xf32>
    %reduce_max3A_447 = vector.multi_reduction <maximumf>, %add3A_445, %reduce_max3A_446 [0] : vector<432x144xf32> to vector<144xf32>
    %broadcast_in_dim3A_448 = vector.shape_cast %reduce_max3A_447 : vector<144xf32> to vector<1x144xf32>
    %sub3A_449 = vector.broadcast %broadcast_in_dim3A_448 : vector<1x144xf32> to vector<432x144xf32>
    %sub3A_450 = arith.subf %add3A_445, %sub3A_449 : vector<432x144xf32>
    %exp3A_451 = math.exp %sub3A_450 : vector<432x144xf32>
    %reduce_sum3A_452 = arith.constant dense<0.000000e+00> : vector<144xf32>
    %reduce_sum3A_453 = vector.multi_reduction <add>, %exp3A_451, %reduce_sum3A_452 [0] : vector<432x144xf32> to vector<144xf32>
    %broadcast_in_dim3A_454 = vector.shape_cast %reduce_sum3A_453 : vector<144xf32> to vector<1x144xf32>
    %div3A_455 = vector.broadcast %broadcast_in_dim3A_454 : vector<1x144xf32> to vector<432x144xf32>
    %div3A_456 = arith.divf %exp3A_451, %div3A_455 : vector<432x144xf32>
    %dot_general3A_457 = arith.constant dense<0.000000e+00> : vector<144x64xf32>
    %dot_general3A_458 = tpu.matmul %div3A_456, %reshape3A_436, %dot_general3A_457 {dimension_numbers = #tpu.dot_dimension_numbers<[0], [0], [1], [1], [0, 1, 1, 1], [], []>, transpose_lhs_hint = false} : vector<432x144xf32>, vector<432x64xf32>, vector<144x64xf32> -> vector<144x64xf32>
    %log3A_459 = math.log %broadcast_in_dim3A_454 : vector<1x144xf32>
    %add3A_460 = arith.addf %log3A_459, %broadcast_in_dim3A_448 : vector<1x144xf32>
    %transpose3A_461 = tpu.transpose %add3A_460, [1, 0] : vector<1x144xf32> -> vector<144x1xf32>
    %concatenate3A_462 = tpu.concatenate %dot_general3A_458, %transpose3A_461, %broadcast_in_dim3A_27 in 1 : vector<144x64xf32>, vector<144x1xf32>, vector<144x15xf32> -> vector<144x80xf32>
    %swap3A_463 = arith.constant 0 : index
    %swap3A_464 = arith.constant 8 : index
    %swap3A_465 = arith.constant 0 : index
    %swap3A_466 = arith.constant 0 : index
    %swap3A_467 = vector.load %arg9[%swap3A_463, %swap3A_464, %swap3A_465, %swap3A_466] : memref<1x36x144x80xf32, #tpu.memory_space<vmem>>, vector<1x1x144x80xf32>
    %swap3A_468 = vector.shape_cast %swap3A_467 : vector<1x1x144x80xf32> to vector<144x80xf32>
    %swap3A_469 = vector.shape_cast %concatenate3A_462 : vector<144x80xf32> to vector<1x1x144x80xf32>
    tpu.vector_store %arg9[%swap3A_463, %swap3A_464, %swap3A_465, %swap3A_466], %swap3A_469 {strides = array<i32>} : memref<1x36x144x80xf32, #tpu.memory_space<vmem>>, vector<1x1x144x80xf32>,
    %get3A_470 = arith.constant 0 : index
    %get3A_471 = arith.constant 9 : index
    %get3A_472 = arith.constant 0 : index
    %get3A_473 = arith.constant 0 : index
    %get3A_474 = vector.load %arg2[%get3A_470, %get3A_471, %get3A_472, %get3A_473] : memref<1x38x144x16xf32, #tpu.memory_space<vmem>>, vector<1x3x144x16xf32>
    %get3A_475 = vector.shape_cast %get3A_474 : vector<1x3x144x16xf32> to vector<3x144x16xf32>
    %reshape3A_476 = vector.shape_cast %get3A_475 : vector<3x144x16xf32> to vector<432x16xf32>
    %get3A_477 = arith.constant 1296 : index
    %get3A_478 = arith.constant 0 : index
    %get3A_479 = vector.load %arg10[%get3A_477, %get3A_478] : memref<5472x144xf32, #tpu.memory_space<vmem>>, vector<432x144xf32>
    %get3A_480 = arith.constant 0 : index
    %get3A_481 = arith.constant 9 : index
    %get3A_482 = arith.constant 0 : index
    %get3A_483 = arith.constant 0 : index
    %get3A_484 = vector.load %arg3[%get3A_480, %get3A_481, %get3A_482, %get3A_483] : memref<1x38x144x64xf32, #tpu.memory_space<vmem>>, vector<1x3x144x64xf32>
    %get3A_485 = vector.shape_cast %get3A_484 : vector<1x3x144x64xf32> to vector<3x144x64xf32>
    %reshape3A_486 = vector.shape_cast %get3A_485 : vector<3x144x64xf32> to vector<432x64xf32>
    %get3A_487 = arith.constant 0 : index
    %get3A_488 = arith.constant 10 : index
    %get3A_489 = arith.constant 0 : index
    %get3A_490 = arith.constant 0 : index
    %get3A_491 = vector.load %arg1[%get3A_487, %get3A_488, %get3A_489, %get3A_490] : memref<1x38x144x16xf32, #tpu.memory_space<vmem>>, vector<1x1x144x16xf32>
    %get3A_492 = vector.shape_cast %get3A_491 : vector<1x1x144x16xf32> to vector<144x16xf32>
    %dot_general3A_493 = arith.constant dense<0.000000e+00> : vector<432x144xf32>
    %dot_general3A_494 = tpu.matmul %reshape3A_476, %get3A_492, %dot_general3A_493 {dimension_numbers = #tpu.dot_dimension_numbers<[1], [1], [0], [0], [0, 0, 1, 0], [], []>, transpose_lhs_hint = false} : vector<432x16xf32>, vector<144x16xf32>, vector<432x144xf32> -> vector<432x144xf32>
    %add3A_495 = arith.addf %dot_general3A_494, %get3A_479 : vector<432x144xf32>
    %reduce_max3A_496 = arith.constant dense<0xFF800000> : vector<144xf32>
    %reduce_max3A_497 = vector.multi_reduction <maximumf>, %add3A_495, %reduce_max3A_496 [0] : vector<432x144xf32> to vector<144xf32>
    %broadcast_in_dim3A_498 = vector.shape_cast %reduce_max3A_497 : vector<144xf32> to vector<1x144xf32>
    %sub3A_499 = vector.broadcast %broadcast_in_dim3A_498 : vector<1x144xf32> to vector<432x144xf32>
    %sub3A_500 = arith.subf %add3A_495, %sub3A_499 : vector<432x144xf32>
    %exp3A_501 = math.exp %sub3A_500 : vector<432x144xf32>
    %reduce_sum3A_502 = arith.constant dense<0.000000e+00> : vector<144xf32>
    %reduce_sum3A_503 = vector.multi_reduction <add>, %exp3A_501, %reduce_sum3A_502 [0] : vector<432x144xf32> to vector<144xf32>
    %broadcast_in_dim3A_504 = vector.shape_cast %reduce_sum3A_503 : vector<144xf32> to vector<1x144xf32>
    %div3A_505 = vector.broadcast %broadcast_in_dim3A_504 : vector<1x144xf32> to vector<432x144xf32>
    %div3A_506 = arith.divf %exp3A_501, %div3A_505 : vector<432x144xf32>
    %dot_general3A_507 = arith.constant dense<0.000000e+00> : vector<144x64xf32>
    %dot_general3A_508 = tpu.matmul %div3A_506, %reshape3A_486, %dot_general3A_507 {dimension_numbers = #tpu.dot_dimension_numbers<[0], [0], [1], [1], [0, 1, 1, 1], [], []>, transpose_lhs_hint = false} : vector<432x144xf32>, vector<432x64xf32>, vector<144x64xf32> -> vector<144x64xf32>
    %log3A_509 = math.log %broadcast_in_dim3A_504 : vector<1x144xf32>
    %add3A_510 = arith.addf %log3A_509, %broadcast_in_dim3A_498 : vector<1x144xf32>
    %transpose3A_511 = tpu.transpose %add3A_510, [1, 0] : vector<1x144xf32> -> vector<144x1xf32>
    %concatenate3A_512 = tpu.concatenate %dot_general3A_508, %transpose3A_511, %broadcast_in_dim3A_27 in 1 : vector<144x64xf32>, vector<144x1xf32>, vector<144x15xf32> -> vector<144x80xf32>
    %swap3A_513 = arith.constant 0 : index
    %swap3A_514 = arith.constant 9 : index
    %swap3A_515 = arith.constant 0 : index
    %swap3A_516 = arith.constant 0 : index
    %swap3A_517 = vector.load %arg9[%swap3A_513, %swap3A_514, %swap3A_515, %swap3A_516] : memref<1x36x144x80xf32, #tpu.memory_space<vmem>>, vector<1x1x144x80xf32>
    %swap3A_518 = vector.shape_cast %swap3A_517 : vector<1x1x144x80xf32> to vector<144x80xf32>
    %swap3A_519 = vector.shape_cast %concatenate3A_512 : vector<144x80xf32> to vector<1x1x144x80xf32>
    tpu.vector_store %arg9[%swap3A_513, %swap3A_514, %swap3A_515, %swap3A_516], %swap3A_519 {strides = array<i32>} : memref<1x36x144x80xf32, #tpu.memory_space<vmem>>, vector<1x1x144x80xf32>,
    %get3A_520 = arith.constant 0 : index
    %get3A_521 = arith.constant 10 : index
    %get3A_522 = arith.constant 0 : index
    %get3A_523 = arith.constant 0 : index
    %get3A_524 = vector.load %arg2[%get3A_520, %get3A_521, %get3A_522, %get3A_523] : memref<1x38x144x16xf32, #tpu.memory_space<vmem>>, vector<1x3x144x16xf32>
    %get3A_525 = vector.shape_cast %get3A_524 : vector<1x3x144x16xf32> to vector<3x144x16xf32>
    %reshape3A_526 = vector.shape_cast %get3A_525 : vector<3x144x16xf32> to vector<432x16xf32>
    %get3A_527 = arith.constant 1440 : index
    %get3A_528 = arith.constant 0 : index
    %get3A_529 = vector.load %arg10[%get3A_527, %get3A_528] : memref<5472x144xf32, #tpu.memory_space<vmem>>, vector<432x144xf32>
    %get3A_530 = arith.constant 0 : index
    %get3A_531 = arith.constant 10 : index
    %get3A_532 = arith.constant 0 : index
    %get3A_533 = arith.constant 0 : index
    %get3A_534 = vector.load %arg3[%get3A_530, %get3A_531, %get3A_532, %get3A_533] : memref<1x38x144x64xf32, #tpu.memory_space<vmem>>, vector<1x3x144x64xf32>
    %get3A_535 = vector.shape_cast %get3A_534 : vector<1x3x144x64xf32> to vector<3x144x64xf32>
    %reshape3A_536 = vector.shape_cast %get3A_535 : vector<3x144x64xf32> to vector<432x64xf32>
    %get3A_537 = arith.constant 0 : index
    %get3A_538 = arith.constant 11 : index
    %get3A_539 = arith.constant 0 : index
    %get3A_540 = arith.constant 0 : index
    %get3A_541 = vector.load %arg1[%get3A_537, %get3A_538, %get3A_539, %get3A_540] : memref<1x38x144x16xf32, #tpu.memory_space<vmem>>, vector<1x1x144x16xf32>
    %get3A_542 = vector.shape_cast %get3A_541 : vector<1x1x144x16xf32> to vector<144x16xf32>
    %dot_general3A_543 = arith.constant dense<0.000000e+00> : vector<432x144xf32>
    %dot_general3A_544 = tpu.matmul %reshape3A_526, %get3A_542, %dot_general3A_543 {dimension_numbers = #tpu.dot_dimension_numbers<[1], [1], [0], [0], [0, 0, 1, 0], [], []>, transpose_lhs_hint = false} : vector<432x16xf32>, vector<144x16xf32>, vector<432x144xf32> -> vector<432x144xf32>
    %add3A_545 = arith.addf %dot_general3A_544, %get3A_529 : vector<432x144xf32>
    %reduce_max3A_546 = arith.constant dense<0xFF800000> : vector<144xf32>
    %reduce_max3A_547 = vector.multi_reduction <maximumf>, %add3A_545, %reduce_max3A_546 [0] : vector<432x144xf32> to vector<144xf32>
    %broadcast_in_dim3A_548 = vector.shape_cast %reduce_max3A_547 : vector<144xf32> to vector<1x144xf32>
    %sub3A_549 = vector.broadcast %broadcast_in_dim3A_548 : vector<1x144xf32> to vector<432x144xf32>
    %sub3A_550 = arith.subf %add3A_545, %sub3A_549 : vector<432x144xf32>
    %exp3A_551 = math.exp %sub3A_550 : vector<432x144xf32>
    %reduce_sum3A_552 = arith.constant dense<0.000000e+00> : vector<144xf32>
    %reduce_sum3A_553 = vector.multi_reduction <add>, %exp3A_551, %reduce_sum3A_552 [0] : vector<432x144xf32> to vector<144xf32>
    %broadcast_in_dim3A_554 = vector.shape_cast %reduce_sum3A_553 : vector<144xf32> to vector<1x144xf32>
    %div3A_555 = vector.broadcast %broadcast_in_dim3A_554 : vector<1x144xf32> to vector<432x144xf32>
    %div3A_556 = arith.divf %exp3A_551, %div3A_555 : vector<432x144xf32>
    %dot_general3A_557 = arith.constant dense<0.000000e+00> : vector<144x64xf32>
    %dot_general3A_558 = tpu.matmul %div3A_556, %reshape3A_536, %dot_general3A_557 {dimension_numbers = #tpu.dot_dimension_numbers<[0], [0], [1], [1], [0, 1, 1, 1], [], []>, transpose_lhs_hint = false} : vector<432x144xf32>, vector<432x64xf32>, vector<144x64xf32> -> vector<144x64xf32>
    %log3A_559 = math.log %broadcast_in_dim3A_554 : vector<1x144xf32>
    %add3A_560 = arith.addf %log3A_559, %broadcast_in_dim3A_548 : vector<1x144xf32>
    %transpose3A_561 = tpu.transpose %add3A_560, [1, 0] : vector<1x144xf32> -> vector<144x1xf32>
    %concatenate3A_562 = tpu.concatenate %dot_general3A_558, %transpose3A_561, %broadcast_in_dim3A_27 in 1 : vector<144x64xf32>, vector<144x1xf32>, vector<144x15xf32> -> vector<144x80xf32>
    %swap3A_563 = arith.constant 0 : index
    %swap3A_564 = arith.constant 10 : index
    %swap3A_565 = arith.constant 0 : index
    %swap3A_566 = arith.constant 0 : index
    %swap3A_567 = vector.load %arg9[%swap3A_563, %swap3A_564, %swap3A_565, %swap3A_566] : memref<1x36x144x80xf32, #tpu.memory_space<vmem>>, vector<1x1x144x80xf32>
    %swap3A_568 = vector.shape_cast %swap3A_567 : vector<1x1x144x80xf32> to vector<144x80xf32>
    %swap3A_569 = vector.shape_cast %concatenate3A_562 : vector<144x80xf32> to vector<1x1x144x80xf32>
    tpu.vector_store %arg9[%swap3A_563, %swap3A_564, %swap3A_565, %swap3A_566], %swap3A_569 {strides = array<i32>} : memref<1x36x144x80xf32, #tpu.memory_space<vmem>>, vector<1x1x144x80xf32>,
    %get3A_570 = arith.constant 0 : index
    %get3A_571 = arith.constant 11 : index
    %get3A_572 = arith.constant 0 : index
    %get3A_573 = arith.constant 0 : index
    %get3A_574 = vector.load %arg2[%get3A_570, %get3A_571, %get3A_572, %get3A_573] : memref<1x38x144x16xf32, #tpu.memory_space<vmem>>, vector<1x3x144x16xf32>
    %get3A_575 = vector.shape_cast %get3A_574 : vector<1x3x144x16xf32> to vector<3x144x16xf32>
    %reshape3A_576 = vector.shape_cast %get3A_575 : vector<3x144x16xf32> to vector<432x16xf32>
    %get3A_577 = arith.constant 1584 : index
    %get3A_578 = arith.constant 0 : index
    %get3A_579 = vector.load %arg10[%get3A_577, %get3A_578] : memref<5472x144xf32, #tpu.memory_space<vmem>>, vector<432x144xf32>
    %get3A_580 = arith.constant 0 : index
    %get3A_581 = arith.constant 11 : index
    %get3A_582 = arith.constant 0 : index
    %get3A_583 = arith.constant 0 : index
    %get3A_584 = vector.load %arg3[%get3A_580, %get3A_581, %get3A_582, %get3A_583] : memref<1x38x144x64xf32, #tpu.memory_space<vmem>>, vector<1x3x144x64xf32>
    %get3A_585 = vector.shape_cast %get3A_584 : vector<1x3x144x64xf32> to vector<3x144x64xf32>
    %reshape3A_586 = vector.shape_cast %get3A_585 : vector<3x144x64xf32> to vector<432x64xf32>
    %get3A_587 = arith.constant 0 : index
    %get3A_588 = arith.constant 12 : index
    %get3A_589 = arith.constant 0 : index
    %get3A_590 = arith.constant 0 : index
    %get3A_591 = vector.load %arg1[%get3A_587, %get3A_588, %get3A_589, %get3A_590] : memref<1x38x144x16xf32, #tpu.memory_space<vmem>>, vector<1x1x144x16xf32>
    %get3A_592 = vector.shape_cast %get3A_591 : vector<1x1x144x16xf32> to vector<144x16xf32>
    %dot_general3A_593 = arith.constant dense<0.000000e+00> : vector<432x144xf32>
    %dot_general3A_594 = tpu.matmul %reshape3A_576, %get3A_592, %dot_general3A_593 {dimension_numbers = #tpu.dot_dimension_numbers<[1], [1], [0], [0], [0, 0, 1, 0], [], []>, transpose_lhs_hint = false} : vector<432x16xf32>, vector<144x16xf32>, vector<432x144xf32> -> vector<432x144xf32>
    %add3A_595 = arith.addf %dot_general3A_594, %get3A_579 : vector<432x144xf32>
    %reduce_max3A_596 = arith.constant dense<0xFF800000> : vector<144xf32>
    %reduce_max3A_597 = vector.multi_reduction <maximumf>, %add3A_595, %reduce_max3A_596 [0] : vector<432x144xf32> to vector<144xf32>
    %broadcast_in_dim3A_598 = vector.shape_cast %reduce_max3A_597 : vector<144xf32> to vector<1x144xf32>
    %sub3A_599 = vector.broadcast %broadcast_in_dim3A_598 : vector<1x144xf32> to vector<432x144xf32>
    %sub3A_600 = arith.subf %add3A_595, %sub3A_599 : vector<432x144xf32>
    %exp3A_601 = math.exp %sub3A_600 : vector<432x144xf32>
    %reduce_sum3A_602 = arith.constant dense<0.000000e+00> : vector<144xf32>
    %reduce_sum3A_603 = vector.multi_reduction <add>, %exp3A_601, %reduce_sum3A_602 [0] : vector<432x144xf32> to vector<144xf32>
    %broadcast_in_dim3A_604 = vector.shape_cast %reduce_sum3A_603 : vector<144xf32> to vector<1x144xf32>
    %div3A_605 = vector.broadcast %broadcast_in_dim3A_604 : vector<1x144xf32> to vector<432x144xf32>
    %div3A_606 = arith.divf %exp3A_601, %div3A_605 : vector<432x144xf32>
    %dot_general3A_607 = arith.constant dense<0.000000e+00> : vector<144x64xf32>
    %dot_general3A_608 = tpu.matmul %div3A_606, %reshape3A_586, %dot_general3A_607 {dimension_numbers = #tpu.dot_dimension_numbers<[0], [0], [1], [1], [0, 1, 1, 1], [], []>, transpose_lhs_hint = false} : vector<432x144xf32>, vector<432x64xf32>, vector<144x64xf32> -> vector<144x64xf32>
    %log3A_609 = math.log %broadcast_in_dim3A_604 : vector<1x144xf32>
    %add3A_610 = arith.addf %log3A_609, %broadcast_in_dim3A_598 : vector<1x144xf32>
    %transpose3A_611 = tpu.transpose %add3A_610, [1, 0] : vector<1x144xf32> -> vector<144x1xf32>
    %concatenate3A_612 = tpu.concatenate %dot_general3A_608, %transpose3A_611, %broadcast_in_dim3A_27 in 1 : vector<144x64xf32>, vector<144x1xf32>, vector<144x15xf32> -> vector<144x80xf32>
    %swap3A_613 = arith.constant 0 : index
    %swap3A_614 = arith.constant 11 : index
    %swap3A_615 = arith.constant 0 : index
    %swap3A_616 = arith.constant 0 : index
    %swap3A_617 = vector.load %arg9[%swap3A_613, %swap3A_614, %swap3A_615, %swap3A_616] : memref<1x36x144x80xf32, #tpu.memory_space<vmem>>, vector<1x1x144x80xf32>
    %swap3A_618 = vector.shape_cast %swap3A_617 : vector<1x1x144x80xf32> to vector<144x80xf32>
    %swap3A_619 = vector.shape_cast %concatenate3A_612 : vector<144x80xf32> to vector<1x1x144x80xf32>
    tpu.vector_store %arg9[%swap3A_613, %swap3A_614, %swap3A_615, %swap3A_616], %swap3A_619 {strides = array<i32>} : memref<1x36x144x80xf32, #tpu.memory_space<vmem>>, vector<1x1x144x80xf32>,
    %get3A_620 = arith.constant 0 : index
    %get3A_621 = arith.constant 12 : index
    %get3A_622 = arith.constant 0 : index
    %get3A_623 = arith.constant 0 : index
    %get3A_624 = vector.load %arg2[%get3A_620, %get3A_621, %get3A_622, %get3A_623] : memref<1x38x144x16xf32, #tpu.memory_space<vmem>>, vector<1x3x144x16xf32>
    %get3A_625 = vector.shape_cast %get3A_624 : vector<1x3x144x16xf32> to vector<3x144x16xf32>
    %reshape3A_626 = vector.shape_cast %get3A_625 : vector<3x144x16xf32> to vector<432x16xf32>
    %get3A_627 = arith.constant 1728 : index
    %get3A_628 = arith.constant 0 : index
    %get3A_629 = vector.load %arg10[%get3A_627, %get3A_628] : memref<5472x144xf32, #tpu.memory_space<vmem>>, vector<432x144xf32>
    %get3A_630 = arith.constant 0 : index
    %get3A_631 = arith.constant 12 : index
    %get3A_632 = arith.constant 0 : index
    %get3A_633 = arith.constant 0 : index
    %get3A_634 = vector.load %arg3[%get3A_630, %get3A_631, %get3A_632, %get3A_633] : memref<1x38x144x64xf32, #tpu.memory_space<vmem>>, vector<1x3x144x64xf32>
    %get3A_635 = vector.shape_cast %get3A_634 : vector<1x3x144x64xf32> to vector<3x144x64xf32>
    %reshape3A_636 = vector.shape_cast %get3A_635 : vector<3x144x64xf32> to vector<432x64xf32>
    %get3A_637 = arith.constant 0 : index
    %get3A_638 = arith.constant 13 : index
    %get3A_639 = arith.constant 0 : index
    %get3A_640 = arith.constant 0 : index
    %get3A_641 = vector.load %arg1[%get3A_637, %get3A_638, %get3A_639, %get3A_640] : memref<1x38x144x16xf32, #tpu.memory_space<vmem>>, vector<1x1x144x16xf32>
    %get3A_642 = vector.shape_cast %get3A_641 : vector<1x1x144x16xf32> to vector<144x16xf32>
    %dot_general3A_643 = arith.constant dense<0.000000e+00> : vector<432x144xf32>
    %dot_general3A_644 = tpu.matmul %reshape3A_626, %get3A_642, %dot_general3A_643 {dimension_numbers = #tpu.dot_dimension_numbers<[1], [1], [0], [0], [0, 0, 1, 0], [], []>, transpose_lhs_hint = false} : vector<432x16xf32>, vector<144x16xf32>, vector<432x144xf32> -> vector<432x144xf32>
    %add3A_645 = arith.addf %dot_general3A_644, %get3A_629 : vector<432x144xf32>
    %reduce_max3A_646 = arith.constant dense<0xFF800000> : vector<144xf32>
    %reduce_max3A_647 = vector.multi_reduction <maximumf>, %add3A_645, %reduce_max3A_646 [0] : vector<432x144xf32> to vector<144xf32>
    %broadcast_in_dim3A_648 = vector.shape_cast %reduce_max3A_647 : vector<144xf32> to vector<1x144xf32>
    %sub3A_649 = vector.broadcast %broadcast_in_dim3A_648 : vector<1x144xf32> to vector<432x144xf32>
    %sub3A_650 = arith.subf %add3A_645, %sub3A_649 : vector<432x144xf32>
    %exp3A_651 = math.exp %sub3A_650 : vector<432x144xf32>
    %reduce_sum3A_652 = arith.constant dense<0.000000e+00> : vector<144xf32>
    %reduce_sum3A_653 = vector.multi_reduction <add>, %exp3A_651, %reduce_sum3A_652 [0] : vector<432x144xf32> to vector<144xf32>
    %broadcast_in_dim3A_654 = vector.shape_cast %reduce_sum3A_653 : vector<144xf32> to vector<1x144xf32>
    %div3A_655 = vector.broadcast %broadcast_in_dim3A_654 : vector<1x144xf32> to vector<432x144xf32>
    %div3A_656 = arith.divf %exp3A_651, %div3A_655 : vector<432x144xf32>
    %dot_general3A_657 = arith.constant dense<0.000000e+00> : vector<144x64xf32>
    %dot_general3A_658 = tpu.matmul %div3A_656, %reshape3A_636, %dot_general3A_657 {dimension_numbers = #tpu.dot_dimension_numbers<[0], [0], [1], [1], [0, 1, 1, 1], [], []>, transpose_lhs_hint = false} : vector<432x144xf32>, vector<432x64xf32>, vector<144x64xf32> -> vector<144x64xf32>
    %log3A_659 = math.log %broadcast_in_dim3A_654 : vector<1x144xf32>
    %add3A_660 = arith.addf %log3A_659, %broadcast_in_dim3A_648 : vector<1x144xf32>
    %transpose3A_661 = tpu.transpose %add3A_660, [1, 0] : vector<1x144xf32> -> vector<144x1xf32>
    %concatenate3A_662 = tpu.concatenate %dot_general3A_658, %transpose3A_661, %broadcast_in_dim3A_27 in 1 : vector<144x64xf32>, vector<144x1xf32>, vector<144x15xf32> -> vector<144x80xf32>
    %swap3A_663 = arith.constant 0 : index
    %swap3A_664 = arith.constant 12 : index
    %swap3A_665 = arith.constant 0 : index
    %swap3A_666 = arith.constant 0 : index
    %swap3A_667 = vector.load %arg9[%swap3A_663, %swap3A_664, %swap3A_665, %swap3A_666] : memref<1x36x144x80xf32, #tpu.memory_space<vmem>>, vector<1x1x144x80xf32>
    %swap3A_668 = vector.shape_cast %swap3A_667 : vector<1x1x144x80xf32> to vector<144x80xf32>
    %swap3A_669 = vector.shape_cast %concatenate3A_662 : vector<144x80xf32> to vector<1x1x144x80xf32>
    tpu.vector_store %arg9[%swap3A_663, %swap3A_664, %swap3A_665, %swap3A_666], %swap3A_669 {strides = array<i32>} : memref<1x36x144x80xf32, #tpu.memory_space<vmem>>, vector<1x1x144x80xf32>,
    %get3A_670 = arith.constant 0 : index
    %get3A_671 = arith.constant 13 : index
    %get3A_672 = arith.constant 0 : index
    %get3A_673 = arith.constant 0 : index
    %get3A_674 = vector.load %arg2[%get3A_670, %get3A_671, %get3A_672, %get3A_673] : memref<1x38x144x16xf32, #tpu.memory_space<vmem>>, vector<1x3x144x16xf32>
    %get3A_675 = vector.shape_cast %get3A_674 : vector<1x3x144x16xf32> to vector<3x144x16xf32>
    %reshape3A_676 = vector.shape_cast %get3A_675 : vector<3x144x16xf32> to vector<432x16xf32>
    %get3A_677 = arith.constant 1872 : index
    %get3A_678 = arith.constant 0 : index
    %get3A_679 = vector.load %arg10[%get3A_677, %get3A_678] : memref<5472x144xf32, #tpu.memory_space<vmem>>, vector<432x144xf32>
    %get3A_680 = arith.constant 0 : index
    %get3A_681 = arith.constant 13 : index
    %get3A_682 = arith.constant 0 : index
    %get3A_683 = arith.constant 0 : index
    %get3A_684 = vector.load %arg3[%get3A_680, %get3A_681, %get3A_682, %get3A_683] : memref<1x38x144x64xf32, #tpu.memory_space<vmem>>, vector<1x3x144x64xf32>
    %get3A_685 = vector.shape_cast %get3A_684 : vector<1x3x144x64xf32> to vector<3x144x64xf32>
    %reshape3A_686 = vector.shape_cast %get3A_685 : vector<3x144x64xf32> to vector<432x64xf32>
    %get3A_687 = arith.constant 0 : index
    %get3A_688 = arith.constant 14 : index
    %get3A_689 = arith.constant 0 : index
    %get3A_690 = arith.constant 0 : index
    %get3A_691 = vector.load %arg1[%get3A_687, %get3A_688, %get3A_689, %get3A_690] : memref<1x38x144x16xf32, #tpu.memory_space<vmem>>, vector<1x1x144x16xf32>
    %get3A_692 = vector.shape_cast %get3A_691 : vector<1x1x144x16xf32> to vector<144x16xf32>
    %dot_general3A_693 = arith.constant dense<0.000000e+00> : vector<432x144xf32>
    %dot_general3A_694 = tpu.matmul %reshape3A_676, %get3A_692, %dot_general3A_693 {dimension_numbers = #tpu.dot_dimension_numbers<[1], [1], [0], [0], [0, 0, 1, 0], [], []>, transpose_lhs_hint = false} : vector<432x16xf32>, vector<144x16xf32>, vector<432x144xf32> -> vector<432x144xf32>
    %add3A_695 = arith.addf %dot_general3A_694, %get3A_679 : vector<432x144xf32>
    %reduce_max3A_696 = arith.constant dense<0xFF800000> : vector<144xf32>
    %reduce_max3A_697 = vector.multi_reduction <maximumf>, %add3A_695, %reduce_max3A_696 [0] : vector<432x144xf32> to vector<144xf32>
    %broadcast_in_dim3A_698 = vector.shape_cast %reduce_max3A_697 : vector<144xf32> to vector<1x144xf32>
    %sub3A_699 = vector.broadcast %broadcast_in_dim3A_698 : vector<1x144xf32> to vector<432x144xf32>
    %sub3A_700 = arith.subf %add3A_695, %sub3A_699 : vector<432x144xf32>
    %exp3A_701 = math.exp %sub3A_700 : vector<432x144xf32>
    %reduce_sum3A_702 = arith.constant dense<0.000000e+00> : vector<144xf32>
    %reduce_sum3A_703 = vector.multi_reduction <add>, %exp3A_701, %reduce_sum3A_702 [0] : vector<432x144xf32> to vector<144xf32>
    %broadcast_in_dim3A_704 = vector.shape_cast %reduce_sum3A_703 : vector<144xf32> to vector<1x144xf32>
    %div3A_705 = vector.broadcast %broadcast_in_dim3A_704 : vector<1x144xf32> to vector<432x144xf32>
    %div3A_706 = arith.divf %exp3A_701, %div3A_705 : vector<432x144xf32>
    %dot_general3A_707 = arith.constant dense<0.000000e+00> : vector<144x64xf32>
    %dot_general3A_708 = tpu.matmul %div3A_706, %reshape3A_686, %dot_general3A_707 {dimension_numbers = #tpu.dot_dimension_numbers<[0], [0], [1], [1], [0, 1, 1, 1], [], []>, transpose_lhs_hint = false} : vector<432x144xf32>, vector<432x64xf32>, vector<144x64xf32> -> vector<144x64xf32>
    %log3A_709 = math.log %broadcast_in_dim3A_704 : vector<1x144xf32>
    %add3A_710 = arith.addf %log3A_709, %broadcast_in_dim3A_698 : vector<1x144xf32>
    %transpose3A_711 = tpu.transpose %add3A_710, [1, 0] : vector<1x144xf32> -> vector<144x1xf32>
    %concatenate3A_712 = tpu.concatenate %dot_general3A_708, %transpose3A_711, %broadcast_in_dim3A_27 in 1 : vector<144x64xf32>, vector<144x1xf32>, vector<144x15xf32> -> vector<144x80xf32>
    %swap3A_713 = arith.constant 0 : index
    %swap3A_714 = arith.constant 13 : index
    %swap3A_715 = arith.constant 0 : index
    %swap3A_716 = arith.constant 0 : index
    %swap3A_717 = vector.load %arg9[%swap3A_713, %swap3A_714, %swap3A_715, %swap3A_716] : memref<1x36x144x80xf32, #tpu.memory_space<vmem>>, vector<1x1x144x80xf32>
    %swap3A_718 = vector.shape_cast %swap3A_717 : vector<1x1x144x80xf32> to vector<144x80xf32>
    %swap3A_719 = vector.shape_cast %concatenate3A_712 : vector<144x80xf32> to vector<1x1x144x80xf32>
    tpu.vector_store %arg9[%swap3A_713, %swap3A_714, %swap3A_715, %swap3A_716], %swap3A_719 {strides = array<i32>} : memref<1x36x144x80xf32, #tpu.memory_space<vmem>>, vector<1x1x144x80xf32>,
    %get3A_720 = arith.constant 0 : index
    %get3A_721 = arith.constant 14 : index
    %get3A_722 = arith.constant 0 : index
    %get3A_723 = arith.constant 0 : index
    %get3A_724 = vector.load %arg2[%get3A_720, %get3A_721, %get3A_722, %get3A_723] : memref<1x38x144x16xf32, #tpu.memory_space<vmem>>, vector<1x3x144x16xf32>
    %get3A_725 = vector.shape_cast %get3A_724 : vector<1x3x144x16xf32> to vector<3x144x16xf32>
    %reshape3A_726 = vector.shape_cast %get3A_725 : vector<3x144x16xf32> to vector<432x16xf32>
    %get3A_727 = arith.constant 2016 : index
    %get3A_728 = arith.constant 0 : index
    %get3A_729 = vector.load %arg10[%get3A_727, %get3A_728] : memref<5472x144xf32, #tpu.memory_space<vmem>>, vector<432x144xf32>
    %get3A_730 = arith.constant 0 : index
    %get3A_731 = arith.constant 14 : index
    %get3A_732 = arith.constant 0 : index
    %get3A_733 = arith.constant 0 : index
    %get3A_734 = vector.load %arg3[%get3A_730, %get3A_731, %get3A_732, %get3A_733] : memref<1x38x144x64xf32, #tpu.memory_space<vmem>>, vector<1x3x144x64xf32>
    %get3A_735 = vector.shape_cast %get3A_734 : vector<1x3x144x64xf32> to vector<3x144x64xf32>
    %reshape3A_736 = vector.shape_cast %get3A_735 : vector<3x144x64xf32> to vector<432x64xf32>
    %get3A_737 = arith.constant 0 : index
    %get3A_738 = arith.constant 15 : index
    %get3A_739 = arith.constant 0 : index
    %get3A_740 = arith.constant 0 : index
    %get3A_741 = vector.load %arg1[%get3A_737, %get3A_738, %get3A_739, %get3A_740] : memref<1x38x144x16xf32, #tpu.memory_space<vmem>>, vector<1x1x144x16xf32>
    %get3A_742 = vector.shape_cast %get3A_741 : vector<1x1x144x16xf32> to vector<144x16xf32>
    %dot_general3A_743 = arith.constant dense<0.000000e+00> : vector<432x144xf32>
    %dot_general3A_744 = tpu.matmul %reshape3A_726, %get3A_742, %dot_general3A_743 {dimension_numbers = #tpu.dot_dimension_numbers<[1], [1], [0], [0], [0, 0, 1, 0], [], []>, transpose_lhs_hint = false} : vector<432x16xf32>, vector<144x16xf32>, vector<432x144xf32> -> vector<432x144xf32>
    %add3A_745 = arith.addf %dot_general3A_744, %get3A_729 : vector<432x144xf32>
    %reduce_max3A_746 = arith.constant dense<0xFF800000> : vector<144xf32>
    %reduce_max3A_747 = vector.multi_reduction <maximumf>, %add3A_745, %reduce_max3A_746 [0] : vector<432x144xf32> to vector<144xf32>
    %broadcast_in_dim3A_748 = vector.shape_cast %reduce_max3A_747 : vector<144xf32> to vector<1x144xf32>
    %sub3A_749 = vector.broadcast %broadcast_in_dim3A_748 : vector<1x144xf32> to vector<432x144xf32>
    %sub3A_750 = arith.subf %add3A_745, %sub3A_749 : vector<432x144xf32>
    %exp3A_751 = math.exp %sub3A_750 : vector<432x144xf32>
    %reduce_sum3A_752 = arith.constant dense<0.000000e+00> : vector<144xf32>
    %reduce_sum3A_753 = vector.multi_reduction <add>, %exp3A_751, %reduce_sum3A_752 [0] : vector<432x144xf32> to vector<144xf32>
    %broadcast_in_dim3A_754 = vector.shape_cast %reduce_sum3A_753 : vector<144xf32> to vector<1x144xf32>
    %div3A_755 = vector.broadcast %broadcast_in_dim3A_754 : vector<1x144xf32> to vector<432x144xf32>
    %div3A_756 = arith.divf %exp3A_751, %div3A_755 : vector<432x144xf32>
    %dot_general3A_757 = arith.constant dense<0.000000e+00> : vector<144x64xf32>
    %dot_general3A_758 = tpu.matmul %div3A_756, %reshape3A_736, %dot_general3A_757 {dimension_numbers = #tpu.dot_dimension_numbers<[0], [0], [1], [1], [0, 1, 1, 1], [], []>, transpose_lhs_hint = false} : vector<432x144xf32>, vector<432x64xf32>, vector<144x64xf32> -> vector<144x64xf32>
    %log3A_759 = math.log %broadcast_in_dim3A_754 : vector<1x144xf32>
    %add3A_760 = arith.addf %log3A_759, %broadcast_in_dim3A_748 : vector<1x144xf32>
    %transpose3A_761 = tpu.transpose %add3A_760, [1, 0] : vector<1x144xf32> -> vector<144x1xf32>
    %concatenate3A_762 = tpu.concatenate %dot_general3A_758, %transpose3A_761, %broadcast_in_dim3A_27 in 1 : vector<144x64xf32>, vector<144x1xf32>, vector<144x15xf32> -> vector<144x80xf32>
    %swap3A_763 = arith.constant 0 : index
    %swap3A_764 = arith.constant 14 : index
    %swap3A_765 = arith.constant 0 : index
    %swap3A_766 = arith.constant 0 : index
    %swap3A_767 = vector.load %arg9[%swap3A_763, %swap3A_764, %swap3A_765, %swap3A_766] : memref<1x36x144x80xf32, #tpu.memory_space<vmem>>, vector<1x1x144x80xf32>
    %swap3A_768 = vector.shape_cast %swap3A_767 : vector<1x1x144x80xf32> to vector<144x80xf32>
    %swap3A_769 = vector.shape_cast %concatenate3A_762 : vector<144x80xf32> to vector<1x1x144x80xf32>
    tpu.vector_store %arg9[%swap3A_763, %swap3A_764, %swap3A_765, %swap3A_766], %swap3A_769 {strides = array<i32>} : memref<1x36x144x80xf32, #tpu.memory_space<vmem>>, vector<1x1x144x80xf32>,
    %get3A_770 = arith.constant 0 : index
    %get3A_771 = arith.constant 15 : index
    %get3A_772 = arith.constant 0 : index
    %get3A_773 = arith.constant 0 : index
    %get3A_774 = vector.load %arg2[%get3A_770, %get3A_771, %get3A_772, %get3A_773] : memref<1x38x144x16xf32, #tpu.memory_space<vmem>>, vector<1x3x144x16xf32>
    %get3A_775 = vector.shape_cast %get3A_774 : vector<1x3x144x16xf32> to vector<3x144x16xf32>
    %reshape3A_776 = vector.shape_cast %get3A_775 : vector<3x144x16xf32> to vector<432x16xf32>
    %get3A_777 = arith.constant 2160 : index
    %get3A_778 = arith.constant 0 : index
    %get3A_779 = vector.load %arg10[%get3A_777, %get3A_778] : memref<5472x144xf32, #tpu.memory_space<vmem>>, vector<432x144xf32>
    %get3A_780 = arith.constant 0 : index
    %get3A_781 = arith.constant 15 : index
    %get3A_782 = arith.constant 0 : index
    %get3A_783 = arith.constant 0 : index
    %get3A_784 = vector.load %arg3[%get3A_780, %get3A_781, %get3A_782, %get3A_783] : memref<1x38x144x64xf32, #tpu.memory_space<vmem>>, vector<1x3x144x64xf32>
    %get3A_785 = vector.shape_cast %get3A_784 : vector<1x3x144x64xf32> to vector<3x144x64xf32>
    %reshape3A_786 = vector.shape_cast %get3A_785 : vector<3x144x64xf32> to vector<432x64xf32>
    %get3A_787 = arith.constant 0 : index
    %get3A_788 = arith.constant 16 : index
    %get3A_789 = arith.constant 0 : index
    %get3A_790 = arith.constant 0 : index
    %get3A_791 = vector.load %arg1[%get3A_787, %get3A_788, %get3A_789, %get3A_790] : memref<1x38x144x16xf32, #tpu.memory_space<vmem>>, vector<1x1x144x16xf32>
    %get3A_792 = vector.shape_cast %get3A_791 : vector<1x1x144x16xf32> to vector<144x16xf32>
    %dot_general3A_793 = arith.constant dense<0.000000e+00> : vector<432x144xf32>
    %dot_general3A_794 = tpu.matmul %reshape3A_776, %get3A_792, %dot_general3A_793 {dimension_numbers = #tpu.dot_dimension_numbers<[1], [1], [0], [0], [0, 0, 1, 0], [], []>, transpose_lhs_hint = false} : vector<432x16xf32>, vector<144x16xf32>, vector<432x144xf32> -> vector<432x144xf32>
    %add3A_795 = arith.addf %dot_general3A_794, %get3A_779 : vector<432x144xf32>
    %reduce_max3A_796 = arith.constant dense<0xFF800000> : vector<144xf32>
    %reduce_max3A_797 = vector.multi_reduction <maximumf>, %add3A_795, %reduce_max3A_796 [0] : vector<432x144xf32> to vector<144xf32>
    %broadcast_in_dim3A_798 = vector.shape_cast %reduce_max3A_797 : vector<144xf32> to vector<1x144xf32>
    %sub3A_799 = vector.broadcast %broadcast_in_dim3A_798 : vector<1x144xf32> to vector<432x144xf32>
    %sub3A_800 = arith.subf %add3A_795, %sub3A_799 : vector<432x144xf32>
    %exp3A_801 = math.exp %sub3A_800 : vector<432x144xf32>
    %reduce_sum3A_802 = arith.constant dense<0.000000e+00> : vector<144xf32>
    %reduce_sum3A_803 = vector.multi_reduction <add>, %exp3A_801, %reduce_sum3A_802 [0] : vector<432x144xf32> to vector<144xf32>
    %broadcast_in_dim3A_804 = vector.shape_cast %reduce_sum3A_803 : vector<144xf32> to vector<1x144xf32>
    %div3A_805 = vector.broadcast %broadcast_in_dim3A_804 : vector<1x144xf32> to vector<432x144xf32>
    %div3A_806 = arith.divf %exp3A_801, %div3A_805 : vector<432x144xf32>
    %dot_general3A_807 = arith.constant dense<0.000000e+00> : vector<144x64xf32>
    %dot_general3A_808 = tpu.matmul %div3A_806, %reshape3A_786, %dot_general3A_807 {dimension_numbers = #tpu.dot_dimension_numbers<[0], [0], [1], [1], [0, 1, 1, 1], [], []>, transpose_lhs_hint = false} : vector<432x144xf32>, vector<432x64xf32>, vector<144x64xf32> -> vector<144x64xf32>
    %log3A_809 = math.log %broadcast_in_dim3A_804 : vector<1x144xf32>
    %add3A_810 = arith.addf %log3A_809, %broadcast_in_dim3A_798 : vector<1x144xf32>
    %transpose3A_811 = tpu.transpose %add3A_810, [1, 0] : vector<1x144xf32> -> vector<144x1xf32>
    %concatenate3A_812 = tpu.concatenate %dot_general3A_808, %transpose3A_811, %broadcast_in_dim3A_27 in 1 : vector<144x64xf32>, vector<144x1xf32>, vector<144x15xf32> -> vector<144x80xf32>
    %swap3A_813 = arith.constant 0 : index
    %swap3A_814 = arith.constant 15 : index
    %swap3A_815 = arith.constant 0 : index
    %swap3A_816 = arith.constant 0 : index
    %swap3A_817 = vector.load %arg9[%swap3A_813, %swap3A_814, %swap3A_815, %swap3A_816] : memref<1x36x144x80xf32, #tpu.memory_space<vmem>>, vector<1x1x144x80xf32>
    %swap3A_818 = vector.shape_cast %swap3A_817 : vector<1x1x144x80xf32> to vector<144x80xf32>
    %swap3A_819 = vector.shape_cast %concatenate3A_812 : vector<144x80xf32> to vector<1x1x144x80xf32>
    tpu.vector_store %arg9[%swap3A_813, %swap3A_814, %swap3A_815, %swap3A_816], %swap3A_819 {strides = array<i32>} : memref<1x36x144x80xf32, #tpu.memory_space<vmem>>, vector<1x1x144x80xf32>,
    %get3A_820 = arith.constant 0 : index
    %get3A_821 = arith.constant 16 : index
    %get3A_822 = arith.constant 0 : index
    %get3A_823 = arith.constant 0 : index
    %get3A_824 = vector.load %arg2[%get3A_820, %get3A_821, %get3A_822, %get3A_823] : memref<1x38x144x16xf32, #tpu.memory_space<vmem>>, vector<1x3x144x16xf32>
    %get3A_825 = vector.shape_cast %get3A_824 : vector<1x3x144x16xf32> to vector<3x144x16xf32>
    %reshape3A_826 = vector.shape_cast %get3A_825 : vector<3x144x16xf32> to vector<432x16xf32>
    %get3A_827 = arith.constant 2304 : index
    %get3A_828 = arith.constant 0 : index
    %get3A_829 = vector.load %arg10[%get3A_827, %get3A_828] : memref<5472x144xf32, #tpu.memory_space<vmem>>, vector<432x144xf32>
    %get3A_830 = arith.constant 0 : index
    %get3A_831 = arith.constant 16 : index
    %get3A_832 = arith.constant 0 : index
    %get3A_833 = arith.constant 0 : index
    %get3A_834 = vector.load %arg3[%get3A_830, %get3A_831, %get3A_832, %get3A_833] : memref<1x38x144x64xf32, #tpu.memory_space<vmem>>, vector<1x3x144x64xf32>
    %get3A_835 = vector.shape_cast %get3A_834 : vector<1x3x144x64xf32> to vector<3x144x64xf32>
    %reshape3A_836 = vector.shape_cast %get3A_835 : vector<3x144x64xf32> to vector<432x64xf32>
    %get3A_837 = arith.constant 0 : index
    %get3A_838 = arith.constant 17 : index
    %get3A_839 = arith.constant 0 : index
    %get3A_840 = arith.constant 0 : index
    %get3A_841 = vector.load %arg1[%get3A_837, %get3A_838, %get3A_839, %get3A_840] : memref<1x38x144x16xf32, #tpu.memory_space<vmem>>, vector<1x1x144x16xf32>
    %get3A_842 = vector.shape_cast %get3A_841 : vector<1x1x144x16xf32> to vector<144x16xf32>
    %dot_general3A_843 = arith.constant dense<0.000000e+00> : vector<432x144xf32>
    %dot_general3A_844 = tpu.matmul %reshape3A_826, %get3A_842, %dot_general3A_843 {dimension_numbers = #tpu.dot_dimension_numbers<[1], [1], [0], [0], [0, 0, 1, 0], [], []>, transpose_lhs_hint = false} : vector<432x16xf32>, vector<144x16xf32>, vector<432x144xf32> -> vector<432x144xf32>
    %add3A_845 = arith.addf %dot_general3A_844, %get3A_829 : vector<432x144xf32>
    %reduce_max3A_846 = arith.constant dense<0xFF800000> : vector<144xf32>
    %reduce_max3A_847 = vector.multi_reduction <maximumf>, %add3A_845, %reduce_max3A_846 [0] : vector<432x144xf32> to vector<144xf32>
    %broadcast_in_dim3A_848 = vector.shape_cast %reduce_max3A_847 : vector<144xf32> to vector<1x144xf32>
    %sub3A_849 = vector.broadcast %broadcast_in_dim3A_848 : vector<1x144xf32> to vector<432x144xf32>
    %sub3A_850 = arith.subf %add3A_845, %sub3A_849 : vector<432x144xf32>
    %exp3A_851 = math.exp %sub3A_850 : vector<432x144xf32>
    %reduce_sum3A_852 = arith.constant dense<0.000000e+00> : vector<144xf32>
    %reduce_sum3A_853 = vector.multi_reduction <add>, %exp3A_851, %reduce_sum3A_852 [0] : vector<432x144xf32> to vector<144xf32>
    %broadcast_in_dim3A_854 = vector.shape_cast %reduce_sum3A_853 : vector<144xf32> to vector<1x144xf32>
    %div3A_855 = vector.broadcast %broadcast_in_dim3A_854 : vector<1x144xf32> to vector<432x144xf32>
    %div3A_856 = arith.divf %exp3A_851, %div3A_855 : vector<432x144xf32>
    %dot_general3A_857 = arith.constant dense<0.000000e+00> : vector<144x64xf32>
    %dot_general3A_858 = tpu.matmul %div3A_856, %reshape3A_836, %dot_general3A_857 {dimension_numbers = #tpu.dot_dimension_numbers<[0], [0], [1], [1], [0, 1, 1, 1], [], []>, transpose_lhs_hint = false} : vector<432x144xf32>, vector<432x64xf32>, vector<144x64xf32> -> vector<144x64xf32>
    %log3A_859 = math.log %broadcast_in_dim3A_854 : vector<1x144xf32>
    %add3A_860 = arith.addf %log3A_859, %broadcast_in_dim3A_848 : vector<1x144xf32>
    %transpose3A_861 = tpu.transpose %add3A_860, [1, 0] : vector<1x144xf32> -> vector<144x1xf32>
    %concatenate3A_862 = tpu.concatenate %dot_general3A_858, %transpose3A_861, %broadcast_in_dim3A_27 in 1 : vector<144x64xf32>, vector<144x1xf32>, vector<144x15xf32> -> vector<144x80xf32>
    %swap3A_863 = arith.constant 0 : index
    %swap3A_864 = arith.constant 16 : index
    %swap3A_865 = arith.constant 0 : index
    %swap3A_866 = arith.constant 0 : index
    %swap3A_867 = vector.load %arg9[%swap3A_863, %swap3A_864, %swap3A_865, %swap3A_866] : memref<1x36x144x80xf32, #tpu.memory_space<vmem>>, vector<1x1x144x80xf32>
    %swap3A_868 = vector.shape_cast %swap3A_867 : vector<1x1x144x80xf32> to vector<144x80xf32>
    %swap3A_869 = vector.shape_cast %concatenate3A_862 : vector<144x80xf32> to vector<1x1x144x80xf32>
    tpu.vector_store %arg9[%swap3A_863, %swap3A_864, %swap3A_865, %swap3A_866], %swap3A_869 {strides = array<i32>} : memref<1x36x144x80xf32, #tpu.memory_space<vmem>>, vector<1x1x144x80xf32>,
    %get3A_870 = arith.constant 0 : index
    %get3A_871 = arith.constant 17 : index
    %get3A_872 = arith.constant 0 : index
    %get3A_873 = arith.constant 0 : index
    %get3A_874 = vector.load %arg2[%get3A_870, %get3A_871, %get3A_872, %get3A_873] : memref<1x38x144x16xf32, #tpu.memory_space<vmem>>, vector<1x3x144x16xf32>
    %get3A_875 = vector.shape_cast %get3A_874 : vector<1x3x144x16xf32> to vector<3x144x16xf32>
    %reshape3A_876 = vector.shape_cast %get3A_875 : vector<3x144x16xf32> to vector<432x16xf32>
    %get3A_877 = arith.constant 2448 : index
    %get3A_878 = arith.constant 0 : index
    %get3A_879 = vector.load %arg10[%get3A_877, %get3A_878] : memref<5472x144xf32, #tpu.memory_space<vmem>>, vector<432x144xf32>
    %get3A_880 = arith.constant 0 : index
    %get3A_881 = arith.constant 17 : index
    %get3A_882 = arith.constant 0 : index
    %get3A_883 = arith.constant 0 : index
    %get3A_884 = vector.load %arg3[%get3A_880, %get3A_881, %get3A_882, %get3A_883] : memref<1x38x144x64xf32, #tpu.memory_space<vmem>>, vector<1x3x144x64xf32>
    %get3A_885 = vector.shape_cast %get3A_884 : vector<1x3x144x64xf32> to vector<3x144x64xf32>
    %reshape3A_886 = vector.shape_cast %get3A_885 : vector<3x144x64xf32> to vector<432x64xf32>
    %get3A_887 = arith.constant 0 : index
    %get3A_888 = arith.constant 18 : index
    %get3A_889 = arith.constant 0 : index
    %get3A_890 = arith.constant 0 : index
    %get3A_891 = vector.load %arg1[%get3A_887, %get3A_888, %get3A_889, %get3A_890] : memref<1x38x144x16xf32, #tpu.memory_space<vmem>>, vector<1x1x144x16xf32>
    %get3A_892 = vector.shape_cast %get3A_891 : vector<1x1x144x16xf32> to vector<144x16xf32>
    %dot_general3A_893 = arith.constant dense<0.000000e+00> : vector<432x144xf32>
    %dot_general3A_894 = tpu.matmul %reshape3A_876, %get3A_892, %dot_general3A_893 {dimension_numbers = #tpu.dot_dimension_numbers<[1], [1], [0], [0], [0, 0, 1, 0], [], []>, transpose_lhs_hint = false} : vector<432x16xf32>, vector<144x16xf32>, vector<432x144xf32> -> vector<432x144xf32>
    %add3A_895 = arith.addf %dot_general3A_894, %get3A_879 : vector<432x144xf32>
    %reduce_max3A_896 = arith.constant dense<0xFF800000> : vector<144xf32>
    %reduce_max3A_897 = vector.multi_reduction <maximumf>, %add3A_895, %reduce_max3A_896 [0] : vector<432x144xf32> to vector<144xf32>
    %broadcast_in_dim3A_898 = vector.shape_cast %reduce_max3A_897 : vector<144xf32> to vector<1x144xf32>
    %sub3A_899 = vector.broadcast %broadcast_in_dim3A_898 : vector<1x144xf32> to vector<432x144xf32>
    %sub3A_900 = arith.subf %add3A_895, %sub3A_899 : vector<432x144xf32>
    %exp3A_901 = math.exp %sub3A_900 : vector<432x144xf32>
    %reduce_sum3A_902 = arith.constant dense<0.000000e+00> : vector<144xf32>
    %reduce_sum3A_903 = vector.multi_reduction <add>, %exp3A_901, %reduce_sum3A_902 [0] : vector<432x144xf32> to vector<144xf32>
    %broadcast_in_dim3A_904 = vector.shape_cast %reduce_sum3A_903 : vector<144xf32> to vector<1x144xf32>
    %div3A_905 = vector.broadcast %broadcast_in_dim3A_904 : vector<1x144xf32> to vector<432x144xf32>
    %div3A_906 = arith.divf %exp3A_901, %div3A_905 : vector<432x144xf32>
    %dot_general3A_907 = arith.constant dense<0.000000e+00> : vector<144x64xf32>
    %dot_general3A_908 = tpu.matmul %div3A_906, %reshape3A_886, %dot_general3A_907 {dimension_numbers = #tpu.dot_dimension_numbers<[0], [0], [1], [1], [0, 1, 1, 1], [], []>, transpose_lhs_hint = false} : vector<432x144xf32>, vector<432x64xf32>, vector<144x64xf32> -> vector<144x64xf32>
    %log3A_909 = math.log %broadcast_in_dim3A_904 : vector<1x144xf32>
    %add3A_910 = arith.addf %log3A_909, %broadcast_in_dim3A_898 : vector<1x144xf32>
    %transpose3A_911 = tpu.transpose %add3A_910, [1, 0] : vector<1x144xf32> -> vector<144x1xf32>
    %concatenate3A_912 = tpu.concatenate %dot_general3A_908, %transpose3A_911, %broadcast_in_dim3A_27 in 1 : vector<144x64xf32>, vector<144x1xf32>, vector<144x15xf32> -> vector<144x80xf32>
    %swap3A_913 = arith.constant 0 : index
    %swap3A_914 = arith.constant 17 : index
    %swap3A_915 = arith.constant 0 : index
    %swap3A_916 = arith.constant 0 : index
    %swap3A_917 = vector.load %arg9[%swap3A_913, %swap3A_914, %swap3A_915, %swap3A_916] : memref<1x36x144x80xf32, #tpu.memory_space<vmem>>, vector<1x1x144x80xf32>
    %swap3A_918 = vector.shape_cast %swap3A_917 : vector<1x1x144x80xf32> to vector<144x80xf32>
    %swap3A_919 = vector.shape_cast %concatenate3A_912 : vector<144x80xf32> to vector<1x1x144x80xf32>
    tpu.vector_store %arg9[%swap3A_913, %swap3A_914, %swap3A_915, %swap3A_916], %swap3A_919 {strides = array<i32>} : memref<1x36x144x80xf32, #tpu.memory_space<vmem>>, vector<1x1x144x80xf32>,
    %get3A_920 = arith.constant 0 : index
    %get3A_921 = arith.constant 18 : index
    %get3A_922 = arith.constant 0 : index
    %get3A_923 = arith.constant 0 : index
    %get3A_924 = vector.load %arg2[%get3A_920, %get3A_921, %get3A_922, %get3A_923] : memref<1x38x144x16xf32, #tpu.memory_space<vmem>>, vector<1x3x144x16xf32>
    %get3A_925 = vector.shape_cast %get3A_924 : vector<1x3x144x16xf32> to vector<3x144x16xf32>
    %reshape3A_926 = vector.shape_cast %get3A_925 : vector<3x144x16xf32> to vector<432x16xf32>
    %get3A_927 = arith.constant 2592 : index
    %get3A_928 = arith.constant 0 : index
    %get3A_929 = vector.load %arg10[%get3A_927, %get3A_928] : memref<5472x144xf32, #tpu.memory_space<vmem>>, vector<432x144xf32>
    %get3A_930 = arith.constant 0 : index
    %get3A_931 = arith.constant 18 : index
    %get3A_932 = arith.constant 0 : index
    %get3A_933 = arith.constant 0 : index
    %get3A_934 = vector.load %arg3[%get3A_930, %get3A_931, %get3A_932, %get3A_933] : memref<1x38x144x64xf32, #tpu.memory_space<vmem>>, vector<1x3x144x64xf32>
    %get3A_935 = vector.shape_cast %get3A_934 : vector<1x3x144x64xf32> to vector<3x144x64xf32>
    %reshape3A_936 = vector.shape_cast %get3A_935 : vector<3x144x64xf32> to vector<432x64xf32>
    %get3A_937 = arith.constant 0 : index
    %get3A_938 = arith.constant 19 : index
    %get3A_939 = arith.constant 0 : index
    %get3A_940 = arith.constant 0 : index
    %get3A_941 = vector.load %arg1[%get3A_937, %get3A_938, %get3A_939, %get3A_940] : memref<1x38x144x16xf32, #tpu.memory_space<vmem>>, vector<1x1x144x16xf32>
    %get3A_942 = vector.shape_cast %get3A_941 : vector<1x1x144x16xf32> to vector<144x16xf32>
    %dot_general3A_943 = arith.constant dense<0.000000e+00> : vector<432x144xf32>
    %dot_general3A_944 = tpu.matmul %reshape3A_926, %get3A_942, %dot_general3A_943 {dimension_numbers = #tpu.dot_dimension_numbers<[1], [1], [0], [0], [0, 0, 1, 0], [], []>, transpose_lhs_hint = false} : vector<432x16xf32>, vector<144x16xf32>, vector<432x144xf32> -> vector<432x144xf32>
    %add3A_945 = arith.addf %dot_general3A_944, %get3A_929 : vector<432x144xf32>
    %reduce_max3A_946 = arith.constant dense<0xFF800000> : vector<144xf32>
    %reduce_max3A_947 = vector.multi_reduction <maximumf>, %add3A_945, %reduce_max3A_946 [0] : vector<432x144xf32> to vector<144xf32>
    %broadcast_in_dim3A_948 = vector.shape_cast %reduce_max3A_947 : vector<144xf32> to vector<1x144xf32>
    %sub3A_949 = vector.broadcast %broadcast_in_dim3A_948 : vector<1x144xf32> to vector<432x144xf32>
    %sub3A_950 = arith.subf %add3A_945, %sub3A_949 : vector<432x144xf32>
    %exp3A_951 = math.exp %sub3A_950 : vector<432x144xf32>
    %reduce_sum3A_952 = arith.constant dense<0.000000e+00> : vector<144xf32>
    %reduce_sum3A_953 = vector.multi_reduction <add>, %exp3A_951, %reduce_sum3A_952 [0] : vector<432x144xf32> to vector<144xf32>
    %broadcast_in_dim3A_954 = vector.shape_cast %reduce_sum3A_953 : vector<144xf32> to vector<1x144xf32>
    %div3A_955 = vector.broadcast %broadcast_in_dim3A_954 : vector<1x144xf32> to vector<432x144xf32>
    %div3A_956 = arith.divf %exp3A_951, %div3A_955 : vector<432x144xf32>
    %dot_general3A_957 = arith.constant dense<0.000000e+00> : vector<144x64xf32>
    %dot_general3A_958 = tpu.matmul %div3A_956, %reshape3A_936, %dot_general3A_957 {dimension_numbers = #tpu.dot_dimension_numbers<[0], [0], [1], [1], [0, 1, 1, 1], [], []>, transpose_lhs_hint = false} : vector<432x144xf32>, vector<432x64xf32>, vector<144x64xf32> -> vector<144x64xf32>
    %log3A_959 = math.log %broadcast_in_dim3A_954 : vector<1x144xf32>
    %add3A_960 = arith.addf %log3A_959, %broadcast_in_dim3A_948 : vector<1x144xf32>
    %transpose3A_961 = tpu.transpose %add3A_960, [1, 0] : vector<1x144xf32> -> vector<144x1xf32>
    %concatenate3A_962 = tpu.concatenate %dot_general3A_958, %transpose3A_961, %broadcast_in_dim3A_27 in 1 : vector<144x64xf32>, vector<144x1xf32>, vector<144x15xf32> -> vector<144x80xf32>
    %swap3A_963 = arith.constant 0 : index
    %swap3A_964 = arith.constant 18 : index
    %swap3A_965 = arith.constant 0 : index
    %swap3A_966 = arith.constant 0 : index
    %swap3A_967 = vector.load %arg9[%swap3A_963, %swap3A_964, %swap3A_965, %swap3A_966] : memref<1x36x144x80xf32, #tpu.memory_space<vmem>>, vector<1x1x144x80xf32>
    %swap3A_968 = vector.shape_cast %swap3A_967 : vector<1x1x144x80xf32> to vector<144x80xf32>
    %swap3A_969 = vector.shape_cast %concatenate3A_962 : vector<144x80xf32> to vector<1x1x144x80xf32>
    tpu.vector_store %arg9[%swap3A_963, %swap3A_964, %swap3A_965, %swap3A_966], %swap3A_969 {strides = array<i32>} : memref<1x36x144x80xf32, #tpu.memory_space<vmem>>, vector<1x1x144x80xf32>,
    %get3A_970 = arith.constant 0 : index
    %get3A_971 = arith.constant 19 : index
    %get3A_972 = arith.constant 0 : index
    %get3A_973 = arith.constant 0 : index
    %get3A_974 = vector.load %arg2[%get3A_970, %get3A_971, %get3A_972, %get3A_973] : memref<1x38x144x16xf32, #tpu.memory_space<vmem>>, vector<1x3x144x16xf32>
    %get3A_975 = vector.shape_cast %get3A_974 : vector<1x3x144x16xf32> to vector<3x144x16xf32>
    %reshape3A_976 = vector.shape_cast %get3A_975 : vector<3x144x16xf32> to vector<432x16xf32>
    %get3A_977 = arith.constant 2736 : index
    %get3A_978 = arith.constant 0 : index
    %get3A_979 = vector.load %arg10[%get3A_977, %get3A_978] : memref<5472x144xf32, #tpu.memory_space<vmem>>, vector<432x144xf32>
    %get3A_980 = arith.constant 0 : index
    %get3A_981 = arith.constant 19 : index
    %get3A_982 = arith.constant 0 : index
    %get3A_983 = arith.constant 0 : index
    %get3A_984 = vector.load %arg3[%get3A_980, %get3A_981, %get3A_982, %get3A_983] : memref<1x38x144x64xf32, #tpu.memory_space<vmem>>, vector<1x3x144x64xf32>
    %get3A_985 = vector.shape_cast %get3A_984 : vector<1x3x144x64xf32> to vector<3x144x64xf32>
    %reshape3A_986 = vector.shape_cast %get3A_985 : vector<3x144x64xf32> to vector<432x64xf32>
    %get3A_987 = arith.constant 0 : index
    %get3A_988 = arith.constant 20 : index
    %get3A_989 = arith.constant 0 : index
    %get3A_990 = arith.constant 0 : index
    %get3A_991 = vector.load %arg1[%get3A_987, %get3A_988, %get3A_989, %get3A_990] : memref<1x38x144x16xf32, #tpu.memory_space<vmem>>, vector<1x1x144x16xf32>
    %get3A_992 = vector.shape_cast %get3A_991 : vector<1x1x144x16xf32> to vector<144x16xf32>
    %dot_general3A_993 = arith.constant dense<0.000000e+00> : vector<432x144xf32>
    %dot_general3A_994 = tpu.matmul %reshape3A_976, %get3A_992, %dot_general3A_993 {dimension_numbers = #tpu.dot_dimension_numbers<[1], [1], [0], [0], [0, 0, 1, 0], [], []>, transpose_lhs_hint = false} : vector<432x16xf32>, vector<144x16xf32>, vector<432x144xf32> -> vector<432x144xf32>
    %add3A_995 = arith.addf %dot_general3A_994, %get3A_979 : vector<432x144xf32>
    %reduce_max3A_996 = arith.constant dense<0xFF800000> : vector<144xf32>
    %reduce_max3A_997 = vector.multi_reduction <maximumf>, %add3A_995, %reduce_max3A_996 [0] : vector<432x144xf32> to vector<144xf32>
    %broadcast_in_dim3A_998 = vector.shape_cast %reduce_max3A_997 : vector<144xf32> to vector<1x144xf32>
    %sub3A_999 = vector.broadcast %broadcast_in_dim3A_998 : vector<1x144xf32> to vector<432x144xf32>
    %sub3A_1000 = arith.subf %add3A_995, %sub3A_999 : vector<432x144xf32>
    %exp3A_1001 = math.exp %sub3A_1000 : vector<432x144xf32>
    %reduce_sum3A_1002 = arith.constant dense<0.000000e+00> : vector<144xf32>
    %reduce_sum3A_1003 = vector.multi_reduction <add>, %exp3A_1001, %reduce_sum3A_1002 [0] : vector<432x144xf32> to vector<144xf32>
    %broadcast_in_dim3A_1004 = vector.shape_cast %reduce_sum3A_1003 : vector<144xf32> to vector<1x144xf32>
    %div3A_1005 = vector.broadcast %broadcast_in_dim3A_1004 : vector<1x144xf32> to vector<432x144xf32>
    %div3A_1006 = arith.divf %exp3A_1001, %div3A_1005 : vector<432x144xf32>
    %dot_general3A_1007 = arith.constant dense<0.000000e+00> : vector<144x64xf32>
    %dot_general3A_1008 = tpu.matmul %div3A_1006, %reshape3A_986, %dot_general3A_1007 {dimension_numbers = #tpu.dot_dimension_numbers<[0], [0], [1], [1], [0, 1, 1, 1], [], []>, transpose_lhs_hint = false} : vector<432x144xf32>, vector<432x64xf32>, vector<144x64xf32> -> vector<144x64xf32>
    %log3A_1009 = math.log %broadcast_in_dim3A_1004 : vector<1x144xf32>
    %add3A_1010 = arith.addf %log3A_1009, %broadcast_in_dim3A_998 : vector<1x144xf32>
    %transpose3A_1011 = tpu.transpose %add3A_1010, [1, 0] : vector<1x144xf32> -> vector<144x1xf32>
    %concatenate3A_1012 = tpu.concatenate %dot_general3A_1008, %transpose3A_1011, %broadcast_in_dim3A_27 in 1 : vector<144x64xf32>, vector<144x1xf32>, vector<144x15xf32> -> vector<144x80xf32>
    %swap3A_1013 = arith.constant 0 : index
    %swap3A_1014 = arith.constant 19 : index
    %swap3A_1015 = arith.constant 0 : index
    %swap3A_1016 = arith.constant 0 : index
    %swap3A_1017 = vector.load %arg9[%swap3A_1013, %swap3A_1014, %swap3A_1015, %swap3A_1016] : memref<1x36x144x80xf32, #tpu.memory_space<vmem>>, vector<1x1x144x80xf32>
    %swap3A_1018 = vector.shape_cast %swap3A_1017 : vector<1x1x144x80xf32> to vector<144x80xf32>
    %swap3A_1019 = vector.shape_cast %concatenate3A_1012 : vector<144x80xf32> to vector<1x1x144x80xf32>
    tpu.vector_store %arg9[%swap3A_1013, %swap3A_1014, %swap3A_1015, %swap3A_1016], %swap3A_1019 {strides = array<i32>} : memref<1x36x144x80xf32, #tpu.memory_space<vmem>>, vector<1x1x144x80xf32>,
    %get3A_1020 = arith.constant 0 : index
    %get3A_1021 = arith.constant 20 : index
    %get3A_1022 = arith.constant 0 : index
    %get3A_1023 = arith.constant 0 : index
    %get3A_1024 = vector.load %arg2[%get3A_1020, %get3A_1021, %get3A_1022, %get3A_1023] : memref<1x38x144x16xf32, #tpu.memory_space<vmem>>, vector<1x3x144x16xf32>
    %get3A_1025 = vector.shape_cast %get3A_1024 : vector<1x3x144x16xf32> to vector<3x144x16xf32>
    %reshape3A_1026 = vector.shape_cast %get3A_1025 : vector<3x144x16xf32> to vector<432x16xf32>
    %get3A_1027 = arith.constant 2880 : index
    %get3A_1028 = arith.constant 0 : index
    %get3A_1029 = vector.load %arg10[%get3A_1027, %get3A_1028] : memref<5472x144xf32, #tpu.memory_space<vmem>>, vector<432x144xf32>
    %get3A_1030 = arith.constant 0 : index
    %get3A_1031 = arith.constant 20 : index
    %get3A_1032 = arith.constant 0 : index
    %get3A_1033 = arith.constant 0 : index
    %get3A_1034 = vector.load %arg3[%get3A_1030, %get3A_1031, %get3A_1032, %get3A_1033] : memref<1x38x144x64xf32, #tpu.memory_space<vmem>>, vector<1x3x144x64xf32>
    %get3A_1035 = vector.shape_cast %get3A_1034 : vector<1x3x144x64xf32> to vector<3x144x64xf32>
    %reshape3A_1036 = vector.shape_cast %get3A_1035 : vector<3x144x64xf32> to vector<432x64xf32>
    %get3A_1037 = arith.constant 0 : index
    %get3A_1038 = arith.constant 21 : index
    %get3A_1039 = arith.constant 0 : index
    %get3A_1040 = arith.constant 0 : index
    %get3A_1041 = vector.load %arg1[%get3A_1037, %get3A_1038, %get3A_1039, %get3A_1040] : memref<1x38x144x16xf32, #tpu.memory_space<vmem>>, vector<1x1x144x16xf32>
    %get3A_1042 = vector.shape_cast %get3A_1041 : vector<1x1x144x16xf32> to vector<144x16xf32>
    %dot_general3A_1043 = arith.constant dense<0.000000e+00> : vector<432x144xf32>
    %dot_general3A_1044 = tpu.matmul %reshape3A_1026, %get3A_1042, %dot_general3A_1043 {dimension_numbers = #tpu.dot_dimension_numbers<[1], [1], [0], [0], [0, 0, 1, 0], [], []>, transpose_lhs_hint = false} : vector<432x16xf32>, vector<144x16xf32>, vector<432x144xf32> -> vector<432x144xf32>
    %add3A_1045 = arith.addf %dot_general3A_1044, %get3A_1029 : vector<432x144xf32>
    %reduce_max3A_1046 = arith.constant dense<0xFF800000> : vector<144xf32>
    %reduce_max3A_1047 = vector.multi_reduction <maximumf>, %add3A_1045, %reduce_max3A_1046 [0] : vector<432x144xf32> to vector<144xf32>
    %broadcast_in_dim3A_1048 = vector.shape_cast %reduce_max3A_1047 : vector<144xf32> to vector<1x144xf32>
    %sub3A_1049 = vector.broadcast %broadcast_in_dim3A_1048 : vector<1x144xf32> to vector<432x144xf32>
    %sub3A_1050 = arith.subf %add3A_1045, %sub3A_1049 : vector<432x144xf32>
    %exp3A_1051 = math.exp %sub3A_1050 : vector<432x144xf32>
    %reduce_sum3A_1052 = arith.constant dense<0.000000e+00> : vector<144xf32>
    %reduce_sum3A_1053 = vector.multi_reduction <add>, %exp3A_1051, %reduce_sum3A_1052 [0] : vector<432x144xf32> to vector<144xf32>
    %broadcast_in_dim3A_1054 = vector.shape_cast %reduce_sum3A_1053 : vector<144xf32> to vector<1x144xf32>
    %div3A_1055 = vector.broadcast %broadcast_in_dim3A_1054 : vector<1x144xf32> to vector<432x144xf32>
    %div3A_1056 = arith.divf %exp3A_1051, %div3A_1055 : vector<432x144xf32>
    %dot_general3A_1057 = arith.constant dense<0.000000e+00> : vector<144x64xf32>
    %dot_general3A_1058 = tpu.matmul %div3A_1056, %reshape3A_1036, %dot_general3A_1057 {dimension_numbers = #tpu.dot_dimension_numbers<[0], [0], [1], [1], [0, 1, 1, 1], [], []>, transpose_lhs_hint = false} : vector<432x144xf32>, vector<432x64xf32>, vector<144x64xf32> -> vector<144x64xf32>
    %log3A_1059 = math.log %broadcast_in_dim3A_1054 : vector<1x144xf32>
    %add3A_1060 = arith.addf %log3A_1059, %broadcast_in_dim3A_1048 : vector<1x144xf32>
    %transpose3A_1061 = tpu.transpose %add3A_1060, [1, 0] : vector<1x144xf32> -> vector<144x1xf32>
    %concatenate3A_1062 = tpu.concatenate %dot_general3A_1058, %transpose3A_1061, %broadcast_in_dim3A_27 in 1 : vector<144x64xf32>, vector<144x1xf32>, vector<144x15xf32> -> vector<144x80xf32>
    %swap3A_1063 = arith.constant 0 : index
    %swap3A_1064 = arith.constant 20 : index
    %swap3A_1065 = arith.constant 0 : index
    %swap3A_1066 = arith.constant 0 : index
    %swap3A_1067 = vector.load %arg9[%swap3A_1063, %swap3A_1064, %swap3A_1065, %swap3A_1066] : memref<1x36x144x80xf32, #tpu.memory_space<vmem>>, vector<1x1x144x80xf32>
    %swap3A_1068 = vector.shape_cast %swap3A_1067 : vector<1x1x144x80xf32> to vector<144x80xf32>
    %swap3A_1069 = vector.shape_cast %concatenate3A_1062 : vector<144x80xf32> to vector<1x1x144x80xf32>
    tpu.vector_store %arg9[%swap3A_1063, %swap3A_1064, %swap3A_1065, %swap3A_1066], %swap3A_1069 {strides = array<i32>} : memref<1x36x144x80xf32, #tpu.memory_space<vmem>>, vector<1x1x144x80xf32>,
    %get3A_1070 = arith.constant 0 : index
    %get3A_1071 = arith.constant 21 : index
    %get3A_1072 = arith.constant 0 : index
    %get3A_1073 = arith.constant 0 : index
    %get3A_1074 = vector.load %arg2[%get3A_1070, %get3A_1071, %get3A_1072, %get3A_1073] : memref<1x38x144x16xf32, #tpu.memory_space<vmem>>, vector<1x3x144x16xf32>
    %get3A_1075 = vector.shape_cast %get3A_1074 : vector<1x3x144x16xf32> to vector<3x144x16xf32>
    %reshape3A_1076 = vector.shape_cast %get3A_1075 : vector<3x144x16xf32> to vector<432x16xf32>
    %get3A_1077 = arith.constant 3024 : index
    %get3A_1078 = arith.constant 0 : index
    %get3A_1079 = vector.load %arg10[%get3A_1077, %get3A_1078] : memref<5472x144xf32, #tpu.memory_space<vmem>>, vector<432x144xf32>
    %get3A_1080 = arith.constant 0 : index
    %get3A_1081 = arith.constant 21 : index
    %get3A_1082 = arith.constant 0 : index
    %get3A_1083 = arith.constant 0 : index
    %get3A_1084 = vector.load %arg3[%get3A_1080, %get3A_1081, %get3A_1082, %get3A_1083] : memref<1x38x144x64xf32, #tpu.memory_space<vmem>>, vector<1x3x144x64xf32>
    %get3A_1085 = vector.shape_cast %get3A_1084 : vector<1x3x144x64xf32> to vector<3x144x64xf32>
    %reshape3A_1086 = vector.shape_cast %get3A_1085 : vector<3x144x64xf32> to vector<432x64xf32>
    %get3A_1087 = arith.constant 0 : index
    %get3A_1088 = arith.constant 22 : index
    %get3A_1089 = arith.constant 0 : index
    %get3A_1090 = arith.constant 0 : index
    %get3A_1091 = vector.load %arg1[%get3A_1087, %get3A_1088, %get3A_1089, %get3A_1090] : memref<1x38x144x16xf32, #tpu.memory_space<vmem>>, vector<1x1x144x16xf32>
    %get3A_1092 = vector.shape_cast %get3A_1091 : vector<1x1x144x16xf32> to vector<144x16xf32>
    %dot_general3A_1093 = arith.constant dense<0.000000e+00> : vector<432x144xf32>
    %dot_general3A_1094 = tpu.matmul %reshape3A_1076, %get3A_1092, %dot_general3A_1093 {dimension_numbers = #tpu.dot_dimension_numbers<[1], [1], [0], [0], [0, 0, 1, 0], [], []>, transpose_lhs_hint = false} : vector<432x16xf32>, vector<144x16xf32>, vector<432x144xf32> -> vector<432x144xf32>
    %add3A_1095 = arith.addf %dot_general3A_1094, %get3A_1079 : vector<432x144xf32>
    %reduce_max3A_1096 = arith.constant dense<0xFF800000> : vector<144xf32>
    %reduce_max3A_1097 = vector.multi_reduction <maximumf>, %add3A_1095, %reduce_max3A_1096 [0] : vector<432x144xf32> to vector<144xf32>
    %broadcast_in_dim3A_1098 = vector.shape_cast %reduce_max3A_1097 : vector<144xf32> to vector<1x144xf32>
    %sub3A_1099 = vector.broadcast %broadcast_in_dim3A_1098 : vector<1x144xf32> to vector<432x144xf32>
    %sub3A_1100 = arith.subf %add3A_1095, %sub3A_1099 : vector<432x144xf32>
    %exp3A_1101 = math.exp %sub3A_1100 : vector<432x144xf32>
    %reduce_sum3A_1102 = arith.constant dense<0.000000e+00> : vector<144xf32>
    %reduce_sum3A_1103 = vector.multi_reduction <add>, %exp3A_1101, %reduce_sum3A_1102 [0] : vector<432x144xf32> to vector<144xf32>
    %broadcast_in_dim3A_1104 = vector.shape_cast %reduce_sum3A_1103 : vector<144xf32> to vector<1x144xf32>
    %div3A_1105 = vector.broadcast %broadcast_in_dim3A_1104 : vector<1x144xf32> to vector<432x144xf32>
    %div3A_1106 = arith.divf %exp3A_1101, %div3A_1105 : vector<432x144xf32>
    %dot_general3A_1107 = arith.constant dense<0.000000e+00> : vector<144x64xf32>
    %dot_general3A_1108 = tpu.matmul %div3A_1106, %reshape3A_1086, %dot_general3A_1107 {dimension_numbers = #tpu.dot_dimension_numbers<[0], [0], [1], [1], [0, 1, 1, 1], [], []>, transpose_lhs_hint = false} : vector<432x144xf32>, vector<432x64xf32>, vector<144x64xf32> -> vector<144x64xf32>
    %log3A_1109 = math.log %broadcast_in_dim3A_1104 : vector<1x144xf32>
    %add3A_1110 = arith.addf %log3A_1109, %broadcast_in_dim3A_1098 : vector<1x144xf32>
    %transpose3A_1111 = tpu.transpose %add3A_1110, [1, 0] : vector<1x144xf32> -> vector<144x1xf32>
    %concatenate3A_1112 = tpu.concatenate %dot_general3A_1108, %transpose3A_1111, %broadcast_in_dim3A_27 in 1 : vector<144x64xf32>, vector<144x1xf32>, vector<144x15xf32> -> vector<144x80xf32>
    %swap3A_1113 = arith.constant 0 : index
    %swap3A_1114 = arith.constant 21 : index
    %swap3A_1115 = arith.constant 0 : index
    %swap3A_1116 = arith.constant 0 : index
    %swap3A_1117 = vector.load %arg9[%swap3A_1113, %swap3A_1114, %swap3A_1115, %swap3A_1116] : memref<1x36x144x80xf32, #tpu.memory_space<vmem>>, vector<1x1x144x80xf32>
    %swap3A_1118 = vector.shape_cast %swap3A_1117 : vector<1x1x144x80xf32> to vector<144x80xf32>
    %swap3A_1119 = vector.shape_cast %concatenate3A_1112 : vector<144x80xf32> to vector<1x1x144x80xf32>
    tpu.vector_store %arg9[%swap3A_1113, %swap3A_1114, %swap3A_1115, %swap3A_1116], %swap3A_1119 {strides = array<i32>} : memref<1x36x144x80xf32, #tpu.memory_space<vmem>>, vector<1x1x144x80xf32>,
    %get3A_1120 = arith.constant 0 : index
    %get3A_1121 = arith.constant 22 : index
    %get3A_1122 = arith.constant 0 : index
    %get3A_1123 = arith.constant 0 : index
    %get3A_1124 = vector.load %arg2[%get3A_1120, %get3A_1121, %get3A_1122, %get3A_1123] : memref<1x38x144x16xf32, #tpu.memory_space<vmem>>, vector<1x3x144x16xf32>
    %get3A_1125 = vector.shape_cast %get3A_1124 : vector<1x3x144x16xf32> to vector<3x144x16xf32>
    %reshape3A_1126 = vector.shape_cast %get3A_1125 : vector<3x144x16xf32> to vector<432x16xf32>
    %get3A_1127 = arith.constant 3168 : index
    %get3A_1128 = arith.constant 0 : index
    %get3A_1129 = vector.load %arg10[%get3A_1127, %get3A_1128] : memref<5472x144xf32, #tpu.memory_space<vmem>>, vector<432x144xf32>
    %get3A_1130 = arith.constant 0 : index
    %get3A_1131 = arith.constant 22 : index
    %get3A_1132 = arith.constant 0 : index
    %get3A_1133 = arith.constant 0 : index
    %get3A_1134 = vector.load %arg3[%get3A_1130, %get3A_1131, %get3A_1132, %get3A_1133] : memref<1x38x144x64xf32, #tpu.memory_space<vmem>>, vector<1x3x144x64xf32>
    %get3A_1135 = vector.shape_cast %get3A_1134 : vector<1x3x144x64xf32> to vector<3x144x64xf32>
    %reshape3A_1136 = vector.shape_cast %get3A_1135 : vector<3x144x64xf32> to vector<432x64xf32>
    %get3A_1137 = arith.constant 0 : index
    %get3A_1138 = arith.constant 23 : index
    %get3A_1139 = arith.constant 0 : index
    %get3A_1140 = arith.constant 0 : index
    %get3A_1141 = vector.load %arg1[%get3A_1137, %get3A_1138, %get3A_1139, %get3A_1140] : memref<1x38x144x16xf32, #tpu.memory_space<vmem>>, vector<1x1x144x16xf32>
    %get3A_1142 = vector.shape_cast %get3A_1141 : vector<1x1x144x16xf32> to vector<144x16xf32>
    %dot_general3A_1143 = arith.constant dense<0.000000e+00> : vector<432x144xf32>
    %dot_general3A_1144 = tpu.matmul %reshape3A_1126, %get3A_1142, %dot_general3A_1143 {dimension_numbers = #tpu.dot_dimension_numbers<[1], [1], [0], [0], [0, 0, 1, 0], [], []>, transpose_lhs_hint = false} : vector<432x16xf32>, vector<144x16xf32>, vector<432x144xf32> -> vector<432x144xf32>
    %add3A_1145 = arith.addf %dot_general3A_1144, %get3A_1129 : vector<432x144xf32>
    %reduce_max3A_1146 = arith.constant dense<0xFF800000> : vector<144xf32>
    %reduce_max3A_1147 = vector.multi_reduction <maximumf>, %add3A_1145, %reduce_max3A_1146 [0] : vector<432x144xf32> to vector<144xf32>
    %broadcast_in_dim3A_1148 = vector.shape_cast %reduce_max3A_1147 : vector<144xf32> to vector<1x144xf32>
    %sub3A_1149 = vector.broadcast %broadcast_in_dim3A_1148 : vector<1x144xf32> to vector<432x144xf32>
    %sub3A_1150 = arith.subf %add3A_1145, %sub3A_1149 : vector<432x144xf32>
    %exp3A_1151 = math.exp %sub3A_1150 : vector<432x144xf32>
    %reduce_sum3A_1152 = arith.constant dense<0.000000e+00> : vector<144xf32>
    %reduce_sum3A_1153 = vector.multi_reduction <add>, %exp3A_1151, %reduce_sum3A_1152 [0] : vector<432x144xf32> to vector<144xf32>
    %broadcast_in_dim3A_1154 = vector.shape_cast %reduce_sum3A_1153 : vector<144xf32> to vector<1x144xf32>
    %div3A_1155 = vector.broadcast %broadcast_in_dim3A_1154 : vector<1x144xf32> to vector<432x144xf32>
    %div3A_1156 = arith.divf %exp3A_1151, %div3A_1155 : vector<432x144xf32>
    %dot_general3A_1157 = arith.constant dense<0.000000e+00> : vector<144x64xf32>
    %dot_general3A_1158 = tpu.matmul %div3A_1156, %reshape3A_1136, %dot_general3A_1157 {dimension_numbers = #tpu.dot_dimension_numbers<[0], [0], [1], [1], [0, 1, 1, 1], [], []>, transpose_lhs_hint = false} : vector<432x144xf32>, vector<432x64xf32>, vector<144x64xf32> -> vector<144x64xf32>
    %log3A_1159 = math.log %broadcast_in_dim3A_1154 : vector<1x144xf32>
    %add3A_1160 = arith.addf %log3A_1159, %broadcast_in_dim3A_1148 : vector<1x144xf32>
    %transpose3A_1161 = tpu.transpose %add3A_1160, [1, 0] : vector<1x144xf32> -> vector<144x1xf32>
    %concatenate3A_1162 = tpu.concatenate %dot_general3A_1158, %transpose3A_1161, %broadcast_in_dim3A_27 in 1 : vector<144x64xf32>, vector<144x1xf32>, vector<144x15xf32> -> vector<144x80xf32>
    %swap3A_1163 = arith.constant 0 : index
    %swap3A_1164 = arith.constant 22 : index
    %swap3A_1165 = arith.constant 0 : index
    %swap3A_1166 = arith.constant 0 : index
    %swap3A_1167 = vector.load %arg9[%swap3A_1163, %swap3A_1164, %swap3A_1165, %swap3A_1166] : memref<1x36x144x80xf32, #tpu.memory_space<vmem>>, vector<1x1x144x80xf32>
    %swap3A_1168 = vector.shape_cast %swap3A_1167 : vector<1x1x144x80xf32> to vector<144x80xf32>
    %swap3A_1169 = vector.shape_cast %concatenate3A_1162 : vector<144x80xf32> to vector<1x1x144x80xf32>
    tpu.vector_store %arg9[%swap3A_1163, %swap3A_1164, %swap3A_1165, %swap3A_1166], %swap3A_1169 {strides = array<i32>} : memref<1x36x144x80xf32, #tpu.memory_space<vmem>>, vector<1x1x144x80xf32>,
    %get3A_1170 = arith.constant 0 : index
    %get3A_1171 = arith.constant 23 : index
    %get3A_1172 = arith.constant 0 : index
    %get3A_1173 = arith.constant 0 : index
    %get3A_1174 = vector.load %arg2[%get3A_1170, %get3A_1171, %get3A_1172, %get3A_1173] : memref<1x38x144x16xf32, #tpu.memory_space<vmem>>, vector<1x3x144x16xf32>
    %get3A_1175 = vector.shape_cast %get3A_1174 : vector<1x3x144x16xf32> to vector<3x144x16xf32>
    %reshape3A_1176 = vector.shape_cast %get3A_1175 : vector<3x144x16xf32> to vector<432x16xf32>
    %get3A_1177 = arith.constant 3312 : index
    %get3A_1178 = arith.constant 0 : index
    %get3A_1179 = vector.load %arg10[%get3A_1177, %get3A_1178] : memref<5472x144xf32, #tpu.memory_space<vmem>>, vector<432x144xf32>
    %get3A_1180 = arith.constant 0 : index
    %get3A_1181 = arith.constant 23 : index
    %get3A_1182 = arith.constant 0 : index
    %get3A_1183 = arith.constant 0 : index
    %get3A_1184 = vector.load %arg3[%get3A_1180, %get3A_1181, %get3A_1182, %get3A_1183] : memref<1x38x144x64xf32, #tpu.memory_space<vmem>>, vector<1x3x144x64xf32>
    %get3A_1185 = vector.shape_cast %get3A_1184 : vector<1x3x144x64xf32> to vector<3x144x64xf32>
    %reshape3A_1186 = vector.shape_cast %get3A_1185 : vector<3x144x64xf32> to vector<432x64xf32>
    %get3A_1187 = arith.constant 0 : index
    %get3A_1188 = arith.constant 24 : index
    %get3A_1189 = arith.constant 0 : index
    %get3A_1190 = arith.constant 0 : index
    %get3A_1191 = vector.load %arg1[%get3A_1187, %get3A_1188, %get3A_1189, %get3A_1190] : memref<1x38x144x16xf32, #tpu.memory_space<vmem>>, vector<1x1x144x16xf32>
    %get3A_1192 = vector.shape_cast %get3A_1191 : vector<1x1x144x16xf32> to vector<144x16xf32>
    %dot_general3A_1193 = arith.constant dense<0.000000e+00> : vector<432x144xf32>
    %dot_general3A_1194 = tpu.matmul %reshape3A_1176, %get3A_1192, %dot_general3A_1193 {dimension_numbers = #tpu.dot_dimension_numbers<[1], [1], [0], [0], [0, 0, 1, 0], [], []>, transpose_lhs_hint = false} : vector<432x16xf32>, vector<144x16xf32>, vector<432x144xf32> -> vector<432x144xf32>
    %add3A_1195 = arith.addf %dot_general3A_1194, %get3A_1179 : vector<432x144xf32>
    %reduce_max3A_1196 = arith.constant dense<0xFF800000> : vector<144xf32>
    %reduce_max3A_1197 = vector.multi_reduction <maximumf>, %add3A_1195, %reduce_max3A_1196 [0] : vector<432x144xf32> to vector<144xf32>
    %broadcast_in_dim3A_1198 = vector.shape_cast %reduce_max3A_1197 : vector<144xf32> to vector<1x144xf32>
    %sub3A_1199 = vector.broadcast %broadcast_in_dim3A_1198 : vector<1x144xf32> to vector<432x144xf32>
    %sub3A_1200 = arith.subf %add3A_1195, %sub3A_1199 : vector<432x144xf32>
    %exp3A_1201 = math.exp %sub3A_1200 : vector<432x144xf32>
    %reduce_sum3A_1202 = arith.constant dense<0.000000e+00> : vector<144xf32>
    %reduce_sum3A_1203 = vector.multi_reduction <add>, %exp3A_1201, %reduce_sum3A_1202 [0] : vector<432x144xf32> to vector<144xf32>
    %broadcast_in_dim3A_1204 = vector.shape_cast %reduce_sum3A_1203 : vector<144xf32> to vector<1x144xf32>
    %div3A_1205 = vector.broadcast %broadcast_in_dim3A_1204 : vector<1x144xf32> to vector<432x144xf32>
    %div3A_1206 = arith.divf %exp3A_1201, %div3A_1205 : vector<432x144xf32>
    %dot_general3A_1207 = arith.constant dense<0.000000e+00> : vector<144x64xf32>
    %dot_general3A_1208 = tpu.matmul %div3A_1206, %reshape3A_1186, %dot_general3A_1207 {dimension_numbers = #tpu.dot_dimension_numbers<[0], [0], [1], [1], [0, 1, 1, 1], [], []>, transpose_lhs_hint = false} : vector<432x144xf32>, vector<432x64xf32>, vector<144x64xf32> -> vector<144x64xf32>
    %log3A_1209 = math.log %broadcast_in_dim3A_1204 : vector<1x144xf32>
    %add3A_1210 = arith.addf %log3A_1209, %broadcast_in_dim3A_1198 : vector<1x144xf32>
    %transpose3A_1211 = tpu.transpose %add3A_1210, [1, 0] : vector<1x144xf32> -> vector<144x1xf32>
    %concatenate3A_1212 = tpu.concatenate %dot_general3A_1208, %transpose3A_1211, %broadcast_in_dim3A_27 in 1 : vector<144x64xf32>, vector<144x1xf32>, vector<144x15xf32> -> vector<144x80xf32>
    %swap3A_1213 = arith.constant 0 : index
    %swap3A_1214 = arith.constant 23 : index
    %swap3A_1215 = arith.constant 0 : index
    %swap3A_1216 = arith.constant 0 : index
    %swap3A_1217 = vector.load %arg9[%swap3A_1213, %swap3A_1214, %swap3A_1215, %swap3A_1216] : memref<1x36x144x80xf32, #tpu.memory_space<vmem>>, vector<1x1x144x80xf32>
    %swap3A_1218 = vector.shape_cast %swap3A_1217 : vector<1x1x144x80xf32> to vector<144x80xf32>
    %swap3A_1219 = vector.shape_cast %concatenate3A_1212 : vector<144x80xf32> to vector<1x1x144x80xf32>
    tpu.vector_store %arg9[%swap3A_1213, %swap3A_1214, %swap3A_1215, %swap3A_1216], %swap3A_1219 {strides = array<i32>} : memref<1x36x144x80xf32, #tpu.memory_space<vmem>>, vector<1x1x144x80xf32>,
    %get3A_1220 = arith.constant 0 : index
    %get3A_1221 = arith.constant 24 : index
    %get3A_1222 = arith.constant 0 : index
    %get3A_1223 = arith.constant 0 : index
    %get3A_1224 = vector.load %arg2[%get3A_1220, %get3A_1221, %get3A_1222, %get3A_1223] : memref<1x38x144x16xf32, #tpu.memory_space<vmem>>, vector<1x3x144x16xf32>
    %get3A_1225 = vector.shape_cast %get3A_1224 : vector<1x3x144x16xf32> to vector<3x144x16xf32>
    %reshape3A_1226 = vector.shape_cast %get3A_1225 : vector<3x144x16xf32> to vector<432x16xf32>
    %get3A_1227 = arith.constant 3456 : index
    %get3A_1228 = arith.constant 0 : index
    %get3A_1229 = vector.load %arg10[%get3A_1227, %get3A_1228] : memref<5472x144xf32, #tpu.memory_space<vmem>>, vector<432x144xf32>
    %get3A_1230 = arith.constant 0 : index
    %get3A_1231 = arith.constant 24 : index
    %get3A_1232 = arith.constant 0 : index
    %get3A_1233 = arith.constant 0 : index
    %get3A_1234 = vector.load %arg3[%get3A_1230, %get3A_1231, %get3A_1232, %get3A_1233] : memref<1x38x144x64xf32, #tpu.memory_space<vmem>>, vector<1x3x144x64xf32>
    %get3A_1235 = vector.shape_cast %get3A_1234 : vector<1x3x144x64xf32> to vector<3x144x64xf32>
    %reshape3A_1236 = vector.shape_cast %get3A_1235 : vector<3x144x64xf32> to vector<432x64xf32>
    %get3A_1237 = arith.constant 0 : index
    %get3A_1238 = arith.constant 25 : index
    %get3A_1239 = arith.constant 0 : index
    %get3A_1240 = arith.constant 0 : index
    %get3A_1241 = vector.load %arg1[%get3A_1237, %get3A_1238, %get3A_1239, %get3A_1240] : memref<1x38x144x16xf32, #tpu.memory_space<vmem>>, vector<1x1x144x16xf32>
    %get3A_1242 = vector.shape_cast %get3A_1241 : vector<1x1x144x16xf32> to vector<144x16xf32>
    %dot_general3A_1243 = arith.constant dense<0.000000e+00> : vector<432x144xf32>
    %dot_general3A_1244 = tpu.matmul %reshape3A_1226, %get3A_1242, %dot_general3A_1243 {dimension_numbers = #tpu.dot_dimension_numbers<[1], [1], [0], [0], [0, 0, 1, 0], [], []>, transpose_lhs_hint = false} : vector<432x16xf32>, vector<144x16xf32>, vector<432x144xf32> -> vector<432x144xf32>
    %add3A_1245 = arith.addf %dot_general3A_1244, %get3A_1229 : vector<432x144xf32>
    %reduce_max3A_1246 = arith.constant dense<0xFF800000> : vector<144xf32>
    %reduce_max3A_1247 = vector.multi_reduction <maximumf>, %add3A_1245, %reduce_max3A_1246 [0] : vector<432x144xf32> to vector<144xf32>
    %broadcast_in_dim3A_1248 = vector.shape_cast %reduce_max3A_1247 : vector<144xf32> to vector<1x144xf32>
    %sub3A_1249 = vector.broadcast %broadcast_in_dim3A_1248 : vector<1x144xf32> to vector<432x144xf32>
    %sub3A_1250 = arith.subf %add3A_1245, %sub3A_1249 : vector<432x144xf32>
    %exp3A_1251 = math.exp %sub3A_1250 : vector<432x144xf32>
    %reduce_sum3A_1252 = arith.constant dense<0.000000e+00> : vector<144xf32>
    %reduce_sum3A_1253 = vector.multi_reduction <add>, %exp3A_1251, %reduce_sum3A_1252 [0] : vector<432x144xf32> to vector<144xf32>
    %broadcast_in_dim3A_1254 = vector.shape_cast %reduce_sum3A_1253 : vector<144xf32> to vector<1x144xf32>
    %div3A_1255 = vector.broadcast %broadcast_in_dim3A_1254 : vector<1x144xf32> to vector<432x144xf32>
    %div3A_1256 = arith.divf %exp3A_1251, %div3A_1255 : vector<432x144xf32>
    %dot_general3A_1257 = arith.constant dense<0.000000e+00> : vector<144x64xf32>
    %dot_general3A_1258 = tpu.matmul %div3A_1256, %reshape3A_1236, %dot_general3A_1257 {dimension_numbers = #tpu.dot_dimension_numbers<[0], [0], [1], [1], [0, 1, 1, 1], [], []>, transpose_lhs_hint = false} : vector<432x144xf32>, vector<432x64xf32>, vector<144x64xf32> -> vector<144x64xf32>
    %log3A_1259 = math.log %broadcast_in_dim3A_1254 : vector<1x144xf32>
    %add3A_1260 = arith.addf %log3A_1259, %broadcast_in_dim3A_1248 : vector<1x144xf32>
    %transpose3A_1261 = tpu.transpose %add3A_1260, [1, 0] : vector<1x144xf32> -> vector<144x1xf32>
    %concatenate3A_1262 = tpu.concatenate %dot_general3A_1258, %transpose3A_1261, %broadcast_in_dim3A_27 in 1 : vector<144x64xf32>, vector<144x1xf32>, vector<144x15xf32> -> vector<144x80xf32>
    %swap3A_1263 = arith.constant 0 : index
    %swap3A_1264 = arith.constant 24 : index
    %swap3A_1265 = arith.constant 0 : index
    %swap3A_1266 = arith.constant 0 : index
    %swap3A_1267 = vector.load %arg9[%swap3A_1263, %swap3A_1264, %swap3A_1265, %swap3A_1266] : memref<1x36x144x80xf32, #tpu.memory_space<vmem>>, vector<1x1x144x80xf32>
    %swap3A_1268 = vector.shape_cast %swap3A_1267 : vector<1x1x144x80xf32> to vector<144x80xf32>
    %swap3A_1269 = vector.shape_cast %concatenate3A_1262 : vector<144x80xf32> to vector<1x1x144x80xf32>
    tpu.vector_store %arg9[%swap3A_1263, %swap3A_1264, %swap3A_1265, %swap3A_1266], %swap3A_1269 {strides = array<i32>} : memref<1x36x144x80xf32, #tpu.memory_space<vmem>>, vector<1x1x144x80xf32>,
    %get3A_1270 = arith.constant 0 : index
    %get3A_1271 = arith.constant 25 : index
    %get3A_1272 = arith.constant 0 : index
    %get3A_1273 = arith.constant 0 : index
    %get3A_1274 = vector.load %arg2[%get3A_1270, %get3A_1271, %get3A_1272, %get3A_1273] : memref<1x38x144x16xf32, #tpu.memory_space<vmem>>, vector<1x3x144x16xf32>
    %get3A_1275 = vector.shape_cast %get3A_1274 : vector<1x3x144x16xf32> to vector<3x144x16xf32>
    %reshape3A_1276 = vector.shape_cast %get3A_1275 : vector<3x144x16xf32> to vector<432x16xf32>
    %get3A_1277 = arith.constant 3600 : index
    %get3A_1278 = arith.constant 0 : index
    %get3A_1279 = vector.load %arg10[%get3A_1277, %get3A_1278] : memref<5472x144xf32, #tpu.memory_space<vmem>>, vector<432x144xf32>
    %get3A_1280 = arith.constant 0 : index
    %get3A_1281 = arith.constant 25 : index
    %get3A_1282 = arith.constant 0 : index
    %get3A_1283 = arith.constant 0 : index
    %get3A_1284 = vector.load %arg3[%get3A_1280, %get3A_1281, %get3A_1282, %get3A_1283] : memref<1x38x144x64xf32, #tpu.memory_space<vmem>>, vector<1x3x144x64xf32>
    %get3A_1285 = vector.shape_cast %get3A_1284 : vector<1x3x144x64xf32> to vector<3x144x64xf32>
    %reshape3A_1286 = vector.shape_cast %get3A_1285 : vector<3x144x64xf32> to vector<432x64xf32>
    %get3A_1287 = arith.constant 0 : index
    %get3A_1288 = arith.constant 26 : index
    %get3A_1289 = arith.constant 0 : index
    %get3A_1290 = arith.constant 0 : index
    %get3A_1291 = vector.load %arg1[%get3A_1287, %get3A_1288, %get3A_1289, %get3A_1290] : memref<1x38x144x16xf32, #tpu.memory_space<vmem>>, vector<1x1x144x16xf32>
    %get3A_1292 = vector.shape_cast %get3A_1291 : vector<1x1x144x16xf32> to vector<144x16xf32>
    %dot_general3A_1293 = arith.constant dense<0.000000e+00> : vector<432x144xf32>
    %dot_general3A_1294 = tpu.matmul %reshape3A_1276, %get3A_1292, %dot_general3A_1293 {dimension_numbers = #tpu.dot_dimension_numbers<[1], [1], [0], [0], [0, 0, 1, 0], [], []>, transpose_lhs_hint = false} : vector<432x16xf32>, vector<144x16xf32>, vector<432x144xf32> -> vector<432x144xf32>
    %add3A_1295 = arith.addf %dot_general3A_1294, %get3A_1279 : vector<432x144xf32>
    %reduce_max3A_1296 = arith.constant dense<0xFF800000> : vector<144xf32>
    %reduce_max3A_1297 = vector.multi_reduction <maximumf>, %add3A_1295, %reduce_max3A_1296 [0] : vector<432x144xf32> to vector<144xf32>
    %broadcast_in_dim3A_1298 = vector.shape_cast %reduce_max3A_1297 : vector<144xf32> to vector<1x144xf32>
    %sub3A_1299 = vector.broadcast %broadcast_in_dim3A_1298 : vector<1x144xf32> to vector<432x144xf32>
    %sub3A_1300 = arith.subf %add3A_1295, %sub3A_1299 : vector<432x144xf32>
    %exp3A_1301 = math.exp %sub3A_1300 : vector<432x144xf32>
    %reduce_sum3A_1302 = arith.constant dense<0.000000e+00> : vector<144xf32>
    %reduce_sum3A_1303 = vector.multi_reduction <add>, %exp3A_1301, %reduce_sum3A_1302 [0] : vector<432x144xf32> to vector<144xf32>
    %broadcast_in_dim3A_1304 = vector.shape_cast %reduce_sum3A_1303 : vector<144xf32> to vector<1x144xf32>
    %div3A_1305 = vector.broadcast %broadcast_in_dim3A_1304 : vector<1x144xf32> to vector<432x144xf32>
    %div3A_1306 = arith.divf %exp3A_1301, %div3A_1305 : vector<432x144xf32>
    %dot_general3A_1307 = arith.constant dense<0.000000e+00> : vector<144x64xf32>
    %dot_general3A_1308 = tpu.matmul %div3A_1306, %reshape3A_1286, %dot_general3A_1307 {dimension_numbers = #tpu.dot_dimension_numbers<[0], [0], [1], [1], [0, 1, 1, 1], [], []>, transpose_lhs_hint = false} : vector<432x144xf32>, vector<432x64xf32>, vector<144x64xf32> -> vector<144x64xf32>
    %log3A_1309 = math.log %broadcast_in_dim3A_1304 : vector<1x144xf32>
    %add3A_1310 = arith.addf %log3A_1309, %broadcast_in_dim3A_1298 : vector<1x144xf32>
    %transpose3A_1311 = tpu.transpose %add3A_1310, [1, 0] : vector<1x144xf32> -> vector<144x1xf32>
    %concatenate3A_1312 = tpu.concatenate %dot_general3A_1308, %transpose3A_1311, %broadcast_in_dim3A_27 in 1 : vector<144x64xf32>, vector<144x1xf32>, vector<144x15xf32> -> vector<144x80xf32>
    %swap3A_1313 = arith.constant 0 : index
    %swap3A_1314 = arith.constant 25 : index
    %swap3A_1315 = arith.constant 0 : index
    %swap3A_1316 = arith.constant 0 : index
    %swap3A_1317 = vector.load %arg9[%swap3A_1313, %swap3A_1314, %swap3A_1315, %swap3A_1316] : memref<1x36x144x80xf32, #tpu.memory_space<vmem>>, vector<1x1x144x80xf32>
    %swap3A_1318 = vector.shape_cast %swap3A_1317 : vector<1x1x144x80xf32> to vector<144x80xf32>
    %swap3A_1319 = vector.shape_cast %concatenate3A_1312 : vector<144x80xf32> to vector<1x1x144x80xf32>
    tpu.vector_store %arg9[%swap3A_1313, %swap3A_1314, %swap3A_1315, %swap3A_1316], %swap3A_1319 {strides = array<i32>} : memref<1x36x144x80xf32, #tpu.memory_space<vmem>>, vector<1x1x144x80xf32>,
    %get3A_1320 = arith.constant 0 : index
    %get3A_1321 = arith.constant 26 : index
    %get3A_1322 = arith.constant 0 : index
    %get3A_1323 = arith.constant 0 : index
    %get3A_1324 = vector.load %arg2[%get3A_1320, %get3A_1321, %get3A_1322, %get3A_1323] : memref<1x38x144x16xf32, #tpu.memory_space<vmem>>, vector<1x3x144x16xf32>
    %get3A_1325 = vector.shape_cast %get3A_1324 : vector<1x3x144x16xf32> to vector<3x144x16xf32>
    %reshape3A_1326 = vector.shape_cast %get3A_1325 : vector<3x144x16xf32> to vector<432x16xf32>
    %get3A_1327 = arith.constant 3744 : index
    %get3A_1328 = arith.constant 0 : index
    %get3A_1329 = vector.load %arg10[%get3A_1327, %get3A_1328] : memref<5472x144xf32, #tpu.memory_space<vmem>>, vector<432x144xf32>
    %get3A_1330 = arith.constant 0 : index
    %get3A_1331 = arith.constant 26 : index
    %get3A_1332 = arith.constant 0 : index
    %get3A_1333 = arith.constant 0 : index
    %get3A_1334 = vector.load %arg3[%get3A_1330, %get3A_1331, %get3A_1332, %get3A_1333] : memref<1x38x144x64xf32, #tpu.memory_space<vmem>>, vector<1x3x144x64xf32>
    %get3A_1335 = vector.shape_cast %get3A_1334 : vector<1x3x144x64xf32> to vector<3x144x64xf32>
    %reshape3A_1336 = vector.shape_cast %get3A_1335 : vector<3x144x64xf32> to vector<432x64xf32>
    %get3A_1337 = arith.constant 0 : index
    %get3A_1338 = arith.constant 27 : index
    %get3A_1339 = arith.constant 0 : index
    %get3A_1340 = arith.constant 0 : index
    %get3A_1341 = vector.load %arg1[%get3A_1337, %get3A_1338, %get3A_1339, %get3A_1340] : memref<1x38x144x16xf32, #tpu.memory_space<vmem>>, vector<1x1x144x16xf32>
    %get3A_1342 = vector.shape_cast %get3A_1341 : vector<1x1x144x16xf32> to vector<144x16xf32>
    %dot_general3A_1343 = arith.constant dense<0.000000e+00> : vector<432x144xf32>
    %dot_general3A_1344 = tpu.matmul %reshape3A_1326, %get3A_1342, %dot_general3A_1343 {dimension_numbers = #tpu.dot_dimension_numbers<[1], [1], [0], [0], [0, 0, 1, 0], [], []>, transpose_lhs_hint = false} : vector<432x16xf32>, vector<144x16xf32>, vector<432x144xf32> -> vector<432x144xf32>
    %add3A_1345 = arith.addf %dot_general3A_1344, %get3A_1329 : vector<432x144xf32>
    %reduce_max3A_1346 = arith.constant dense<0xFF800000> : vector<144xf32>
    %reduce_max3A_1347 = vector.multi_reduction <maximumf>, %add3A_1345, %reduce_max3A_1346 [0] : vector<432x144xf32> to vector<144xf32>
    %broadcast_in_dim3A_1348 = vector.shape_cast %reduce_max3A_1347 : vector<144xf32> to vector<1x144xf32>
    %sub3A_1349 = vector.broadcast %broadcast_in_dim3A_1348 : vector<1x144xf32> to vector<432x144xf32>
    %sub3A_1350 = arith.subf %add3A_1345, %sub3A_1349 : vector<432x144xf32>
    %exp3A_1351 = math.exp %sub3A_1350 : vector<432x144xf32>
    %reduce_sum3A_1352 = arith.constant dense<0.000000e+00> : vector<144xf32>
    %reduce_sum3A_1353 = vector.multi_reduction <add>, %exp3A_1351, %reduce_sum3A_1352 [0] : vector<432x144xf32> to vector<144xf32>
    %broadcast_in_dim3A_1354 = vector.shape_cast %reduce_sum3A_1353 : vector<144xf32> to vector<1x144xf32>
    %div3A_1355 = vector.broadcast %broadcast_in_dim3A_1354 : vector<1x144xf32> to vector<432x144xf32>
    %div3A_1356 = arith.divf %exp3A_1351, %div3A_1355 : vector<432x144xf32>
    %dot_general3A_1357 = arith.constant dense<0.000000e+00> : vector<144x64xf32>
    %dot_general3A_1358 = tpu.matmul %div3A_1356, %reshape3A_1336, %dot_general3A_1357 {dimension_numbers = #tpu.dot_dimension_numbers<[0], [0], [1], [1], [0, 1, 1, 1], [], []>, transpose_lhs_hint = false} : vector<432x144xf32>, vector<432x64xf32>, vector<144x64xf32> -> vector<144x64xf32>
    %log3A_1359 = math.log %broadcast_in_dim3A_1354 : vector<1x144xf32>
    %add3A_1360 = arith.addf %log3A_1359, %broadcast_in_dim3A_1348 : vector<1x144xf32>
    %transpose3A_1361 = tpu.transpose %add3A_1360, [1, 0] : vector<1x144xf32> -> vector<144x1xf32>
    %concatenate3A_1362 = tpu.concatenate %dot_general3A_1358, %transpose3A_1361, %broadcast_in_dim3A_27 in 1 : vector<144x64xf32>, vector<144x1xf32>, vector<144x15xf32> -> vector<144x80xf32>
    %swap3A_1363 = arith.constant 0 : index
    %swap3A_1364 = arith.constant 26 : index
    %swap3A_1365 = arith.constant 0 : index
    %swap3A_1366 = arith.constant 0 : index
    %swap3A_1367 = vector.load %arg9[%swap3A_1363, %swap3A_1364, %swap3A_1365, %swap3A_1366] : memref<1x36x144x80xf32, #tpu.memory_space<vmem>>, vector<1x1x144x80xf32>
    %swap3A_1368 = vector.shape_cast %swap3A_1367 : vector<1x1x144x80xf32> to vector<144x80xf32>
    %swap3A_1369 = vector.shape_cast %concatenate3A_1362 : vector<144x80xf32> to vector<1x1x144x80xf32>
    tpu.vector_store %arg9[%swap3A_1363, %swap3A_1364, %swap3A_1365, %swap3A_1366], %swap3A_1369 {strides = array<i32>} : memref<1x36x144x80xf32, #tpu.memory_space<vmem>>, vector<1x1x144x80xf32>,
    %get3A_1370 = arith.constant 0 : index
    %get3A_1371 = arith.constant 27 : index
    %get3A_1372 = arith.constant 0 : index
    %get3A_1373 = arith.constant 0 : index
    %get3A_1374 = vector.load %arg2[%get3A_1370, %get3A_1371, %get3A_1372, %get3A_1373] : memref<1x38x144x16xf32, #tpu.memory_space<vmem>>, vector<1x3x144x16xf32>
    %get3A_1375 = vector.shape_cast %get3A_1374 : vector<1x3x144x16xf32> to vector<3x144x16xf32>
    %reshape3A_1376 = vector.shape_cast %get3A_1375 : vector<3x144x16xf32> to vector<432x16xf32>
    %get3A_1377 = arith.constant 3888 : index
    %get3A_1378 = arith.constant 0 : index
    %get3A_1379 = vector.load %arg10[%get3A_1377, %get3A_1378] : memref<5472x144xf32, #tpu.memory_space<vmem>>, vector<432x144xf32>
    %get3A_1380 = arith.constant 0 : index
    %get3A_1381 = arith.constant 27 : index
    %get3A_1382 = arith.constant 0 : index
    %get3A_1383 = arith.constant 0 : index
    %get3A_1384 = vector.load %arg3[%get3A_1380, %get3A_1381, %get3A_1382, %get3A_1383] : memref<1x38x144x64xf32, #tpu.memory_space<vmem>>, vector<1x3x144x64xf32>
    %get3A_1385 = vector.shape_cast %get3A_1384 : vector<1x3x144x64xf32> to vector<3x144x64xf32>
    %reshape3A_1386 = vector.shape_cast %get3A_1385 : vector<3x144x64xf32> to vector<432x64xf32>
    %get3A_1387 = arith.constant 0 : index
    %get3A_1388 = arith.constant 28 : index
    %get3A_1389 = arith.constant 0 : index
    %get3A_1390 = arith.constant 0 : index
    %get3A_1391 = vector.load %arg1[%get3A_1387, %get3A_1388, %get3A_1389, %get3A_1390] : memref<1x38x144x16xf32, #tpu.memory_space<vmem>>, vector<1x1x144x16xf32>
    %get3A_1392 = vector.shape_cast %get3A_1391 : vector<1x1x144x16xf32> to vector<144x16xf32>
    %dot_general3A_1393 = arith.constant dense<0.000000e+00> : vector<432x144xf32>
    %dot_general3A_1394 = tpu.matmul %reshape3A_1376, %get3A_1392, %dot_general3A_1393 {dimension_numbers = #tpu.dot_dimension_numbers<[1], [1], [0], [0], [0, 0, 1, 0], [], []>, transpose_lhs_hint = false} : vector<432x16xf32>, vector<144x16xf32>, vector<432x144xf32> -> vector<432x144xf32>
    %add3A_1395 = arith.addf %dot_general3A_1394, %get3A_1379 : vector<432x144xf32>
    %reduce_max3A_1396 = arith.constant dense<0xFF800000> : vector<144xf32>
    %reduce_max3A_1397 = vector.multi_reduction <maximumf>, %add3A_1395, %reduce_max3A_1396 [0] : vector<432x144xf32> to vector<144xf32>
    %broadcast_in_dim3A_1398 = vector.shape_cast %reduce_max3A_1397 : vector<144xf32> to vector<1x144xf32>
    %sub3A_1399 = vector.broadcast %broadcast_in_dim3A_1398 : vector<1x144xf32> to vector<432x144xf32>
    %sub3A_1400 = arith.subf %add3A_1395, %sub3A_1399 : vector<432x144xf32>
    %exp3A_1401 = math.exp %sub3A_1400 : vector<432x144xf32>
    %reduce_sum3A_1402 = arith.constant dense<0.000000e+00> : vector<144xf32>
    %reduce_sum3A_1403 = vector.multi_reduction <add>, %exp3A_1401, %reduce_sum3A_1402 [0] : vector<432x144xf32> to vector<144xf32>
    %broadcast_in_dim3A_1404 = vector.shape_cast %reduce_sum3A_1403 : vector<144xf32> to vector<1x144xf32>
    %div3A_1405 = vector.broadcast %broadcast_in_dim3A_1404 : vector<1x144xf32> to vector<432x144xf32>
    %div3A_1406 = arith.divf %exp3A_1401, %div3A_1405 : vector<432x144xf32>
    %dot_general3A_1407 = arith.constant dense<0.000000e+00> : vector<144x64xf32>
    %dot_general3A_1408 = tpu.matmul %div3A_1406, %reshape3A_1386, %dot_general3A_1407 {dimension_numbers = #tpu.dot_dimension_numbers<[0], [0], [1], [1], [0, 1, 1, 1], [], []>, transpose_lhs_hint = false} : vector<432x144xf32>, vector<432x64xf32>, vector<144x64xf32> -> vector<144x64xf32>
    %log3A_1409 = math.log %broadcast_in_dim3A_1404 : vector<1x144xf32>
    %add3A_1410 = arith.addf %log3A_1409, %broadcast_in_dim3A_1398 : vector<1x144xf32>
    %transpose3A_1411 = tpu.transpose %add3A_1410, [1, 0] : vector<1x144xf32> -> vector<144x1xf32>
    %concatenate3A_1412 = tpu.concatenate %dot_general3A_1408, %transpose3A_1411, %broadcast_in_dim3A_27 in 1 : vector<144x64xf32>, vector<144x1xf32>, vector<144x15xf32> -> vector<144x80xf32>
    %swap3A_1413 = arith.constant 0 : index
    %swap3A_1414 = arith.constant 27 : index
    %swap3A_1415 = arith.constant 0 : index
    %swap3A_1416 = arith.constant 0 : index
    %swap3A_1417 = vector.load %arg9[%swap3A_1413, %swap3A_1414, %swap3A_1415, %swap3A_1416] : memref<1x36x144x80xf32, #tpu.memory_space<vmem>>, vector<1x1x144x80xf32>
    %swap3A_1418 = vector.shape_cast %swap3A_1417 : vector<1x1x144x80xf32> to vector<144x80xf32>
    %swap3A_1419 = vector.shape_cast %concatenate3A_1412 : vector<144x80xf32> to vector<1x1x144x80xf32>
    tpu.vector_store %arg9[%swap3A_1413, %swap3A_1414, %swap3A_1415, %swap3A_1416], %swap3A_1419 {strides = array<i32>} : memref<1x36x144x80xf32, #tpu.memory_space<vmem>>, vector<1x1x144x80xf32>,
    %get3A_1420 = arith.constant 0 : index
    %get3A_1421 = arith.constant 28 : index
    %get3A_1422 = arith.constant 0 : index
    %get3A_1423 = arith.constant 0 : index
    %get3A_1424 = vector.load %arg2[%get3A_1420, %get3A_1421, %get3A_1422, %get3A_1423] : memref<1x38x144x16xf32, #tpu.memory_space<vmem>>, vector<1x3x144x16xf32>
    %get3A_1425 = vector.shape_cast %get3A_1424 : vector<1x3x144x16xf32> to vector<3x144x16xf32>
    %reshape3A_1426 = vector.shape_cast %get3A_1425 : vector<3x144x16xf32> to vector<432x16xf32>
    %get3A_1427 = arith.constant 4032 : index
    %get3A_1428 = arith.constant 0 : index
    %get3A_1429 = vector.load %arg10[%get3A_1427, %get3A_1428] : memref<5472x144xf32, #tpu.memory_space<vmem>>, vector<432x144xf32>
    %get3A_1430 = arith.constant 0 : index
    %get3A_1431 = arith.constant 28 : index
    %get3A_1432 = arith.constant 0 : index
    %get3A_1433 = arith.constant 0 : index
    %get3A_1434 = vector.load %arg3[%get3A_1430, %get3A_1431, %get3A_1432, %get3A_1433] : memref<1x38x144x64xf32, #tpu.memory_space<vmem>>, vector<1x3x144x64xf32>
    %get3A_1435 = vector.shape_cast %get3A_1434 : vector<1x3x144x64xf32> to vector<3x144x64xf32>
    %reshape3A_1436 = vector.shape_cast %get3A_1435 : vector<3x144x64xf32> to vector<432x64xf32>
    %get3A_1437 = arith.constant 0 : index
    %get3A_1438 = arith.constant 29 : index
    %get3A_1439 = arith.constant 0 : index
    %get3A_1440 = arith.constant 0 : index
    %get3A_1441 = vector.load %arg1[%get3A_1437, %get3A_1438, %get3A_1439, %get3A_1440] : memref<1x38x144x16xf32, #tpu.memory_space<vmem>>, vector<1x1x144x16xf32>
    %get3A_1442 = vector.shape_cast %get3A_1441 : vector<1x1x144x16xf32> to vector<144x16xf32>
    %dot_general3A_1443 = arith.constant dense<0.000000e+00> : vector<432x144xf32>
    %dot_general3A_1444 = tpu.matmul %reshape3A_1426, %get3A_1442, %dot_general3A_1443 {dimension_numbers = #tpu.dot_dimension_numbers<[1], [1], [0], [0], [0, 0, 1, 0], [], []>, transpose_lhs_hint = false} : vector<432x16xf32>, vector<144x16xf32>, vector<432x144xf32> -> vector<432x144xf32>
    %add3A_1445 = arith.addf %dot_general3A_1444, %get3A_1429 : vector<432x144xf32>
    %reduce_max3A_1446 = arith.constant dense<0xFF800000> : vector<144xf32>
    %reduce_max3A_1447 = vector.multi_reduction <maximumf>, %add3A_1445, %reduce_max3A_1446 [0] : vector<432x144xf32> to vector<144xf32>
    %broadcast_in_dim3A_1448 = vector.shape_cast %reduce_max3A_1447 : vector<144xf32> to vector<1x144xf32>
    %sub3A_1449 = vector.broadcast %broadcast_in_dim3A_1448 : vector<1x144xf32> to vector<432x144xf32>
    %sub3A_1450 = arith.subf %add3A_1445, %sub3A_1449 : vector<432x144xf32>
    %exp3A_1451 = math.exp %sub3A_1450 : vector<432x144xf32>
    %reduce_sum3A_1452 = arith.constant dense<0.000000e+00> : vector<144xf32>
    %reduce_sum3A_1453 = vector.multi_reduction <add>, %exp3A_1451, %reduce_sum3A_1452 [0] : vector<432x144xf32> to vector<144xf32>
    %broadcast_in_dim3A_1454 = vector.shape_cast %reduce_sum3A_1453 : vector<144xf32> to vector<1x144xf32>
    %div3A_1455 = vector.broadcast %broadcast_in_dim3A_1454 : vector<1x144xf32> to vector<432x144xf32>
    %div3A_1456 = arith.divf %exp3A_1451, %div3A_1455 : vector<432x144xf32>
    %dot_general3A_1457 = arith.constant dense<0.000000e+00> : vector<144x64xf32>
    %dot_general3A_1458 = tpu.matmul %div3A_1456, %reshape3A_1436, %dot_general3A_1457 {dimension_numbers = #tpu.dot_dimension_numbers<[0], [0], [1], [1], [0, 1, 1, 1], [], []>, transpose_lhs_hint = false} : vector<432x144xf32>, vector<432x64xf32>, vector<144x64xf32> -> vector<144x64xf32>
    %log3A_1459 = math.log %broadcast_in_dim3A_1454 : vector<1x144xf32>
    %add3A_1460 = arith.addf %log3A_1459, %broadcast_in_dim3A_1448 : vector<1x144xf32>
    %transpose3A_1461 = tpu.transpose %add3A_1460, [1, 0] : vector<1x144xf32> -> vector<144x1xf32>
    %concatenate3A_1462 = tpu.concatenate %dot_general3A_1458, %transpose3A_1461, %broadcast_in_dim3A_27 in 1 : vector<144x64xf32>, vector<144x1xf32>, vector<144x15xf32> -> vector<144x80xf32>
    %swap3A_1463 = arith.constant 0 : index
    %swap3A_1464 = arith.constant 28 : index
    %swap3A_1465 = arith.constant 0 : index
    %swap3A_1466 = arith.constant 0 : index
    %swap3A_1467 = vector.load %arg9[%swap3A_1463, %swap3A_1464, %swap3A_1465, %swap3A_1466] : memref<1x36x144x80xf32, #tpu.memory_space<vmem>>, vector<1x1x144x80xf32>
    %swap3A_1468 = vector.shape_cast %swap3A_1467 : vector<1x1x144x80xf32> to vector<144x80xf32>
    %swap3A_1469 = vector.shape_cast %concatenate3A_1462 : vector<144x80xf32> to vector<1x1x144x80xf32>
    tpu.vector_store %arg9[%swap3A_1463, %swap3A_1464, %swap3A_1465, %swap3A_1466], %swap3A_1469 {strides = array<i32>} : memref<1x36x144x80xf32, #tpu.memory_space<vmem>>, vector<1x1x144x80xf32>,
    %get3A_1470 = arith.constant 0 : index
    %get3A_1471 = arith.constant 29 : index
    %get3A_1472 = arith.constant 0 : index
    %get3A_1473 = arith.constant 0 : index
    %get3A_1474 = vector.load %arg2[%get3A_1470, %get3A_1471, %get3A_1472, %get3A_1473] : memref<1x38x144x16xf32, #tpu.memory_space<vmem>>, vector<1x3x144x16xf32>
    %get3A_1475 = vector.shape_cast %get3A_1474 : vector<1x3x144x16xf32> to vector<3x144x16xf32>
    %reshape3A_1476 = vector.shape_cast %get3A_1475 : vector<3x144x16xf32> to vector<432x16xf32>
    %get3A_1477 = arith.constant 4176 : index
    %get3A_1478 = arith.constant 0 : index
    %get3A_1479 = vector.load %arg10[%get3A_1477, %get3A_1478] : memref<5472x144xf32, #tpu.memory_space<vmem>>, vector<432x144xf32>
    %get3A_1480 = arith.constant 0 : index
    %get3A_1481 = arith.constant 29 : index
    %get3A_1482 = arith.constant 0 : index
    %get3A_1483 = arith.constant 0 : index
    %get3A_1484 = vector.load %arg3[%get3A_1480, %get3A_1481, %get3A_1482, %get3A_1483] : memref<1x38x144x64xf32, #tpu.memory_space<vmem>>, vector<1x3x144x64xf32>
    %get3A_1485 = vector.shape_cast %get3A_1484 : vector<1x3x144x64xf32> to vector<3x144x64xf32>
    %reshape3A_1486 = vector.shape_cast %get3A_1485 : vector<3x144x64xf32> to vector<432x64xf32>
    %get3A_1487 = arith.constant 0 : index
    %get3A_1488 = arith.constant 30 : index
    %get3A_1489 = arith.constant 0 : index
    %get3A_1490 = arith.constant 0 : index
    %get3A_1491 = vector.load %arg1[%get3A_1487, %get3A_1488, %get3A_1489, %get3A_1490] : memref<1x38x144x16xf32, #tpu.memory_space<vmem>>, vector<1x1x144x16xf32>
    %get3A_1492 = vector.shape_cast %get3A_1491 : vector<1x1x144x16xf32> to vector<144x16xf32>
    %dot_general3A_1493 = arith.constant dense<0.000000e+00> : vector<432x144xf32>
    %dot_general3A_1494 = tpu.matmul %reshape3A_1476, %get3A_1492, %dot_general3A_1493 {dimension_numbers = #tpu.dot_dimension_numbers<[1], [1], [0], [0], [0, 0, 1, 0], [], []>, transpose_lhs_hint = false} : vector<432x16xf32>, vector<144x16xf32>, vector<432x144xf32> -> vector<432x144xf32>
    %add3A_1495 = arith.addf %dot_general3A_1494, %get3A_1479 : vector<432x144xf32>
    %reduce_max3A_1496 = arith.constant dense<0xFF800000> : vector<144xf32>
    %reduce_max3A_1497 = vector.multi_reduction <maximumf>, %add3A_1495, %reduce_max3A_1496 [0] : vector<432x144xf32> to vector<144xf32>
    %broadcast_in_dim3A_1498 = vector.shape_cast %reduce_max3A_1497 : vector<144xf32> to vector<1x144xf32>
    %sub3A_1499 = vector.broadcast %broadcast_in_dim3A_1498 : vector<1x144xf32> to vector<432x144xf32>
    %sub3A_1500 = arith.subf %add3A_1495, %sub3A_1499 : vector<432x144xf32>
    %exp3A_1501 = math.exp %sub3A_1500 : vector<432x144xf32>
    %reduce_sum3A_1502 = arith.constant dense<0.000000e+00> : vector<144xf32>
    %reduce_sum3A_1503 = vector.multi_reduction <add>, %exp3A_1501, %reduce_sum3A_1502 [0] : vector<432x144xf32> to vector<144xf32>
    %broadcast_in_dim3A_1504 = vector.shape_cast %reduce_sum3A_1503 : vector<144xf32> to vector<1x144xf32>
    %div3A_1505 = vector.broadcast %broadcast_in_dim3A_1504 : vector<1x144xf32> to vector<432x144xf32>
    %div3A_1506 = arith.divf %exp3A_1501, %div3A_1505 : vector<432x144xf32>
    %dot_general3A_1507 = arith.constant dense<0.000000e+00> : vector<144x64xf32>
    %dot_general3A_1508 = tpu.matmul %div3A_1506, %reshape3A_1486, %dot_general3A_1507 {dimension_numbers = #tpu.dot_dimension_numbers<[0], [0], [1], [1], [0, 1, 1, 1], [], []>, transpose_lhs_hint = false} : vector<432x144xf32>, vector<432x64xf32>, vector<144x64xf32> -> vector<144x64xf32>
    %log3A_1509 = math.log %broadcast_in_dim3A_1504 : vector<1x144xf32>
    %add3A_1510 = arith.addf %log3A_1509, %broadcast_in_dim3A_1498 : vector<1x144xf32>
    %transpose3A_1511 = tpu.transpose %add3A_1510, [1, 0] : vector<1x144xf32> -> vector<144x1xf32>
    %concatenate3A_1512 = tpu.concatenate %dot_general3A_1508, %transpose3A_1511, %broadcast_in_dim3A_27 in 1 : vector<144x64xf32>, vector<144x1xf32>, vector<144x15xf32> -> vector<144x80xf32>
    %swap3A_1513 = arith.constant 0 : index
    %swap3A_1514 = arith.constant 29 : index
    %swap3A_1515 = arith.constant 0 : index
    %swap3A_1516 = arith.constant 0 : index
    %swap3A_1517 = vector.load %arg9[%swap3A_1513, %swap3A_1514, %swap3A_1515, %swap3A_1516] : memref<1x36x144x80xf32, #tpu.memory_space<vmem>>, vector<1x1x144x80xf32>
    %swap3A_1518 = vector.shape_cast %swap3A_1517 : vector<1x1x144x80xf32> to vector<144x80xf32>
    %swap3A_1519 = vector.shape_cast %concatenate3A_1512 : vector<144x80xf32> to vector<1x1x144x80xf32>
    tpu.vector_store %arg9[%swap3A_1513, %swap3A_1514, %swap3A_1515, %swap3A_1516], %swap3A_1519 {strides = array<i32>} : memref<1x36x144x80xf32, #tpu.memory_space<vmem>>, vector<1x1x144x80xf32>,
    %get3A_1520 = arith.constant 0 : index
    %get3A_1521 = arith.constant 30 : index
    %get3A_1522 = arith.constant 0 : index
    %get3A_1523 = arith.constant 0 : index
    %get3A_1524 = vector.load %arg2[%get3A_1520, %get3A_1521, %get3A_1522, %get3A_1523] : memref<1x38x144x16xf32, #tpu.memory_space<vmem>>, vector<1x3x144x16xf32>
    %get3A_1525 = vector.shape_cast %get3A_1524 : vector<1x3x144x16xf32> to vector<3x144x16xf32>
    %reshape3A_1526 = vector.shape_cast %get3A_1525 : vector<3x144x16xf32> to vector<432x16xf32>
    %get3A_1527 = arith.constant 4320 : index
    %get3A_1528 = arith.constant 0 : index
    %get3A_1529 = vector.load %arg10[%get3A_1527, %get3A_1528] : memref<5472x144xf32, #tpu.memory_space<vmem>>, vector<432x144xf32>
    %get3A_1530 = arith.constant 0 : index
    %get3A_1531 = arith.constant 30 : index
    %get3A_1532 = arith.constant 0 : index
    %get3A_1533 = arith.constant 0 : index
    %get3A_1534 = vector.load %arg3[%get3A_1530, %get3A_1531, %get3A_1532, %get3A_1533] : memref<1x38x144x64xf32, #tpu.memory_space<vmem>>, vector<1x3x144x64xf32>
    %get3A_1535 = vector.shape_cast %get3A_1534 : vector<1x3x144x64xf32> to vector<3x144x64xf32>
    %reshape3A_1536 = vector.shape_cast %get3A_1535 : vector<3x144x64xf32> to vector<432x64xf32>
    %get3A_1537 = arith.constant 0 : index
    %get3A_1538 = arith.constant 31 : index
    %get3A_1539 = arith.constant 0 : index
    %get3A_1540 = arith.constant 0 : index
    %get3A_1541 = vector.load %arg1[%get3A_1537, %get3A_1538, %get3A_1539, %get3A_1540] : memref<1x38x144x16xf32, #tpu.memory_space<vmem>>, vector<1x1x144x16xf32>
    %get3A_1542 = vector.shape_cast %get3A_1541 : vector<1x1x144x16xf32> to vector<144x16xf32>
    %dot_general3A_1543 = arith.constant dense<0.000000e+00> : vector<432x144xf32>
    %dot_general3A_1544 = tpu.matmul %reshape3A_1526, %get3A_1542, %dot_general3A_1543 {dimension_numbers = #tpu.dot_dimension_numbers<[1], [1], [0], [0], [0, 0, 1, 0], [], []>, transpose_lhs_hint = false} : vector<432x16xf32>, vector<144x16xf32>, vector<432x144xf32> -> vector<432x144xf32>
    %add3A_1545 = arith.addf %dot_general3A_1544, %get3A_1529 : vector<432x144xf32>
    %reduce_max3A_1546 = arith.constant dense<0xFF800000> : vector<144xf32>
    %reduce_max3A_1547 = vector.multi_reduction <maximumf>, %add3A_1545, %reduce_max3A_1546 [0] : vector<432x144xf32> to vector<144xf32>
    %broadcast_in_dim3A_1548 = vector.shape_cast %reduce_max3A_1547 : vector<144xf32> to vector<1x144xf32>
    %sub3A_1549 = vector.broadcast %broadcast_in_dim3A_1548 : vector<1x144xf32> to vector<432x144xf32>
    %sub3A_1550 = arith.subf %add3A_1545, %sub3A_1549 : vector<432x144xf32>
    %exp3A_1551 = math.exp %sub3A_1550 : vector<432x144xf32>
    %reduce_sum3A_1552 = arith.constant dense<0.000000e+00> : vector<144xf32>
    %reduce_sum3A_1553 = vector.multi_reduction <add>, %exp3A_1551, %reduce_sum3A_1552 [0] : vector<432x144xf32> to vector<144xf32>
    %broadcast_in_dim3A_1554 = vector.shape_cast %reduce_sum3A_1553 : vector<144xf32> to vector<1x144xf32>
    %div3A_1555 = vector.broadcast %broadcast_in_dim3A_1554 : vector<1x144xf32> to vector<432x144xf32>
    %div3A_1556 = arith.divf %exp3A_1551, %div3A_1555 : vector<432x144xf32>
    %dot_general3A_1557 = arith.constant dense<0.000000e+00> : vector<144x64xf32>
    %dot_general3A_1558 = tpu.matmul %div3A_1556, %reshape3A_1536, %dot_general3A_1557 {dimension_numbers = #tpu.dot_dimension_numbers<[0], [0], [1], [1], [0, 1, 1, 1], [], []>, transpose_lhs_hint = false} : vector<432x144xf32>, vector<432x64xf32>, vector<144x64xf32> -> vector<144x64xf32>
    %log3A_1559 = math.log %broadcast_in_dim3A_1554 : vector<1x144xf32>
    %add3A_1560 = arith.addf %log3A_1559, %broadcast_in_dim3A_1548 : vector<1x144xf32>
    %transpose3A_1561 = tpu.transpose %add3A_1560, [1, 0] : vector<1x144xf32> -> vector<144x1xf32>
    %concatenate3A_1562 = tpu.concatenate %dot_general3A_1558, %transpose3A_1561, %broadcast_in_dim3A_27 in 1 : vector<144x64xf32>, vector<144x1xf32>, vector<144x15xf32> -> vector<144x80xf32>
    %swap3A_1563 = arith.constant 0 : index
    %swap3A_1564 = arith.constant 30 : index
    %swap3A_1565 = arith.constant 0 : index
    %swap3A_1566 = arith.constant 0 : index
    %swap3A_1567 = vector.load %arg9[%swap3A_1563, %swap3A_1564, %swap3A_1565, %swap3A_1566] : memref<1x36x144x80xf32, #tpu.memory_space<vmem>>, vector<1x1x144x80xf32>
    %swap3A_1568 = vector.shape_cast %swap3A_1567 : vector<1x1x144x80xf32> to vector<144x80xf32>
    %swap3A_1569 = vector.shape_cast %concatenate3A_1562 : vector<144x80xf32> to vector<1x1x144x80xf32>
    tpu.vector_store %arg9[%swap3A_1563, %swap3A_1564, %swap3A_1565, %swap3A_1566], %swap3A_1569 {strides = array<i32>} : memref<1x36x144x80xf32, #tpu.memory_space<vmem>>, vector<1x1x144x80xf32>,
    %get3A_1570 = arith.constant 0 : index
    %get3A_1571 = arith.constant 31 : index
    %get3A_1572 = arith.constant 0 : index
    %get3A_1573 = arith.constant 0 : index
    %get3A_1574 = vector.load %arg2[%get3A_1570, %get3A_1571, %get3A_1572, %get3A_1573] : memref<1x38x144x16xf32, #tpu.memory_space<vmem>>, vector<1x3x144x16xf32>
    %get3A_1575 = vector.shape_cast %get3A_1574 : vector<1x3x144x16xf32> to vector<3x144x16xf32>
    %reshape3A_1576 = vector.shape_cast %get3A_1575 : vector<3x144x16xf32> to vector<432x16xf32>
    %get3A_1577 = arith.constant 4464 : index
    %get3A_1578 = arith.constant 0 : index
    %get3A_1579 = vector.load %arg10[%get3A_1577, %get3A_1578] : memref<5472x144xf32, #tpu.memory_space<vmem>>, vector<432x144xf32>
    %get3A_1580 = arith.constant 0 : index
    %get3A_1581 = arith.constant 31 : index
    %get3A_1582 = arith.constant 0 : index
    %get3A_1583 = arith.constant 0 : index
    %get3A_1584 = vector.load %arg3[%get3A_1580, %get3A_1581, %get3A_1582, %get3A_1583] : memref<1x38x144x64xf32, #tpu.memory_space<vmem>>, vector<1x3x144x64xf32>
    %get3A_1585 = vector.shape_cast %get3A_1584 : vector<1x3x144x64xf32> to vector<3x144x64xf32>
    %reshape3A_1586 = vector.shape_cast %get3A_1585 : vector<3x144x64xf32> to vector<432x64xf32>
    %get3A_1587 = arith.constant 0 : index
    %get3A_1588 = arith.constant 32 : index
    %get3A_1589 = arith.constant 0 : index
    %get3A_1590 = arith.constant 0 : index
    %get3A_1591 = vector.load %arg1[%get3A_1587, %get3A_1588, %get3A_1589, %get3A_1590] : memref<1x38x144x16xf32, #tpu.memory_space<vmem>>, vector<1x1x144x16xf32>
    %get3A_1592 = vector.shape_cast %get3A_1591 : vector<1x1x144x16xf32> to vector<144x16xf32>
    %dot_general3A_1593 = arith.constant dense<0.000000e+00> : vector<432x144xf32>
    %dot_general3A_1594 = tpu.matmul %reshape3A_1576, %get3A_1592, %dot_general3A_1593 {dimension_numbers = #tpu.dot_dimension_numbers<[1], [1], [0], [0], [0, 0, 1, 0], [], []>, transpose_lhs_hint = false} : vector<432x16xf32>, vector<144x16xf32>, vector<432x144xf32> -> vector<432x144xf32>
    %add3A_1595 = arith.addf %dot_general3A_1594, %get3A_1579 : vector<432x144xf32>
    %reduce_max3A_1596 = arith.constant dense<0xFF800000> : vector<144xf32>
    %reduce_max3A_1597 = vector.multi_reduction <maximumf>, %add3A_1595, %reduce_max3A_1596 [0] : vector<432x144xf32> to vector<144xf32>
    %broadcast_in_dim3A_1598 = vector.shape_cast %reduce_max3A_1597 : vector<144xf32> to vector<1x144xf32>
    %sub3A_1599 = vector.broadcast %broadcast_in_dim3A_1598 : vector<1x144xf32> to vector<432x144xf32>
    %sub3A_1600 = arith.subf %add3A_1595, %sub3A_1599 : vector<432x144xf32>
    %exp3A_1601 = math.exp %sub3A_1600 : vector<432x144xf32>
    %reduce_sum3A_1602 = arith.constant dense<0.000000e+00> : vector<144xf32>
    %reduce_sum3A_1603 = vector.multi_reduction <add>, %exp3A_1601, %reduce_sum3A_1602 [0] : vector<432x144xf32> to vector<144xf32>
    %broadcast_in_dim3A_1604 = vector.shape_cast %reduce_sum3A_1603 : vector<144xf32> to vector<1x144xf32>
    %div3A_1605 = vector.broadcast %broadcast_in_dim3A_1604 : vector<1x144xf32> to vector<432x144xf32>
    %div3A_1606 = arith.divf %exp3A_1601, %div3A_1605 : vector<432x144xf32>
    %dot_general3A_1607 = arith.constant dense<0.000000e+00> : vector<144x64xf32>
    %dot_general3A_1608 = tpu.matmul %div3A_1606, %reshape3A_1586, %dot_general3A_1607 {dimension_numbers = #tpu.dot_dimension_numbers<[0], [0], [1], [1], [0, 1, 1, 1], [], []>, transpose_lhs_hint = false} : vector<432x144xf32>, vector<432x64xf32>, vector<144x64xf32> -> vector<144x64xf32>
    %log3A_1609 = math.log %broadcast_in_dim3A_1604 : vector<1x144xf32>
    %add3A_1610 = arith.addf %log3A_1609, %broadcast_in_dim3A_1598 : vector<1x144xf32>
    %transpose3A_1611 = tpu.transpose %add3A_1610, [1, 0] : vector<1x144xf32> -> vector<144x1xf32>
    %concatenate3A_1612 = tpu.concatenate %dot_general3A_1608, %transpose3A_1611, %broadcast_in_dim3A_27 in 1 : vector<144x64xf32>, vector<144x1xf32>, vector<144x15xf32> -> vector<144x80xf32>
    %swap3A_1613 = arith.constant 0 : index
    %swap3A_1614 = arith.constant 31 : index
    %swap3A_1615 = arith.constant 0 : index
    %swap3A_1616 = arith.constant 0 : index
    %swap3A_1617 = vector.load %arg9[%swap3A_1613, %swap3A_1614, %swap3A_1615, %swap3A_1616] : memref<1x36x144x80xf32, #tpu.memory_space<vmem>>, vector<1x1x144x80xf32>
    %swap3A_1618 = vector.shape_cast %swap3A_1617 : vector<1x1x144x80xf32> to vector<144x80xf32>
    %swap3A_1619 = vector.shape_cast %concatenate3A_1612 : vector<144x80xf32> to vector<1x1x144x80xf32>
    tpu.vector_store %arg9[%swap3A_1613, %swap3A_1614, %swap3A_1615, %swap3A_1616], %swap3A_1619 {strides = array<i32>} : memref<1x36x144x80xf32, #tpu.memory_space<vmem>>, vector<1x1x144x80xf32>,
    %get3A_1620 = arith.constant 0 : index
    %get3A_1621 = arith.constant 32 : index
    %get3A_1622 = arith.constant 0 : index
    %get3A_1623 = arith.constant 0 : index
    %get3A_1624 = vector.load %arg2[%get3A_1620, %get3A_1621, %get3A_1622, %get3A_1623] : memref<1x38x144x16xf32, #tpu.memory_space<vmem>>, vector<1x3x144x16xf32>
    %get3A_1625 = vector.shape_cast %get3A_1624 : vector<1x3x144x16xf32> to vector<3x144x16xf32>
    %reshape3A_1626 = vector.shape_cast %get3A_1625 : vector<3x144x16xf32> to vector<432x16xf32>
    %get3A_1627 = arith.constant 4608 : index
    %get3A_1628 = arith.constant 0 : index
    %get3A_1629 = vector.load %arg10[%get3A_1627, %get3A_1628] : memref<5472x144xf32, #tpu.memory_space<vmem>>, vector<432x144xf32>
    %get3A_1630 = arith.constant 0 : index
    %get3A_1631 = arith.constant 32 : index
    %get3A_1632 = arith.constant 0 : index
    %get3A_1633 = arith.constant 0 : index
    %get3A_1634 = vector.load %arg3[%get3A_1630, %get3A_1631, %get3A_1632, %get3A_1633] : memref<1x38x144x64xf32, #tpu.memory_space<vmem>>, vector<1x3x144x64xf32>
    %get3A_1635 = vector.shape_cast %get3A_1634 : vector<1x3x144x64xf32> to vector<3x144x64xf32>
    %reshape3A_1636 = vector.shape_cast %get3A_1635 : vector<3x144x64xf32> to vector<432x64xf32>
    %get3A_1637 = arith.constant 0 : index
    %get3A_1638 = arith.constant 33 : index
    %get3A_1639 = arith.constant 0 : index
    %get3A_1640 = arith.constant 0 : index
    %get3A_1641 = vector.load %arg1[%get3A_1637, %get3A_1638, %get3A_1639, %get3A_1640] : memref<1x38x144x16xf32, #tpu.memory_space<vmem>>, vector<1x1x144x16xf32>
    %get3A_1642 = vector.shape_cast %get3A_1641 : vector<1x1x144x16xf32> to vector<144x16xf32>
    %dot_general3A_1643 = arith.constant dense<0.000000e+00> : vector<432x144xf32>
    %dot_general3A_1644 = tpu.matmul %reshape3A_1626, %get3A_1642, %dot_general3A_1643 {dimension_numbers = #tpu.dot_dimension_numbers<[1], [1], [0], [0], [0, 0, 1, 0], [], []>, transpose_lhs_hint = false} : vector<432x16xf32>, vector<144x16xf32>, vector<432x144xf32> -> vector<432x144xf32>
    %add3A_1645 = arith.addf %dot_general3A_1644, %get3A_1629 : vector<432x144xf32>
    %reduce_max3A_1646 = arith.constant dense<0xFF800000> : vector<144xf32>
    %reduce_max3A_1647 = vector.multi_reduction <maximumf>, %add3A_1645, %reduce_max3A_1646 [0] : vector<432x144xf32> to vector<144xf32>
    %broadcast_in_dim3A_1648 = vector.shape_cast %reduce_max3A_1647 : vector<144xf32> to vector<1x144xf32>
    %sub3A_1649 = vector.broadcast %broadcast_in_dim3A_1648 : vector<1x144xf32> to vector<432x144xf32>
    %sub3A_1650 = arith.subf %add3A_1645, %sub3A_1649 : vector<432x144xf32>
    %exp3A_1651 = math.exp %sub3A_1650 : vector<432x144xf32>
    %reduce_sum3A_1652 = arith.constant dense<0.000000e+00> : vector<144xf32>
    %reduce_sum3A_1653 = vector.multi_reduction <add>, %exp3A_1651, %reduce_sum3A_1652 [0] : vector<432x144xf32> to vector<144xf32>
    %broadcast_in_dim3A_1654 = vector.shape_cast %reduce_sum3A_1653 : vector<144xf32> to vector<1x144xf32>
    %div3A_1655 = vector.broadcast %broadcast_in_dim3A_1654 : vector<1x144xf32> to vector<432x144xf32>
    %div3A_1656 = arith.divf %exp3A_1651, %div3A_1655 : vector<432x144xf32>
    %dot_general3A_1657 = arith.constant dense<0.000000e+00> : vector<144x64xf32>
    %dot_general3A_1658 = tpu.matmul %div3A_1656, %reshape3A_1636, %dot_general3A_1657 {dimension_numbers = #tpu.dot_dimension_numbers<[0], [0], [1], [1], [0, 1, 1, 1], [], []>, transpose_lhs_hint = false} : vector<432x144xf32>, vector<432x64xf32>, vector<144x64xf32> -> vector<144x64xf32>
    %log3A_1659 = math.log %broadcast_in_dim3A_1654 : vector<1x144xf32>
    %add3A_1660 = arith.addf %log3A_1659, %broadcast_in_dim3A_1648 : vector<1x144xf32>
    %transpose3A_1661 = tpu.transpose %add3A_1660, [1, 0] : vector<1x144xf32> -> vector<144x1xf32>
    %concatenate3A_1662 = tpu.concatenate %dot_general3A_1658, %transpose3A_1661, %broadcast_in_dim3A_27 in 1 : vector<144x64xf32>, vector<144x1xf32>, vector<144x15xf32> -> vector<144x80xf32>
    %swap3A_1663 = arith.constant 0 : index
    %swap3A_1664 = arith.constant 32 : index
    %swap3A_1665 = arith.constant 0 : index
    %swap3A_1666 = arith.constant 0 : index
    %swap3A_1667 = vector.load %arg9[%swap3A_1663, %swap3A_1664, %swap3A_1665, %swap3A_1666] : memref<1x36x144x80xf32, #tpu.memory_space<vmem>>, vector<1x1x144x80xf32>
    %swap3A_1668 = vector.shape_cast %swap3A_1667 : vector<1x1x144x80xf32> to vector<144x80xf32>
    %swap3A_1669 = vector.shape_cast %concatenate3A_1662 : vector<144x80xf32> to vector<1x1x144x80xf32>
    tpu.vector_store %arg9[%swap3A_1663, %swap3A_1664, %swap3A_1665, %swap3A_1666], %swap3A_1669 {strides = array<i32>} : memref<1x36x144x80xf32, #tpu.memory_space<vmem>>, vector<1x1x144x80xf32>,
    %get3A_1670 = arith.constant 0 : index
    %get3A_1671 = arith.constant 33 : index
    %get3A_1672 = arith.constant 0 : index
    %get3A_1673 = arith.constant 0 : index
    %get3A_1674 = vector.load %arg2[%get3A_1670, %get3A_1671, %get3A_1672, %get3A_1673] : memref<1x38x144x16xf32, #tpu.memory_space<vmem>>, vector<1x3x144x16xf32>
    %get3A_1675 = vector.shape_cast %get3A_1674 : vector<1x3x144x16xf32> to vector<3x144x16xf32>
    %reshape3A_1676 = vector.shape_cast %get3A_1675 : vector<3x144x16xf32> to vector<432x16xf32>
    %get3A_1677 = arith.constant 4752 : index
    %get3A_1678 = arith.constant 0 : index
    %get3A_1679 = vector.load %arg10[%get3A_1677, %get3A_1678] : memref<5472x144xf32, #tpu.memory_space<vmem>>, vector<432x144xf32>
    %get3A_1680 = arith.constant 0 : index
    %get3A_1681 = arith.constant 33 : index
    %get3A_1682 = arith.constant 0 : index
    %get3A_1683 = arith.constant 0 : index
    %get3A_1684 = vector.load %arg3[%get3A_1680, %get3A_1681, %get3A_1682, %get3A_1683] : memref<1x38x144x64xf32, #tpu.memory_space<vmem>>, vector<1x3x144x64xf32>
    %get3A_1685 = vector.shape_cast %get3A_1684 : vector<1x3x144x64xf32> to vector<3x144x64xf32>
    %reshape3A_1686 = vector.shape_cast %get3A_1685 : vector<3x144x64xf32> to vector<432x64xf32>
    %get3A_1687 = arith.constant 0 : index
    %get3A_1688 = arith.constant 34 : index
    %get3A_1689 = arith.constant 0 : index
    %get3A_1690 = arith.constant 0 : index
    %get3A_1691 = vector.load %arg1[%get3A_1687, %get3A_1688, %get3A_1689, %get3A_1690] : memref<1x38x144x16xf32, #tpu.memory_space<vmem>>, vector<1x1x144x16xf32>
    %get3A_1692 = vector.shape_cast %get3A_1691 : vector<1x1x144x16xf32> to vector<144x16xf32>
    %dot_general3A_1693 = arith.constant dense<0.000000e+00> : vector<432x144xf32>
    %dot_general3A_1694 = tpu.matmul %reshape3A_1676, %get3A_1692, %dot_general3A_1693 {dimension_numbers = #tpu.dot_dimension_numbers<[1], [1], [0], [0], [0, 0, 1, 0], [], []>, transpose_lhs_hint = false} : vector<432x16xf32>, vector<144x16xf32>, vector<432x144xf32> -> vector<432x144xf32>
    %add3A_1695 = arith.addf %dot_general3A_1694, %get3A_1679 : vector<432x144xf32>
    %reduce_max3A_1696 = arith.constant dense<0xFF800000> : vector<144xf32>
    %reduce_max3A_1697 = vector.multi_reduction <maximumf>, %add3A_1695, %reduce_max3A_1696 [0] : vector<432x144xf32> to vector<144xf32>
    %broadcast_in_dim3A_1698 = vector.shape_cast %reduce_max3A_1697 : vector<144xf32> to vector<1x144xf32>
    %sub3A_1699 = vector.broadcast %broadcast_in_dim3A_1698 : vector<1x144xf32> to vector<432x144xf32>
    %sub3A_1700 = arith.subf %add3A_1695, %sub3A_1699 : vector<432x144xf32>
    %exp3A_1701 = math.exp %sub3A_1700 : vector<432x144xf32>
    %reduce_sum3A_1702 = arith.constant dense<0.000000e+00> : vector<144xf32>
    %reduce_sum3A_1703 = vector.multi_reduction <add>, %exp3A_1701, %reduce_sum3A_1702 [0] : vector<432x144xf32> to vector<144xf32>
    %broadcast_in_dim3A_1704 = vector.shape_cast %reduce_sum3A_1703 : vector<144xf32> to vector<1x144xf32>
    %div3A_1705 = vector.broadcast %broadcast_in_dim3A_1704 : vector<1x144xf32> to vector<432x144xf32>
    %div3A_1706 = arith.divf %exp3A_1701, %div3A_1705 : vector<432x144xf32>
    %dot_general3A_1707 = arith.constant dense<0.000000e+00> : vector<144x64xf32>
    %dot_general3A_1708 = tpu.matmul %div3A_1706, %reshape3A_1686, %dot_general3A_1707 {dimension_numbers = #tpu.dot_dimension_numbers<[0], [0], [1], [1], [0, 1, 1, 1], [], []>, transpose_lhs_hint = false} : vector<432x144xf32>, vector<432x64xf32>, vector<144x64xf32> -> vector<144x64xf32>
    %log3A_1709 = math.log %broadcast_in_dim3A_1704 : vector<1x144xf32>
    %add3A_1710 = arith.addf %log3A_1709, %broadcast_in_dim3A_1698 : vector<1x144xf32>
    %transpose3A_1711 = tpu.transpose %add3A_1710, [1, 0] : vector<1x144xf32> -> vector<144x1xf32>
    %concatenate3A_1712 = tpu.concatenate %dot_general3A_1708, %transpose3A_1711, %broadcast_in_dim3A_27 in 1 : vector<144x64xf32>, vector<144x1xf32>, vector<144x15xf32> -> vector<144x80xf32>
    %swap3A_1713 = arith.constant 0 : index
    %swap3A_1714 = arith.constant 33 : index
    %swap3A_1715 = arith.constant 0 : index
    %swap3A_1716 = arith.constant 0 : index
    %swap3A_1717 = vector.load %arg9[%swap3A_1713, %swap3A_1714, %swap3A_1715, %swap3A_1716] : memref<1x36x144x80xf32, #tpu.memory_space<vmem>>, vector<1x1x144x80xf32>
    %swap3A_1718 = vector.shape_cast %swap3A_1717 : vector<1x1x144x80xf32> to vector<144x80xf32>
    %swap3A_1719 = vector.shape_cast %concatenate3A_1712 : vector<144x80xf32> to vector<1x1x144x80xf32>
    tpu.vector_store %arg9[%swap3A_1713, %swap3A_1714, %swap3A_1715, %swap3A_1716], %swap3A_1719 {strides = array<i32>} : memref<1x36x144x80xf32, #tpu.memory_space<vmem>>, vector<1x1x144x80xf32>,
    %get3A_1720 = arith.constant 0 : index
    %get3A_1721 = arith.constant 34 : index
    %get3A_1722 = arith.constant 0 : index
    %get3A_1723 = arith.constant 0 : index
    %get3A_1724 = vector.load %arg2[%get3A_1720, %get3A_1721, %get3A_1722, %get3A_1723] : memref<1x38x144x16xf32, #tpu.memory_space<vmem>>, vector<1x3x144x16xf32>
    %get3A_1725 = vector.shape_cast %get3A_1724 : vector<1x3x144x16xf32> to vector<3x144x16xf32>
    %reshape3A_1726 = vector.shape_cast %get3A_1725 : vector<3x144x16xf32> to vector<432x16xf32>
    %get3A_1727 = arith.constant 4896 : index
    %get3A_1728 = arith.constant 0 : index
    %get3A_1729 = vector.load %arg10[%get3A_1727, %get3A_1728] : memref<5472x144xf32, #tpu.memory_space<vmem>>, vector<432x144xf32>
    %get3A_1730 = arith.constant 0 : index
    %get3A_1731 = arith.constant 34 : index
    %get3A_1732 = arith.constant 0 : index
    %get3A_1733 = arith.constant 0 : index
    %get3A_1734 = vector.load %arg3[%get3A_1730, %get3A_1731, %get3A_1732, %get3A_1733] : memref<1x38x144x64xf32, #tpu.memory_space<vmem>>, vector<1x3x144x64xf32>
    %get3A_1735 = vector.shape_cast %get3A_1734 : vector<1x3x144x64xf32> to vector<3x144x64xf32>
    %reshape3A_1736 = vector.shape_cast %get3A_1735 : vector<3x144x64xf32> to vector<432x64xf32>
    %get3A_1737 = arith.constant 0 : index
    %get3A_1738 = arith.constant 35 : index
    %get3A_1739 = arith.constant 0 : index
    %get3A_1740 = arith.constant 0 : index
    %get3A_1741 = vector.load %arg1[%get3A_1737, %get3A_1738, %get3A_1739, %get3A_1740] : memref<1x38x144x16xf32, #tpu.memory_space<vmem>>, vector<1x1x144x16xf32>
    %get3A_1742 = vector.shape_cast %get3A_1741 : vector<1x1x144x16xf32> to vector<144x16xf32>
    %dot_general3A_1743 = arith.constant dense<0.000000e+00> : vector<432x144xf32>
    %dot_general3A_1744 = tpu.matmul %reshape3A_1726, %get3A_1742, %dot_general3A_1743 {dimension_numbers = #tpu.dot_dimension_numbers<[1], [1], [0], [0], [0, 0, 1, 0], [], []>, transpose_lhs_hint = false} : vector<432x16xf32>, vector<144x16xf32>, vector<432x144xf32> -> vector<432x144xf32>
    %add3A_1745 = arith.addf %dot_general3A_1744, %get3A_1729 : vector<432x144xf32>
    %reduce_max3A_1746 = arith.constant dense<0xFF800000> : vector<144xf32>
    %reduce_max3A_1747 = vector.multi_reduction <maximumf>, %add3A_1745, %reduce_max3A_1746 [0] : vector<432x144xf32> to vector<144xf32>
    %broadcast_in_dim3A_1748 = vector.shape_cast %reduce_max3A_1747 : vector<144xf32> to vector<1x144xf32>
    %sub3A_1749 = vector.broadcast %broadcast_in_dim3A_1748 : vector<1x144xf32> to vector<432x144xf32>
    %sub3A_1750 = arith.subf %add3A_1745, %sub3A_1749 : vector<432x144xf32>
    %exp3A_1751 = math.exp %sub3A_1750 : vector<432x144xf32>
    %reduce_sum3A_1752 = arith.constant dense<0.000000e+00> : vector<144xf32>
    %reduce_sum3A_1753 = vector.multi_reduction <add>, %exp3A_1751, %reduce_sum3A_1752 [0] : vector<432x144xf32> to vector<144xf32>
    %broadcast_in_dim3A_1754 = vector.shape_cast %reduce_sum3A_1753 : vector<144xf32> to vector<1x144xf32>
    %div3A_1755 = vector.broadcast %broadcast_in_dim3A_1754 : vector<1x144xf32> to vector<432x144xf32>
    %div3A_1756 = arith.divf %exp3A_1751, %div3A_1755 : vector<432x144xf32>
    %dot_general3A_1757 = arith.constant dense<0.000000e+00> : vector<144x64xf32>
    %dot_general3A_1758 = tpu.matmul %div3A_1756, %reshape3A_1736, %dot_general3A_1757 {dimension_numbers = #tpu.dot_dimension_numbers<[0], [0], [1], [1], [0, 1, 1, 1], [], []>, transpose_lhs_hint = false} : vector<432x144xf32>, vector<432x64xf32>, vector<144x64xf32> -> vector<144x64xf32>
    %log3A_1759 = math.log %broadcast_in_dim3A_1754 : vector<1x144xf32>
    %add3A_1760 = arith.addf %log3A_1759, %broadcast_in_dim3A_1748 : vector<1x144xf32>
    %transpose3A_1761 = tpu.transpose %add3A_1760, [1, 0] : vector<1x144xf32> -> vector<144x1xf32>
    %concatenate3A_1762 = tpu.concatenate %dot_general3A_1758, %transpose3A_1761, %broadcast_in_dim3A_27 in 1 : vector<144x64xf32>, vector<144x1xf32>, vector<144x15xf32> -> vector<144x80xf32>
    %swap3A_1763 = arith.constant 0 : index
    %swap3A_1764 = arith.constant 34 : index
    %swap3A_1765 = arith.constant 0 : index
    %swap3A_1766 = arith.constant 0 : index
    %swap3A_1767 = vector.load %arg9[%swap3A_1763, %swap3A_1764, %swap3A_1765, %swap3A_1766] : memref<1x36x144x80xf32, #tpu.memory_space<vmem>>, vector<1x1x144x80xf32>
    %swap3A_1768 = vector.shape_cast %swap3A_1767 : vector<1x1x144x80xf32> to vector<144x80xf32>
    %swap3A_1769 = vector.shape_cast %concatenate3A_1762 : vector<144x80xf32> to vector<1x1x144x80xf32>
    tpu.vector_store %arg9[%swap3A_1763, %swap3A_1764, %swap3A_1765, %swap3A_1766], %swap3A_1769 {strides = array<i32>} : memref<1x36x144x80xf32, #tpu.memory_space<vmem>>, vector<1x1x144x80xf32>,
    %get3A_1770 = arith.constant 0 : index
    %get3A_1771 = arith.constant 35 : index
    %get3A_1772 = arith.constant 0 : index
    %get3A_1773 = arith.constant 0 : index
    %get3A_1774 = vector.load %arg2[%get3A_1770, %get3A_1771, %get3A_1772, %get3A_1773] : memref<1x38x144x16xf32, #tpu.memory_space<vmem>>, vector<1x3x144x16xf32>
    %get3A_1775 = vector.shape_cast %get3A_1774 : vector<1x3x144x16xf32> to vector<3x144x16xf32>
    %reshape3A_1776 = vector.shape_cast %get3A_1775 : vector<3x144x16xf32> to vector<432x16xf32>
    %get3A_1777 = arith.constant 5040 : index
    %get3A_1778 = arith.constant 0 : index
    %get3A_1779 = vector.load %arg10[%get3A_1777, %get3A_1778] : memref<5472x144xf32, #tpu.memory_space<vmem>>, vector<432x144xf32>
    %get3A_1780 = arith.constant 0 : index
    %get3A_1781 = arith.constant 35 : index
    %get3A_1782 = arith.constant 0 : index
    %get3A_1783 = arith.constant 0 : index
    %get3A_1784 = vector.load %arg3[%get3A_1780, %get3A_1781, %get3A_1782, %get3A_1783] : memref<1x38x144x64xf32, #tpu.memory_space<vmem>>, vector<1x3x144x64xf32>
    %get3A_1785 = vector.shape_cast %get3A_1784 : vector<1x3x144x64xf32> to vector<3x144x64xf32>
    %reshape3A_1786 = vector.shape_cast %get3A_1785 : vector<3x144x64xf32> to vector<432x64xf32>
    %get3A_1787 = arith.constant 0 : index
    %get3A_1788 = arith.constant 36 : index
    %get3A_1789 = arith.constant 0 : index
    %get3A_1790 = arith.constant 0 : index
    %get3A_1791 = vector.load %arg1[%get3A_1787, %get3A_1788, %get3A_1789, %get3A_1790] : memref<1x38x144x16xf32, #tpu.memory_space<vmem>>, vector<1x1x144x16xf32>
    %get3A_1792 = vector.shape_cast %get3A_1791 : vector<1x1x144x16xf32> to vector<144x16xf32>
    %dot_general3A_1793 = arith.constant dense<0.000000e+00> : vector<432x144xf32>
    %dot_general3A_1794 = tpu.matmul %reshape3A_1776, %get3A_1792, %dot_general3A_1793 {dimension_numbers = #tpu.dot_dimension_numbers<[1], [1], [0], [0], [0, 0, 1, 0], [], []>, transpose_lhs_hint = false} : vector<432x16xf32>, vector<144x16xf32>, vector<432x144xf32> -> vector<432x144xf32>
    %add3A_1795 = arith.addf %dot_general3A_1794, %get3A_1779 : vector<432x144xf32>
    %reduce_max3A_1796 = arith.constant dense<0xFF800000> : vector<144xf32>
    %reduce_max3A_1797 = vector.multi_reduction <maximumf>, %add3A_1795, %reduce_max3A_1796 [0] : vector<432x144xf32> to vector<144xf32>
    %broadcast_in_dim3A_1798 = vector.shape_cast %reduce_max3A_1797 : vector<144xf32> to vector<1x144xf32>
    %sub3A_1799 = vector.broadcast %broadcast_in_dim3A_1798 : vector<1x144xf32> to vector<432x144xf32>
    %sub3A_1800 = arith.subf %add3A_1795, %sub3A_1799 : vector<432x144xf32>
    %exp3A_1801 = math.exp %sub3A_1800 : vector<432x144xf32>
    %reduce_sum3A_1802 = arith.constant dense<0.000000e+00> : vector<144xf32>
    %reduce_sum3A_1803 = vector.multi_reduction <add>, %exp3A_1801, %reduce_sum3A_1802 [0] : vector<432x144xf32> to vector<144xf32>
    %broadcast_in_dim3A_1804 = vector.shape_cast %reduce_sum3A_1803 : vector<144xf32> to vector<1x144xf32>
    %div3A_1805 = vector.broadcast %broadcast_in_dim3A_1804 : vector<1x144xf32> to vector<432x144xf32>
    %div3A_1806 = arith.divf %exp3A_1801, %div3A_1805 : vector<432x144xf32>
    %dot_general3A_1807 = arith.constant dense<0.000000e+00> : vector<144x64xf32>
    %dot_general3A_1808 = tpu.matmul %div3A_1806, %reshape3A_1786, %dot_general3A_1807 {dimension_numbers = #tpu.dot_dimension_numbers<[0], [0], [1], [1], [0, 1, 1, 1], [], []>, transpose_lhs_hint = false} : vector<432x144xf32>, vector<432x64xf32>, vector<144x64xf32> -> vector<144x64xf32>
    %log3A_1809 = math.log %broadcast_in_dim3A_1804 : vector<1x144xf32>
    %add3A_1810 = arith.addf %log3A_1809, %broadcast_in_dim3A_1798 : vector<1x144xf32>
    %transpose3A_1811 = tpu.transpose %add3A_1810, [1, 0] : vector<1x144xf32> -> vector<144x1xf32>
    %concatenate3A_1812 = tpu.concatenate %dot_general3A_1808, %transpose3A_1811, %broadcast_in_dim3A_27 in 1 : vector<144x64xf32>, vector<144x1xf32>, vector<144x15xf32> -> vector<144x80xf32>
    %swap3A_1813 = arith.constant 0 : index
    %swap3A_1814 = arith.constant 35 : index
    %swap3A_1815 = arith.constant 0 : index
    %swap3A_1816 = arith.constant 0 : index
    %swap3A_1817 = vector.load %arg9[%swap3A_1813, %swap3A_1814, %swap3A_1815, %swap3A_1816] : memref<1x36x144x80xf32, #tpu.memory_space<vmem>>, vector<1x1x144x80xf32>
    %swap3A_1818 = vector.shape_cast %swap3A_1817 : vector<1x1x144x80xf32> to vector<144x80xf32>
    %swap3A_1819 = vector.shape_cast %concatenate3A_1812 : vector<144x80xf32> to vector<1x1x144x80xf32>
    tpu.vector_store %arg9[%swap3A_1813, %swap3A_1814, %swap3A_1815, %swap3A_1816], %swap3A_1819 {strides = array<i32>} : memref<1x36x144x80xf32, #tpu.memory_space<vmem>>, vector<1x1x144x80xf32>,
    return
  }
  func.func @transform_0(%arg0: i32) -> (i32, i32, i32, i32) {
    %c0_i32 = arith.constant 0 : i32
    %c0_i32_0 = arith.constant 0 : i32
    %c0_i32_1 = arith.constant 0 : i32
    %c0_i32_2 = arith.constant 0 : i32
    return %arg0, %c0_i32, %c0_i32_0, %c0_i32_1 : i32, i32, i32, i32
  }
  func.func @transform_1(%arg0: i32) -> (i32, i32, i32, i32) {
    %c0_i32 = arith.constant 0 : i32
    %c0_i32_0 = arith.constant 0 : i32
    %c0_i32_1 = arith.constant 0 : i32
    %c0_i32_2 = arith.constant 0 : i32
    return %arg0, %c0_i32, %c0_i32_0, %c0_i32_1 : i32, i32, i32, i32
  }
  func.func @transform_2(%arg0: i32) -> (i32, i32, i32, i32) {
    %c0_i32 = arith.constant 0 : i32
    %c0_i32_0 = arith.constant 0 : i32
    %c0_i32_1 = arith.constant 0 : i32
    %c0_i32_2 = arith.constant 0 : i32
    return %arg0, %c0_i32, %c0_i32_0, %c0_i32_1 : i32, i32, i32, i32
  }
  func.func @transform_3(%arg0: i32) -> (i32, i32, i32, i32) {
    %c0_i32 = arith.constant 0 : i32
    %c0_i32_0 = arith.constant 0 : i32
    %c0_i32_1 = arith.constant 0 : i32
    %c0_i32_2 = arith.constant 0 : i32
    return %arg0, %c0_i32, %c0_i32_0, %c0_i32_1 : i32, i32, i32, i32
  }
  func.func @transform_4(%arg0: i32) -> (i32, i32) {
    %c0_i32 = arith.constant 0 : i32
    %c0_i32_0 = arith.constant 0 : i32
    %c0_i32_1 = arith.constant 0 : i32
    return %c0_i32, %c0_i32_0 : i32, i32
  }
  func.func @transform_5(%arg0: i32) -> (i32, i32) {
    %c0_i32 = arith.constant 0 : i32
    %c0_i32_0 = arith.constant 0 : i32
    %c0_i32_1 = arith.constant 0 : i32
    return %c0_i32, %c0_i32_0 : i32, i32
  }
  func.func @transform_6(%arg0: i32) -> (i32, i32) {
    %c0_i32 = arith.constant 0 : i32
    %c0_i32_0 = arith.constant 0 : i32
    %c0_i32_1 = arith.constant 0 : i32
    return %c0_i32, %c0_i32_0 : i32, i32
  }
  func.func @transform_7(%arg0: i32) -> (i32, i32) {
    %c0_i32 = arith.constant 0 : i32
    %c0_i32_0 = arith.constant 0 : i32
    %c0_i32_1 = arith.constant 0 : i32
    return %c0_i32, %c0_i32_0 : i32, i32
  }
  func.func @transform_8(%arg0: i32) -> (i32, i32, i32, i32) {
    %c0_i32 = arith.constant 0 : i32
    %c0_i32_0 = arith.constant 0 : i32
    %c0_i32_1 = arith.constant 0 : i32
    %c0_i32_2 = arith.constant 0 : i32
    return %arg0, %c0_i32, %c0_i32_0, %c0_i32_1 : i32, i32, i32, i32
  }
}

</mosaic_0001>

<sc_bundles>
// kernel: kernel.5.cloned.1.call-start
scs
__scs_entry_jumppad:
0x0: {  	(pc) =	sbr.rel $0x88, $3  }
0x1: {  	(tag) =	ssettag $0x0;
	lr =	simm.s32 $0x1  }
0x2: {  	[smem:$0x3F96] =	sst lr;
	_ =	strace $0xD0000000  }
0x3: {  	_ = 	snop  }
0x4: {  	_ = 	snop  }
0x5: {  	_ = 	snop  }
0x6: {  	_ = 	snop  }
0x7: {  	_ = 	snop  }
__scs_overlays_trampoline_lowered:
0x8: {  	[smem:$0x3FA5] =	sst s0  }
0x9: {  	[smem:$0x3FA6] =	sst s1  }
0xa: {  	[smem:$0x3FA7] =	sst s2  }
0xb: {  	[smem:$0x3FA8] =	sst s3  }
0xc: {  	[smem:$0x3FA9] =	sst s4  }
0xd: {  	[smem:$0x3FAA] =	sst s5  }
0xe: {  	[smem:$0x3FAB] =	sst s6  }
0xf: {  	[smem:$0x3FAC] =	sst s7  }
0x10: {  	[smem:$0x3FAD] =	sst s8  }
0x11: {  	[smem:$0x3FAE] =	sst s9;
	s0 =	simm.s32 @!p0 $0x0  }
0x12: {  	s1 =	sld [smem:$0x3F94];
	s0 =	simm.s32 @p0 $0x1  }
0x13: {  	[smem:$0x3FAF] =	sst s0;
	s0 =	simm.s32 @!p1 $0x0  }
0x14: {  	s2 =	sld [smem:$0x3F93];
	s0 =	simm.s32 @p1 $0x1  }
0x15: {  	[smem:$0x3FB0] =	sst s0;
	s0 =	simm.s32 @!p2 $0x0  }
0x16: {  	s3 =	sld [smem:$0x3FDB];
	s0 =	simm.s32 @p2 $0x1  }
0x17: {  	s4 =	simm.s32 $0x1BF5;
	[smem:$0x3FB2] =	sst s0  }
0x18: {  	s0 =	sld [smem:$0x3F95];
	_ =	swait.ge [sflag:s4], $0x0  }
0x19: {  	s7 =	sld [smem:$0x3F96]  }
0x1a: {  	s8 =	sadd.s32 $0xFFFFE003, lr  }
0x1b: {  	s9 =	sadd.s32 $0xFFFFFEF7, lr;
	s5 =	simm.s32 $0xFFFFFFFF;
	p2 =	slt.u32 s8, $0xFFFFF086  }
0x1c: {  	p1 =	slt.u32 s9, $0xF7A;
	s5 =	simm.s32 @!p2 $0x0  }
0x1d: {  	s5 =	simm.s32 @p1 $0x1;
	p0 =	seq.s32 s7, s2  }
0x1e: {  	s7 =	smul.u32 @!p0 $0xF7A, s2;
	p2 =	seq.s32 @!p0 s5, $0x0  }
0x1f: {  	s9 =	smul.u32 $0xF7A, s1;
	s8 =	simm.s32 @!p0 $0x1BF5;
	p2 =	por !p2, p0  }
0x20: {  	[sflag:s8] =	ssyncset.s32 @!p0 $0xFFFFF086;
	s6 =	sadd.s32 @!p0 s3, s7;
	s7 =	simm.s32 @!p0 $0x108  }
0x21: {  	s3 =	sadd.s32 s3, s9;
	s6 =	sadd.s32 @!p0 $0x88, s6;
	s7 =	simm.s32 @p2 $0x1082  }
0x22: {  	[simem:s7], [sflag:s8] =	dma.local @!p0 [hbm:s6], $0xF7A  }
0x23: {  	s9 =	sor.u32 $0xD0000000, s2;
	s6 =	simm.s32 $0x108;
	_ =	swait.ge @!p0 [sflag:s8], $0x0  }
0x24: {  	s3 =	sadd.s32 $0x88, s3;
	s6 =	simm.s32 @!p1 $0x1082;
	[sflag:s4] =	ssyncset.s32 $0xFFFFF086  }
0x25: {  	[simem:s6], [sflag:s4] =	dma.local [hbm:s3], $0xF7A  }
0x26: {  	[smem:$0x3F96] =	sst s1;
	(tag) =	ssettag s2;
	_ =	strace s9  }
0x27: {  	s1 =	sld [smem:$0x3FA6]  }
0x28: {  	s2 =	sld [smem:$0x3FA7]  }
0x29: {  	s4 =	sld [smem:$0x3FA9]  }
0x2a: {  	p0 =	seq.s32 s5, $0x0;
	s5 =	sld [smem:$0x3FAA]  }
0x2b: {  	s6 =	sld [smem:$0x3FAB]  }
0x2c: {  	s7 =	sld [smem:$0x3FAC]  }
0x2d: {  	s3 =	simm.s32 $0x108;
	s8 =	sld [smem:$0x3FAD]  }
0x2e: {  	s3 =	simm.s32 @!p0 $0x1082;
	s9 =	sld [smem:$0x3FAE]  }
0x2f: {  	lr =	sadd.s32 s0, s3;
	s0 =	sld [smem:$0x3FA5]  }
0x30: {  	s3 =	sld [smem:$0x3FA8]  }
0x31: {  	[smem:$0x3FB1] =	sst s10  }
0x32: {  	s10 =	sld [smem:$0x3FAF];
	_ =	sdelay $0x3  }
0x33: {  	p0 =	seq.s32 s10, $0x1;
	s10 =	sld [smem:$0x3FB1];
	_ =	sdelay $0x3  }
0x34: {  	[smem:$0x3FB1] =	sst s10  }
0x35: {  	s10 =	sld [smem:$0x3FB0];
	_ =	sdelay $0x3  }
0x36: {  	p1 =	seq.s32 s10, $0x1;
	s10 =	sld [smem:$0x3FB1];
	_ =	sdelay $0x3  }
0x37: {  	[smem:$0x3FB1] =	sst s10  }
0x38: {  	s10 =	sld [smem:$0x3FB2]  }
0x39: {  	_ = 	snop;
	(pc) =	sbr.ind lr, $3  }
0x3a: {  	_ = 	snop  }
0x3b: {  	_ = 	snop  }
0x3c: {  	p2 =	seq.s32 s10, $0x1;
	s10 =	sld [smem:$0x3FB1]  }
0x3d: {  	_ =	shalt  }
0x3e: {  	_ =	shalt  }
0x3f: {  	_ =	shalt  }
0x40: {  	_ =	shalt  }
0x41: {  	_ =	shalt  }
0x42: {  	_ =	shalt  }
0x43: {  	_ =	shalt  }
0x44: {  	_ =	shalt  }
0x45: {  	_ =	shalt  }
0x46: {  	_ =	shalt  }
0x47: {  	_ =	shalt  }
0x48: {  	_ =	shalt  }
0x49: {  	_ =	shalt  }
0x4a: {  	_ =	shalt  }
0x4b: {  	_ =	shalt  }
0x4c: {  	_ =	shalt  }
0x4d: {  	_ =	shalt  }
0x4e: {  	_ =	shalt  }
0x4f: {  	_ =	shalt  }
0x50: {  	_ =	shalt  }
0x51: {  	_ =	shalt  }
0x52: {  	_ =	shalt  }
0x53: {  	_ =	shalt  }
0x54: {  	_ =	shalt  }
0x55: {  	_ =	shalt  }
0x56: {  	_ =	shalt  }
0x57: {  	_ =	shalt  }
0x58: {  	_ =	shalt  }
0x59: {  	_ =	shalt  }
0x5a: {  	_ =	shalt  }
0x5b: {  	_ =	shalt  }
0x5c: {  	_ =	shalt  }
0x5d: {  	_ =	shalt  }
0x5e: {  	_ =	shalt  }
0x5f: {  	_ =	shalt  }
0x60: {  	_ =	shalt  }
0x61: {  	_ =	shalt  }
0x62: {  	_ =	shalt  }
0x63: {  	_ =	shalt  }
0x64: {  	_ =	shalt  }
0x65: {  	_ =	shalt  }
0x66: {  	_ =	shalt  }
0x67: {  	_ =	shalt  }
0x68: {  	_ =	shalt  }
0x69: {  	_ =	shalt  }
0x6a: {  	_ =	shalt  }
0x6b: {  	_ =	shalt  }
0x6c: {  	_ =	shalt  }
0x6d: {  	_ =	shalt  }
0x6e: {  	_ =	shalt  }
0x6f: {  	_ =	shalt  }
0x70: {  	_ =	shalt  }
0x71: {  	_ =	shalt  }
0x72: {  	_ =	shalt  }
0x73: {  	_ =	shalt  }
0x74: {  	_ =	shalt  }
0x75: {  	_ =	shalt  }
0x76: {  	_ =	shalt  }
0x77: {  	_ =	shalt  }
0x78: {  	_ =	shalt  }
0x79: {  	_ =	shalt  }
0x7a: {  	_ =	shalt  }
0x7b: {  	_ =	shalt  }
0x7c: {  	_ =	shalt  }
0x7d: {  	_ =	shalt  }
0x7e: {  	_ =	shalt  }
0x7f: {  	_ =	shalt  }
0x80: {  	_ =	shalt  }
0x81: {  	_ =	shalt  }
0x82: {  	_ =	shalt  }
0x83: {  	_ =	shalt  }
0x84: {  	_ =	shalt  }
0x85: {  	_ =	shalt  }
0x86: {  	_ =	shalt  }
0x87: {  	_ =	shalt  }
.Lfunc_end0:
.L_simem_size_0:
called_computation_lowered:
.L_overlay_start_0:
0x88: {  	s2 =	sld [smem:$0x3FD9]  }
0x89: {  	s3 =	sld [smem:$0x3FFE];
	_ =	sdelay $0x1  }
0x8a: {  	s1 =	srdreg.scid  }
0x8b: {  	s0 =	sand.u32 $0x1, s1  }
0x8c: {  	s17 =	sshll.u32 s0, $0xA;
	s2 =	sadd.s32 s3, s2  }
0x8d: {  	s2 =	sadd.s32 s2, s17  }
0x8e: {  	[smem:$0x3FBD] =	sst s2  }
0x8f: {  	_ = 	snop  }
0x90: {  	s2 =	sld [smem:$0x3FD0];
	(tm) =	ssettm $0x1  }
0x91: {  	s18 =	sld [smem:$0x3FFB];
	_ =	sdelay $0x3  }
0x92: {  	_ =	strace s18  }
0x93: {  	s3 =	sld [smem:$0x3FFC];
	_ =	sdelay $0x3  }
0x94: {  	_ =	strace s3  }
0x95: {  	s3 =	sld [smem:$0x3FFD];
	_ =	sdelay $0x3  }
0x96: {  	_ =	strace s3  }
0x97: {  	_ =	strace $0x8FFFFFFF  }
0x98: {  	s19 =	sld [smem:$0x3FDB];
	_ =	sdelay $0x1  }
0x99: {  	s4 =	simm.s32 $_scs_section_size  }
0x9a: {  	s5 =	simm.s32 $_size__tile_overlayer_lowered;
	s6 =	simm.s32 $_tile_overlayer_lowered  }
0x9b: {  	s22 =	simm.s32 $0x1BFF;
	s21 =	sshll.u32 s6, $0x1;
	s3 =	sadd.s32 s4, s19  }
0x9c: {  	s7 =	simm.s32 $0x0;
	s20 =	sshll.u32 s5, $0x1;
	s5 =	sadd.s32 s21, s3  }
0x9d: {  	[timem:s7], [sflag:s22] =	dma.local [hbm:s5], s20  }
0x9e: {  	_ =	swait.ge [sflag:s22], s20  }
0x9f: {  	s4 =	ssub.s32 $0x0, s20;
	[sflag:s22] =	ssyncset.done $0x0  }
0xa0: {  	[sflag:s22] =	ssyncadd.s32 s4;
	_ =	sdelay $0x1  }
0xa1: {  	s23 =	simm.s32 $0x1B8B  }
0xa2: {  	_ =	swait.ge [sflag:s23], $0x1  }
0xa3: {  	[sflag:s23] =	ssyncset.done $0x0  }
0xa4: {  	s25 =	simm.s32 $0x1B8E;
	s24 =	sld [smem:$0x3FFE];
	[sflag:s23] =	ssyncadd.s32 $0xFFFFFFFF  }
0xa5: {  	s26 =	simm.s32 $execute0_lowered;
	[smem:$0x3FD2] =	sst s25  }
0xa6: {  	s5 =	sshll.u32 s26, $0x1;
	_ =	strace $0x80000046;
	[dreg:$0x1] =	wrdreg $0xFFFFFFFF  }
0xa7: {  	s28 =	simm.s32 $_size_execute0_lowered;
	s3 =	sadd.s32 s3, s5;
	[dreg:$0x0] =	wrdreg $0x0  }
0xa8: {  	s5 =	sshll.u32 s28, $0x1;
	[dreg:$0x2] =	wrdreg s3  }
0xa9: {  	[dreg:$0x3] =	wrdreg s5  }
0xaa: {  	[dreg:$0x4] =	wrdreg $0xC0  }
0xab: {  	_ =	task [dreg:s7], $0x5FFFF  }
0xac: {  	[dreg:$0x1] =	wrdreg $0xFFFFFFFF  }
0xad: {  	[dreg:$0x0] =	wrdreg $0x60  }
0xae: {  	[dreg:$0x2] =	wrdreg s24  }
0xaf: {  	[dreg:$0x3] =	wrdreg s2  }
0xb0: {  	[dreg:$0x4] =	wrdreg $0x9  }
0xb1: {  	_ =	task.clear_ibuf [dreg:s7], $0x5FFFF;
	_ =	strace $0x90000046  }
0xb2: {  	s29 =	simm.s32 $0x9;
	_ =	strace $0x80000048  }
0xb3: {  	_ =	swait.ge [sflag:s29], $0x1  }
0xb4: {  	[sflag:s29] =	ssyncadd.s32 $0xFFFFFFFF  }
0xb5: {  	_ =	strace $0x90000048  }
0xb6: {  	_ =	sfence  }
0xb7: {  	s30 =	sld [smem:$0x0];
	_ =	sdelay $0x2  }
0xb8: {  	s31 =	sshll.u32 s1, $0xD;
	s1 =	sshrl.u32 s1, $0x2  }
0xb9: {  	s3 =	sand.u32 $0x4000, s31;
	s1 =	sadd.s32 s1, s30  }
0xba: {  	s0 =	sor.u32 s3, s0;
	s1 =	sshll.u32 s1, $0x11  }
0xbb: {  	s0 =	sor.u32 s1, s0  }
0xbc: {  	s0 =	sadd.s32 $0x8F2B, s0  }
0xbd: {  	[sflag:s0] =	ssyncadd.remote.s32 $0x1  }
0xbe: {  	_ =	sfence.sel $0xFFFF  }
0xbf: {  	[dreg:$0x0] =	wrdreg $0xFFFFFFFF;
	(pc) =	sbr.abs _section_cstart, $3  }
0xc0: {  	[dreg:$0x1] =	wrdreg $0xFFFFFFFF  }
0xc1: {  	_ =	task.clear_ibuf [dreg:s7], $0x2FFFF;
	_ =	strace $0x9FFFFFFF  }
0xc2: {  	(tm) =	ssettm $0x7FFFFFFF  }
0xc3: {  	_ =	shalt  }
tec
execute0_lowered:
.L_overlay_start_1:
0x0: {  	(tag) =	ssettag $0x1  }
0x1: {  	s0 =	srdreg.scid;
	s1 =	rddreg [dreg:$0x0]  }
0x2: {  	s2 =	stileid.u32;
	s3 =	rddreg [dreg:$0x1];
	s10 =	simm.s32 $0x12D8  }
0x3: {  	s11 =	simm.s32 $0x1758;
	s12 =	simm.s32 $0x1BD8;
	s13 =	simm.s32 $0x2058  }
0x4: {  	s22 =	simm.s32 $0x168;
	s0 =	sand.u32 $0x1, s0;
	s2 =	sshll.u32 s2, $0x1  }
0x5: {  	s14 =	simm.s32 $0x24D8;
	s4 =	sor.u32 s0, s2;
	s2 =	simm.s32 $0x0  }
0x6: {  	s15 =	simm.s32 $0x2958;
	s16 =	simm.s32 $0x2DD8;
	[smem:$0x7FF] =	sst s2  }
0x7: {  	s17 =	simm.s32 $0x3258;
	_ =	strace $0x80000047;
	[dreg:$0xa] =	wrdreg s10  }
0x8: {  	s25 =	simm.s32 $0x288;
	s18 =	simm.s32 $0x36D8;
	[dreg:$0xb] =	wrdreg s11  }
0x9: {  	s19 =	simm.s32 $0x3B58;
	s20 =	simm.s32 $0x3FD8;
	[dreg:$0xc] =	wrdreg s12  }
0xa: {  	s21 =	simm.s32 $0x4458;
	s30 =	simm.s32 $0x3A8;
	[dreg:$0xd] =	wrdreg s13  }
0xb: {  	s23 =	simm.s32 $0x48D8;
	s24 =	simm.s32 $0x4D58;
	[dreg:$0xe] =	wrdreg s14  }
0xc: {  	s26 =	simm.s32 $0x51D8;
	p0 =	por $0x0, $0x0;
	[dreg:$0xf] =	wrdreg s15  }
0xd: {  	s29 =	sadd.s32 $0x1E00, s1;
	s5 =	smul.u32 $0xAB, s4;
	[dreg:$0x10] =	wrdreg s16  }
0xe: {  	s28 =	sadd.s32 $0x1B400, s1;
	s6 =	smul.u32 $0x2AC0, s4;
	[dreg:$0x11] =	wrdreg s17  }
0xf: {  	s8 =	sadd.s32 $0x2F800, s1;
	s7 =	smul.u32 $0xAB0, s4;
	[dreg:$0x12] =	wrdreg s18  }
0x10: {  	s0 =	ssub.s32 $0x2, s0;
	s4 =	smul.u32 $0x15600, s4;
	[dreg:$0x13] =	wrdreg s19  }
0x11: {  	s10 =	simm.s32 $0x120;
	s12 =	simm.s32 $0x1B0;
	[dreg:$0x14] =	wrdreg s20  }
0x12: {  	s13 =	simm.s32 $0x1F8;
	s14 =	simm.s32 $0x240;
	[dreg:$0x15] =	wrdreg s21  }
0x13: {  	s15 =	simm.s32 $0x2D0;
	s16 =	simm.s32 $0x318;
	[dreg:$0x16] =	wrdreg s23  }
0x14: {  	s17 =	simm.s32 $0x360;
	s18 =	simm.s32 $0x3F0;
	[dreg:$0x17] =	wrdreg s24  }
0x15: {  	s19 =	simm.s32 $0x438;
	s20 =	simm.s32 $0x480;
	[dreg:$0x18] =	wrdreg s26  }
0x16: {  	s21 =	simm.s32 $0x4C8;
	s23 =	simm.s32 $0x510;
	s24 =	simm.s32 $0x10ED8  }
0x17: {  	s26 =	simm.s32 $0x2;
	s5 =	sadd.s32 s5, s1;
	s9 =	sadd.s32 s6, s1  }
0x18: {  	s3 =	sadd.s32 s3, s7;
	s4 =	sshrl.u32 s4, $0x3;
	s31 =	sadd.s32 s8, s6  }
0x19: {  	s6 =	sshrl.u32 s0, $0x1;
	s5 =	sadd.s32 $0x800, s5;
	[dreg:$0x4] =	wrdreg s3  }
0x1a: {  	s4 =	sadd.s32 s8, s4;
	[dreg:$0x5] =	wrdreg s31;
	s7 =	sadd.s32 $0x85000, s9  }
0x1b: {  	s3 =	sadd.s32 $0x7000, s1;
	s0 =	ssub.s32 s0, s6;
	s8 =	simm.s32 $0x9D8  }
0x1c: {  	s9 =	simm.s32 $0xE58;
	[dreg:$0x3] =	wrdreg s5;
	s0 =	smax.u32 s0, $0x1  }
0x1d: {  	s31 =	simm.s32 $0x5658;
	[dreg:$0x7] =	wrdreg s7;
	p1 =	sne.s32 s0, $0x1  }
.Ltmp0:
0x1e: {  	s6 =	simm.s32 $0x1;
	[dreg:$0x8] =	wrdreg s8;
	(pc) =	sbr.rel @!p1 .LBB2_5-.Ltmp0, $4  }
0x1f: {  	s5 =	sadd.s32 $0x1680, s4;
	s4 =	simm.s32 $0x5;
	[dreg:$0x9] =	wrdreg s9  }
0x20: {  	s9 =	simm.s32 $0xD8;
	[dreg:$0x19] =	wrdreg s31;
	s8 =	simm.s32 $0x5AD8  }
0x21: {  	s7 =	simm.s32 $0x4;
	[dreg:$0x6] =	wrdreg s5;
	s5 =	simm.s32 $0x48  }
0x22: {  	s11 =	sadd.s32 $0xFFFFFFFF, s0;
	s0 =	simm.s32 $0x3;
	s1 =	rddreg [dreg:$0x3]  }
0x23: {  	[tilespmem:s2], [sflag:$0x5] =	stream.linear.gather [hbm4b:s1+s2], $0x558, $0x38;
	[tilespmem:$0x1B0D8] =	vst v63  }
0x24: {  	_ =	swait.ge [sflag:s4], $0x558  }
0x25: {  	[sflag:s4] =	ssyncset.done $0x0  }
0x26: {  	s10 =	simm.s32 $0x558;
	[dreg:$0x1a] =	wrdreg s11;
	[sflag:s4] =	ssyncadd.s32 $0xFFFFFAA8  }
0x27: {  	[tilespmem:s10], [sflag:$0x1] =	stream.indirect.gather [hbm4b:s29+s5], $0x10, s2, s5, $0xb8;
	[tilespmem:$0x1B0D8] =	vst v63  }
0x28: {  	s22 =	rddreg [dreg:$0x8]  }
0x29: {  	[tilespmem:s22], [sflag:$0x1] =	stream.indirect.gather [hbm4b:s29+s5], $0x10, s5, s5, $0xb8;
	[tilespmem:$0x1B0D8] =	vst v63  }
0x2a: {  	s0 =	simm.s32 $0x90;
	s31 =	rddreg [dreg:$0x9]  }
0x2b: {  	[tilespmem:s31], [sflag:$0x1] =	stream.indirect.gather [hbm4b:s29+s5], $0x10, s0, s5, $0xb8;
	[tilespmem:$0x1B0D8] =	vst v63  }
0x2c: {  	s4 =	rddreg [dreg:$0xa]  }
0x2d: {  	[tilespmem:s4], [sflag:$0x1] =	stream.indirect.gather [hbm4b:s29+s5], $0x10, s9, s5, $0xb8;
	[tilespmem:$0x1B0D8] =	vst v63  }
0x2e: {  	s11 =	simm.s32 $0x120;
	s31 =	rddreg [dreg:$0xb]  }
0x2f: {  	[tilespmem:s31], [sflag:$0x1] =	stream.indirect.gather [hbm4b:s29+s5], $0x10, s11, s5, $0xb8;
	[tilespmem:$0x1B0D8] =	vst v63  }
0x30: {  	s12 =	simm.s32 $0x168;
	s22 =	rddreg [dreg:$0xc]  }
0x31: {  	[tilespmem:s22], [sflag:$0x1] =	stream.indirect.gather [hbm4b:s29+s5], $0x10, s12, s5, $0xb8;
	[tilespmem:$0x1B0D8] =	vst v63  }
0x32: {  	s31 =	rddreg [dreg:$0xd];
	s12 =	simm.s32 $0x1B0  }
0x33: {  	[tilespmem:s31], [sflag:$0x1] =	stream.indirect.gather [hbm4b:s29+s5], $0x10, s12, s5, $0xb8;
	[tilespmem:$0x1B0D8] =	vst v63  }
0x34: {  	s4 =	rddreg [dreg:$0xe]  }
0x35: {  	[tilespmem:s4], [sflag:$0x1] =	stream.indirect.gather [hbm4b:s29+s5], $0x10, s13, s5, $0xb8;
	[tilespmem:$0x1B0D8] =	vst v63  }
0x36: {  	s31 =	rddreg [dreg:$0xf]  }
0x37: {  	[tilespmem:s31], [sflag:$0x1] =	stream.indirect.gather [hbm4b:s29+s5], $0x10, s14, s5, $0xb8;
	[tilespmem:$0x1B0D8] =	vst v63  }
0x38: {  	s13 =	rddreg [dreg:$0x10]  }
0x39: {  	[tilespmem:s13], [sflag:$0x1] =	stream.indirect.gather [hbm4b:s29+s5], $0x10, s25, s5, $0xb8;
	[tilespmem:$0x1B0D8] =	vst v63  }
0x3a: {  	s31 =	rddreg [dreg:$0x11]  }
0x3b: {  	[tilespmem:s31], [sflag:$0x1] =	stream.indirect.gather [hbm4b:s29+s5], $0x10, s15, s5, $0xb8;
	[tilespmem:$0x1B0D8] =	vst v63  }
0x3c: {  	s14 =	rddreg [dreg:$0x12]  }
0x3d: {  	[tilespmem:s14], [sflag:$0x1] =	stream.indirect.gather [hbm4b:s29+s5], $0x10, s16, s5, $0xb8;
	[tilespmem:$0x1B0D8] =	vst v63  }
0x3e: {  	s31 =	rddreg [dreg:$0x13]  }
0x3f: {  	[tilespmem:s31], [sflag:$0x1] =	stream.indirect.gather [hbm4b:s29+s5], $0x10, s17, s5, $0xb8;
	[tilespmem:$0x1B0D8] =	vst v63  }
0x40: {  	s16 =	rddreg [dreg:$0x14]  }
0x41: {  	[tilespmem:s16], [sflag:$0x1] =	stream.indirect.gather [hbm4b:s29+s5], $0x10, s30, s5, $0xb8;
	[tilespmem:$0x1B0D8] =	vst v63  }
0x42: {  	s31 =	rddreg [dreg:$0x15]  }
0x43: {  	[tilespmem:s31], [sflag:$0x1] =	stream.indirect.gather [hbm4b:s29+s5], $0x10, s18, s5, $0xb8;
	[tilespmem:$0x1B0D8] =	vst v63  }
0x44: {  	s17 =	rddreg [dreg:$0x16]  }
0x45: {  	[tilespmem:s17], [sflag:$0x1] =	stream.indirect.gather [hbm4b:s29+s5], $0x10, s19, s5, $0xb8;
	[tilespmem:$0x1B0D8] =	vst v63  }
0x46: {  	s31 =	rddreg [dreg:$0x17]  }
0x47: {  	[tilespmem:s31], [sflag:$0x1] =	stream.indirect.gather [hbm4b:s29+s5], $0x10, s20, s5, $0xb8;
	[tilespmem:$0x1B0D8] =	vst v63  }
0x48: {  	s22 =	rddreg [dreg:$0x18]  }
0x49: {  	[tilespmem:s22], [sflag:$0x1] =	stream.indirect.gather [hbm4b:s29+s5], $0x10, s21, s5, $0xb8;
	[tilespmem:$0x1B0D8] =	vst v63  }
0x4a: {  	s31 =	rddreg [dreg:$0x19]  }
0x4b: {  	[tilespmem:s31], [sflag:$0x1] =	stream.indirect.gather [hbm4b:s29+s5], $0x10, s23, s5, $0xb8;
	[tilespmem:$0x1B0D8] =	vst v63  }
0x4c: {  	_ = 	snop  }
0x4d: {  	[tilespmem:s8], [sflag:$0x2] =	stream.indirect.gather [hbm4b:s28+s5], $0x40, s2, s5, $0xb8;
	[tilespmem:$0x1B0D8] =	vst v63  }
0x4e: {  	s13 =	simm.s32 $0x6CD8  }
0x4f: {  	[tilespmem:s13], [sflag:$0x2] =	stream.indirect.gather [hbm4b:s28+s5], $0x40, s5, s5, $0xb8;
	[tilespmem:$0x1B0D8] =	vst v63  }
0x50: {  	s14 =	simm.s32 $0x7ED8  }
0x51: {  	[tilespmem:s14], [sflag:$0x2] =	stream.indirect.gather [hbm4b:s28+s5], $0x40, s0, s5, $0xb8;
	[tilespmem:$0x1B0D8] =	vst v63  }
0x52: {  	s30 =	simm.s32 $0x90D8  }
0x53: {  	[tilespmem:s30], [sflag:$0x2] =	stream.indirect.gather [hbm4b:s28+s5], $0x40, s9, s5, $0xb8;
	[tilespmem:$0x1B0D8] =	vst v63  }
0x54: {  	s8 =	simm.s32 $0xA2D8  }
0x55: {  	[tilespmem:s8], [sflag:$0x2] =	stream.indirect.gather [hbm4b:s28+s5], $0x40, s11, s5, $0xb8;
	[tilespmem:$0x1B0D8] =	vst v63  }
0x56: {  	s22 =	simm.s32 $0x168;
	s11 =	simm.s32 $0xB4D8  }
0x57: {  	[tilespmem:s11], [sflag:$0x2] =	stream.indirect.gather [hbm4b:s28+s5], $0x40, s22, s5, $0xb8;
	[tilespmem:$0x1B0D8] =	vst v63  }
0x58: {  	s16 =	simm.s32 $0xC6D8  }
0x59: {  	[tilespmem:s16], [sflag:$0x2] =	stream.indirect.gather [hbm4b:s28+s5], $0x40, s12, s5, $0xb8;
	[tilespmem:$0x1B0D8] =	vst v63  }
0x5a: {  	s17 =	simm.s32 $0xD8D8;
	s23 =	simm.s32 $0x1F8  }
0x5b: {  	[tilespmem:s17], [sflag:$0x2] =	stream.indirect.gather [hbm4b:s28+s5], $0x40, s23, s5, $0xb8;
	[tilespmem:$0x1B0D8] =	vst v63  }
0x5c: {  	s4 =	simm.s32 $0x240;
	s18 =	simm.s32 $0xEAD8  }
0x5d: {  	[tilespmem:s18], [sflag:$0x2] =	stream.indirect.gather [hbm4b:s28+s5], $0x40, s4, s5, $0xb8;
	[tilespmem:$0x1B0D8] =	vst v63  }
0x5e: {  	s20 =	simm.s32 $0xFCD8  }
0x5f: {  	[tilespmem:s20], [sflag:$0x2] =	stream.indirect.gather [hbm4b:s28+s5], $0x40, s25, s5, $0xb8;
	[tilespmem:$0x1B0D8] =	vst v63  }
0x60: {  	s15 =	simm.s32 $0x2D0  }
0x61: {  	[tilespmem:s24], [sflag:$0x2] =	stream.indirect.gather [hbm4b:s28+s5], $0x40, s15, s5, $0xb8;
	[tilespmem:$0x1B0D8] =	vst v63  }
0x62: {  	s19 =	simm.s32 $0x120D8;
	s17 =	simm.s32 $0x318  }
0x63: {  	[tilespmem:s19], [sflag:$0x2] =	stream.indirect.gather [hbm4b:s28+s5], $0x40, s17, s5, $0xb8;
	[tilespmem:$0x1B0D8] =	vst v63  }
0x64: {  	s21 =	simm.s32 $0x360;
	s16 =	simm.s32 $0x132D8  }
0x65: {  	[tilespmem:s16], [sflag:$0x2] =	stream.indirect.gather [hbm4b:s28+s5], $0x40, s21, s5, $0xb8;
	[tilespmem:$0x1B0D8] =	vst v63  }
0x66: {  	s4 =	simm.s32 $0x3A8;
	s18 =	simm.s32 $0x144D8  }
0x67: {  	[tilespmem:s18], [sflag:$0x2] =	stream.indirect.gather [hbm4b:s28+s5], $0x40, s4, s5, $0xb8;
	[tilespmem:$0x1B0D8] =	vst v63  }
0x68: {  	s23 =	simm.s32 $0x3F0;
	s19 =	simm.s32 $0x156D8  }
0x69: {  	[tilespmem:s19], [sflag:$0x2] =	stream.indirect.gather [hbm4b:s28+s5], $0x40, s23, s5, $0xb8;
	[tilespmem:$0x1B0D8] =	vst v63  }
0x6a: {  	s24 =	simm.s32 $0x438;
	s23 =	simm.s32 $0x168D8  }
0x6b: {  	[tilespmem:s23], [sflag:$0x2] =	stream.indirect.gather [hbm4b:s28+s5], $0x40, s24, s5, $0xb8;
	[tilespmem:$0x1B0D8] =	vst v63  }
0x6c: {  	s25 =	simm.s32 $0x480;
	s24 =	simm.s32 $0x17AD8  }
0x6d: {  	[tilespmem:s24], [sflag:$0x2] =	stream.indirect.gather [hbm4b:s28+s5], $0x40, s25, s5, $0xb8;
	[tilespmem:$0x1B0D8] =	vst v63  }
0x6e: {  	s11 =	simm.s32 $0x4C8;
	s25 =	simm.s32 $0x18CD8  }
0x6f: {  	[tilespmem:s25], [sflag:$0x2] =	stream.indirect.gather [hbm4b:s28+s5], $0x40, s11, s5, $0xb8;
	[tilespmem:$0x1B0D8] =	vst v63  }
0x70: {  	s1 =	simm.s32 $0x510;
	s11 =	simm.s32 $0x19ED8  }
0x71: {  	[tilespmem:s11], [sflag:$0x2] =	stream.indirect.gather [hbm4b:s28+s5], $0x40, s1, s5, $0xb8;
	[tilespmem:$0x1B0D8] =	vst v63  }
0x72: {  	_ =	swait.ge [sflag:s6], $0x480  }
0x73: {  	[sflag:s6] =	ssyncset.done $0x0  }
0x74: {  	[sflag:s6] =	ssyncadd.s32 $0xFFFFFB80  }
0x75: {  	_ =	swait.ge [sflag:s6], $0x480  }
0x76: {  	[sflag:s6] =	ssyncset.done $0x0  }
0x77: {  	[sflag:s6] =	ssyncadd.s32 $0xFFFFFB80  }
0x78: {  	_ =	swait.ge [sflag:s6], $0x480  }
0x79: {  	[sflag:s6] =	ssyncset.done $0x0  }
0x7a: {  	[sflag:s6] =	ssyncadd.s32 $0xFFFFFB80  }
0x7b: {  	_ =	swait.ge [sflag:s6], $0x480  }
0x7c: {  	[sflag:s6] =	ssyncset.done $0x0  }
0x7d: {  	[sflag:s6] =	ssyncadd.s32 $0xFFFFFB80  }
0x7e: {  	_ =	swait.ge [sflag:s6], $0x480  }
0x7f: {  	[sflag:s6] =	ssyncset.done $0x0  }
0x80: {  	[sflag:s6] =	ssyncadd.s32 $0xFFFFFB80  }
0x81: {  	_ =	swait.ge [sflag:s6], $0x480  }
0x82: {  	[sflag:s6] =	ssyncset.done $0x0  }
0x83: {  	[sflag:s6] =	ssyncadd.s32 $0xFFFFFB80  }
0x84: {  	_ =	swait.ge [sflag:s6], $0x480  }
0x85: {  	[sflag:s6] =	ssyncset.done $0x0  }
0x86: {  	[sflag:s6] =	ssyncadd.s32 $0xFFFFFB80  }
0x87: {  	_ =	swait.ge [sflag:s6], $0x480  }
0x88: {  	[sflag:s6] =	ssyncset.done $0x0  }
0x89: {  	[sflag:s6] =	ssyncadd.s32 $0xFFFFFB80  }
0x8a: {  	_ =	swait.ge [sflag:s6], $0x480  }
0x8b: {  	[sflag:s6] =	ssyncset.done $0x0  }
0x8c: {  	[sflag:s6] =	ssyncadd.s32 $0xFFFFFB80  }
0x8d: {  	_ =	swait.ge [sflag:s6], $0x480  }
0x8e: {  	[sflag:s6] =	ssyncset.done $0x0  }
0x8f: {  	[sflag:s6] =	ssyncadd.s32 $0xFFFFFB80  }
0x90: {  	_ =	swait.ge [sflag:s6], $0x480  }
0x91: {  	[sflag:s6] =	ssyncset.done $0x0  }
0x92: {  	[sflag:s6] =	ssyncadd.s32 $0xFFFFFB80  }
0x93: {  	_ =	swait.ge [sflag:s6], $0x480  }
0x94: {  	[sflag:s6] =	ssyncset.done $0x0  }
0x95: {  	[sflag:s6] =	ssyncadd.s32 $0xFFFFFB80  }
0x96: {  	_ =	swait.ge [sflag:s6], $0x480  }
0x97: {  	[sflag:s6] =	ssyncset.done $0x0  }
0x98: {  	[sflag:s6] =	ssyncadd.s32 $0xFFFFFB80  }
0x99: {  	_ =	swait.ge [sflag:s6], $0x480  }
0x9a: {  	[sflag:s6] =	ssyncset.done $0x0  }
0x9b: {  	[sflag:s6] =	ssyncadd.s32 $0xFFFFFB80  }
0x9c: {  	_ =	swait.ge [sflag:s6], $0x480  }
0x9d: {  	[sflag:s6] =	ssyncset.done $0x0  }
0x9e: {  	[sflag:s6] =	ssyncadd.s32 $0xFFFFFB80  }
0x9f: {  	_ =	swait.ge [sflag:s6], $0x480  }
0xa0: {  	[sflag:s6] =	ssyncset.done $0x0  }
0xa1: {  	[sflag:s6] =	ssyncadd.s32 $0xFFFFFB80  }
0xa2: {  	_ =	swait.ge [sflag:s6], $0x480  }
0xa3: {  	[sflag:s6] =	ssyncset.done $0x0  }
0xa4: {  	[sflag:s6] =	ssyncadd.s32 $0xFFFFFB80  }
0xa5: {  	_ =	swait.ge [sflag:s6], $0x480  }
0xa6: {  	[sflag:s6] =	ssyncset.done $0x0  }
0xa7: {  	[sflag:s6] =	ssyncadd.s32 $0xFFFFFB80  }
0xa8: {  	_ =	swait.ge [sflag:s6], $0x480  }
0xa9: {  	[sflag:s6] =	ssyncset.done $0x0  }
0xaa: {  	s31 =	simm.s32 $0x0;
	s4 =	rddreg [dreg:$0x4];
	[sflag:s6] =	ssyncadd.s32 $0xFFFFFB80  }
0xab: {  	[hbm4b:s4+s31] =	stream.linear.scatter [tilespmem:s10], [sflag:$0x1], $0x5580, $0x38;
	[tilespmem:$0x1B0D8] =	vst v63  }
0xac: {  	_ =	swait.ge [sflag:s26], $0x1200  }
0xad: {  	[sflag:s26] =	ssyncset.done $0x0  }
0xae: {  	[sflag:s26] =	ssyncadd.s32 $0xFFFFEE00  }
0xaf: {  	_ =	swait.ge [sflag:s26], $0x1200  }
0xb0: {  	[sflag:s26] =	ssyncset.done $0x0  }
0xb1: {  	[sflag:s26] =	ssyncadd.s32 $0xFFFFEE00  }
0xb2: {  	_ =	swait.ge [sflag:s26], $0x1200  }
0xb3: {  	[sflag:s26] =	ssyncset.done $0x0  }
0xb4: {  	[sflag:s26] =	ssyncadd.s32 $0xFFFFEE00  }
0xb5: {  	_ =	swait.ge [sflag:s26], $0x1200  }
0xb6: {  	[sflag:s26] =	ssyncset.done $0x0  }
0xb7: {  	[sflag:s26] =	ssyncadd.s32 $0xFFFFEE00  }
0xb8: {  	_ =	swait.ge [sflag:s26], $0x1200  }
0xb9: {  	[sflag:s26] =	ssyncset.done $0x0  }
0xba: {  	[sflag:s26] =	ssyncadd.s32 $0xFFFFEE00  }
0xbb: {  	_ =	swait.ge [sflag:s26], $0x1200  }
0xbc: {  	[sflag:s26] =	ssyncset.done $0x0  }
0xbd: {  	[sflag:s26] =	ssyncadd.s32 $0xFFFFEE00  }
0xbe: {  	_ =	swait.ge [sflag:s26], $0x1200  }
0xbf: {  	[sflag:s26] =	ssyncset.done $0x0  }
0xc0: {  	[sflag:s26] =	ssyncadd.s32 $0xFFFFEE00  }
0xc1: {  	_ =	swait.ge [sflag:s26], $0x1200  }
0xc2: {  	[sflag:s26] =	ssyncset.done $0x0  }
0xc3: {  	[sflag:s26] =	ssyncadd.s32 $0xFFFFEE00  }
0xc4: {  	_ =	swait.ge [sflag:s26], $0x1200  }
0xc5: {  	[sflag:s26] =	ssyncset.done $0x0  }
0xc6: {  	[sflag:s26] =	ssyncadd.s32 $0xFFFFEE00  }
0xc7: {  	_ =	swait.ge [sflag:s26], $0x1200  }
0xc8: {  	[sflag:s26] =	ssyncset.done $0x0  }
0xc9: {  	s8 =	simm.s32 $0x5AD8;
	s4 =	rddreg [dreg:$0x5];
	[sflag:s26] =	ssyncadd.s32 $0xFFFFEE00  }
0xca: {  	[hbm4b:s4+s31] =	stream.linear.scatter [tilespmem:s8], [sflag:$0x3], $0xB400, $0x38;
	[tilespmem:$0x1B0D8] =	vst v63  }
0xcb: {  	_ =	swait.ge [sflag:s26], $0x1200  }
0xcc: {  	[sflag:s26] =	ssyncset.done $0x0  }
0xcd: {  	[sflag:s26] =	ssyncadd.s32 $0xFFFFEE00  }
0xce: {  	_ =	swait.ge [sflag:s26], $0x1200  }
0xcf: {  	[sflag:s26] =	ssyncset.done $0x0  }
0xd0: {  	[sflag:s26] =	ssyncadd.s32 $0xFFFFEE00  }
0xd1: {  	_ =	swait.ge [sflag:s26], $0x1200  }
0xd2: {  	[sflag:s26] =	ssyncset.done $0x0  }
0xd3: {  	[sflag:s26] =	ssyncadd.s32 $0xFFFFEE00  }
0xd4: {  	_ =	swait.ge [sflag:s26], $0x1200  }
0xd5: {  	[sflag:s26] =	ssyncset.done $0x0  }
0xd6: {  	[sflag:s26] =	ssyncadd.s32 $0xFFFFEE00  }
0xd7: {  	_ =	swait.ge [sflag:s26], $0x1200  }
0xd8: {  	[sflag:s26] =	ssyncset.done $0x0  }
0xd9: {  	[sflag:s26] =	ssyncadd.s32 $0xFFFFEE00  }
0xda: {  	_ =	swait.ge [sflag:s26], $0x1200  }
0xdb: {  	[sflag:s26] =	ssyncset.done $0x0  }
0xdc: {  	[sflag:s26] =	ssyncadd.s32 $0xFFFFEE00  }
0xdd: {  	_ =	swait.ge [sflag:s26], $0x1200  }
0xde: {  	[sflag:s26] =	ssyncset.done $0x0  }
0xdf: {  	[sflag:s26] =	ssyncadd.s32 $0xFFFFEE00  }
0xe0: {  	_ =	swait.ge [sflag:s26], $0x1200  }
0xe1: {  	[sflag:s26] =	ssyncset.done $0x0  }
0xe2: {  	[sflag:s26] =	ssyncadd.s32 $0xFFFFEE00  }
0xe3: {  	_ =	swait.ge [sflag:s26], $0x1200  }
0xe4: {  	s2 =	simm.s32 $0x3;
	[sflag:s26] =	ssyncset.done $0x0  }
0xe5: {  	s4 =	simm.s32 $0x10ED8;
	s1 =	rddreg [dreg:$0x6];
	[sflag:s26] =	ssyncadd.s32 $0xFFFFEE00  }
0xe6: {  	[hbm4b:s1+s31] =	stream.linear.scatter [tilespmem:s4], [sflag:$0x3], $0xA200, $0x38;
	[tilespmem:$0x1B0D8] =	vst v63  }
0xe7: {  	_ =	swait.ge [sflag:s2], $0xB400  }
0xe8: {  	[sflag:s2] =	ssyncset.done $0x0  }
0xe9: {  	[sflag:s2] =	ssyncadd.s32 $0xFFFF4C00;
	s2 =	simm.s32 $0x0  }
0xea: {  	[tilespmem:s8], [sflag:$0x4] =	stream.indirect.gather [hbm4b:s3+s5], $0x40, s2, s5, $0xb8;
	[tilespmem:$0x1B0D8] =	vst v63  }
0xeb: {  	_ = 	snop  }
0xec: {  	[tilespmem:s13], [sflag:$0x4] =	stream.indirect.gather [hbm4b:s3+s5], $0x40, s5, s5, $0xb8;
	[tilespmem:$0x1B0D8] =	vst v63  }
0xed: {  	_ = 	snop  }
0xee: {  	[tilespmem:s14], [sflag:$0x4] =	stream.indirect.gather [hbm4b:s3+s5], $0x40, s0, s5, $0xb8;
	[tilespmem:$0x1B0D8] =	vst v63  }
0xef: {  	_ = 	snop  }
0xf0: {  	[tilespmem:s30], [sflag:$0x4] =	stream.indirect.gather [hbm4b:s3+s5], $0x40, s9, s5, $0xb8;
	[tilespmem:$0x1B0D8] =	vst v63  }
0xf1: {  	s10 =	simm.s32 $0x120;
	s1 =	simm.s32 $0xA2D8  }
0xf2: {  	[tilespmem:s1], [sflag:$0x4] =	stream.indirect.gather [hbm4b:s3+s5], $0x40, s10, s5, $0xb8;
	[tilespmem:$0x1B0D8] =	vst v63  }
0xf3: {  	s30 =	simm.s32 $0xB4D8  }
0xf4: {  	[tilespmem:s30], [sflag:$0x4] =	stream.indirect.gather [hbm4b:s3+s5], $0x40, s22, s5, $0xb8;
	[tilespmem:$0x1B0D8] =	vst v63  }
0xf5: {  	s1 =	simm.s32 $0xC6D8  }
0xf6: {  	[tilespmem:s1], [sflag:$0x4] =	stream.indirect.gather [hbm4b:s3+s5], $0x40, s12, s5, $0xb8;
	[tilespmem:$0x1B0D8] =	vst v63  }
0xf7: {  	s13 =	simm.s32 $0x1F8;
	s30 =	simm.s32 $0xD8D8  }
0xf8: {  	[tilespmem:s30], [sflag:$0x4] =	stream.indirect.gather [hbm4b:s3+s5], $0x40, s13, s5, $0xb8;
	[tilespmem:$0x1B0D8] =	vst v63  }
0xf9: {  	s14 =	simm.s32 $0x240;
	s1 =	simm.s32 $0xEAD8  }
0xfa: {  	[tilespmem:s1], [sflag:$0x4] =	stream.indirect.gather [hbm4b:s3+s5], $0x40, s14, s5, $0xb8;
	[tilespmem:$0x1B0D8] =	vst v63  }
0xfb: {  	s0 =	simm.s32 $0x3;
	s30 =	simm.s32 $0x288  }
0xfc: {  	[tilespmem:s20], [sflag:$0x4] =	stream.indirect.gather [hbm4b:s3+s5], $0x40, s30, s5, $0xb8;
	[tilespmem:$0x1B0D8] =	vst v63  }
0xfd: {  	_ =	swait.ge [sflag:s0], $0xA200  }
0xfe: {  	[sflag:s0] =	ssyncset.done $0x0  }
0xff: {  	[sflag:s0] =	ssyncadd.s32 $0xFFFF5E00  }
0x100: {  	[tilespmem:s4], [sflag:$0x4] =	stream.indirect.gather [hbm4b:s3+s5], $0x40, s15, s5, $0xb8;
	[tilespmem:$0x1B0D8] =	vst v63  }
0x101: {  	s4 =	simm.s32 $0x120D8  }
0x102: {  	[tilespmem:s4], [sflag:$0x4] =	stream.indirect.gather [hbm4b:s3+s5], $0x40, s17, s5, $0xb8;
	[tilespmem:$0x1B0D8] =	vst v63  }
0x103: {  	_ = 	snop  }
0x104: {  	[tilespmem:s16], [sflag:$0x4] =	stream.indirect.gather [hbm4b:s3+s5], $0x40, s21, s5, $0xb8;
	[tilespmem:$0x1B0D8] =	vst v63  }
0x105: {  	s17 =	simm.s32 $0x3A8  }
0x106: {  	[tilespmem:s18], [sflag:$0x4] =	stream.indirect.gather [hbm4b:s3+s5], $0x40, s17, s5, $0xb8;
	[tilespmem:$0x1B0D8] =	vst v63  }
0x107: {  	s18 =	simm.s32 $0x3F0  }
0x108: {  	[tilespmem:s19], [sflag:$0x4] =	stream.indirect.gather [hbm4b:s3+s5], $0x40, s18, s5, $0xb8;
	[tilespmem:$0x1B0D8] =	vst v63  }
0x109: {  	s20 =	simm.s32 $0x438  }
0x10a: {  	[tilespmem:s23], [sflag:$0x4] =	stream.indirect.gather [hbm4b:s3+s5], $0x40, s20, s5, $0xb8;
	[tilespmem:$0x1B0D8] =	vst v63  }
0x10b: {  	s21 =	simm.s32 $0x480  }
0x10c: {  	[tilespmem:s24], [sflag:$0x4] =	stream.indirect.gather [hbm4b:s3+s5], $0x40, s21, s5, $0xb8;
	[tilespmem:$0x1B0D8] =	vst v63  }
0x10d: {  	s23 =	simm.s32 $0x4C8  }
0x10e: {  	[tilespmem:s25], [sflag:$0x4] =	stream.indirect.gather [hbm4b:s3+s5], $0x40, s23, s5, $0xb8;
	[tilespmem:$0x1B0D8] =	vst v63  }
0x10f: {  	s24 =	simm.s32 $0x510  }
0x110: {  	[tilespmem:s11], [sflag:$0x4] =	stream.indirect.gather [hbm4b:s3+s5], $0x40, s24, s5, $0xb8;
	[tilespmem:$0x1B0D8] =	vst v63  }
0x111: {  	_ =	swait.ge [sflag:s7], $0x1200  }
0x112: {  	[sflag:s7] =	ssyncset.done $0x0  }
0x113: {  	[sflag:s7] =	ssyncadd.s32 $0xFFFFEE00  }
0x114: {  	_ =	swait.ge [sflag:s7], $0x1200  }
0x115: {  	[sflag:s7] =	ssyncset.done $0x0  }
0x116: {  	[sflag:s7] =	ssyncadd.s32 $0xFFFFEE00  }
0x117: {  	_ =	swait.ge [sflag:s7], $0x1200  }
0x118: {  	[sflag:s7] =	ssyncset.done $0x0  }
0x119: {  	[sflag:s7] =	ssyncadd.s32 $0xFFFFEE00  }
0x11a: {  	_ =	swait.ge [sflag:s7], $0x1200  }
0x11b: {  	[sflag:s7] =	ssyncset.done $0x0  }
0x11c: {  	[sflag:s7] =	ssyncadd.s32 $0xFFFFEE00  }
0x11d: {  	_ =	swait.ge [sflag:s7], $0x1200  }
0x11e: {  	[sflag:s7] =	ssyncset.done $0x0  }
0x11f: {  	[sflag:s7] =	ssyncadd.s32 $0xFFFFEE00  }
0x120: {  	_ =	swait.ge [sflag:s7], $0x1200  }
0x121: {  	[sflag:s7] =	ssyncset.done $0x0  }
0x122: {  	[sflag:s7] =	ssyncadd.s32 $0xFFFFEE00  }
0x123: {  	_ =	swait.ge [sflag:s7], $0x1200  }
0x124: {  	[sflag:s7] =	ssyncset.done $0x0  }
0x125: {  	[sflag:s7] =	ssyncadd.s32 $0xFFFFEE00  }
0x126: {  	_ =	swait.ge [sflag:s7], $0x1200  }
0x127: {  	[sflag:s7] =	ssyncset.done $0x0  }
0x128: {  	[sflag:s7] =	ssyncadd.s32 $0xFFFFEE00  }
0x129: {  	_ =	swait.ge [sflag:s7], $0x1200  }
0x12a: {  	[sflag:s7] =	ssyncset.done $0x0  }
0x12b: {  	[sflag:s7] =	ssyncadd.s32 $0xFFFFEE00  }
0x12c: {  	_ =	swait.ge [sflag:s7], $0x1200  }
0x12d: {  	[sflag:s7] =	ssyncset.done $0x0  }
0x12e: {  	[sflag:s7] =	ssyncadd.s32 $0xFFFFEE00  }
0x12f: {  	_ =	swait.ge [sflag:s7], $0x1200  }
0x130: {  	[sflag:s7] =	ssyncset.done $0x0  }
0x131: {  	[sflag:s7] =	ssyncadd.s32 $0xFFFFEE00  }
0x132: {  	_ =	swait.ge [sflag:s7], $0x1200  }
0x133: {  	[sflag:s7] =	ssyncset.done $0x0  }
0x134: {  	[sflag:s7] =	ssyncadd.s32 $0xFFFFEE00  }
0x135: {  	_ =	swait.ge [sflag:s7], $0x1200  }
0x136: {  	[sflag:s7] =	ssyncset.done $0x0  }
0x137: {  	[sflag:s7] =	ssyncadd.s32 $0xFFFFEE00  }
0x138: {  	_ =	swait.ge [sflag:s7], $0x1200  }
0x139: {  	[sflag:s7] =	ssyncset.done $0x0  }
0x13a: {  	[sflag:s7] =	ssyncadd.s32 $0xFFFFEE00  }
0x13b: {  	_ =	swait.ge [sflag:s7], $0x1200  }
0x13c: {  	[sflag:s7] =	ssyncset.done $0x0  }
0x13d: {  	[sflag:s7] =	ssyncadd.s32 $0xFFFFEE00  }
0x13e: {  	_ =	swait.ge [sflag:s7], $0x1200  }
0x13f: {  	[sflag:s7] =	ssyncset.done $0x0  }
0x140: {  	[sflag:s7] =	ssyncadd.s32 $0xFFFFEE00  }
0x141: {  	_ =	swait.ge [sflag:s7], $0x1200  }
0x142: {  	[sflag:s7] =	ssyncset.done $0x0  }
0x143: {  	[sflag:s7] =	ssyncadd.s32 $0xFFFFEE00  }
0x144: {  	_ =	swait.ge [sflag:s7], $0x1200  }
0x145: {  	[sflag:s7] =	ssyncset.done $0x0  }
0x146: {  	[sflag:s7] =	ssyncadd.s32 $0xFFFFEE00  }
0x147: {  	_ =	swait.ge [sflag:s7], $0x1200  }
0x148: {  	[sflag:s7] =	ssyncset.done $0x0  }
0x149: {  	s8 =	simm.s32 $0x5AD8;
	s25 =	rddreg [dreg:$0x7];
	[sflag:s7] =	ssyncadd.s32 $0xFFFFEE00  }
0x14a: {  	[hbm4b:s25+s2] =	stream.linear.scatter [tilespmem:s8], [sflag:$0x4], $0x15600, $0x38;
	[tilespmem:$0x1B0D8] =	vst v63  }
0x14b: {  	_ =	swait.ge [sflag:s6], $0x5580  }
0x14c: {  	s30 =	rddreg [dreg:$0x1a]  }
0x14d: {  	p1 =	sne.s32 s30, $0x1  }
.Ltmp1:
0x14e: {  	_ = 	snop;
	(pc) =	sbr.rel @!p1 .LBB2_6-.Ltmp1, $4  }
0x14f: {  	[sflag:s6] =	ssyncset.done $0x0  }
0x150: {  	[sflag:s6] =	ssyncadd.s32 $0xFFFFAA80  }
0x151: {  	p0 =	por $0x1, $0x1;
	_ =	swait.ge [sflag:s7], $0x15600  }
0x152: {  	s31 =	sadd.s32 $0xFFFFFFFF, s30;
	s1 =	rddreg [dreg:$0x3];
	[sflag:s7] =	ssyncset.done $0x0  }
0x153: {  	s20 =	simm.s32 $0x288;
	s18 =	simm.s32 $0x318;
	s17 =	simm.s32 $0x360  }
0x154: {  	s16 =	simm.s32 $0x3A8;
	s25 =	simm.s32 $0x3F0;
	s24 =	simm.s32 $0x438  }
0x155: {  	s23 =	simm.s32 $0x480;
	s21 =	simm.s32 $0x4C8;
	s19 =	simm.s32 $0x510  }
0x156: {  	s4 =	simm.s32 $0x5AD8;
	s22 =	simm.s32 $0x168;
	s30 =	simm.s32 $0xD8D8  }
.LBB2_3:
0x157: {  	[sflag:s7] =	ssyncadd.s32 $0xFFFEAA00;
	s0 =	simm.s32 $0x5  }
0x158: {  	[tilespmem:s2], [sflag:$0x5] =	stream.linear.gather [hbm4b:s1+s2], $0x558, $0x38;
	[tilespmem:$0x1B0D8] =	vst v63  }
0x159: {  	_ =	swait.ge [sflag:s0], $0x558  }
0x15a: {  	[sflag:s0] =	ssyncset.done $0x0  }
0x15b: {  	s10 =	simm.s32 $0x558;
	[sflag:s0] =	ssyncadd.s32 $0xFFFFFAA8  }
0x15c: {  	[tilespmem:s10], [sflag:$0x1] =	stream.indirect.gather [hbm4b:s29+s5], $0x10, s2, s5, $0xb8;
	[tilespmem:$0x1B0D8] =	vst v63  }
0x15d: {  	s0 =	rddreg [dreg:$0x8]  }
0x15e: {  	[tilespmem:s0], [sflag:$0x1] =	stream.indirect.gather [hbm4b:s29+s5], $0x10, s5, s5, $0xb8;
	[tilespmem:$0x1B0D8] =	vst v63  }
0x15f: {  	s9 =	simm.s32 $0x90;
	s8 =	rddreg [dreg:$0x9]  }
0x160: {  	[tilespmem:s8], [sflag:$0x1] =	stream.indirect.gather [hbm4b:s29+s5], $0x10, s9, s5, $0xb8;
	[tilespmem:$0x1B0D8] =	vst v63  }
0x161: {  	s1 =	rddreg [dreg:$0xa];
	s9 =	simm.s32 $0xD8  }
0x162: {  	[tilespmem:s1], [sflag:$0x1] =	stream.indirect.gather [hbm4b:s29+s5], $0x10, s9, s5, $0xb8;
	[tilespmem:$0x1B0D8] =	vst v63  }
0x163: {  	s11 =	simm.s32 $0x120;
	s0 =	rddreg [dreg:$0xb]  }
0x164: {  	[tilespmem:s0], [sflag:$0x1] =	stream.indirect.gather [hbm4b:s29+s5], $0x10, s11, s5, $0xb8;
	[tilespmem:$0x1B0D8] =	vst v63  }
0x165: {  	s12 =	simm.s32 $0x168;
	s1 =	rddreg [dreg:$0xc]  }
0x166: {  	[tilespmem:s1], [sflag:$0x1] =	stream.indirect.gather [hbm4b:s29+s5], $0x10, s12, s5, $0xb8;
	[tilespmem:$0x1B0D8] =	vst v63  }
0x167: {  	s0 =	rddreg [dreg:$0xd];
	s12 =	simm.s32 $0x1B0  }
0x168: {  	[tilespmem:s0], [sflag:$0x1] =	stream.indirect.gather [hbm4b:s29+s5], $0x10, s12, s5, $0xb8;
	[tilespmem:$0x1B0D8] =	vst v63  }
0x169: {  	s1 =	rddreg [dreg:$0xe]  }
0x16a: {  	[tilespmem:s1], [sflag:$0x1] =	stream.indirect.gather [hbm4b:s29+s5], $0x10, s13, s5, $0xb8;
	[tilespmem:$0x1B0D8] =	vst v63  }
0x16b: {  	s0 =	rddreg [dreg:$0xf]  }
0x16c: {  	[tilespmem:s0], [sflag:$0x1] =	stream.indirect.gather [hbm4b:s29+s5], $0x10, s14, s5, $0xb8;
	[tilespmem:$0x1B0D8] =	vst v63  }
0x16d: {  	s13 =	rddreg [dreg:$0x10]  }
0x16e: {  	[tilespmem:s13], [sflag:$0x1] =	stream.indirect.gather [hbm4b:s29+s5], $0x10, s20, s5, $0xb8;
	[tilespmem:$0x1B0D8] =	vst v63  }
0x16f: {  	s0 =	rddreg [dreg:$0x11]  }
0x170: {  	[tilespmem:s0], [sflag:$0x1] =	stream.indirect.gather [hbm4b:s29+s5], $0x10, s15, s5, $0xb8;
	[tilespmem:$0x1B0D8] =	vst v63  }
0x171: {  	s13 =	rddreg [dreg:$0x12]  }
0x172: {  	[tilespmem:s13], [sflag:$0x1] =	stream.indirect.gather [hbm4b:s29+s5], $0x10, s18, s5, $0xb8;
	[tilespmem:$0x1B0D8] =	vst v63  }
0x173: {  	s14 =	rddreg [dreg:$0x13]  }
0x174: {  	[tilespmem:s14], [sflag:$0x1] =	stream.indirect.gather [hbm4b:s29+s5], $0x10, s17, s5, $0xb8;
	[tilespmem:$0x1B0D8] =	vst v63  }
0x175: {  	s15 =	rddreg [dreg:$0x14]  }
0x176: {  	[tilespmem:s15], [sflag:$0x1] =	stream.indirect.gather [hbm4b:s29+s5], $0x10, s16, s5, $0xb8;
	[tilespmem:$0x1B0D8] =	vst v63  }
0x177: {  	s0 =	rddreg [dreg:$0x15]  }
0x178: {  	[tilespmem:s0], [sflag:$0x1] =	stream.indirect.gather [hbm4b:s29+s5], $0x10, s25, s5, $0xb8;
	[tilespmem:$0x1B0D8] =	vst v63  }
0x179: {  	s13 =	rddreg [dreg:$0x16]  }
0x17a: {  	[tilespmem:s13], [sflag:$0x1] =	stream.indirect.gather [hbm4b:s29+s5], $0x10, s24, s5, $0xb8;
	[tilespmem:$0x1B0D8] =	vst v63  }
0x17b: {  	s14 =	rddreg [dreg:$0x17]  }
0x17c: {  	[tilespmem:s14], [sflag:$0x1] =	stream.indirect.gather [hbm4b:s29+s5], $0x10, s23, s5, $0xb8;
	[tilespmem:$0x1B0D8] =	vst v63  }
0x17d: {  	s15 =	rddreg [dreg:$0x18]  }
0x17e: {  	[tilespmem:s15], [sflag:$0x1] =	stream.indirect.gather [hbm4b:s29+s5], $0x10, s21, s5, $0xb8;
	[tilespmem:$0x1B0D8] =	vst v63  }
0x17f: {  	s0 =	rddreg [dreg:$0x19]  }
0x180: {  	[tilespmem:s0], [sflag:$0x1] =	stream.indirect.gather [hbm4b:s29+s5], $0x10, s19, s5, $0xb8;
	[tilespmem:$0x1B0D8] =	vst v63  }
0x181: {  	_ = 	snop  }
0x182: {  	[tilespmem:s4], [sflag:$0x2] =	stream.indirect.gather [hbm4b:s28+s5], $0x40, s2, s5, $0xb8;
	[tilespmem:$0x1B0D8] =	vst v63  }
0x183: {  	s13 =	simm.s32 $0x6CD8  }
0x184: {  	[tilespmem:s13], [sflag:$0x2] =	stream.indirect.gather [hbm4b:s28+s5], $0x40, s5, s5, $0xb8;
	[tilespmem:$0x1B0D8] =	vst v63  }
0x185: {  	s8 =	simm.s32 $0x90;
	s14 =	simm.s32 $0x7ED8  }
0x186: {  	[tilespmem:s14], [sflag:$0x2] =	stream.indirect.gather [hbm4b:s28+s5], $0x40, s8, s5, $0xb8;
	[tilespmem:$0x1B0D8] =	vst v63  }
0x187: {  	s2 =	simm.s32 $0x90D8  }
0x188: {  	[tilespmem:s2], [sflag:$0x2] =	stream.indirect.gather [hbm4b:s28+s5], $0x40, s9, s5, $0xb8;
	[tilespmem:$0x1B0D8] =	vst v63  }
0x189: {  	s8 =	simm.s32 $0xA2D8  }
0x18a: {  	[tilespmem:s8], [sflag:$0x2] =	stream.indirect.gather [hbm4b:s28+s5], $0x40, s11, s5, $0xb8;
	[tilespmem:$0x1B0D8] =	vst v63  }
0x18b: {  	s2 =	simm.s32 $0xB4D8  }
0x18c: {  	[tilespmem:s2], [sflag:$0x2] =	stream.indirect.gather [hbm4b:s28+s5], $0x40, s22, s5, $0xb8;
	[tilespmem:$0x1B0D8] =	vst v63  }
0x18d: {  	s8 =	simm.s32 $0xC6D8  }
0x18e: {  	[tilespmem:s8], [sflag:$0x2] =	stream.indirect.gather [hbm4b:s28+s5], $0x40, s12, s5, $0xb8;
	[tilespmem:$0x1B0D8] =	vst v63  }
0x18f: {  	s1 =	simm.s32 $0x1F8  }
0x190: {  	[tilespmem:s30], [sflag:$0x2] =	stream.indirect.gather [hbm4b:s28+s5], $0x40, s1, s5, $0xb8;
	[tilespmem:$0x1B0D8] =	vst v63  }
0x191: {  	s15 =	simm.s32 $0x240;
	s11 =	simm.s32 $0xEAD8  }
0x192: {  	[tilespmem:s11], [sflag:$0x2] =	stream.indirect.gather [hbm4b:s28+s5], $0x40, s15, s5, $0xb8;
	[tilespmem:$0x1B0D8] =	vst v63  }
0x193: {  	s8 =	simm.s32 $0xFCD8  }
0x194: {  	[tilespmem:s8], [sflag:$0x2] =	stream.indirect.gather [hbm4b:s28+s5], $0x40, s20, s5, $0xb8;
	[tilespmem:$0x1B0D8] =	vst v63  }
0x195: {  	s15 =	simm.s32 $0x2D0;
	s11 =	simm.s32 $0x10ED8  }
0x196: {  	[tilespmem:s11], [sflag:$0x2] =	stream.indirect.gather [hbm4b:s28+s5], $0x40, s15, s5, $0xb8;
	[tilespmem:$0x1B0D8] =	vst v63  }
0x197: {  	s1 =	simm.s32 $0x120D8  }
0x198: {  	[tilespmem:s1], [sflag:$0x2] =	stream.indirect.gather [hbm4b:s28+s5], $0x40, s18, s5, $0xb8;
	[tilespmem:$0x1B0D8] =	vst v63  }
0x199: {  	s1 =	simm.s32 $0x132D8  }
0x19a: {  	[tilespmem:s1], [sflag:$0x2] =	stream.indirect.gather [hbm4b:s28+s5], $0x40, s17, s5, $0xb8;
	[tilespmem:$0x1B0D8] =	vst v63  }
0x19b: {  	s1 =	simm.s32 $0x144D8  }
0x19c: {  	[tilespmem:s1], [sflag:$0x2] =	stream.indirect.gather [hbm4b:s28+s5], $0x40, s16, s5, $0xb8;
	[tilespmem:$0x1B0D8] =	vst v63  }
0x19d: {  	s1 =	simm.s32 $0x156D8  }
0x19e: {  	[tilespmem:s1], [sflag:$0x2] =	stream.indirect.gather [hbm4b:s28+s5], $0x40, s25, s5, $0xb8;
	[tilespmem:$0x1B0D8] =	vst v63  }
0x19f: {  	s1 =	simm.s32 $0x168D8  }
0x1a0: {  	[tilespmem:s1], [sflag:$0x2] =	stream.indirect.gather [hbm4b:s28+s5], $0x40, s24, s5, $0xb8;
	[tilespmem:$0x1B0D8] =	vst v63  }
0x1a1: {  	s1 =	simm.s32 $0x17AD8  }
0x1a2: {  	[tilespmem:s1], [sflag:$0x2] =	stream.indirect.gather [hbm4b:s28+s5], $0x40, s23, s5, $0xb8;
	[tilespmem:$0x1B0D8] =	vst v63  }
0x1a3: {  	s1 =	simm.s32 $0x18CD8  }
0x1a4: {  	[tilespmem:s1], [sflag:$0x2] =	stream.indirect.gather [hbm4b:s28+s5], $0x40, s21, s5, $0xb8;
	[tilespmem:$0x1B0D8] =	vst v63  }
0x1a5: {  	s1 =	simm.s32 $0x19ED8  }
0x1a6: {  	[tilespmem:s1], [sflag:$0x2] =	stream.indirect.gather [hbm4b:s28+s5], $0x40, s19, s5, $0xb8;
	[tilespmem:$0x1B0D8] =	vst v63  }
0x1a7: {  	_ =	swait.ge [sflag:s6], $0x480  }
0x1a8: {  	[sflag:s6] =	ssyncset.done $0x0  }
0x1a9: {  	[sflag:s6] =	ssyncadd.s32 $0xFFFFFB80  }
0x1aa: {  	_ =	swait.ge [sflag:s6], $0x480  }
0x1ab: {  	[sflag:s6] =	ssyncset.done $0x0  }
0x1ac: {  	[sflag:s6] =	ssyncadd.s32 $0xFFFFFB80  }
0x1ad: {  	_ =	swait.ge [sflag:s6], $0x480  }
0x1ae: {  	[sflag:s6] =	ssyncset.done $0x0  }
0x1af: {  	[sflag:s6] =	ssyncadd.s32 $0xFFFFFB80  }
0x1b0: {  	_ =	swait.ge [sflag:s6], $0x480  }
0x1b1: {  	[sflag:s6] =	ssyncset.done $0x0  }
0x1b2: {  	[sflag:s6] =	ssyncadd.s32 $0xFFFFFB80  }
0x1b3: {  	_ =	swait.ge [sflag:s6], $0x480  }
0x1b4: {  	[sflag:s6] =	ssyncset.done $0x0  }
0x1b5: {  	[sflag:s6] =	ssyncadd.s32 $0xFFFFFB80  }
0x1b6: {  	_ =	swait.ge [sflag:s6], $0x480  }
0x1b7: {  	[sflag:s6] =	ssyncset.done $0x0  }
0x1b8: {  	[sflag:s6] =	ssyncadd.s32 $0xFFFFFB80  }
0x1b9: {  	_ =	swait.ge [sflag:s6], $0x480  }
0x1ba: {  	[sflag:s6] =	ssyncset.done $0x0  }
0x1bb: {  	[sflag:s6] =	ssyncadd.s32 $0xFFFFFB80  }
0x1bc: {  	_ =	swait.ge [sflag:s6], $0x480  }
0x1bd: {  	[sflag:s6] =	ssyncset.done $0x0  }
0x1be: {  	[sflag:s6] =	ssyncadd.s32 $0xFFFFFB80  }
0x1bf: {  	_ =	swait.ge [sflag:s6], $0x480  }
0x1c0: {  	[sflag:s6] =	ssyncset.done $0x0  }
0x1c1: {  	[sflag:s6] =	ssyncadd.s32 $0xFFFFFB80  }
0x1c2: {  	_ =	swait.ge [sflag:s6], $0x480  }
0x1c3: {  	[sflag:s6] =	ssyncset.done $0x0  }
0x1c4: {  	[sflag:s6] =	ssyncadd.s32 $0xFFFFFB80  }
0x1c5: {  	_ =	swait.ge [sflag:s6], $0x480  }
0x1c6: {  	[sflag:s6] =	ssyncset.done $0x0  }
0x1c7: {  	[sflag:s6] =	ssyncadd.s32 $0xFFFFFB80  }
0x1c8: {  	_ =	swait.ge [sflag:s6], $0x480  }
0x1c9: {  	[sflag:s6] =	ssyncset.done $0x0  }
0x1ca: {  	[sflag:s6] =	ssyncadd.s32 $0xFFFFFB80  }
0x1cb: {  	_ =	swait.ge [sflag:s6], $0x480  }
0x1cc: {  	[sflag:s6] =	ssyncset.done $0x0  }
0x1cd: {  	[sflag:s6] =	ssyncadd.s32 $0xFFFFFB80  }
0x1ce: {  	_ =	swait.ge [sflag:s6], $0x480  }
0x1cf: {  	[sflag:s6] =	ssyncset.done $0x0  }
0x1d0: {  	[sflag:s6] =	ssyncadd.s32 $0xFFFFFB80  }
0x1d1: {  	_ =	swait.ge [sflag:s6], $0x480  }
0x1d2: {  	[sflag:s6] =	ssyncset.done $0x0  }
0x1d3: {  	[sflag:s6] =	ssyncadd.s32 $0xFFFFFB80  }
0x1d4: {  	_ =	swait.ge [sflag:s6], $0x480  }
0x1d5: {  	[sflag:s6] =	ssyncset.done $0x0  }
0x1d6: {  	[sflag:s6] =	ssyncadd.s32 $0xFFFFFB80  }
0x1d7: {  	_ =	swait.ge [sflag:s6], $0x480  }
0x1d8: {  	[sflag:s6] =	ssyncset.done $0x0  }
0x1d9: {  	[sflag:s6] =	ssyncadd.s32 $0xFFFFFB80  }
0x1da: {  	_ =	swait.ge [sflag:s6], $0x480  }
0x1db: {  	[sflag:s6] =	ssyncset.done $0x0  }
0x1dc: {  	[sflag:s6] =	ssyncadd.s32 $0xFFFFFB80  }
0x1dd: {  	_ =	swait.ge [sflag:s6], $0x480  }
0x1de: {  	[sflag:s6] =	ssyncset.done $0x0  }
0x1df: {  	s0 =	simm.s32 $0x0;
	s1 =	rddreg [dreg:$0x4];
	[sflag:s6] =	ssyncadd.s32 $0xFFFFFB80  }
0x1e0: {  	[hbm4b:s1+s0] =	stream.linear.scatter [tilespmem:s10], [sflag:$0x1], $0x5580, $0x38;
	[tilespmem:$0x1B0D8] =	vst v63  }
0x1e1: {  	_ =	swait.ge [sflag:s26], $0x1200  }
0x1e2: {  	[sflag:s26] =	ssyncset.done $0x0  }
0x1e3: {  	[sflag:s26] =	ssyncadd.s32 $0xFFFFEE00  }
0x1e4: {  	_ =	swait.ge [sflag:s26], $0x1200  }
0x1e5: {  	[sflag:s26] =	ssyncset.done $0x0  }
0x1e6: {  	[sflag:s26] =	ssyncadd.s32 $0xFFFFEE00  }
0x1e7: {  	_ =	swait.ge [sflag:s26], $0x1200  }
0x1e8: {  	[sflag:s26] =	ssyncset.done $0x0  }
0x1e9: {  	[sflag:s26] =	ssyncadd.s32 $0xFFFFEE00  }
0x1ea: {  	_ =	swait.ge [sflag:s26], $0x1200  }
0x1eb: {  	[sflag:s26] =	ssyncset.done $0x0  }
0x1ec: {  	[sflag:s26] =	ssyncadd.s32 $0xFFFFEE00  }
0x1ed: {  	_ =	swait.ge [sflag:s26], $0x1200  }
0x1ee: {  	[sflag:s26] =	ssyncset.done $0x0  }
0x1ef: {  	[sflag:s26] =	ssyncadd.s32 $0xFFFFEE00  }
0x1f0: {  	_ =	swait.ge [sflag:s26], $0x1200  }
0x1f1: {  	[sflag:s26] =	ssyncset.done $0x0  }
0x1f2: {  	[sflag:s26] =	ssyncadd.s32 $0xFFFFEE00  }
0x1f3: {  	_ =	swait.ge [sflag:s26], $0x1200  }
0x1f4: {  	[sflag:s26] =	ssyncset.done $0x0  }
0x1f5: {  	[sflag:s26] =	ssyncadd.s32 $0xFFFFEE00  }
0x1f6: {  	_ =	swait.ge [sflag:s26], $0x1200  }
0x1f7: {  	[sflag:s26] =	ssyncset.done $0x0  }
0x1f8: {  	[sflag:s26] =	ssyncadd.s32 $0xFFFFEE00  }
0x1f9: {  	_ =	swait.ge [sflag:s26], $0x1200  }
0x1fa: {  	[sflag:s26] =	ssyncset.done $0x0  }
0x1fb: {  	[sflag:s26] =	ssyncadd.s32 $0xFFFFEE00  }
0x1fc: {  	_ =	swait.ge [sflag:s26], $0x1200  }
0x1fd: {  	[sflag:s26] =	ssyncset.done $0x0  }
0x1fe: {  	s1 =	rddreg [dreg:$0x5];
	[sflag:s26] =	ssyncadd.s32 $0xFFFFEE00  }
0x1ff: {  	[hbm4b:s1+s0] =	stream.linear.scatter [tilespmem:s4], [sflag:$0x3], $0xB400, $0x38;
	[tilespmem:$0x1B0D8] =	vst v63  }
0x200: {  	_ =	swait.ge [sflag:s26], $0x1200  }
0x201: {  	[sflag:s26] =	ssyncset.done $0x0  }
0x202: {  	[sflag:s26] =	ssyncadd.s32 $0xFFFFEE00  }
0x203: {  	_ =	swait.ge [sflag:s26], $0x1200  }
0x204: {  	[sflag:s26] =	ssyncset.done $0x0  }
0x205: {  	[sflag:s26] =	ssyncadd.s32 $0xFFFFEE00  }
0x206: {  	_ =	swait.ge [sflag:s26], $0x1200  }
0x207: {  	[sflag:s26] =	ssyncset.done $0x0  }
0x208: {  	[sflag:s26] =	ssyncadd.s32 $0xFFFFEE00  }
0x209: {  	_ =	swait.ge [sflag:s26], $0x1200  }
0x20a: {  	[sflag:s26] =	ssyncset.done $0x0  }
0x20b: {  	[sflag:s26] =	ssyncadd.s32 $0xFFFFEE00  }
0x20c: {  	_ =	swait.ge [sflag:s26], $0x1200  }
0x20d: {  	[sflag:s26] =	ssyncset.done $0x0  }
0x20e: {  	[sflag:s26] =	ssyncadd.s32 $0xFFFFEE00  }
0x20f: {  	_ =	swait.ge [sflag:s26], $0x1200  }
0x210: {  	[sflag:s26] =	ssyncset.done $0x0  }
0x211: {  	[sflag:s26] =	ssyncadd.s32 $0xFFFFEE00  }
0x212: {  	_ =	swait.ge [sflag:s26], $0x1200  }
0x213: {  	[sflag:s26] =	ssyncset.done $0x0  }
0x214: {  	[sflag:s26] =	ssyncadd.s32 $0xFFFFEE00  }
0x215: {  	_ =	swait.ge [sflag:s26], $0x1200  }
0x216: {  	[sflag:s26] =	ssyncset.done $0x0  }
0x217: {  	[sflag:s26] =	ssyncadd.s32 $0xFFFFEE00  }
0x218: {  	_ =	swait.ge [sflag:s26], $0x1200  }
0x219: {  	[sflag:s26] =	ssyncset.done $0x0  }
0x21a: {  	s2 =	simm.s32 $0x3;
	s1 =	rddreg [dreg:$0x6];
	[sflag:s26] =	ssyncadd.s32 $0xFFFFEE00  }
0x21b: {  	[hbm4b:s1+s0] =	stream.linear.scatter [tilespmem:s11], [sflag:$0x3], $0xA200, $0x38;
	[tilespmem:$0x1B0D8] =	vst v63  }
0x21c: {  	_ =	swait.ge [sflag:s2], $0xB400  }
0x21d: {  	[sflag:s2] =	ssyncset.done $0x0  }
0x21e: {  	[sflag:s2] =	ssyncadd.s32 $0xFFFF4C00;
	s2 =	simm.s32 $0x0  }
0x21f: {  	[tilespmem:s4], [sflag:$0x4] =	stream.indirect.gather [hbm4b:s3+s5], $0x40, s2, s5, $0xb8;
	[tilespmem:$0x1B0D8] =	vst v63  }
0x220: {  	_ = 	snop  }
0x221: {  	[tilespmem:s13], [sflag:$0x4] =	stream.indirect.gather [hbm4b:s3+s5], $0x40, s5, s5, $0xb8;
	[tilespmem:$0x1B0D8] =	vst v63  }
0x222: {  	s1 =	simm.s32 $0x90  }
0x223: {  	[tilespmem:s14], [sflag:$0x4] =	stream.indirect.gather [hbm4b:s3+s5], $0x40, s1, s5, $0xb8;
	[tilespmem:$0x1B0D8] =	vst v63  }
0x224: {  	s1 =	simm.s32 $0x90D8  }
0x225: {  	[tilespmem:s1], [sflag:$0x4] =	stream.indirect.gather [hbm4b:s3+s5], $0x40, s9, s5, $0xb8;
	[tilespmem:$0x1B0D8] =	vst v63  }
0x226: {  	s10 =	simm.s32 $0x120;
	s1 =	simm.s32 $0xA2D8  }
0x227: {  	[tilespmem:s1], [sflag:$0x4] =	stream.indirect.gather [hbm4b:s3+s5], $0x40, s10, s5, $0xb8;
	[tilespmem:$0x1B0D8] =	vst v63  }
0x228: {  	s1 =	simm.s32 $0xB4D8  }
0x229: {  	[tilespmem:s1], [sflag:$0x4] =	stream.indirect.gather [hbm4b:s3+s5], $0x40, s22, s5, $0xb8;
	[tilespmem:$0x1B0D8] =	vst v63  }
0x22a: {  	s1 =	simm.s32 $0xC6D8  }
0x22b: {  	[tilespmem:s1], [sflag:$0x4] =	stream.indirect.gather [hbm4b:s3+s5], $0x40, s12, s5, $0xb8;
	[tilespmem:$0x1B0D8] =	vst v63  }
0x22c: {  	s13 =	simm.s32 $0x1F8  }
0x22d: {  	[tilespmem:s30], [sflag:$0x4] =	stream.indirect.gather [hbm4b:s3+s5], $0x40, s13, s5, $0xb8;
	[tilespmem:$0x1B0D8] =	vst v63  }
0x22e: {  	s14 =	simm.s32 $0x240;
	s1 =	simm.s32 $0xEAD8  }
0x22f: {  	[tilespmem:s1], [sflag:$0x4] =	stream.indirect.gather [hbm4b:s3+s5], $0x40, s14, s5, $0xb8;
	[tilespmem:$0x1B0D8] =	vst v63  }
0x230: {  	s0 =	simm.s32 $0x3  }
0x231: {  	[tilespmem:s8], [sflag:$0x4] =	stream.indirect.gather [hbm4b:s3+s5], $0x40, s20, s5, $0xb8;
	[tilespmem:$0x1B0D8] =	vst v63  }
0x232: {  	_ =	swait.ge [sflag:s0], $0xA200  }
0x233: {  	[sflag:s0] =	ssyncset.done $0x0  }
0x234: {  	[sflag:s0] =	ssyncadd.s32 $0xFFFF5E00  }
0x235: {  	[tilespmem:s11], [sflag:$0x4] =	stream.indirect.gather [hbm4b:s3+s5], $0x40, s15, s5, $0xb8;
	[tilespmem:$0x1B0D8] =	vst v63  }
0x236: {  	s11 =	simm.s32 $0x120D8  }
0x237: {  	[tilespmem:s11], [sflag:$0x4] =	stream.indirect.gather [hbm4b:s3+s5], $0x40, s18, s5, $0xb8;
	[tilespmem:$0x1B0D8] =	vst v63  }
0x238: {  	s8 =	simm.s32 $0x132D8  }
0x239: {  	[tilespmem:s8], [sflag:$0x4] =	stream.indirect.gather [hbm4b:s3+s5], $0x40, s17, s5, $0xb8;
	[tilespmem:$0x1B0D8] =	vst v63  }
0x23a: {  	s11 =	simm.s32 $0x144D8  }
0x23b: {  	[tilespmem:s11], [sflag:$0x4] =	stream.indirect.gather [hbm4b:s3+s5], $0x40, s16, s5, $0xb8;
	[tilespmem:$0x1B0D8] =	vst v63  }
0x23c: {  	s8 =	simm.s32 $0x156D8  }
0x23d: {  	[tilespmem:s8], [sflag:$0x4] =	stream.indirect.gather [hbm4b:s3+s5], $0x40, s25, s5, $0xb8;
	[tilespmem:$0x1B0D8] =	vst v63  }
0x23e: {  	s11 =	simm.s32 $0x168D8  }
0x23f: {  	[tilespmem:s11], [sflag:$0x4] =	stream.indirect.gather [hbm4b:s3+s5], $0x40, s24, s5, $0xb8;
	[tilespmem:$0x1B0D8] =	vst v63  }
0x240: {  	s8 =	simm.s32 $0x17AD8  }
0x241: {  	[tilespmem:s8], [sflag:$0x4] =	stream.indirect.gather [hbm4b:s3+s5], $0x40, s23, s5, $0xb8;
	[tilespmem:$0x1B0D8] =	vst v63  }
0x242: {  	s11 =	simm.s32 $0x18CD8  }
0x243: {  	[tilespmem:s11], [sflag:$0x4] =	stream.indirect.gather [hbm4b:s3+s5], $0x40, s21, s5, $0xb8;
	[tilespmem:$0x1B0D8] =	vst v63  }
0x244: {  	s8 =	simm.s32 $0x19ED8  }
0x245: {  	[tilespmem:s8], [sflag:$0x4] =	stream.indirect.gather [hbm4b:s3+s5], $0x40, s19, s5, $0xb8;
	[tilespmem:$0x1B0D8] =	vst v63  }
0x246: {  	_ =	swait.ge [sflag:s7], $0x1200  }
0x247: {  	[sflag:s7] =	ssyncset.done $0x0  }
0x248: {  	[sflag:s7] =	ssyncadd.s32 $0xFFFFEE00  }
0x249: {  	_ =	swait.ge [sflag:s7], $0x1200  }
0x24a: {  	[sflag:s7] =	ssyncset.done $0x0  }
0x24b: {  	[sflag:s7] =	ssyncadd.s32 $0xFFFFEE00  }
0x24c: {  	_ =	swait.ge [sflag:s7], $0x1200  }
0x24d: {  	[sflag:s7] =	ssyncset.done $0x0  }
0x24e: {  	[sflag:s7] =	ssyncadd.s32 $0xFFFFEE00  }
0x24f: {  	_ =	swait.ge [sflag:s7], $0x1200  }
0x250: {  	[sflag:s7] =	ssyncset.done $0x0  }
0x251: {  	[sflag:s7] =	ssyncadd.s32 $0xFFFFEE00  }
0x252: {  	_ =	swait.ge [sflag:s7], $0x1200  }
0x253: {  	[sflag:s7] =	ssyncset.done $0x0  }
0x254: {  	[sflag:s7] =	ssyncadd.s32 $0xFFFFEE00  }
0x255: {  	_ =	swait.ge [sflag:s7], $0x1200  }
0x256: {  	[sflag:s7] =	ssyncset.done $0x0  }
0x257: {  	[sflag:s7] =	ssyncadd.s32 $0xFFFFEE00  }
0x258: {  	_ =	swait.ge [sflag:s7], $0x1200  }
0x259: {  	[sflag:s7] =	ssyncset.done $0x0  }
0x25a: {  	[sflag:s7] =	ssyncadd.s32 $0xFFFFEE00  }
0x25b: {  	_ =	swait.ge [sflag:s7], $0x1200  }
0x25c: {  	[sflag:s7] =	ssyncset.done $0x0  }
0x25d: {  	[sflag:s7] =	ssyncadd.s32 $0xFFFFEE00  }
0x25e: {  	_ =	swait.ge [sflag:s7], $0x1200  }
0x25f: {  	[sflag:s7] =	ssyncset.done $0x0  }
0x260: {  	[sflag:s7] =	ssyncadd.s32 $0xFFFFEE00  }
0x261: {  	_ =	swait.ge [sflag:s7], $0x1200  }
0x262: {  	[sflag:s7] =	ssyncset.done $0x0  }
0x263: {  	[sflag:s7] =	ssyncadd.s32 $0xFFFFEE00  }
0x264: {  	_ =	swait.ge [sflag:s7], $0x1200  }
0x265: {  	[sflag:s7] =	ssyncset.done $0x0  }
0x266: {  	[sflag:s7] =	ssyncadd.s32 $0xFFFFEE00  }
0x267: {  	_ =	swait.ge [sflag:s7], $0x1200  }
0x268: {  	[sflag:s7] =	ssyncset.done $0x0  }
0x269: {  	[sflag:s7] =	ssyncadd.s32 $0xFFFFEE00  }
0x26a: {  	_ =	swait.ge [sflag:s7], $0x1200  }
0x26b: {  	[sflag:s7] =	ssyncset.done $0x0  }
0x26c: {  	[sflag:s7] =	ssyncadd.s32 $0xFFFFEE00  }
0x26d: {  	_ =	swait.ge [sflag:s7], $0x1200  }
0x26e: {  	[sflag:s7] =	ssyncset.done $0x0  }
0x26f: {  	[sflag:s7] =	ssyncadd.s32 $0xFFFFEE00  }
0x270: {  	_ =	swait.ge [sflag:s7], $0x1200  }
0x271: {  	[sflag:s7] =	ssyncset.done $0x0  }
0x272: {  	[sflag:s7] =	ssyncadd.s32 $0xFFFFEE00  }
0x273: {  	_ =	swait.ge [sflag:s7], $0x1200  }
0x274: {  	[sflag:s7] =	ssyncset.done $0x0  }
0x275: {  	[sflag:s7] =	ssyncadd.s32 $0xFFFFEE00  }
0x276: {  	_ =	swait.ge [sflag:s7], $0x1200  }
0x277: {  	[sflag:s7] =	ssyncset.done $0x0  }
0x278: {  	[sflag:s7] =	ssyncadd.s32 $0xFFFFEE00  }
0x279: {  	_ =	swait.ge [sflag:s7], $0x1200  }
0x27a: {  	[sflag:s7] =	ssyncset.done $0x0  }
0x27b: {  	[sflag:s7] =	ssyncadd.s32 $0xFFFFEE00  }
0x27c: {  	_ =	swait.ge [sflag:s7], $0x1200  }
0x27d: {  	[sflag:s7] =	ssyncset.done $0x0  }
0x27e: {  	p1 =	sne.s32 s31, $0x1;
	s11 =	rddreg [dreg:$0x7];
	[sflag:s7] =	ssyncadd.s32 $0xFFFFEE00  }
0x27f: {  	[hbm4b:s11+s2] =	stream.linear.scatter [tilespmem:s4], [sflag:$0x4], $0x15600, $0x38;
	[tilespmem:$0x1B0D8] =	vst v63  }
.Ltmp2:
0x280: {  	_ =	swait.ge [sflag:s6], $0x5580;
	(pc) =	sbr.rel @p1 .LBB2_3-.Ltmp2, $4  }
0x281: {  	[sflag:s6] =	ssyncset.done $0x0  }
0x282: {  	[sflag:s6] =	ssyncadd.s32 $0xFFFFAA80  }
0x283: {  	_ =	swait.ge [sflag:s7], $0x15600  }
0x284: {  	s31 =	sadd.s32 $0xFFFFFFFF, s31;
	s1 =	rddreg [dreg:$0x3];
	[sflag:s7] =	ssyncset.done $0x0  }
0x285: {  	s25 =	simm.s32 $0x288;
	s16 =	simm.s32 $0x318  }
0x286: {  	s17 =	simm.s32 $0x360;
	s30 =	simm.s32 $0x3A8;
	s18 =	simm.s32 $0x3F0  }
0x287: {  	s19 =	simm.s32 $0x438;
	s20 =	simm.s32 $0x480;
	s21 =	simm.s32 $0x4C8  }
0x288: {  	s23 =	simm.s32 $0x510;
	s24 =	simm.s32 $0x10ED8;
	s4 =	simm.s32 $0x5  }
.LBB2_5:
0x289: {  	[sflag:s7] =	ssyncadd.s32 @p0 $0xFFFEAA00  }
0x28a: {  	[tilespmem:s2], [sflag:$0x5] =	stream.linear.gather [hbm4b:s1+s2], $0x558, $0x38;
	[tilespmem:$0x1B0D8] =	vst v63  }
0x28b: {  	_ =	swait.ge [sflag:s4], $0x558  }
0x28c: {  	[sflag:s4] =	ssyncset.done $0x0  }
0x28d: {  	s31 =	simm.s32 $0x558;
	[sflag:s4] =	ssyncadd.s32 $0xFFFFFAA8  }
0x28e: {  	[tilespmem:s31], [sflag:$0x1] =	stream.indirect.gather [hbm4b:s29+s5], $0x10, s2, s5, $0xb8;
	[tilespmem:$0x1B0D8] =	vst v63  }
0x28f: {  	s11 =	rddreg [dreg:$0x8]  }
0x290: {  	[tilespmem:s11], [sflag:$0x1] =	stream.indirect.gather [hbm4b:s29+s5], $0x10, s5, s5, $0xb8;
	[tilespmem:$0x1B0D8] =	vst v63  }
0x291: {  	s8 =	rddreg [dreg:$0x9];
	s11 =	simm.s32 $0x90  }
0x292: {  	[tilespmem:s8], [sflag:$0x1] =	stream.indirect.gather [hbm4b:s29+s5], $0x10, s11, s5, $0xb8;
	[tilespmem:$0x1B0D8] =	vst v63  }
0x293: {  	s1 =	rddreg [dreg:$0xa]  }
0x294: {  	[tilespmem:s1], [sflag:$0x1] =	stream.indirect.gather [hbm4b:s29+s5], $0x10, s9, s5, $0xb8;
	[tilespmem:$0x1B0D8] =	vst v63  }
0x295: {  	s4 =	rddreg [dreg:$0xb]  }
0x296: {  	[tilespmem:s4], [sflag:$0x1] =	stream.indirect.gather [hbm4b:s29+s5], $0x10, s10, s5, $0xb8;
	[tilespmem:$0x1B0D8] =	vst v63  }
0x297: {  	s1 =	rddreg [dreg:$0xc]  }
0x298: {  	[tilespmem:s1], [sflag:$0x1] =	stream.indirect.gather [hbm4b:s29+s5], $0x10, s22, s5, $0xb8;
	[tilespmem:$0x1B0D8] =	vst v63  }
0x299: {  	s4 =	rddreg [dreg:$0xd]  }
0x29a: {  	[tilespmem:s4], [sflag:$0x1] =	stream.indirect.gather [hbm4b:s29+s5], $0x10, s12, s5, $0xb8;
	[tilespmem:$0x1B0D8] =	vst v63  }
0x29b: {  	s1 =	rddreg [dreg:$0xe]  }
0x29c: {  	[tilespmem:s1], [sflag:$0x1] =	stream.indirect.gather [hbm4b:s29+s5], $0x10, s13, s5, $0xb8;
	[tilespmem:$0x1B0D8] =	vst v63  }
0x29d: {  	s4 =	rddreg [dreg:$0xf]  }
0x29e: {  	[tilespmem:s4], [sflag:$0x1] =	stream.indirect.gather [hbm4b:s29+s5], $0x10, s14, s5, $0xb8;
	[tilespmem:$0x1B0D8] =	vst v63  }
0x29f: {  	s1 =	rddreg [dreg:$0x10]  }
0x2a0: {  	[tilespmem:s1], [sflag:$0x1] =	stream.indirect.gather [hbm4b:s29+s5], $0x10, s25, s5, $0xb8;
	[tilespmem:$0x1B0D8] =	vst v63  }
0x2a1: {  	s4 =	rddreg [dreg:$0x11]  }
0x2a2: {  	[tilespmem:s4], [sflag:$0x1] =	stream.indirect.gather [hbm4b:s29+s5], $0x10, s15, s5, $0xb8;
	[tilespmem:$0x1B0D8] =	vst v63  }
0x2a3: {  	s1 =	rddreg [dreg:$0x12]  }
0x2a4: {  	[tilespmem:s1], [sflag:$0x1] =	stream.indirect.gather [hbm4b:s29+s5], $0x10, s16, s5, $0xb8;
	[tilespmem:$0x1B0D8] =	vst v63  }
0x2a5: {  	s4 =	rddreg [dreg:$0x13]  }
0x2a6: {  	[tilespmem:s4], [sflag:$0x1] =	stream.indirect.gather [hbm4b:s29+s5], $0x10, s17, s5, $0xb8;
	[tilespmem:$0x1B0D8] =	vst v63  }
0x2a7: {  	s1 =	rddreg [dreg:$0x14]  }
0x2a8: {  	[tilespmem:s1], [sflag:$0x1] =	stream.indirect.gather [hbm4b:s29+s5], $0x10, s30, s5, $0xb8;
	[tilespmem:$0x1B0D8] =	vst v63  }
0x2a9: {  	s4 =	rddreg [dreg:$0x15]  }
0x2aa: {  	[tilespmem:s4], [sflag:$0x1] =	stream.indirect.gather [hbm4b:s29+s5], $0x10, s18, s5, $0xb8;
	[tilespmem:$0x1B0D8] =	vst v63  }
0x2ab: {  	s1 =	rddreg [dreg:$0x16]  }
0x2ac: {  	[tilespmem:s1], [sflag:$0x1] =	stream.indirect.gather [hbm4b:s29+s5], $0x10, s19, s5, $0xb8;
	[tilespmem:$0x1B0D8] =	vst v63  }
0x2ad: {  	s4 =	rddreg [dreg:$0x17]  }
0x2ae: {  	[tilespmem:s4], [sflag:$0x1] =	stream.indirect.gather [hbm4b:s29+s5], $0x10, s20, s5, $0xb8;
	[tilespmem:$0x1B0D8] =	vst v63  }
0x2af: {  	s1 =	rddreg [dreg:$0x18]  }
0x2b0: {  	[tilespmem:s1], [sflag:$0x1] =	stream.indirect.gather [hbm4b:s29+s5], $0x10, s21, s5, $0xb8;
	[tilespmem:$0x1B0D8] =	vst v63  }
0x2b1: {  	s4 =	rddreg [dreg:$0x19]  }
0x2b2: {  	[tilespmem:s4], [sflag:$0x1] =	stream.indirect.gather [hbm4b:s29+s5], $0x10, s23, s5, $0xb8;
	[tilespmem:$0x1B0D8] =	vst v63  }
0x2b3: {  	s4 =	simm.s32 $0x5AD8  }
0x2b4: {  	[tilespmem:s4], [sflag:$0x2] =	stream.indirect.gather [hbm4b:s28+s5], $0x40, s2, s5, $0xb8;
	[tilespmem:$0x1B0D8] =	vst v63  }
0x2b5: {  	s8 =	simm.s32 $0x6CD8  }
0x2b6: {  	[tilespmem:s8], [sflag:$0x2] =	stream.indirect.gather [hbm4b:s28+s5], $0x40, s5, s5, $0xb8;
	[tilespmem:$0x1B0D8] =	vst v63  }
0x2b7: {  	s29 =	simm.s32 $0x7ED8  }
0x2b8: {  	[tilespmem:s29], [sflag:$0x2] =	stream.indirect.gather [hbm4b:s28+s5], $0x40, s11, s5, $0xb8;
	[tilespmem:$0x1B0D8] =	vst v63  }
0x2b9: {  	s1 =	simm.s32 $0x90D8  }
0x2ba: {  	[tilespmem:s1], [sflag:$0x2] =	stream.indirect.gather [hbm4b:s28+s5], $0x40, s9, s5, $0xb8;
	[tilespmem:$0x1B0D8] =	vst v63  }
0x2bb: {  	s1 =	simm.s32 $0xA2D8  }
0x2bc: {  	[tilespmem:s1], [sflag:$0x2] =	stream.indirect.gather [hbm4b:s28+s5], $0x40, s10, s5, $0xb8;
	[tilespmem:$0x1B0D8] =	vst v63  }
0x2bd: {  	s1 =	simm.s32 $0xB4D8  }
0x2be: {  	[tilespmem:s1], [sflag:$0x2] =	stream.indirect.gather [hbm4b:s28+s5], $0x40, s22, s5, $0xb8;
	[tilespmem:$0x1B0D8] =	vst v63  }
0x2bf: {  	s1 =	simm.s32 $0xC6D8  }
0x2c0: {  	[tilespmem:s1], [sflag:$0x2] =	stream.indirect.gather [hbm4b:s28+s5], $0x40, s12, s5, $0xb8;
	[tilespmem:$0x1B0D8] =	vst v63  }
0x2c1: {  	s1 =	simm.s32 $0xD8D8  }
0x2c2: {  	[tilespmem:s1], [sflag:$0x2] =	stream.indirect.gather [hbm4b:s28+s5], $0x40, s13, s5, $0xb8;
	[tilespmem:$0x1B0D8] =	vst v63  }
0x2c3: {  	s1 =	simm.s32 $0xEAD8  }
0x2c4: {  	[tilespmem:s1], [sflag:$0x2] =	stream.indirect.gather [hbm4b:s28+s5], $0x40, s14, s5, $0xb8;
	[tilespmem:$0x1B0D8] =	vst v63  }
0x2c5: {  	s1 =	simm.s32 $0xFCD8  }
0x2c6: {  	[tilespmem:s1], [sflag:$0x2] =	stream.indirect.gather [hbm4b:s28+s5], $0x40, s25, s5, $0xb8;
	[tilespmem:$0x1B0D8] =	vst v63  }
0x2c7: {  	_ = 	snop  }
0x2c8: {  	[tilespmem:s24], [sflag:$0x2] =	stream.indirect.gather [hbm4b:s28+s5], $0x40, s15, s5, $0xb8;
	[tilespmem:$0x1B0D8] =	vst v63  }
0x2c9: {  	s1 =	simm.s32 $0x120D8  }
0x2ca: {  	[tilespmem:s1], [sflag:$0x2] =	stream.indirect.gather [hbm4b:s28+s5], $0x40, s16, s5, $0xb8;
	[tilespmem:$0x1B0D8] =	vst v63  }
0x2cb: {  	s1 =	simm.s32 $0x132D8  }
0x2cc: {  	[tilespmem:s1], [sflag:$0x2] =	stream.indirect.gather [hbm4b:s28+s5], $0x40, s17, s5, $0xb8;
	[tilespmem:$0x1B0D8] =	vst v63  }
0x2cd: {  	s1 =	simm.s32 $0x144D8  }
0x2ce: {  	[tilespmem:s1], [sflag:$0x2] =	stream.indirect.gather [hbm4b:s28+s5], $0x40, s30, s5, $0xb8;
	[tilespmem:$0x1B0D8] =	vst v63  }
0x2cf: {  	s1 =	simm.s32 $0x156D8  }
0x2d0: {  	[tilespmem:s1], [sflag:$0x2] =	stream.indirect.gather [hbm4b:s28+s5], $0x40, s18, s5, $0xb8;
	[tilespmem:$0x1B0D8] =	vst v63  }
0x2d1: {  	s1 =	simm.s32 $0x168D8  }
0x2d2: {  	[tilespmem:s1], [sflag:$0x2] =	stream.indirect.gather [hbm4b:s28+s5], $0x40, s19, s5, $0xb8;
	[tilespmem:$0x1B0D8] =	vst v63  }
0x2d3: {  	s1 =	simm.s32 $0x17AD8  }
0x2d4: {  	[tilespmem:s1], [sflag:$0x2] =	stream.indirect.gather [hbm4b:s28+s5], $0x40, s20, s5, $0xb8;
	[tilespmem:$0x1B0D8] =	vst v63  }
0x2d5: {  	s1 =	simm.s32 $0x18CD8  }
0x2d6: {  	[tilespmem:s1], [sflag:$0x2] =	stream.indirect.gather [hbm4b:s28+s5], $0x40, s21, s5, $0xb8;
	[tilespmem:$0x1B0D8] =	vst v63  }
0x2d7: {  	s1 =	simm.s32 $0x19ED8  }
0x2d8: {  	[tilespmem:s1], [sflag:$0x2] =	stream.indirect.gather [hbm4b:s28+s5], $0x40, s23, s5, $0xb8;
	[tilespmem:$0x1B0D8] =	vst v63  }
0x2d9: {  	_ =	swait.ge [sflag:s6], $0x480  }
0x2da: {  	[sflag:s6] =	ssyncset.done $0x0  }
0x2db: {  	[sflag:s6] =	ssyncadd.s32 $0xFFFFFB80  }
0x2dc: {  	_ =	swait.ge [sflag:s6], $0x480  }
0x2dd: {  	[sflag:s6] =	ssyncset.done $0x0  }
0x2de: {  	[sflag:s6] =	ssyncadd.s32 $0xFFFFFB80  }
0x2df: {  	_ =	swait.ge [sflag:s6], $0x480  }
0x2e0: {  	[sflag:s6] =	ssyncset.done $0x0  }
0x2e1: {  	[sflag:s6] =	ssyncadd.s32 $0xFFFFFB80  }
0x2e2: {  	_ =	swait.ge [sflag:s6], $0x480  }
0x2e3: {  	[sflag:s6] =	ssyncset.done $0x0  }
0x2e4: {  	[sflag:s6] =	ssyncadd.s32 $0xFFFFFB80  }
0x2e5: {  	_ =	swait.ge [sflag:s6], $0x480  }
0x2e6: {  	[sflag:s6] =	ssyncset.done $0x0  }
0x2e7: {  	[sflag:s6] =	ssyncadd.s32 $0xFFFFFB80  }
0x2e8: {  	_ =	swait.ge [sflag:s6], $0x480  }
0x2e9: {  	[sflag:s6] =	ssyncset.done $0x0  }
0x2ea: {  	[sflag:s6] =	ssyncadd.s32 $0xFFFFFB80  }
0x2eb: {  	_ =	swait.ge [sflag:s6], $0x480  }
0x2ec: {  	[sflag:s6] =	ssyncset.done $0x0  }
0x2ed: {  	[sflag:s6] =	ssyncadd.s32 $0xFFFFFB80  }
0x2ee: {  	_ =	swait.ge [sflag:s6], $0x480  }
0x2ef: {  	[sflag:s6] =	ssyncset.done $0x0  }
0x2f0: {  	[sflag:s6] =	ssyncadd.s32 $0xFFFFFB80  }
0x2f1: {  	_ =	swait.ge [sflag:s6], $0x480  }
0x2f2: {  	[sflag:s6] =	ssyncset.done $0x0  }
0x2f3: {  	[sflag:s6] =	ssyncadd.s32 $0xFFFFFB80  }
0x2f4: {  	_ =	swait.ge [sflag:s6], $0x480  }
0x2f5: {  	[sflag:s6] =	ssyncset.done $0x0  }
0x2f6: {  	[sflag:s6] =	ssyncadd.s32 $0xFFFFFB80  }
0x2f7: {  	_ =	swait.ge [sflag:s6], $0x480  }
0x2f8: {  	[sflag:s6] =	ssyncset.done $0x0  }
0x2f9: {  	[sflag:s6] =	ssyncadd.s32 $0xFFFFFB80  }
0x2fa: {  	_ =	swait.ge [sflag:s6], $0x480  }
0x2fb: {  	[sflag:s6] =	ssyncset.done $0x0  }
0x2fc: {  	[sflag:s6] =	ssyncadd.s32 $0xFFFFFB80  }
0x2fd: {  	_ =	swait.ge [sflag:s6], $0x480  }
0x2fe: {  	[sflag:s6] =	ssyncset.done $0x0  }
0x2ff: {  	[sflag:s6] =	ssyncadd.s32 $0xFFFFFB80  }
0x300: {  	_ =	swait.ge [sflag:s6], $0x480  }
0x301: {  	[sflag:s6] =	ssyncset.done $0x0  }
0x302: {  	[sflag:s6] =	ssyncadd.s32 $0xFFFFFB80  }
0x303: {  	_ =	swait.ge [sflag:s6], $0x480  }
0x304: {  	[sflag:s6] =	ssyncset.done $0x0  }
0x305: {  	[sflag:s6] =	ssyncadd.s32 $0xFFFFFB80  }
0x306: {  	_ =	swait.ge [sflag:s6], $0x480  }
0x307: {  	[sflag:s6] =	ssyncset.done $0x0  }
0x308: {  	[sflag:s6] =	ssyncadd.s32 $0xFFFFFB80  }
0x309: {  	_ =	swait.ge [sflag:s6], $0x480  }
0x30a: {  	[sflag:s6] =	ssyncset.done $0x0  }
0x30b: {  	[sflag:s6] =	ssyncadd.s32 $0xFFFFFB80  }
0x30c: {  	_ =	swait.ge [sflag:s6], $0x480  }
0x30d: {  	[sflag:s6] =	ssyncset.done $0x0  }
0x30e: {  	[sflag:s6] =	ssyncadd.s32 $0xFFFFFB80  }
0x30f: {  	_ =	swait.ge [sflag:s6], $0x480  }
0x310: {  	[sflag:s6] =	ssyncset.done $0x0  }
0x311: {  	s1 =	rddreg [dreg:$0x4];
	[sflag:s6] =	ssyncadd.s32 $0xFFFFFB80  }
0x312: {  	[hbm4b:s1+s2] =	stream.linear.scatter [tilespmem:s31], [sflag:$0x1], $0x5580, $0x38;
	[tilespmem:$0x1B0D8] =	vst v63  }
0x313: {  	_ =	swait.ge [sflag:s26], $0x1200  }
0x314: {  	[sflag:s26] =	ssyncset.done $0x0  }
0x315: {  	[sflag:s26] =	ssyncadd.s32 $0xFFFFEE00  }
0x316: {  	_ =	swait.ge [sflag:s26], $0x1200  }
0x317: {  	[sflag:s26] =	ssyncset.done $0x0  }
0x318: {  	[sflag:s26] =	ssyncadd.s32 $0xFFFFEE00  }
0x319: {  	_ =	swait.ge [sflag:s26], $0x1200  }
0x31a: {  	[sflag:s26] =	ssyncset.done $0x0  }
0x31b: {  	[sflag:s26] =	ssyncadd.s32 $0xFFFFEE00  }
0x31c: {  	_ =	swait.ge [sflag:s26], $0x1200  }
0x31d: {  	[sflag:s26] =	ssyncset.done $0x0  }
0x31e: {  	[sflag:s26] =	ssyncadd.s32 $0xFFFFEE00  }
0x31f: {  	_ =	swait.ge [sflag:s26], $0x1200  }
0x320: {  	[sflag:s26] =	ssyncset.done $0x0  }
0x321: {  	[sflag:s26] =	ssyncadd.s32 $0xFFFFEE00  }
0x322: {  	_ =	swait.ge [sflag:s26], $0x1200  }
0x323: {  	[sflag:s26] =	ssyncset.done $0x0  }
0x324: {  	[sflag:s26] =	ssyncadd.s32 $0xFFFFEE00  }
0x325: {  	_ =	swait.ge [sflag:s26], $0x1200  }
0x326: {  	[sflag:s26] =	ssyncset.done $0x0  }
0x327: {  	[sflag:s26] =	ssyncadd.s32 $0xFFFFEE00  }
0x328: {  	_ =	swait.ge [sflag:s26], $0x1200  }
0x329: {  	[sflag:s26] =	ssyncset.done $0x0  }
0x32a: {  	[sflag:s26] =	ssyncadd.s32 $0xFFFFEE00  }
0x32b: {  	_ =	swait.ge [sflag:s26], $0x1200  }
0x32c: {  	[sflag:s26] =	ssyncset.done $0x0  }
0x32d: {  	[sflag:s26] =	ssyncadd.s32 $0xFFFFEE00  }
0x32e: {  	_ =	swait.ge [sflag:s26], $0x1200  }
0x32f: {  	[sflag:s26] =	ssyncset.done $0x0  }
0x330: {  	s31 =	rddreg [dreg:$0x5];
	[sflag:s26] =	ssyncadd.s32 $0xFFFFEE00  }
0x331: {  	[hbm4b:s31+s2] =	stream.linear.scatter [tilespmem:s4], [sflag:$0x3], $0xB400, $0x38;
	[tilespmem:$0x1B0D8] =	vst v63  }
0x332: {  	_ =	swait.ge [sflag:s26], $0x1200  }
0x333: {  	[sflag:s26] =	ssyncset.done $0x0  }
0x334: {  	[sflag:s26] =	ssyncadd.s32 $0xFFFFEE00  }
0x335: {  	_ =	swait.ge [sflag:s26], $0x1200  }
0x336: {  	[sflag:s26] =	ssyncset.done $0x0  }
0x337: {  	[sflag:s26] =	ssyncadd.s32 $0xFFFFEE00  }
0x338: {  	_ =	swait.ge [sflag:s26], $0x1200  }
0x339: {  	[sflag:s26] =	ssyncset.done $0x0  }
0x33a: {  	[sflag:s26] =	ssyncadd.s32 $0xFFFFEE00  }
0x33b: {  	_ =	swait.ge [sflag:s26], $0x1200  }
0x33c: {  	[sflag:s26] =	ssyncset.done $0x0  }
0x33d: {  	[sflag:s26] =	ssyncadd.s32 $0xFFFFEE00  }
0x33e: {  	_ =	swait.ge [sflag:s26], $0x1200  }
0x33f: {  	[sflag:s26] =	ssyncset.done $0x0  }
0x340: {  	[sflag:s26] =	ssyncadd.s32 $0xFFFFEE00  }
0x341: {  	_ =	swait.ge [sflag:s26], $0x1200  }
0x342: {  	[sflag:s26] =	ssyncset.done $0x0  }
0x343: {  	[sflag:s26] =	ssyncadd.s32 $0xFFFFEE00  }
0x344: {  	_ =	swait.ge [sflag:s26], $0x1200  }
0x345: {  	[sflag:s26] =	ssyncset.done $0x0  }
0x346: {  	[sflag:s26] =	ssyncadd.s32 $0xFFFFEE00  }
0x347: {  	_ =	swait.ge [sflag:s26], $0x1200  }
0x348: {  	[sflag:s26] =	ssyncset.done $0x0  }
0x349: {  	[sflag:s26] =	ssyncadd.s32 $0xFFFFEE00  }
0x34a: {  	_ =	swait.ge [sflag:s26], $0x1200  }
0x34b: {  	[sflag:s26] =	ssyncset.done $0x0  }
0x34c: {  	s31 =	rddreg [dreg:$0x6];
	[sflag:s26] =	ssyncadd.s32 $0xFFFFEE00  }
0x34d: {  	[hbm4b:s31+s2] =	stream.linear.scatter [tilespmem:s24], [sflag:$0x3], $0xA200, $0x38;
	[tilespmem:$0x1B0D8] =	vst v63  }
0x34e: {  	_ =	swait.ge [sflag:s0], $0xB400  }
0x34f: {  	[sflag:s0] =	ssyncset.done $0x0  }
0x350: {  	[sflag:s0] =	ssyncadd.s32 $0xFFFF4C00  }
0x351: {  	[tilespmem:s4], [sflag:$0x4] =	stream.indirect.gather [hbm4b:s3+s5], $0x40, s2, s5, $0xb8;
	[tilespmem:$0x1B0D8] =	vst v63  }
0x352: {  	_ = 	snop  }
0x353: {  	[tilespmem:s8], [sflag:$0x4] =	stream.indirect.gather [hbm4b:s3+s5], $0x40, s5, s5, $0xb8;
	[tilespmem:$0x1B0D8] =	vst v63  }
0x354: {  	_ = 	snop  }
0x355: {  	[tilespmem:s29], [sflag:$0x4] =	stream.indirect.gather [hbm4b:s3+s5], $0x40, s11, s5, $0xb8;
	[tilespmem:$0x1B0D8] =	vst v63  }
0x356: {  	s8 =	simm.s32 $0x90D8  }
0x357: {  	[tilespmem:s8], [sflag:$0x4] =	stream.indirect.gather [hbm4b:s3+s5], $0x40, s9, s5, $0xb8;
	[tilespmem:$0x1B0D8] =	vst v63  }
0x358: {  	s9 =	simm.s32 $0xA2D8  }
0x359: {  	[tilespmem:s9], [sflag:$0x4] =	stream.indirect.gather [hbm4b:s3+s5], $0x40, s10, s5, $0xb8;
	[tilespmem:$0x1B0D8] =	vst v63  }
0x35a: {  	s10 =	simm.s32 $0xB4D8  }
0x35b: {  	[tilespmem:s10], [sflag:$0x4] =	stream.indirect.gather [hbm4b:s3+s5], $0x40, s22, s5, $0xb8;
	[tilespmem:$0x1B0D8] =	vst v63  }
0x35c: {  	s11 =	simm.s32 $0xC6D8  }
0x35d: {  	[tilespmem:s11], [sflag:$0x4] =	stream.indirect.gather [hbm4b:s3+s5], $0x40, s12, s5, $0xb8;
	[tilespmem:$0x1B0D8] =	vst v63  }
0x35e: {  	s12 =	simm.s32 $0xD8D8  }
0x35f: {  	[tilespmem:s12], [sflag:$0x4] =	stream.indirect.gather [hbm4b:s3+s5], $0x40, s13, s5, $0xb8;
	[tilespmem:$0x1B0D8] =	vst v63  }
0x360: {  	s13 =	simm.s32 $0xEAD8  }
0x361: {  	[tilespmem:s13], [sflag:$0x4] =	stream.indirect.gather [hbm4b:s3+s5], $0x40, s14, s5, $0xb8;
	[tilespmem:$0x1B0D8] =	vst v63  }
0x362: {  	s14 =	simm.s32 $0xFCD8  }
0x363: {  	[tilespmem:s14], [sflag:$0x4] =	stream.indirect.gather [hbm4b:s3+s5], $0x40, s25, s5, $0xb8;
	[tilespmem:$0x1B0D8] =	vst v63  }
0x364: {  	_ =	swait.ge [sflag:s0], $0xA200  }
0x365: {  	[sflag:s0] =	ssyncset.done $0x0  }
0x366: {  	[sflag:s0] =	ssyncadd.s32 $0xFFFF5E00  }
0x367: {  	[tilespmem:s24], [sflag:$0x4] =	stream.indirect.gather [hbm4b:s3+s5], $0x40, s15, s5, $0xb8;
	[tilespmem:$0x1B0D8] =	vst v63  }
0x368: {  	s15 =	simm.s32 $0x120D8  }
0x369: {  	[tilespmem:s15], [sflag:$0x4] =	stream.indirect.gather [hbm4b:s3+s5], $0x40, s16, s5, $0xb8;
	[tilespmem:$0x1B0D8] =	vst v63  }
0x36a: {  	s16 =	simm.s32 $0x132D8  }
0x36b: {  	[tilespmem:s16], [sflag:$0x4] =	stream.indirect.gather [hbm4b:s3+s5], $0x40, s17, s5, $0xb8;
	[tilespmem:$0x1B0D8] =	vst v63  }
0x36c: {  	s22 =	simm.s32 $0x144D8  }
0x36d: {  	[tilespmem:s22], [sflag:$0x4] =	stream.indirect.gather [hbm4b:s3+s5], $0x40, s30, s5, $0xb8;
	[tilespmem:$0x1B0D8] =	vst v63  }
0x36e: {  	s24 =	simm.s32 $0x156D8  }
0x36f: {  	[tilespmem:s24], [sflag:$0x4] =	stream.indirect.gather [hbm4b:s3+s5], $0x40, s18, s5, $0xb8;
	[tilespmem:$0x1B0D8] =	vst v63  }
0x370: {  	s25 =	simm.s32 $0x168D8  }
0x371: {  	[tilespmem:s25], [sflag:$0x4] =	stream.indirect.gather [hbm4b:s3+s5], $0x40, s19, s5, $0xb8;
	[tilespmem:$0x1B0D8] =	vst v63  }
0x372: {  	s26 =	simm.s32 $0x17AD8  }
0x373: {  	[tilespmem:s26], [sflag:$0x4] =	stream.indirect.gather [hbm4b:s3+s5], $0x40, s20, s5, $0xb8;
	[tilespmem:$0x1B0D8] =	vst v63  }
0x374: {  	s29 =	simm.s32 $0x18CD8  }
0x375: {  	[tilespmem:s29], [sflag:$0x4] =	stream.indirect.gather [hbm4b:s3+s5], $0x40, s21, s5, $0xb8;
	[tilespmem:$0x1B0D8] =	vst v63  }
0x376: {  	s28 =	simm.s32 $0x19ED8  }
0x377: {  	[tilespmem:s28], [sflag:$0x4] =	stream.indirect.gather [hbm4b:s3+s5], $0x40, s23, s5, $0xb8;
	[tilespmem:$0x1B0D8] =	vst v63  }
0x378: {  	_ =	swait.ge [sflag:s7], $0x1200  }
0x379: {  	[sflag:s7] =	ssyncset.done $0x0  }
0x37a: {  	[sflag:s7] =	ssyncadd.s32 $0xFFFFEE00  }
0x37b: {  	_ =	swait.ge [sflag:s7], $0x1200  }
0x37c: {  	[sflag:s7] =	ssyncset.done $0x0  }
0x37d: {  	[sflag:s7] =	ssyncadd.s32 $0xFFFFEE00  }
0x37e: {  	_ =	swait.ge [sflag:s7], $0x1200  }
0x37f: {  	[sflag:s7] =	ssyncset.done $0x0  }
0x380: {  	[sflag:s7] =	ssyncadd.s32 $0xFFFFEE00  }
0x381: {  	_ =	swait.ge [sflag:s7], $0x1200  }
0x382: {  	[sflag:s7] =	ssyncset.done $0x0  }
0x383: {  	[sflag:s7] =	ssyncadd.s32 $0xFFFFEE00  }
0x384: {  	_ =	swait.ge [sflag:s7], $0x1200  }
0x385: {  	[sflag:s7] =	ssyncset.done $0x0  }
0x386: {  	[sflag:s7] =	ssyncadd.s32 $0xFFFFEE00  }
0x387: {  	_ =	swait.ge [sflag:s7], $0x1200  }
0x388: {  	[sflag:s7] =	ssyncset.done $0x0  }
0x389: {  	[sflag:s7] =	ssyncadd.s32 $0xFFFFEE00  }
0x38a: {  	_ =	swait.ge [sflag:s7], $0x1200  }
0x38b: {  	[sflag:s7] =	ssyncset.done $0x0  }
0x38c: {  	[sflag:s7] =	ssyncadd.s32 $0xFFFFEE00  }
0x38d: {  	_ =	swait.ge [sflag:s7], $0x1200  }
0x38e: {  	[sflag:s7] =	ssyncset.done $0x0  }
0x38f: {  	[sflag:s7] =	ssyncadd.s32 $0xFFFFEE00  }
0x390: {  	_ =	swait.ge [sflag:s7], $0x1200  }
0x391: {  	[sflag:s7] =	ssyncset.done $0x0  }
0x392: {  	[sflag:s7] =	ssyncadd.s32 $0xFFFFEE00  }
0x393: {  	_ =	swait.ge [sflag:s7], $0x1200  }
0x394: {  	[sflag:s7] =	ssyncset.done $0x0  }
0x395: {  	[sflag:s7] =	ssyncadd.s32 $0xFFFFEE00  }
0x396: {  	_ =	swait.ge [sflag:s7], $0x1200  }
0x397: {  	[sflag:s7] =	ssyncset.done $0x0  }
0x398: {  	[sflag:s7] =	ssyncadd.s32 $0xFFFFEE00  }
0x399: {  	_ =	swait.ge [sflag:s7], $0x1200  }
0x39a: {  	[sflag:s7] =	ssyncset.done $0x0  }
0x39b: {  	[sflag:s7] =	ssyncadd.s32 $0xFFFFEE00  }
0x39c: {  	_ =	swait.ge [sflag:s7], $0x1200  }
0x39d: {  	[sflag:s7] =	ssyncset.done $0x0  }
0x39e: {  	[sflag:s7] =	ssyncadd.s32 $0xFFFFEE00  }
0x39f: {  	_ =	swait.ge [sflag:s7], $0x1200  }
0x3a0: {  	[sflag:s7] =	ssyncset.done $0x0  }
0x3a1: {  	[sflag:s7] =	ssyncadd.s32 $0xFFFFEE00  }
0x3a2: {  	_ =	swait.ge [sflag:s7], $0x1200  }
0x3a3: {  	[sflag:s7] =	ssyncset.done $0x0  }
0x3a4: {  	[sflag:s7] =	ssyncadd.s32 $0xFFFFEE00  }
0x3a5: {  	_ =	swait.ge [sflag:s7], $0x1200  }
0x3a6: {  	[sflag:s7] =	ssyncset.done $0x0  }
0x3a7: {  	[sflag:s7] =	ssyncadd.s32 $0xFFFFEE00  }
0x3a8: {  	_ =	swait.ge [sflag:s7], $0x1200  }
0x3a9: {  	[sflag:s7] =	ssyncset.done $0x0  }
0x3aa: {  	[sflag:s7] =	ssyncadd.s32 $0xFFFFEE00  }
0x3ab: {  	_ =	swait.ge [sflag:s7], $0x1200  }
0x3ac: {  	[sflag:s7] =	ssyncset.done $0x0  }
0x3ad: {  	[sflag:s7] =	ssyncadd.s32 $0xFFFFEE00  }
0x3ae: {  	_ =	swait.ge [sflag:s7], $0x1200  }
0x3af: {  	[sflag:s7] =	ssyncset.done $0x0  }
0x3b0: {  	s30 =	rddreg [dreg:$0x7];
	[sflag:s7] =	ssyncadd.s32 $0xFFFFEE00  }
0x3b1: {  	[hbm4b:s30+s2] =	stream.linear.scatter [tilespmem:s4], [sflag:$0x4], $0x15600, $0x38;
	[tilespmem:$0x1B0D8] =	vst v63  }
0x3b2: {  	_ =	swait.ge [sflag:s6], $0x5580  }
0x3b3: {  	[sflag:s6] =	ssyncset.done $0x0  }
0x3b4: {  	[sflag:s6] =	ssyncadd.s32 $0xFFFFAA80  }
0x3b5: {  	_ =	swait.ge [sflag:s7], $0x15600  }
0x3b6: {  	[sflag:s7] =	ssyncset.done $0x0  }
0x3b7: {  	[sflag:s7] =	ssyncadd.s32 $0xFFFEAA00  }
0x3b8: {  	_ =	sfence.sel $0x180000  }
0x3b9: {  	[bflag:$0x0] =	sbarrier.arrive $0xFFFF  }
0x3ba: {  	_ =	strace $0x90000047  }
0x3bb: {  	s31 =	stileid.u32;
	[bflag:$0x2] =	sbarrier.arrive $0xFFFF  }
0x3bc: {  	p0 =	sne.s32 s31, $0x0;
	s0 =	rddreg [dreg:$0x2]  }
0x3bd: {  	s0 =	sadd.s32 @!p0 $0x100000, s0  }
0x3be: {  	[sflag:s0] =	ssyncadd.tile.s32 @!p0 $0x1;
	_ =	shalt  }
.LBB2_6:
.Ltmp3:
0x3bf: {  	(pc) =	sbr.rel .LBB2_5-.Ltmp3, $4  }
0x3c0: {  	s25 =	simm.s32 $0x288;
	s16 =	simm.s32 $0x318  }
0x3c1: {  	s17 =	simm.s32 $0x360;
	s30 =	simm.s32 $0x3A8;
	s18 =	simm.s32 $0x3F0  }
0x3c2: {  	s19 =	simm.s32 $0x438;
	s20 =	simm.s32 $0x480;
	s21 =	simm.s32 $0x4C8  }
0x3c3: {  	s23 =	simm.s32 $0x510;
	s24 =	simm.s32 $0x10ED8;
	s4 =	simm.s32 $0x5  }
.Lfunc_end2:
_tile_overlayer_lowered:
.L_overlay_start_2:
0x3c4: {  	(tag) =	ssettag $0x2  }
0x3c5: {  	s0 =	rddreg [dreg:$0x0];
	s2 =	stileid.u32  }
0x3c6: {  	s1 =	rddreg [dreg:$0x1];
	p0 =	sne.s32 s2, $0x0  }
0x3c7: {  	s3 =	rddreg [dreg:$0x2];
	[bflag:$0x3] =	sbarrier.arrive $0xFFFF;
	s2 =	simm.s32 @!p0 $0x1C05  }
0x3c8: {  	[timem:s3], [sflag:s2] =	dma.local @!p0 [hbm:s0], s1  }
0x3c9: {  	s0 =	simm.s32 @!p0 $0x5  }
0x3ca: {  	_ =	swait.ge @!p0 [sflag:s0], s1  }
0x3cb: {  	s1 =	ssub.s32 @!p0 $0x0, s1;
	[sflag:s0] =	ssyncset.done @!p0 $0x0  }
0x3cc: {  	[sflag:s0] =	ssyncadd.s32 @!p0 s1  }
0x3cd: {  	[bflag:$0x3] =	sbarrier.arrive $0xFFFF  }
0x3ce: {  	_ =	shalt  }

// kernel: kernel.8.cloned.1.call-start
scs
__scs_entry_jumppad:
0x0: {  	(pc) =	sbr.rel $0x88, $3  }
0x1: {  	(tag) =	ssettag $0x0;
	lr =	simm.s32 $0x1  }
0x2: {  	[smem:$0x3F96] =	sst lr;
	_ =	strace $0xD0000000  }
0x3: {  	_ = 	snop  }
0x4: {  	_ = 	snop  }
0x5: {  	_ = 	snop  }
0x6: {  	_ = 	snop  }
0x7: {  	_ = 	snop  }
__scs_overlays_trampoline_lowered:
0x8: {  	[smem:$0x3FA5] =	sst s0  }
0x9: {  	[smem:$0x3FA6] =	sst s1  }
0xa: {  	[smem:$0x3FA7] =	sst s2  }
0xb: {  	[smem:$0x3FA8] =	sst s3  }
0xc: {  	[smem:$0x3FA9] =	sst s4  }
0xd: {  	[smem:$0x3FAA] =	sst s5  }
0xe: {  	[smem:$0x3FAB] =	sst s6  }
0xf: {  	[smem:$0x3FAC] =	sst s7  }
0x10: {  	[smem:$0x3FAD] =	sst s8  }
0x11: {  	[smem:$0x3FAE] =	sst s9;
	s0 =	simm.s32 @!p0 $0x0  }
0x12: {  	s1 =	sld [smem:$0x3F94];
	s0 =	simm.s32 @p0 $0x1  }
0x13: {  	[smem:$0x3FAF] =	sst s0;
	s0 =	simm.s32 @!p1 $0x0  }
0x14: {  	s2 =	sld [smem:$0x3F93];
	s0 =	simm.s32 @p1 $0x1  }
0x15: {  	[smem:$0x3FB0] =	sst s0;
	s0 =	simm.s32 @!p2 $0x0  }
0x16: {  	s3 =	sld [smem:$0x3FDB];
	s0 =	simm.s32 @p2 $0x1  }
0x17: {  	s4 =	simm.s32 $0x1BF5;
	[smem:$0x3FB2] =	sst s0  }
0x18: {  	s0 =	sld [smem:$0x3F95];
	_ =	swait.ge [sflag:s4], $0x0  }
0x19: {  	s7 =	sld [smem:$0x3F96]  }
0x1a: {  	s8 =	sadd.s32 $0xFFFFE003, lr  }
0x1b: {  	s9 =	sadd.s32 $0xFFFFFEF7, lr;
	s5 =	simm.s32 $0xFFFFFFFF;
	p2 =	slt.u32 s8, $0xFFFFF086  }
0x1c: {  	p1 =	slt.u32 s9, $0xF7A;
	s5 =	simm.s32 @!p2 $0x0  }
0x1d: {  	s5 =	simm.s32 @p1 $0x1;
	p0 =	seq.s32 s7, s2  }
0x1e: {  	s7 =	smul.u32 @!p0 $0xF7A, s2;
	p2 =	seq.s32 @!p0 s5, $0x0  }
0x1f: {  	s9 =	smul.u32 $0xF7A, s1;
	s8 =	simm.s32 @!p0 $0x1BF5;
	p2 =	por !p2, p0  }
0x20: {  	[sflag:s8] =	ssyncset.s32 @!p0 $0xFFFFF086;
	s6 =	sadd.s32 @!p0 s3, s7;
	s7 =	simm.s32 @!p0 $0x108  }
0x21: {  	s3 =	sadd.s32 s3, s9;
	s6 =	sadd.s32 @!p0 $0x88, s6;
	s7 =	simm.s32 @p2 $0x1082  }
0x22: {  	[simem:s7], [sflag:s8] =	dma.local @!p0 [hbm:s6], $0xF7A  }
0x23: {  	s9 =	sor.u32 $0xD0000000, s2;
	s6 =	simm.s32 $0x108;
	_ =	swait.ge @!p0 [sflag:s8], $0x0  }
0x24: {  	s3 =	sadd.s32 $0x88, s3;
	s6 =	simm.s32 @!p1 $0x1082;
	[sflag:s4] =	ssyncset.s32 $0xFFFFF086  }
0x25: {  	[simem:s6], [sflag:s4] =	dma.local [hbm:s3], $0xF7A  }
0x26: {  	[smem:$0x3F96] =	sst s1;
	(tag) =	ssettag s2;
	_ =	strace s9  }
0x27: {  	s1 =	sld [smem:$0x3FA6]  }
0x28: {  	s2 =	sld [smem:$0x3FA7]  }
0x29: {  	s4 =	sld [smem:$0x3FA9]  }
0x2a: {  	p0 =	seq.s32 s5, $0x0;
	s5 =	sld [smem:$0x3FAA]  }
0x2b: {  	s6 =	sld [smem:$0x3FAB]  }
0x2c: {  	s7 =	sld [smem:$0x3FAC]  }
0x2d: {  	s3 =	simm.s32 $0x108;
	s8 =	sld [smem:$0x3FAD]  }
0x2e: {  	s3 =	simm.s32 @!p0 $0x1082;
	s9 =	sld [smem:$0x3FAE]  }
0x2f: {  	lr =	sadd.s32 s0, s3;
	s0 =	sld [smem:$0x3FA5]  }
0x30: {  	s3 =	sld [smem:$0x3FA8]  }
0x31: {  	[smem:$0x3FB1] =	sst s10  }
0x32: {  	s10 =	sld [smem:$0x3FAF];
	_ =	sdelay $0x3  }
0x33: {  	p0 =	seq.s32 s10, $0x1;
	s10 =	sld [smem:$0x3FB1];
	_ =	sdelay $0x3  }
0x34: {  	[smem:$0x3FB1] =	sst s10  }
0x35: {  	s10 =	sld [smem:$0x3FB0];
	_ =	sdelay $0x3  }
0x36: {  	p1 =	seq.s32 s10, $0x1;
	s10 =	sld [smem:$0x3FB1];
	_ =	sdelay $0x3  }
0x37: {  	[smem:$0x3FB1] =	sst s10  }
0x38: {  	s10 =	sld [smem:$0x3FB2]  }
0x39: {  	_ = 	snop;
	(pc) =	sbr.ind lr, $3  }
0x3a: {  	_ = 	snop  }
0x3b: {  	_ = 	snop  }
0x3c: {  	p2 =	seq.s32 s10, $0x1;
	s10 =	sld [smem:$0x3FB1]  }
0x3d: {  	_ =	shalt  }
0x3e: {  	_ =	shalt  }
0x3f: {  	_ =	shalt  }
0x40: {  	_ =	shalt  }
0x41: {  	_ =	shalt  }
0x42: {  	_ =	shalt  }
0x43: {  	_ =	shalt  }
0x44: {  	_ =	shalt  }
0x45: {  	_ =	shalt  }
0x46: {  	_ =	shalt  }
0x47: {  	_ =	shalt  }
0x48: {  	_ =	shalt  }
0x49: {  	_ =	shalt  }
0x4a: {  	_ =	shalt  }
0x4b: {  	_ =	shalt  }
0x4c: {  	_ =	shalt  }
0x4d: {  	_ =	shalt  }
0x4e: {  	_ =	shalt  }
0x4f: {  	_ =	shalt  }
0x50: {  	_ =	shalt  }
0x51: {  	_ =	shalt  }
0x52: {  	_ =	shalt  }
0x53: {  	_ =	shalt  }
0x54: {  	_ =	shalt  }
0x55: {  	_ =	shalt  }
0x56: {  	_ =	shalt  }
0x57: {  	_ =	shalt  }
0x58: {  	_ =	shalt  }
0x59: {  	_ =	shalt  }
0x5a: {  	_ =	shalt  }
0x5b: {  	_ =	shalt  }
0x5c: {  	_ =	shalt  }
0x5d: {  	_ =	shalt  }
0x5e: {  	_ =	shalt  }
0x5f: {  	_ =	shalt  }
0x60: {  	_ =	shalt  }
0x61: {  	_ =	shalt  }
0x62: {  	_ =	shalt  }
0x63: {  	_ =	shalt  }
0x64: {  	_ =	shalt  }
0x65: {  	_ =	shalt  }
0x66: {  	_ =	shalt  }
0x67: {  	_ =	shalt  }
0x68: {  	_ =	shalt  }
0x69: {  	_ =	shalt  }
0x6a: {  	_ =	shalt  }
0x6b: {  	_ =	shalt  }
0x6c: {  	_ =	shalt  }
0x6d: {  	_ =	shalt  }
0x6e: {  	_ =	shalt  }
0x6f: {  	_ =	shalt  }
0x70: {  	_ =	shalt  }
0x71: {  	_ =	shalt  }
0x72: {  	_ =	shalt  }
0x73: {  	_ =	shalt  }
0x74: {  	_ =	shalt  }
0x75: {  	_ =	shalt  }
0x76: {  	_ =	shalt  }
0x77: {  	_ =	shalt  }
0x78: {  	_ =	shalt  }
0x79: {  	_ =	shalt  }
0x7a: {  	_ =	shalt  }
0x7b: {  	_ =	shalt  }
0x7c: {  	_ =	shalt  }
0x7d: {  	_ =	shalt  }
0x7e: {  	_ =	shalt  }
0x7f: {  	_ =	shalt  }
0x80: {  	_ =	shalt  }
0x81: {  	_ =	shalt  }
0x82: {  	_ =	shalt  }
0x83: {  	_ =	shalt  }
0x84: {  	_ =	shalt  }
0x85: {  	_ =	shalt  }
0x86: {  	_ =	shalt  }
0x87: {  	_ =	shalt  }
.Lfunc_end0:
.L_simem_size_0:
called_computation.1_lowered:
.L_overlay_start_0:
0x88: {  	s2 =	sld [smem:$0x3FD9]  }
0x89: {  	s3 =	sld [smem:$0x3FFE];
	_ =	sdelay $0x1  }
0x8a: {  	s1 =	srdreg.scid  }
0x8b: {  	s0 =	sand.u32 $0x1, s1  }
0x8c: {  	s16 =	sshll.u32 s0, $0xA;
	s2 =	sadd.s32 s3, s2  }
0x8d: {  	s2 =	sadd.s32 s2, s16  }
0x8e: {  	[smem:$0x3FBD] =	sst s2  }
0x8f: {  	_ = 	snop  }
0x90: {  	(tm) =	ssettm $0x1  }
0x91: {  	s17 =	sld [smem:$0x3FFB];
	_ =	sdelay $0x3  }
0x92: {  	_ =	strace s17  }
0x93: {  	s2 =	sld [smem:$0x3FFC];
	_ =	sdelay $0x3  }
0x94: {  	_ =	strace s2  }
0x95: {  	s2 =	sld [smem:$0x3FFD];
	_ =	sdelay $0x3  }
0x96: {  	_ =	strace s2  }
0x97: {  	_ =	strace $0x8FFFFFFF  }
0x98: {  	s18 =	sld [smem:$0x3FDB];
	_ =	sdelay $0x1  }
0x99: {  	s19 =	simm.s32 $_scs_section_size  }
0x9a: {  	s4 =	simm.s32 $_size__tile_overlayer_lowered;
	s5 =	simm.s32 $_tile_overlayer_lowered  }
0x9b: {  	s22 =	simm.s32 $0x1BFF;
	s21 =	sshll.u32 s5, $0x1;
	s2 =	sadd.s32 s19, s18  }
0x9c: {  	s6 =	simm.s32 $0x0;
	s20 =	sshll.u32 s4, $0x1;
	s4 =	sadd.s32 s21, s2  }
0x9d: {  	[timem:s6], [sflag:s22] =	dma.local [hbm:s4], s20  }
0x9e: {  	_ =	swait.ge [sflag:s22], s20  }
0x9f: {  	s3 =	ssub.s32 $0x0, s20;
	[sflag:s22] =	ssyncset.done $0x0  }
0xa0: {  	[sflag:s22] =	ssyncadd.s32 s3;
	_ =	sdelay $0x1  }
0xa1: {  	s23 =	simm.s32 $0x1B8B  }
0xa2: {  	_ =	swait.ge [sflag:s23], $0x1  }
0xa3: {  	[sflag:s23] =	ssyncset.done $0x0  }
0xa4: {  	s25 =	simm.s32 $0x1B8E;
	s24 =	sld [smem:$0x3FFE];
	[sflag:s23] =	ssyncadd.s32 $0xFFFFFFFF  }
0xa5: {  	s26 =	simm.s32 $execute0_lowered;
	[smem:$0x3FD2] =	sst s25  }
0xa6: {  	s4 =	sshll.u32 s26, $0x1;
	_ =	strace $0x80000049;
	[dreg:$0x1] =	wrdreg $0xFFFFFFFF  }
0xa7: {  	s28 =	simm.s32 $_size_execute0_lowered;
	s2 =	sadd.s32 s2, s4;
	[dreg:$0x0] =	wrdreg $0x0  }
0xa8: {  	s4 =	sshll.u32 s28, $0x1;
	[dreg:$0x2] =	wrdreg s2  }
0xa9: {  	[dreg:$0x3] =	wrdreg s4  }
0xaa: {  	[dreg:$0x4] =	wrdreg $0xC0  }
0xab: {  	_ =	task [dreg:s6], $0x5FFFF  }
0xac: {  	[dreg:$0x1] =	wrdreg $0xFFFFFFFF  }
0xad: {  	[dreg:$0x0] =	wrdreg $0x60  }
0xae: {  	[dreg:$0x2] =	wrdreg s24  }
0xaf: {  	[dreg:$0x3] =	wrdreg $0x9  }
0xb0: {  	_ =	task.clear_ibuf [dreg:s6], $0x4FFFF;
	_ =	strace $0x90000049  }
0xb1: {  	s29 =	simm.s32 $0x9;
	_ =	strace $0x8000004B  }
0xb2: {  	_ =	swait.ge [sflag:s29], $0x1  }
0xb3: {  	[sflag:s29] =	ssyncadd.s32 $0xFFFFFFFF  }
0xb4: {  	_ =	strace $0x9000004B  }
0xb5: {  	_ =	sfence  }
0xb6: {  	s30 =	sld [smem:$0x0];
	_ =	sdelay $0x2  }
0xb7: {  	s31 =	sshll.u32 s1, $0xD;
	s1 =	sshrl.u32 s1, $0x2  }
0xb8: {  	s3 =	sand.u32 $0x4000, s31;
	s1 =	sadd.s32 s1, s30  }
0xb9: {  	s0 =	sor.u32 s3, s0;
	s1 =	sshll.u32 s1, $0x11  }
0xba: {  	s0 =	sor.u32 s1, s0  }
0xbb: {  	s0 =	sadd.s32 $0x8F2B, s0  }
0xbc: {  	[sflag:s0] =	ssyncadd.remote.s32 $0x1  }
0xbd: {  	_ =	sfence.sel $0xFFFF  }
0xbe: {  	[dreg:$0x0] =	wrdreg $0xFFFFFFFF;
	(pc) =	sbr.abs _section_cstart, $3  }
0xbf: {  	[dreg:$0x1] =	wrdreg $0xFFFFFFFF  }
0xc0: {  	_ =	task.clear_ibuf [dreg:s6], $0x2FFFF;
	_ =	strace $0x9FFFFFFF  }
0xc1: {  	(tm) =	ssettm $0x7FFFFFFF  }
tec
execute0_lowered:
.L_overlay_start_1:
0x0: {  	(tag) =	ssettag $0x1  }
0x1: {  	s1 =	srdreg.scid;
	s0 =	stileid.u32  }
0x2: {  	s1 =	sand.u32 $0x1, s1;
	s2 =	sshll.u32 s0, $0x1  }
0x3: {  	s5 =	rddreg [dreg:$0x0];
	s3 =	sor.u32 s1, s2;
	s2 =	simm.s32 $0x0  }
0x4: {  	s12 =	simm.s32 $0x1B90;
	[smem:$0x7FF] =	sst s2  }
0x5: {  	s13 =	simm.s32 $0x90;
	_ =	strace $0x8000004A;
	[dreg:$0x4] =	wrdreg s12  }
0x6: {  	s14 =	simm.s32 $0x3210;
	[dreg:$0x5] =	wrdreg s13  }
0x7: {  	s15 =	simm.s32 $0xD8;
	[dreg:$0x6] =	wrdreg s14  }
0x8: {  	s16 =	simm.s32 $0x4890;
	[dreg:$0x7] =	wrdreg s15  }
0x9: {  	s17 =	simm.s32 $0x120;
	[dreg:$0x8] =	wrdreg s16  }
0xa: {  	s18 =	simm.s32 $0x5F10;
	[dreg:$0x9] =	wrdreg s17  }
0xb: {  	s19 =	simm.s32 $0x168;
	s4 =	smul.u32 $0xA2, s3;
	[dreg:$0xa] =	wrdreg s18  }
0xc: {  	s20 =	simm.s32 $0x7590;
	s3 =	smul.u32 $0x32A0, s3;
	[dreg:$0xb] =	wrdreg s19  }
0xd: {  	s6 =	simm.s32 $0x1B0;
	[dreg:$0xc] =	wrdreg s20;
	s4 =	sadd.s32 s4, s5  }
0xe: {  	[dreg:$0xd] =	wrdreg s6;
	s3 =	sadd.s32 s3, s5;
	s4 =	sadd.s32 $0xDA800, s4  }
0xf: {  	s3 =	sadd.s32 $0x800, s3;
	[dreg:$0x2] =	wrdreg s4  }
0x10: {  	[dreg:$0x3] =	wrdreg s3  }
0x11: {  	s3 =	simm.s32 $0x2;
	s4 =	rddreg [dreg:$0x2]  }
0x12: {  	[tilespmem:s2], [sflag:$0x2] =	stream.linear.gather [hbm4b:s4+s2], $0x510, $0x38;
	[tilespmem:$0x19A10] =	vst v63  }
0x13: {  	_ =	swait.ge [sflag:s3], $0x510  }
0x14: {  	[sflag:s3] =	ssyncset.done $0x0  }
0x15: {  	s4 =	simm.s32 $0x510;
	s21 =	rddreg [dreg:$0x3];
	[sflag:s3] =	ssyncadd.s32 $0xFFFFFAF0  }
0x16: {  	[tilespmem:s4], [sflag:$0x2] =	stream.linear.gather [hbm4b:s21+s2], $0x19500, $0x38;
	[tilespmem:$0x19A10] =	vst v63  }
0x17: {  	_ =	swait.ge [sflag:s3], $0x19500  }
0x18: {  	s7 =	rddreg [dreg:$0xc]  }
0x19: {  	s8 =	rddreg [dreg:$0xa]  }
0x1a: {  	s6 =	simm.s32 $0x48;
	s9 =	rddreg [dreg:$0x5];
	[sflag:s3] =	ssyncset.done $0x0  }
0x1b: {  	s5 =	sadd.s32 $0x65C00, s5;
	s10 =	rddreg [dreg:$0x4];
	[sflag:s3] =	ssyncadd.s32 $0xFFFE6B00  }
0x1c: {  	[hbm4b:s5+s6] =	stream.indirect.scatter [tilespmem:s4], [sflag:$0x1], $0x50, s2, s6, $0xb8;
	[tilespmem:$0x19A10] =	vst v63  }
0x1d: {  	s11 =	rddreg [dreg:$0x6]  }
0x1e: {  	[hbm4b:s5+s6] =	stream.indirect.scatter [tilespmem:s10], [sflag:$0x1], $0x50, s6, s6, $0xb8;
	[tilespmem:$0x19A10] =	vst v63  }
0x1f: {  	s12 =	rddreg [dreg:$0x8]  }
0x20: {  	[hbm4b:s5+s6] =	stream.indirect.scatter [tilespmem:s11], [sflag:$0x1], $0x50, s9, s6, $0xb8;
	[tilespmem:$0x19A10] =	vst v63  }
0x21: {  	s22 =	rddreg [dreg:$0x7]  }
0x22: {  	[hbm4b:s5+s6] =	stream.indirect.scatter [tilespmem:s12], [sflag:$0x1], $0x50, s22, s6, $0xb8;
	[tilespmem:$0x19A10] =	vst v63  }
0x23: {  	s23 =	rddreg [dreg:$0x9]  }
0x24: {  	[hbm4b:s5+s6] =	stream.indirect.scatter [tilespmem:s8], [sflag:$0x1], $0x50, s23, s6, $0xb8;
	[tilespmem:$0x19A10] =	vst v63  }
0x25: {  	s24 =	rddreg [dreg:$0xb]  }
0x26: {  	[hbm4b:s5+s6] =	stream.indirect.scatter [tilespmem:s7], [sflag:$0x1], $0x50, s24, s6, $0xb8;
	[tilespmem:$0x19A10] =	vst v63  }
0x27: {  	s26 =	simm.s32 $0x8C10;
	s25 =	rddreg [dreg:$0xd]  }
0x28: {  	[hbm4b:s5+s6] =	stream.indirect.scatter [tilespmem:s26], [sflag:$0x1], $0x50, s25, s6, $0xb8;
	[tilespmem:$0x19A10] =	vst v63  }
0x29: {  	s8 =	simm.s32 $0xA290;
	s7 =	simm.s32 $0x1F8  }
0x2a: {  	[hbm4b:s5+s6] =	stream.indirect.scatter [tilespmem:s8], [sflag:$0x1], $0x50, s7, s6, $0xb8;
	[tilespmem:$0x19A10] =	vst v63  }
0x2b: {  	s10 =	simm.s32 $0xB910;
	s9 =	simm.s32 $0x240  }
0x2c: {  	[hbm4b:s5+s6] =	stream.indirect.scatter [tilespmem:s10], [sflag:$0x1], $0x50, s9, s6, $0xb8;
	[tilespmem:$0x19A10] =	vst v63  }
0x2d: {  	s13 =	simm.s32 $0xCF90;
	s12 =	simm.s32 $0x288  }
0x2e: {  	[hbm4b:s5+s6] =	stream.indirect.scatter [tilespmem:s13], [sflag:$0x1], $0x50, s12, s6, $0xb8;
	[tilespmem:$0x19A10] =	vst v63  }
0x2f: {  	s14 =	simm.s32 $0x2D0;
	s15 =	simm.s32 $0xE610  }
0x30: {  	[hbm4b:s5+s6] =	stream.indirect.scatter [tilespmem:s15], [sflag:$0x1], $0x50, s14, s6, $0xb8;
	[tilespmem:$0x19A10] =	vst v63  }
0x31: {  	s16 =	simm.s32 $0x318;
	s17 =	simm.s32 $0xFC90  }
0x32: {  	[hbm4b:s5+s6] =	stream.indirect.scatter [tilespmem:s17], [sflag:$0x1], $0x50, s16, s6, $0xb8;
	[tilespmem:$0x19A10] =	vst v63  }
0x33: {  	s18 =	simm.s32 $0x360;
	s19 =	simm.s32 $0x11310  }
0x34: {  	[hbm4b:s5+s6] =	stream.indirect.scatter [tilespmem:s19], [sflag:$0x1], $0x50, s18, s6, $0xb8;
	[tilespmem:$0x19A10] =	vst v63  }
0x35: {  	s20 =	simm.s32 $0x3A8;
	s21 =	simm.s32 $0x12990  }
0x36: {  	[hbm4b:s5+s6] =	stream.indirect.scatter [tilespmem:s21], [sflag:$0x1], $0x50, s20, s6, $0xb8;
	[tilespmem:$0x19A10] =	vst v63  }
0x37: {  	s22 =	simm.s32 $0x3F0;
	s23 =	simm.s32 $0x14010  }
0x38: {  	[hbm4b:s5+s6] =	stream.indirect.scatter [tilespmem:s23], [sflag:$0x1], $0x50, s22, s6, $0xb8;
	[tilespmem:$0x19A10] =	vst v63  }
0x39: {  	s24 =	simm.s32 $0x438;
	s25 =	simm.s32 $0x15690  }
0x3a: {  	[hbm4b:s5+s6] =	stream.indirect.scatter [tilespmem:s25], [sflag:$0x1], $0x50, s24, s6, $0xb8;
	[tilespmem:$0x19A10] =	vst v63  }
0x3b: {  	s29 =	simm.s32 $0x16D10;
	s26 =	simm.s32 $0x480  }
0x3c: {  	[hbm4b:s5+s6] =	stream.indirect.scatter [tilespmem:s29], [sflag:$0x1], $0x50, s26, s6, $0xb8;
	[tilespmem:$0x19A10] =	vst v63  }
0x3d: {  	s30 =	simm.s32 $0x4C8;
	s31 =	simm.s32 $0x18390;
	s28 =	simm.s32 $0x1  }
0x3e: {  	[hbm4b:s5+s6] =	stream.indirect.scatter [tilespmem:s31], [sflag:$0x1], $0x50, s30, s6, $0xb8;
	[tilespmem:$0x19A10] =	vst v63  }
0x3f: {  	_ =	swait.ge [sflag:s28], $0x1680  }
0x40: {  	[sflag:s28] =	ssyncset.done $0x0  }
0x41: {  	[sflag:s28] =	ssyncadd.s32 $0xFFFFE980  }
0x42: {  	_ =	swait.ge [sflag:s28], $0x1680  }
0x43: {  	[sflag:s28] =	ssyncset.done $0x0  }
0x44: {  	[sflag:s28] =	ssyncadd.s32 $0xFFFFE980  }
0x45: {  	_ =	swait.ge [sflag:s28], $0x1680  }
0x46: {  	[sflag:s28] =	ssyncset.done $0x0  }
0x47: {  	[sflag:s28] =	ssyncadd.s32 $0xFFFFE980  }
0x48: {  	_ =	swait.ge [sflag:s28], $0x1680  }
0x49: {  	[sflag:s28] =	ssyncset.done $0x0  }
0x4a: {  	[sflag:s28] =	ssyncadd.s32 $0xFFFFE980  }
0x4b: {  	_ =	swait.ge [sflag:s28], $0x1680  }
0x4c: {  	[sflag:s28] =	ssyncset.done $0x0  }
0x4d: {  	[sflag:s28] =	ssyncadd.s32 $0xFFFFE980  }
0x4e: {  	_ =	swait.ge [sflag:s28], $0x1680  }
0x4f: {  	[sflag:s28] =	ssyncset.done $0x0  }
0x50: {  	[sflag:s28] =	ssyncadd.s32 $0xFFFFE980  }
0x51: {  	_ =	swait.ge [sflag:s28], $0x1680  }
0x52: {  	[sflag:s28] =	ssyncset.done $0x0  }
0x53: {  	[sflag:s28] =	ssyncadd.s32 $0xFFFFE980  }
0x54: {  	_ =	swait.ge [sflag:s28], $0x1680  }
0x55: {  	[sflag:s28] =	ssyncset.done $0x0  }
0x56: {  	[sflag:s28] =	ssyncadd.s32 $0xFFFFE980  }
0x57: {  	_ =	swait.ge [sflag:s28], $0x1680  }
0x58: {  	[sflag:s28] =	ssyncset.done $0x0  }
0x59: {  	[sflag:s28] =	ssyncadd.s32 $0xFFFFE980  }
0x5a: {  	_ =	swait.ge [sflag:s28], $0x1680  }
0x5b: {  	[sflag:s28] =	ssyncset.done $0x0  }
0x5c: {  	[sflag:s28] =	ssyncadd.s32 $0xFFFFE980  }
0x5d: {  	_ =	swait.ge [sflag:s28], $0x1680  }
0x5e: {  	[sflag:s28] =	ssyncset.done $0x0  }
0x5f: {  	[sflag:s28] =	ssyncadd.s32 $0xFFFFE980  }
0x60: {  	_ =	swait.ge [sflag:s28], $0x1680  }
0x61: {  	[sflag:s28] =	ssyncset.done $0x0  }
0x62: {  	[sflag:s28] =	ssyncadd.s32 $0xFFFFE980  }
0x63: {  	_ =	swait.ge [sflag:s28], $0x1680  }
0x64: {  	[sflag:s28] =	ssyncset.done $0x0  }
0x65: {  	[sflag:s28] =	ssyncadd.s32 $0xFFFFE980  }
0x66: {  	s1 =	ssub.s32 $0x2, s1;
	_ =	swait.ge [sflag:s28], $0x1680  }
0x67: {  	s11 =	sshrl.u32 s1, $0x1;
	[sflag:s28] =	ssyncset.done $0x0  }
0x68: {  	s0 =	ssub.s32 s1, s11;
	[sflag:s28] =	ssyncadd.s32 $0xFFFFE980  }
0x69: {  	s0 =	smax.u32 s0, $0x1;
	_ =	swait.ge [sflag:s28], $0x1680  }
0x6a: {  	p0 =	sne.s32 s0, $0x1;
	[sflag:s28] =	ssyncset.done $0x0  }
.Ltmp0:
0x6b: {  	[sflag:s28] =	ssyncadd.s32 $0xFFFFE980;
	(pc) =	sbr.rel @!p0 .LBB2_2-.Ltmp0, $4  }
0x6c: {  	_ =	swait.ge [sflag:s28], $0x1680  }
0x6d: {  	[sflag:s28] =	ssyncset.done $0x0  }
0x6e: {  	[sflag:s28] =	ssyncadd.s32 $0xFFFFE980  }
0x6f: {  	s1 =	sadd.s32 $0xFFFFFFFF, s0;
	_ =	swait.ge [sflag:s28], $0x1680  }
.LBB2_1:
0x70: {  	[sflag:s28] =	ssyncset.done $0x0  }
0x71: {  	[sflag:s28] =	ssyncadd.s32 $0xFFFFE980  }
0x72: {  	_ =	swait.ge [sflag:s28], $0x1680  }
0x73: {  	[sflag:s28] =	ssyncset.done $0x0  }
0x74: {  	s0 =	rddreg [dreg:$0x2];
	[sflag:s28] =	ssyncadd.s32 $0xFFFFE980  }
0x75: {  	[tilespmem:s2], [sflag:$0x2] =	stream.linear.gather [hbm4b:s0+s2], $0x510, $0x38;
	[tilespmem:$0x19A10] =	vst v63  }
0x76: {  	_ =	swait.ge [sflag:s3], $0x510  }
0x77: {  	[sflag:s3] =	ssyncset.done $0x0  }
0x78: {  	s9 =	rddreg [dreg:$0x3];
	[sflag:s3] =	ssyncadd.s32 $0xFFFFFAF0  }
0x79: {  	[tilespmem:s4], [sflag:$0x2] =	stream.linear.gather [hbm4b:s9+s2], $0x19500, $0x38;
	[tilespmem:$0x19A10] =	vst v63  }
0x7a: {  	_ =	swait.ge [sflag:s3], $0x19500  }
0x7b: {  	s0 =	rddreg [dreg:$0xc]  }
0x7c: {  	s7 =	rddreg [dreg:$0xa]  }
0x7d: {  	s8 =	rddreg [dreg:$0x5];
	[sflag:s3] =	ssyncset.done $0x0  }
0x7e: {  	s9 =	rddreg [dreg:$0x4];
	[sflag:s3] =	ssyncadd.s32 $0xFFFE6B00  }
0x7f: {  	[hbm4b:s5+s6] =	stream.indirect.scatter [tilespmem:s4], [sflag:$0x1], $0x50, s2, s6, $0xb8;
	[tilespmem:$0x19A10] =	vst v63  }
0x80: {  	s10 =	rddreg [dreg:$0x6]  }
0x81: {  	[hbm4b:s5+s6] =	stream.indirect.scatter [tilespmem:s9], [sflag:$0x1], $0x50, s6, s6, $0xb8;
	[tilespmem:$0x19A10] =	vst v63  }
0x82: {  	s11 =	rddreg [dreg:$0x8]  }
0x83: {  	[hbm4b:s5+s6] =	stream.indirect.scatter [tilespmem:s10], [sflag:$0x1], $0x50, s8, s6, $0xb8;
	[tilespmem:$0x19A10] =	vst v63  }
0x84: {  	s9 =	rddreg [dreg:$0x7]  }
0x85: {  	[hbm4b:s5+s6] =	stream.indirect.scatter [tilespmem:s11], [sflag:$0x1], $0x50, s9, s6, $0xb8;
	[tilespmem:$0x19A10] =	vst v63  }
0x86: {  	s10 =	rddreg [dreg:$0x9]  }
0x87: {  	[hbm4b:s5+s6] =	stream.indirect.scatter [tilespmem:s7], [sflag:$0x1], $0x50, s10, s6, $0xb8;
	[tilespmem:$0x19A10] =	vst v63  }
0x88: {  	s11 =	rddreg [dreg:$0xb]  }
0x89: {  	[hbm4b:s5+s6] =	stream.indirect.scatter [tilespmem:s0], [sflag:$0x1], $0x50, s11, s6, $0xb8;
	[tilespmem:$0x19A10] =	vst v63  }
0x8a: {  	s10 =	rddreg [dreg:$0xd];
	s11 =	simm.s32 $0x8C10  }
0x8b: {  	[hbm4b:s5+s6] =	stream.indirect.scatter [tilespmem:s11], [sflag:$0x1], $0x50, s10, s6, $0xb8;
	[tilespmem:$0x19A10] =	vst v63  }
0x8c: {  	s8 =	simm.s32 $0x1F8;
	s9 =	simm.s32 $0xA290  }
0x8d: {  	[hbm4b:s5+s6] =	stream.indirect.scatter [tilespmem:s9], [sflag:$0x1], $0x50, s8, s6, $0xb8;
	[tilespmem:$0x19A10] =	vst v63  }
0x8e: {  	s10 =	simm.s32 $0x240;
	s11 =	simm.s32 $0xB910  }
0x8f: {  	[hbm4b:s5+s6] =	stream.indirect.scatter [tilespmem:s11], [sflag:$0x1], $0x50, s10, s6, $0xb8;
	[tilespmem:$0x19A10] =	vst v63  }
0x90: {  	_ = 	snop  }
0x91: {  	[hbm4b:s5+s6] =	stream.indirect.scatter [tilespmem:s13], [sflag:$0x1], $0x50, s12, s6, $0xb8;
	[tilespmem:$0x19A10] =	vst v63  }
0x92: {  	_ = 	snop  }
0x93: {  	[hbm4b:s5+s6] =	stream.indirect.scatter [tilespmem:s15], [sflag:$0x1], $0x50, s14, s6, $0xb8;
	[tilespmem:$0x19A10] =	vst v63  }
0x94: {  	_ = 	snop  }
0x95: {  	[hbm4b:s5+s6] =	stream.indirect.scatter [tilespmem:s17], [sflag:$0x1], $0x50, s16, s6, $0xb8;
	[tilespmem:$0x19A10] =	vst v63  }
0x96: {  	_ = 	snop  }
0x97: {  	[hbm4b:s5+s6] =	stream.indirect.scatter [tilespmem:s19], [sflag:$0x1], $0x50, s18, s6, $0xb8;
	[tilespmem:$0x19A10] =	vst v63  }
0x98: {  	_ = 	snop  }
0x99: {  	[hbm4b:s5+s6] =	stream.indirect.scatter [tilespmem:s21], [sflag:$0x1], $0x50, s20, s6, $0xb8;
	[tilespmem:$0x19A10] =	vst v63  }
0x9a: {  	_ = 	snop  }
0x9b: {  	[hbm4b:s5+s6] =	stream.indirect.scatter [tilespmem:s23], [sflag:$0x1], $0x50, s22, s6, $0xb8;
	[tilespmem:$0x19A10] =	vst v63  }
0x9c: {  	_ = 	snop  }
0x9d: {  	[hbm4b:s5+s6] =	stream.indirect.scatter [tilespmem:s25], [sflag:$0x1], $0x50, s24, s6, $0xb8;
	[tilespmem:$0x19A10] =	vst v63  }
0x9e: {  	_ = 	snop  }
0x9f: {  	[hbm4b:s5+s6] =	stream.indirect.scatter [tilespmem:s29], [sflag:$0x1], $0x50, s26, s6, $0xb8;
	[tilespmem:$0x19A10] =	vst v63  }
0xa0: {  	_ = 	snop  }
0xa1: {  	[hbm4b:s5+s6] =	stream.indirect.scatter [tilespmem:s31], [sflag:$0x1], $0x50, s30, s6, $0xb8;
	[tilespmem:$0x19A10] =	vst v63  }
0xa2: {  	_ =	swait.ge [sflag:s28], $0x1680  }
0xa3: {  	[sflag:s28] =	ssyncset.done $0x0  }
0xa4: {  	[sflag:s28] =	ssyncadd.s32 $0xFFFFE980  }
0xa5: {  	_ =	swait.ge [sflag:s28], $0x1680  }
0xa6: {  	[sflag:s28] =	ssyncset.done $0x0  }
0xa7: {  	[sflag:s28] =	ssyncadd.s32 $0xFFFFE980  }
0xa8: {  	_ =	swait.ge [sflag:s28], $0x1680  }
0xa9: {  	[sflag:s28] =	ssyncset.done $0x0  }
0xaa: {  	[sflag:s28] =	ssyncadd.s32 $0xFFFFE980  }
0xab: {  	_ =	swait.ge [sflag:s28], $0x1680  }
0xac: {  	[sflag:s28] =	ssyncset.done $0x0  }
0xad: {  	[sflag:s28] =	ssyncadd.s32 $0xFFFFE980  }
0xae: {  	_ =	swait.ge [sflag:s28], $0x1680  }
0xaf: {  	[sflag:s28] =	ssyncset.done $0x0  }
0xb0: {  	[sflag:s28] =	ssyncadd.s32 $0xFFFFE980  }
0xb1: {  	_ =	swait.ge [sflag:s28], $0x1680  }
0xb2: {  	[sflag:s28] =	ssyncset.done $0x0  }
0xb3: {  	[sflag:s28] =	ssyncadd.s32 $0xFFFFE980  }
0xb4: {  	_ =	swait.ge [sflag:s28], $0x1680  }
0xb5: {  	[sflag:s28] =	ssyncset.done $0x0  }
0xb6: {  	[sflag:s28] =	ssyncadd.s32 $0xFFFFE980  }
0xb7: {  	_ =	swait.ge [sflag:s28], $0x1680  }
0xb8: {  	[sflag:s28] =	ssyncset.done $0x0  }
0xb9: {  	[sflag:s28] =	ssyncadd.s32 $0xFFFFE980  }
0xba: {  	_ =	swait.ge [sflag:s28], $0x1680  }
0xbb: {  	[sflag:s28] =	ssyncset.done $0x0  }
0xbc: {  	[sflag:s28] =	ssyncadd.s32 $0xFFFFE980  }
0xbd: {  	_ =	swait.ge [sflag:s28], $0x1680  }
0xbe: {  	[sflag:s28] =	ssyncset.done $0x0  }
0xbf: {  	[sflag:s28] =	ssyncadd.s32 $0xFFFFE980  }
0xc0: {  	_ =	swait.ge [sflag:s28], $0x1680  }
0xc1: {  	[sflag:s28] =	ssyncset.done $0x0  }
0xc2: {  	[sflag:s28] =	ssyncadd.s32 $0xFFFFE980  }
0xc3: {  	_ =	swait.ge [sflag:s28], $0x1680  }
0xc4: {  	[sflag:s28] =	ssyncset.done $0x0  }
0xc5: {  	[sflag:s28] =	ssyncadd.s32 $0xFFFFE980  }
0xc6: {  	_ =	swait.ge [sflag:s28], $0x1680  }
0xc7: {  	[sflag:s28] =	ssyncset.done $0x0  }
0xc8: {  	[sflag:s28] =	ssyncadd.s32 $0xFFFFE980  }
0xc9: {  	_ =	swait.ge [sflag:s28], $0x1680  }
0xca: {  	[sflag:s28] =	ssyncset.done $0x0  }
0xcb: {  	[sflag:s28] =	ssyncadd.s32 $0xFFFFE980  }
0xcc: {  	_ =	swait.ge [sflag:s28], $0x1680  }
0xcd: {  	p0 =	sne.s32 s1, $0x1;
	[sflag:s28] =	ssyncset.done $0x0  }
.Ltmp1:
0xce: {  	[sflag:s28] =	ssyncadd.s32 $0xFFFFE980;
	(pc) =	sbr.rel @p0 .LBB2_1-.Ltmp1, $4  }
0xcf: {  	_ =	swait.ge [sflag:s28], $0x1680  }
0xd0: {  	[sflag:s28] =	ssyncset.done $0x0  }
0xd1: {  	[sflag:s28] =	ssyncadd.s32 $0xFFFFE980  }
0xd2: {  	s1 =	sadd.s32 $0xFFFFFFFF, s1;
	_ =	swait.ge [sflag:s28], $0x1680  }
.LBB2_2:
0xd3: {  	[sflag:s28] =	ssyncset.done $0x0  }
0xd4: {  	[sflag:s28] =	ssyncadd.s32 $0xFFFFE980  }
0xd5: {  	_ =	swait.ge [sflag:s28], $0x1680  }
0xd6: {  	[sflag:s28] =	ssyncset.done $0x0  }
0xd7: {  	[sflag:s28] =	ssyncadd.s32 $0xFFFFE980  }
0xd8: {  	_ =	sfence.sel $0x180000  }
0xd9: {  	[bflag:$0x0] =	sbarrier.arrive $0xFFFF  }
0xda: {  	_ =	strace $0x9000004A  }
0xdb: {  	s0 =	stileid.u32;
	[bflag:$0x2] =	sbarrier.arrive $0xFFFF  }
0xdc: {  	p0 =	sne.s32 s0, $0x0;
	s0 =	rddreg [dreg:$0x1]  }
0xdd: {  	s0 =	sadd.s32 @!p0 $0x100000, s0  }
0xde: {  	[sflag:s0] =	ssyncadd.tile.s32 @!p0 $0x1;
	_ =	shalt  }
.Lfunc_end2:
_tile_overlayer_lowered:
.L_overlay_start_2:
0xdf: {  	(tag) =	ssettag $0x2  }
0xe0: {  	s0 =	rddreg [dreg:$0x0];
	s2 =	stileid.u32  }
0xe1: {  	s1 =	rddreg [dreg:$0x1];
	p0 =	sne.s32 s2, $0x0  }
0xe2: {  	s3 =	rddreg [dreg:$0x2];
	[bflag:$0x3] =	sbarrier.arrive $0xFFFF;
	s2 =	simm.s32 @!p0 $0x1C02  }
0xe3: {  	[timem:s3], [sflag:s2] =	dma.local @!p0 [hbm:s0], s1  }
0xe4: {  	s0 =	simm.s32 @!p0 $0x2  }
0xe5: {  	_ =	swait.ge @!p0 [sflag:s0], s1  }
0xe6: {  	s1 =	ssub.s32 @!p0 $0x0, s1;
	[sflag:s0] =	ssyncset.done @!p0 $0x0  }
0xe7: {  	[sflag:s0] =	ssyncadd.s32 @!p0 s1  }
0xe8: {  	[bflag:$0x3] =	sbarrier.arrive $0xFFFF  }
0xe9: {  	_ =	shalt  }

</sc_bundles>
